<compile_context>
chip_gen: v7x
topology: tpu7x:2x2x1
jax: 0.10.2.dev20260603
libtpu: 0.0.44.dev20260713+nightly
codegen_flags: <defaults>
</compile_context>

<pallas_src>
import functools

import numpy as np
import jax
import jax.numpy as jnp
from jax import lax
from jax.experimental import pallas as pl
from jax.experimental.pallas import tpu as pltpu
from jax.experimental.pallas import tpu_sc as plsc

E = 80000
N = 10000
MUL = 16

_PW_S = np.float32(1.0 / np.sqrt(32.0))
_PW_VI = np.float32(np.sqrt(3.0 / 32.0) / np.sqrt(3.0))
_INV3 = np.float32(1.0 / np.sqrt(3.0))
_ISQ2 = np.float32(1.0 / np.sqrt(2.0))

def _consts():
    r = np.kron(np.eye(16), np.ones((1, 16))).astype(jnp.bfloat16)
    s = np.kron(np.ones((16, 1)), np.eye(16)).astype(jnp.bfloat16)
    msh = np.zeros((4, 64), np.float32)
    for u in range(16):
        for k in range(3):
            msh[1 + k, 3 * u + k] = 1.0
    msh[0, 48] = 1.0
    t3r = np.zeros((48, 256), np.float32)
    for u in range(16):
        for k in range(3):
            for w in range(16):
                t3r[3 * u + k, 16 * u + w] = 1.0
    t3r = t3r.astype(jnp.bfloat16)
    ecr = np.zeros((48, 768), np.float32)
    for u in range(16):
        for j in range(3):
            for w in range(16):
                ecr[3 * u + j, 256 * j + 16 * u + w] = 1.0
    ecr = ecr.astype(jnp.bfloat16)
    sea = np.zeros((256, 48), np.float32)
    for u in range(16):
        for w in range(16):
            for k in range(3):
                sea[16 * u + w, 3 * w + k] = 1.0
    sea = sea.astype(jnp.bfloat16)
    seb = np.zeros((768, 48), np.float32)
    for k in range(3):
        for u in range(16):
            for w in range(16):
                seb[256 * k + 16 * u + w, 3 * w + k] = 1.0
    seb = seb.astype(jnp.bfloat16)
    return msh, r, s, t3r, ecr, sea, seb


def _tp_body(x1_ref, shx_ref, h0_ref, w1t_ref, b1_ref,
             r_ref, s_ref, t3r_ref, ecr_ref, sea_ref, seb_ref,
             out_ref):
    bsz = out_ref.shape[0]
    h0 = h0_ref[...]
    h = 0.5 * h0 * (1.0 + lax.erf(h0 * _ISQ2))
    tpw = jnp.dot(h.astype(jnp.bfloat16), w1t_ref[...],
                  preferred_element_type=jnp.float32) + b1_ref[...]

    x1 = x1_ref[...]
    shx = shx_ref[...]
    s1 = x1[:, :16]
    x1v = x1[:, 16:64]
    s2 = shx[:, 48:49]
    v2rep = shx[:, 0:48]

    bf = jnp.bfloat16
    tpwb = tpw.astype(bf)
    f32 = jnp.float32
    a011 = jnp.dot(s1.astype(bf), r_ref[...],
                   preferred_element_type=f32).astype(bf)
    a000 = a011 * s2.astype(bf)
    a110 = jnp.dot((x1v * (v2rep * _INV3)).astype(bf), t3r_ref[...],
                   preferred_element_type=f32).astype(bf)
    a101 = jnp.dot(x1v.astype(bf), ecr_ref[...],
                   preferred_element_type=f32).astype(bf)

    w000 = tpwb[:, 0:256]
    w011 = tpwb[:, 256:512]
    w101 = tpwb[:, 512:768]
    w110 = tpwb[:, 768:1024]
    w101x3 = jnp.concatenate([w101, w101, w101], axis=1)

    ps = a000 * w000 + a110 * w110
    out_s = _PW_S * jnp.dot(ps, s_ref[...],
                            preferred_element_type=jnp.float32)
    term1 = jnp.dot(a011 * w011, sea_ref[...],
                    preferred_element_type=jnp.float32) * v2rep
    term2 = jnp.dot(a101 * w101x3, seb_ref[...],
                    preferred_element_type=jnp.float32) * s2
    out_v = _PW_VI * (term1 + term2)
    pad = jnp.zeros((bsz, 63), jnp.float32)
    one = jnp.ones((bsz, 1), jnp.float32)
    out_ref[...] = jnp.concatenate([out_s, out_v, one, pad], axis=1)


def _tc_main(x1, edge_sh, edge_emb, w0, b0, w1, b1):
    bsz = 1600
    consts = [jnp.asarray(c) for c in _consts()]
    msh = consts[0]
    shx = edge_sh @ msh
    h0 = edge_emb @ w0.T + b0

    def dspec(cols):
        return pl.BlockSpec((bsz, cols), lambda i: (i, 0))

    def fspec(shape):
        return pl.BlockSpec(shape, lambda i: (0,) * len(shape))

    return pl.pallas_call(
        _tp_body,
        grid=(E // bsz,),
        in_specs=[dspec(128), dspec(64), dspec(64),
                  fspec((64, 1024)), fspec((1, 1024)),
                  fspec((16, 256)), fspec((256, 16)),
                  fspec((48, 256)), fspec((48, 768)), fspec((256, 48)),
                  fspec((768, 48))],
        out_specs=dspec(128),
        out_shape=jax.ShapeDtypeStruct((E, 128), jnp.float32),
    )(x1, shx, h0,
      w1.T.astype(jnp.bfloat16), b1.reshape(1, 1024), *consts[1:])


def _combine_body(acc_ref, out_ref):
    a = acc_ref[0] + acc_ref[1]
    cnt = a[:, 64:65]
    out_ref[...] = a[:, :64] / jnp.maximum(cnt, 1.0)


def _tc_combine(acc):
    return pl.pallas_call(
        _combine_body,
        out_shape=jax.ShapeDtypeStruct((N, 64), jnp.float32),
    )(acc)



_CH = 128
_NCH = E // _CH
_NW = 32
_BASE_CH = _NCH // _NW
_EXTRA = _NCH % _NW
_RPT = 632
_RPT_TAIL = N - 15 * _RPT


_NSLOT = _BASE_CH + 1


def _sc_gather(table, idx):
    mesh = plsc.VectorSubcoreMesh(core_axis_name="c", subcore_axis_name="s")

    @functools.partial(
        pl.kernel, mesh=mesh,
        compiler_params=pltpu.CompilerParams(use_tc_tiling_on_sc=True),
        out_type=jax.ShapeDtypeStruct((E, 128), jnp.float32),
        scratch_types=[pltpu.VMEM((_CH,), jnp.int32),
                       pltpu.VMEM((_CH,), jnp.int32),
                       pltpu.VMEM((_CH, 128), jnp.float32),
                       pltpu.VMEM((_CH, 128), jnp.float32),
                       pltpu.SemaphoreType.DMA, pltpu.SemaphoreType.DMA,
                       pltpu.SemaphoreType.DMA, pltpu.SemaphoreType.DMA,
                       pltpu.SemaphoreType.DMA, pltpu.SemaphoreType.DMA],
    )
    def gk(table_hbm, idx_hbm, out_hbm, i0, i1, r0, r1,
           si0, si1, sg0, sg1, sw0, sw1):
        wid = lax.axis_index("s") * 2 + lax.axis_index("c")
        ok_last = wid < _EXTRA
        ib = (i0, i1)
        rb = (r0, r1)
        si = (si0, si1)
        sg = (sg0, sg1)
        sw = (sw0, sw1)

        def base(j):
            return pl.multiple_of((wid + j * _NW) * _CH, _CH)

        def a_start(j):
            pltpu.async_copy(idx_hbm.at[pl.ds(base(j), _CH)], ib[j % 2],
                             si[j % 2])

        def a_wait(j):
            pltpu.make_async_copy(idx_hbm.at[pl.ds(base(j), _CH)], ib[j % 2],
                                  si[j % 2]).wait()

        def g_start(j):
            pltpu.async_copy(table_hbm.at[ib[j % 2]], rb[j % 2], sg[j % 2])

        def g_wait(j):
            pltpu.make_async_copy(table_hbm.at[ib[j % 2]], rb[j % 2],
                                  sg[j % 2]).wait()

        def w_start(j):
            pltpu.async_copy(rb[j % 2], out_hbm.at[pl.ds(base(j), _CH)],
                             sw[j % 2])

        def w_wait(j):
            pltpu.make_async_copy(rb[j % 2], out_hbm.at[pl.ds(base(j), _CH)],
                                  sw[j % 2]).wait()

        def maybe(j, fn):
            if j == _NSLOT - 1:
                pl.when(ok_last)(fn)
            else:
                fn()

        maybe(0, lambda: a_start(0))
        maybe(1, lambda: a_start(1))
        maybe(0, lambda: a_wait(0))
        maybe(0, lambda: g_start(0))
        for j in range(_NSLOT):
            if j + 1 < _NSLOT:
                maybe(j + 1, lambda j=j: a_wait(j + 1))
                if j >= 1:
                    maybe(j - 1, lambda j=j: w_wait(j - 1))
                maybe(j + 1, lambda j=j: g_start(j + 1))
            maybe(j, lambda j=j: g_wait(j))
            if j + 2 < _NSLOT:
                maybe(j + 2, lambda j=j: a_start(j + 2))
            maybe(j, lambda j=j: w_start(j))
        maybe(_NSLOT - 2, lambda: w_wait(_NSLOT - 2))
        maybe(_NSLOT - 1, lambda: w_wait(_NSLOT - 1))

    return gk(table, idx)


def _sc_scatter(out_e, dst, z128):
    mesh = plsc.VectorSubcoreMesh(core_axis_name="c", subcore_axis_name="s")

    @functools.partial(
        pl.kernel, mesh=mesh,
        compiler_params=pltpu.CompilerParams(use_tc_tiling_on_sc=True),
        out_type=jax.ShapeDtypeStruct((2, N, 128), jnp.float32),
        scratch_types=[pltpu.VMEM((_CH,), jnp.int32),
                       pltpu.VMEM((_CH,), jnp.int32),
                       pltpu.VMEM((_CH,), jnp.int32),
                       pltpu.VMEM((_CH, 128), jnp.float32),
                       pltpu.VMEM((_CH, 128), jnp.float32),
                       pltpu.VMEM((_CH, 128), jnp.float32),
                       pltpu.VMEM_SHARED((N, 128), jnp.float32),
                       pltpu.SemaphoreType.DMA, pltpu.SemaphoreType.DMA,
                       pltpu.SemaphoreType.DMA, pltpu.SemaphoreType.DMA,
                       pltpu.SemaphoreType.DMA, pltpu.SemaphoreType.DMA],
    )
    def sk(oute_hbm, dst_hbm, z_hbm, acc_hbm,
           i0, i1, i2, r0b, r1b, r2b, acc_sh,
           sa0, sa1, sa2, ss0, ss1, ss2):
        cid = lax.axis_index("c")
        sid = lax.axis_index("s")
        wid = sid * 2 + cid
        r0 = pl.multiple_of(sid * _RPT, 8)

        @pl.when(sid < 15)
        def _():
            pltpu.sync_copy(z_hbm, acc_sh.at[pl.ds(r0, _RPT)])

        @pl.when(sid == 15)
        def _():
            pltpu.sync_copy(z_hbm.at[pl.ds(0, _RPT_TAIL)],
                            acc_sh.at[pl.ds(15 * _RPT, _RPT_TAIL)])

        plsc.subcore_barrier()

        ok_last = wid < _EXTRA
        ib = (i0, i1, i2)
        rb = (r0b, r1b, r2b)
        sa = (sa0, sa1, sa2)
        ss = (ss0, ss1, ss2)

        def base(j):
            return pl.multiple_of((wid + j * _NW) * _CH, _CH)

        def load_start(j):
            pltpu.async_copy(dst_hbm.at[pl.ds(base(j), _CH)], ib[j % 3],
                             sa[j % 3])
            pltpu.async_copy(oute_hbm.at[pl.ds(base(j), _CH)], rb[j % 3],
                             sa[j % 3])

        def load_wait(j):
            pltpu.make_async_copy(dst_hbm.at[pl.ds(base(j), _CH)], ib[j % 3],
                                  sa[j % 3]).wait()
            pltpu.make_async_copy(oute_hbm.at[pl.ds(base(j), _CH)], rb[j % 3],
                                  sa[j % 3]).wait()

        def sc_start(j):
            pltpu.async_copy(rb[j % 3], acc_sh.at[ib[j % 3]], ss[j % 3],
                             add=True)

        def sc_wait(j):
            pltpu.make_async_copy(rb[j % 3], acc_sh.at[ib[j % 3]],
                                  ss[j % 3]).wait()

        def maybe(j, fn):
            if j == _NSLOT - 1:
                pl.when(ok_last)(fn)
            else:
                fn()

        maybe(0, lambda: load_start(0))
        maybe(1, lambda: load_start(1))
        for j in range(_NSLOT):
            if j + 2 < _NSLOT:
                if j >= 1:
                    maybe(j - 1, lambda j=j: sc_wait(j - 1))
                maybe(j + 2, lambda j=j: load_start(j + 2))
            maybe(j, lambda j=j: load_wait(j))
            maybe(j, lambda j=j: sc_start(j))
        for t in range(_NSLOT - 3, _NSLOT):
            maybe(t, lambda t=t: sc_wait(t))
        plsc.subcore_barrier()

        @pl.when(sid < 15)
        def _():
            pltpu.sync_copy(acc_sh.at[pl.ds(r0, _RPT)],
                            acc_hbm.at[cid, pl.ds(r0, _RPT)])

        @pl.when(sid == 15)
        def _():
            pltpu.sync_copy(acc_sh.at[pl.ds(15 * _RPT, _RPT_TAIL)],
                            acc_hbm.at[cid, pl.ds(15 * _RPT, _RPT_TAIL)])

    return sk(out_e, dst, z128)


def kernel(src_features, edge_sh, edge_emb, src, dst,
           mlp_w0, mlp_b0, mlp_w1, mlp_b1):
    table = jnp.pad(src_features, ((0, 0), (0, 64)))
    x1 = _sc_gather(table, src)
    out_e = _tc_main(x1, edge_sh, edge_emb, mlp_w0, mlp_b0, mlp_w1, mlp_b1)
    z128 = jnp.zeros((_RPT, 128), jnp.float32)
    acc = _sc_scatter(out_e, dst, z128)
    return _tc_combine(acc)

# --- scband reference (transcript-rebuilt; emitter-appended) ---
"""Pipeline reference for scband-fully-connected-tensor-product-conv-80195629350947 (READ-ONLY COPY).

The authoritative reference and input builder live on the scoring server;
editing this copy changes nothing except your own understanding.
"""

import jax, jax.numpy as jnp
import numpy as np

N_NODES = 10000
N_EDGES = 80000
MUL = 16
IN_DIM = 64
SH_DIM = 4
W_NUMEL = 1024


def setup_inputs(seed: int = 0) -> dict:
    key = jax.random.key(seed)
    ks = jax.random.split(key, 10)
    src_features = jax.random.normal(ks[0], (N_NODES, IN_DIM), dtype=jnp.float32)
    edge_sh = jax.random.normal(ks[1], (N_EDGES, SH_DIM), dtype=jnp.float32)
    edge_emb = jax.random.normal(ks[2], (N_EDGES, 64), dtype=jnp.float32)
    src = jax.random.randint(ks[3], (N_EDGES,), 0, N_NODES, dtype=jnp.int32)
    dst = jax.random.randint(ks[4], (N_EDGES,), 0, N_NODES, dtype=jnp.int32)
    lim = 1.0 / np.sqrt(64.0)
    mlp_w0 = jax.random.uniform(ks[5], (64, 64), minval=-lim, maxval=lim, dtype=jnp.float32)
    mlp_b0 = jax.random.uniform(ks[6], (64,), minval=-lim, maxval=lim, dtype=jnp.float32)
    mlp_w1 = jax.random.uniform(ks[7], (W_NUMEL, 64), minval=-lim, maxval=lim, dtype=jnp.float32)
    mlp_b1 = jax.random.uniform(ks[8], (W_NUMEL,), minval=-lim, maxval=lim, dtype=jnp.float32)
    return {"src_features": src_features, "edge_sh": edge_sh, "edge_emb": edge_emb,
            "src": src, "dst": dst,
            "mlp_w0": mlp_w0, "mlp_b0": mlp_b0, "mlp_w1": mlp_w1, "mlp_b1": mlp_b1}


def _fully_connected_tp(x1, x2, w):
    # e3nn o3.FullyConnectedTensorProduct('16x0e+16x1o', '1x0e+1x1o', '16x0e+16x1o', shared_weights=False)
    # instruction order (uvw): (0e x 0e -> 0e), (0e x 1o -> 1o), (1o x 0e -> 1o), (1o x 1o -> 0e)
    # irrep_normalization='component', path_normalization='element':
    #   out 0e: alpha = 1 / (16+16)            -> path_weight = 1/sqrt(32)
    #   out 1o: alpha = 3 / (16+16)            -> path_weight = sqrt(3/32)
    # wigner 3j: w3j(0,0,0)=1; w3j(0,1,1)=w3j(1,0,1)=delta/sqrt(3); w3j(1,1,0)=delta/sqrt(3)
    s1 = x1[:, :MUL]
    v1 = x1[:, MUL:].reshape(-1, MUL, 3)
    s2 = x2[:, 0:1]
    v2 = x2[:, 1:4]
    W_000 = w[:, 0:256].reshape(-1, MUL, MUL)
    W_011 = w[:, 256:512].reshape(-1, MUL, MUL)
    W_101 = w[:, 512:768].reshape(-1, MUL, MUL)
    W_110 = w[:, 768:1024].reshape(-1, MUL, MUL)
    pw_s = 1.0 / np.sqrt(32.0)
    pw_v = np.sqrt(3.0 / 32.0)
    inv_sqrt3 = 1.0 / np.sqrt(3.0)
    dot12 = jnp.sum(v1 * v2[:, None, :], axis=-1)  # [E, MUL]
    out_s = pw_s * (jnp.einsum('eu,euw->ew', s1 * s2, W_000)
                    + inv_sqrt3 * jnp.einsum('eu,euw->ew', dot12, W_110))
    term_011 = jnp.einsum('eu,euw->ew', s1, W_011)[:, :, None] * v2[:, None, :]
    term_101 = jnp.einsum('euk,euw->ewk', v1, W_101) * s2[:, :, None]
    out_v = (pw_v * inv_sqrt3) * (term_011 + term_101)
    return jnp.concatenate([out_s, out_v.reshape(-1, MUL * 3)], axis=-1)


def reference(src_features, edge_sh, edge_emb, src, dst, mlp_w0, mlp_b0, mlp_w1, mlp_b1):
    # MLP producing per-edge tensor-product weights (Linear->GELU->Linear)
    h = jax.nn.gelu(edge_emb @ mlp_w0.T + mlp_b0, approximate=False)
    tp_weights = h @ mlp_w1.T + mlp_b1  # [E, 1024]
    # gather source node features, tensor product with edge spherical harmonics
    out_e = _fully_connected_tp(src_features[src], edge_sh, tp_weights)  # [E, 64]
    # scatter-mean to destination nodes
    out_sum = jax.ops.segment_sum(out_e, dst, num_segments=N_NODES)
    cnt = jax.ops.segment_sum(jnp.ones((out_e.shape[0],), dtype=jnp.float32), dst, num_segments=N_NODES)
    return out_sum / jnp.maximum(cnt, 1.0)[:, None]

if __name__ == "__main__":
    import jax
    _d = setup_inputs()
    print(jax.jit(kernel)(*tuple(_d.values())))

</pallas_src>

<mosaic_0001>
#map = affine_map<(d0, d1) -> (0, 0)>
#map1 = affine_map<(d0, d1) -> (0)>
module attributes {stable_mosaic.version = 14 : i64} {
  func.func @gk(%arg0: i32, %arg1: i32, %arg2: memref<10000x128xf32, #tpu.memory_space<hbm>>, %arg3: memref<80000xi32, #tpu.memory_space<hbm>>, %arg4: memref<80000x128xf32, #tpu.memory_space<hbm>>, %arg5: memref<128xi32, #tpu.memory_space<vmem>>, %arg6: memref<128xi32, #tpu.memory_space<vmem>>, %arg7: memref<128x128xf32, #tpu.memory_space<vmem>>, %arg8: memref<128x128xf32, #tpu.memory_space<vmem>>, %arg9: memref<!tpu.dma_semaphore, #tpu.memory_space<semaphore_mem>>, %arg10: memref<!tpu.dma_semaphore, #tpu.memory_space<semaphore_mem>>, %arg11: memref<!tpu.dma_semaphore, #tpu.memory_space<semaphore_mem>>, %arg12: memref<!tpu.dma_semaphore, #tpu.memory_space<semaphore_mem>>, %arg13: memref<!tpu.dma_semaphore, #tpu.memory_space<semaphore_mem>>, %arg14: memref<!tpu.dma_semaphore, #tpu.memory_space<semaphore_mem>>) attributes {dimension_semantics = [#tpu.dimension_semantics<core_parallel>, #tpu.dimension_semantics<subcore_parallel>], iteration_bounds = array<i64: 2, 16>, scalar_prefetch = 0 : i64, scratch_operands = 10 : i64, tpu.core_type = #tpu.core_type<sc_vector_subcore>, window_params = [{transform_indices = #map}, {transform_indices = #map1}, {transform_indices = #map}]} {
    %mul3A = arith.constant 2 : i32
    %mul3A_0 = arith.muli %arg1, %mul3A : i32
    %add3A = arith.addi %mul3A_0, %arg0 : i32
    %lt3A = arith.constant 17 : i32
    %lt3A_1 = arith.cmpi slt, %add3A, %lt3A : i32
    %add3A_2 = arith.constant 0 : i32
    %add3A_3 = arith.addi %add3A, %add3A_2 : i32
    %mul3A_4 = arith.constant 128 : i32
    %mul3A_5 = arith.muli %add3A_3, %mul3A_4 : i32
    %multiple_of3A = tpu.assume_multiple %mul3A_5, 128 : i32
    %dma_start3A = tpu.memref_slice %arg3[%multiple_of3A] : memref<80000xi32, #tpu.memory_space<hbm>> -> memref<128xi32, #tpu.memory_space<hbm>>
    %dma_start3A_6 = tpu.memref_slice %arg3[%multiple_of3A] : memref<80000xi32, #tpu.memory_space<hbm>> -> memref<128xi32, #tpu.memory_space<hbm>>
    tpu.enqueue_dma source(%dma_start3A_6 : memref<128xi32, #tpu.memory_space<hbm>>) target(%arg5 : memref<128xi32, #tpu.memory_space<vmem>>) target_semaphore(%arg9 : memref<!tpu.dma_semaphore, #tpu.memory_space<semaphore_mem>>)
    %add3A_7 = arith.constant 32 : i32
    %add3A_8 = arith.addi %add3A, %add3A_7 : i32
    %mul3A_9 = arith.constant 128 : i32
    %mul3A_10 = arith.muli %add3A_8, %mul3A_9 : i32
    %multiple_of3A_11 = tpu.assume_multiple %mul3A_10, 128 : i32
    %dma_start3A_12 = tpu.memref_slice %arg3[%multiple_of3A_11] : memref<80000xi32, #tpu.memory_space<hbm>> -> memref<128xi32, #tpu.memory_space<hbm>>
    %dma_start3A_13 = tpu.memref_slice %arg3[%multiple_of3A_11] : memref<80000xi32, #tpu.memory_space<hbm>> -> memref<128xi32, #tpu.memory_space<hbm>>
    tpu.enqueue_dma source(%dma_start3A_13 : memref<128xi32, #tpu.memory_space<hbm>>) target(%arg6 : memref<128xi32, #tpu.memory_space<vmem>>) target_semaphore(%arg10 : memref<!tpu.dma_semaphore, #tpu.memory_space<semaphore_mem>>)
    %add3A_14 = arith.constant 0 : i32
    %add3A_15 = arith.addi %add3A, %add3A_14 : i32
    %mul3A_16 = arith.constant 128 : i32
    %mul3A_17 = arith.muli %add3A_15, %mul3A_16 : i32
    %multiple_of3A_18 = tpu.assume_multiple %mul3A_17, 128 : i32
    %dma_wait3A = tpu.memref_slice %arg3[%multiple_of3A_18] : memref<80000xi32, #tpu.memory_space<hbm>> -> memref<128xi32, #tpu.memory_space<hbm>>
    %dma_wait3A_19 = tpu.memref_slice %arg3[%multiple_of3A_18] : memref<80000xi32, #tpu.memory_space<hbm>> -> memref<128xi32, #tpu.memory_space<hbm>>
    tpu.wait_dma2 semaphore(%arg9 : memref<!tpu.dma_semaphore, #tpu.memory_space<semaphore_mem>>) src(%dma_wait3A_19 : memref<128xi32, #tpu.memory_space<hbm>>) dst(%arg5 : memref<128xi32, #tpu.memory_space<vmem>>)
    %dma_start3A_20 = arith.constant 0 : i32
    %dma_start3A_21 = arith.constant 0 : i32
    %dma_start3A_22 = tpu.memref_slice %arg2[%dma_start3A_20, %dma_start3A_21] : memref<10000x128xf32, #tpu.memory_space<hbm>> -> memref<10000x128xf32, #tpu.memory_space<hbm>>
    tpu.enqueue_indirect_dma source(%dma_start3A_22 : memref<10000x128xf32, #tpu.memory_space<hbm>>) target(%arg7 : memref<128x128xf32, #tpu.memory_space<vmem>>) offsets(%arg5 : memref<128xi32, #tpu.memory_space<vmem>>) semaphore(%arg11 : memref<!tpu.dma_semaphore, #tpu.memory_space<semaphore_mem>>)
    %add3A_23 = arith.constant 32 : i32
    %add3A_24 = arith.addi %add3A, %add3A_23 : i32
    %mul3A_25 = arith.constant 128 : i32
    %mul3A_26 = arith.muli %add3A_24, %mul3A_25 : i32
    %multiple_of3A_27 = tpu.assume_multiple %mul3A_26, 128 : i32
    %dma_wait3A_28 = tpu.memref_slice %arg3[%multiple_of3A_27] : memref<80000xi32, #tpu.memory_space<hbm>> -> memref<128xi32, #tpu.memory_space<hbm>>
    %dma_wait3A_29 = tpu.memref_slice %arg3[%multiple_of3A_27] : memref<80000xi32, #tpu.memory_space<hbm>> -> memref<128xi32, #tpu.memory_space<hbm>>
    tpu.wait_dma2 semaphore(%arg10 : memref<!tpu.dma_semaphore, #tpu.memory_space<semaphore_mem>>) src(%dma_wait3A_29 : memref<128xi32, #tpu.memory_space<hbm>>) dst(%arg6 : memref<128xi32, #tpu.memory_space<vmem>>)
    %dma_start3A_30 = arith.constant 0 : i32
    %dma_start3A_31 = arith.constant 0 : i32
    %dma_start3A_32 = tpu.memref_slice %arg2[%dma_start3A_30, %dma_start3A_31] : memref<10000x128xf32, #tpu.memory_space<hbm>> -> memref<10000x128xf32, #tpu.memory_space<hbm>>
    tpu.enqueue_indirect_dma source(%dma_start3A_32 : memref<10000x128xf32, #tpu.memory_space<hbm>>) target(%arg8 : memref<128x128xf32, #tpu.memory_space<vmem>>) offsets(%arg6 : memref<128xi32, #tpu.memory_space<vmem>>) semaphore(%arg12 : memref<!tpu.dma_semaphore, #tpu.memory_space<semaphore_mem>>)
    %dma_wait3A_33 = arith.constant 0 : i32
    %dma_wait3A_34 = arith.constant 0 : i32
    %dma_wait3A_35 = tpu.memref_slice %arg2[%dma_wait3A_33, %dma_wait3A_34] : memref<10000x128xf32, #tpu.memory_space<hbm>> -> memref<10000x128xf32, #tpu.memory_space<hbm>>
    tpu.wait_indirect_dma semaphore(%arg11 : memref<!tpu.dma_semaphore, #tpu.memory_space<semaphore_mem>>) src(%dma_wait3A_35 : memref<10000x128xf32, #tpu.memory_space<hbm>>) dst(%arg7 : memref<128x128xf32, #tpu.memory_space<vmem>>)
    %add3A_36 = arith.constant 64 : i32
    %add3A_37 = arith.addi %add3A, %add3A_36 : i32
    %mul3A_38 = arith.constant 128 : i32
    %mul3A_39 = arith.muli %add3A_37, %mul3A_38 : i32
    %multiple_of3A_40 = tpu.assume_multiple %mul3A_39, 128 : i32
    %dma_start3A_41 = tpu.memref_slice %arg3[%multiple_of3A_40] : memref<80000xi32, #tpu.memory_space<hbm>> -> memref<128xi32, #tpu.memory_space<hbm>>
    %dma_start3A_42 = tpu.memref_slice %arg3[%multiple_of3A_40] : memref<80000xi32, #tpu.memory_space<hbm>> -> memref<128xi32, #tpu.memory_space<hbm>>
    tpu.enqueue_dma source(%dma_start3A_42 : memref<128xi32, #tpu.memory_space<hbm>>) target(%arg5 : memref<128xi32, #tpu.memory_space<vmem>>) target_semaphore(%arg9 : memref<!tpu.dma_semaphore, #tpu.memory_space<semaphore_mem>>)
    %add3A_43 = arith.constant 0 : i32
    %add3A_44 = arith.addi %add3A, %add3A_43 : i32
    %mul3A_45 = arith.constant 128 : i32
    %mul3A_46 = arith.muli %add3A_44, %mul3A_45 : i32
    %multiple_of3A_47 = tpu.assume_multiple %mul3A_46, 128 : i32
    %dma_start3A_48 = arith.constant 0 : i32
    %dma_start3A_49 = tpu.memref_slice %arg4[%multiple_of3A_47, %dma_start3A_48] : memref<80000x128xf32, #tpu.memory_space<hbm>> -> memref<128x128xf32, #tpu.memory_space<hbm>>
    %dma_start3A_50 = arith.constant 0 : i32
    %dma_start3A_51 = tpu.memref_slice %arg4[%multiple_of3A_47, %dma_start3A_50] : memref<80000x128xf32, #tpu.memory_space<hbm>> -> memref<128x128xf32, #tpu.memory_space<hbm>>
    tpu.enqueue_dma source(%arg7 : memref<128x128xf32, #tpu.memory_space<vmem>>) target(%dma_start3A_51 : memref<128x128xf32, #tpu.memory_space<hbm>>) target_semaphore(%arg13 : memref<!tpu.dma_semaphore, #tpu.memory_space<semaphore_mem>>)
    %add3A_52 = arith.constant 64 : i32
    %add3A_53 = arith.addi %add3A, %add3A_52 : i32
    %mul3A_54 = arith.constant 128 : i32
    %mul3A_55 = arith.muli %add3A_53, %mul3A_54 : i32
    %multiple_of3A_56 = tpu.assume_multiple %mul3A_55, 128 : i32
    %dma_wait3A_57 = tpu.memref_slice %arg3[%multiple_of3A_56] : memref<80000xi32, #tpu.memory_space<hbm>> -> memref<128xi32, #tpu.memory_space<hbm>>
    %dma_wait3A_58 = tpu.memref_slice %arg3[%multiple_of3A_56] : memref<80000xi32, #tpu.memory_space<hbm>> -> memref<128xi32, #tpu.memory_space<hbm>>
    tpu.wait_dma2 semaphore(%arg9 : memref<!tpu.dma_semaphore, #tpu.memory_space<semaphore_mem>>) src(%dma_wait3A_58 : memref<128xi32, #tpu.memory_space<hbm>>) dst(%arg5 : memref<128xi32, #tpu.memory_space<vmem>>)
    %add3A_59 = arith.constant 0 : i32
    %add3A_60 = arith.addi %add3A, %add3A_59 : i32
    %mul3A_61 = arith.constant 128 : i32
    %mul3A_62 = arith.muli %add3A_60, %mul3A_61 : i32
    %multiple_of3A_63 = tpu.assume_multiple %mul3A_62, 128 : i32
    %dma_wait3A_64 = arith.constant 0 : i32
    %dma_wait3A_65 = tpu.memref_slice %arg4[%multiple_of3A_63, %dma_wait3A_64] : memref<80000x128xf32, #tpu.memory_space<hbm>> -> memref<128x128xf32, #tpu.memory_space<hbm>>
    %dma_wait3A_66 = arith.constant 0 : i32
    %dma_wait3A_67 = tpu.memref_slice %arg4[%multiple_of3A_63, %dma_wait3A_66] : memref<80000x128xf32, #tpu.memory_space<hbm>> -> memref<128x128xf32, #tpu.memory_space<hbm>>
    tpu.wait_dma2 semaphore(%arg13 : memref<!tpu.dma_semaphore, #tpu.memory_space<semaphore_mem>>) src(%arg7 : memref<128x128xf32, #tpu.memory_space<vmem>>) dst(%dma_wait3A_67 : memref<128x128xf32, #tpu.memory_space<hbm>>)
    %dma_start3A_68 = arith.constant 0 : i32
    %dma_start3A_69 = arith.constant 0 : i32
    %dma_start3A_70 = tpu.memref_slice %arg2[%dma_start3A_68, %dma_start3A_69] : memref<10000x128xf32, #tpu.memory_space<hbm>> -> memref<10000x128xf32, #tpu.memory_space<hbm>>
    tpu.enqueue_indirect_dma source(%dma_start3A_70 : memref<10000x128xf32, #tpu.memory_space<hbm>>) target(%arg7 : memref<128x128xf32, #tpu.memory_space<vmem>>) offsets(%arg5 : memref<128xi32, #tpu.memory_space<vmem>>) semaphore(%arg11 : memref<!tpu.dma_semaphore, #tpu.memory_space<semaphore_mem>>)
    %dma_wait3A_71 = arith.constant 0 : i32
    %dma_wait3A_72 = arith.constant 0 : i32
    %dma_wait3A_73 = tpu.memref_slice %arg2[%dma_wait3A_71, %dma_wait3A_72] : memref<10000x128xf32, #tpu.memory_space<hbm>> -> memref<10000x128xf32, #tpu.memory_space<hbm>>
    tpu.wait_indirect_dma semaphore(%arg12 : memref<!tpu.dma_semaphore, #tpu.memory_space<semaphore_mem>>) src(%dma_wait3A_73 : memref<10000x128xf32, #tpu.memory_space<hbm>>) dst(%arg8 : memref<128x128xf32, #tpu.memory_space<vmem>>)
    %add3A_74 = arith.constant 96 : i32
    %add3A_75 = arith.addi %add3A, %add3A_74 : i32
    %mul3A_76 = arith.constant 128 : i32
    %mul3A_77 = arith.muli %add3A_75, %mul3A_76 : i32
    %multiple_of3A_78 = tpu.assume_multiple %mul3A_77, 128 : i32
    %dma_start3A_79 = tpu.memref_slice %arg3[%multiple_of3A_78] : memref<80000xi32, #tpu.memory_space<hbm>> -> memref<128xi32, #tpu.memory_space<hbm>>
    %dma_start3A_80 = tpu.memref_slice %arg3[%multiple_of3A_78] : memref<80000xi32, #tpu.memory_space<hbm>> -> memref<128xi32, #tpu.memory_space<hbm>>
    tpu.enqueue_dma source(%dma_start3A_80 : memref<128xi32, #tpu.memory_space<hbm>>) target(%arg6 : memref<128xi32, #tpu.memory_space<vmem>>) target_semaphore(%arg10 : memref<!tpu.dma_semaphore, #tpu.memory_space<semaphore_mem>>)
    %add3A_81 = arith.constant 32 : i32
    %add3A_82 = arith.addi %add3A, %add3A_81 : i32
    %mul3A_83 = arith.constant 128 : i32
    %mul3A_84 = arith.muli %add3A_82, %mul3A_83 : i32
    %multiple_of3A_85 = tpu.assume_multiple %mul3A_84, 128 : i32
    %dma_start3A_86 = arith.constant 0 : i32
    %dma_start3A_87 = tpu.memref_slice %arg4[%multiple_of3A_85, %dma_start3A_86] : memref<80000x128xf32, #tpu.memory_space<hbm>> -> memref<128x128xf32, #tpu.memory_space<hbm>>
    %dma_start3A_88 = arith.constant 0 : i32
    %dma_start3A_89 = tpu.memref_slice %arg4[%multiple_of3A_85, %dma_start3A_88] : memref<80000x128xf32, #tpu.memory_space<hbm>> -> memref<128x128xf32, #tpu.memory_space<hbm>>
    tpu.enqueue_dma source(%arg8 : memref<128x128xf32, #tpu.memory_space<vmem>>) target(%dma_start3A_89 : memref<128x128xf32, #tpu.memory_space<hbm>>) target_semaphore(%arg14 : memref<!tpu.dma_semaphore, #tpu.memory_space<semaphore_mem>>)
    %add3A_90 = arith.constant 96 : i32
    %add3A_91 = arith.addi %add3A, %add3A_90 : i32
    %mul3A_92 = arith.constant 128 : i32
    %mul3A_93 = arith.muli %add3A_91, %mul3A_92 : i32
    %multiple_of3A_94 = tpu.assume_multiple %mul3A_93, 128 : i32
    %dma_wait3A_95 = tpu.memref_slice %arg3[%multiple_of3A_94] : memref<80000xi32, #tpu.memory_space<hbm>> -> memref<128xi32, #tpu.memory_space<hbm>>
    %dma_wait3A_96 = tpu.memref_slice %arg3[%multiple_of3A_94] : memref<80000xi32, #tpu.memory_space<hbm>> -> memref<128xi32, #tpu.memory_space<hbm>>
    tpu.wait_dma2 semaphore(%arg10 : memref<!tpu.dma_semaphore, #tpu.memory_space<semaphore_mem>>) src(%dma_wait3A_96 : memref<128xi32, #tpu.memory_space<hbm>>) dst(%arg6 : memref<128xi32, #tpu.memory_space<vmem>>)
    %add3A_97 = arith.constant 32 : i32
    %add3A_98 = arith.addi %add3A, %add3A_97 : i32
    %mul3A_99 = arith.constant 128 : i32
    %mul3A_100 = arith.muli %add3A_98, %mul3A_99 : i32
    %multiple_of3A_101 = tpu.assume_multiple %mul3A_100, 128 : i32
    %dma_wait3A_102 = arith.constant 0 : i32
    %dma_wait3A_103 = tpu.memref_slice %arg4[%multiple_of3A_101, %dma_wait3A_102] : memref<80000x128xf32, #tpu.memory_space<hbm>> -> memref<128x128xf32, #tpu.memory_space<hbm>>
    %dma_wait3A_104 = arith.constant 0 : i32
    %dma_wait3A_105 = tpu.memref_slice %arg4[%multiple_of3A_101, %dma_wait3A_104] : memref<80000x128xf32, #tpu.memory_space<hbm>> -> memref<128x128xf32, #tpu.memory_space<hbm>>
    tpu.wait_dma2 semaphore(%arg14 : memref<!tpu.dma_semaphore, #tpu.memory_space<semaphore_mem>>) src(%arg8 : memref<128x128xf32, #tpu.memory_space<vmem>>) dst(%dma_wait3A_105 : memref<128x128xf32, #tpu.memory_space<hbm>>)
    %dma_start3A_106 = arith.constant 0 : i32
    %dma_start3A_107 = arith.constant 0 : i32
    %dma_start3A_108 = tpu.memref_slice %arg2[%dma_start3A_106, %dma_start3A_107] : memref<10000x128xf32, #tpu.memory_space<hbm>> -> memref<10000x128xf32, #tpu.memory_space<hbm>>
    tpu.enqueue_indirect_dma source(%dma_start3A_108 : memref<10000x128xf32, #tpu.memory_space<hbm>>) target(%arg8 : memref<128x128xf32, #tpu.memory_space<vmem>>) offsets(%arg6 : memref<128xi32, #tpu.memory_space<vmem>>) semaphore(%arg12 : memref<!tpu.dma_semaphore, #tpu.memory_space<semaphore_mem>>)
    %dma_wait3A_109 = arith.constant 0 : i32
    %dma_wait3A_110 = arith.constant 0 : i32
    %dma_wait3A_111 = tpu.memref_slice %arg2[%dma_wait3A_109, %dma_wait3A_110] : memref<10000x128xf32, #tpu.memory_space<hbm>> -> memref<10000x128xf32, #tpu.memory_space<hbm>>
    tpu.wait_indirect_dma semaphore(%arg11 : memref<!tpu.dma_semaphore, #tpu.memory_space<semaphore_mem>>) src(%dma_wait3A_111 : memref<10000x128xf32, #tpu.memory_space<hbm>>) dst(%arg7 : memref<128x128xf32, #tpu.memory_space<vmem>>)
    %add3A_112 = arith.constant 128 : i32
    %add3A_113 = arith.addi %add3A, %add3A_112 : i32
    %mul3A_114 = arith.constant 128 : i32
    %mul3A_115 = arith.muli %add3A_113, %mul3A_114 : i32
    %multiple_of3A_116 = tpu.assume_multiple %mul3A_115, 128 : i32
    %dma_start3A_117 = tpu.memref_slice %arg3[%multiple_of3A_116] : memref<80000xi32, #tpu.memory_space<hbm>> -> memref<128xi32, #tpu.memory_space<hbm>>
    %dma_start3A_118 = tpu.memref_slice %arg3[%multiple_of3A_116] : memref<80000xi32, #tpu.memory_space<hbm>> -> memref<128xi32, #tpu.memory_space<hbm>>
    tpu.enqueue_dma source(%dma_start3A_118 : memref<128xi32, #tpu.memory_space<hbm>>) target(%arg5 : memref<128xi32, #tpu.memory_space<vmem>>) target_semaphore(%arg9 : memref<!tpu.dma_semaphore, #tpu.memory_space<semaphore_mem>>)
    %add3A_119 = arith.constant 64 : i32
    %add3A_120 = arith.addi %add3A, %add3A_119 : i32
    %mul3A_121 = arith.constant 128 : i32
    %mul3A_122 = arith.muli %add3A_120, %mul3A_121 : i32
    %multiple_of3A_123 = tpu.assume_multiple %mul3A_122, 128 : i32
    %dma_start3A_124 = arith.constant 0 : i32
    %dma_start3A_125 = tpu.memref_slice %arg4[%multiple_of3A_123, %dma_start3A_124] : memref<80000x128xf32, #tpu.memory_space<hbm>> -> memref<128x128xf32, #tpu.memory_space<hbm>>
    %dma_start3A_126 = arith.constant 0 : i32
    %dma_start3A_127 = tpu.memref_slice %arg4[%multiple_of3A_123, %dma_start3A_126] : memref<80000x128xf32, #tpu.memory_space<hbm>> -> memref<128x128xf32, #tpu.memory_space<hbm>>
    tpu.enqueue_dma source(%arg7 : memref<128x128xf32, #tpu.memory_space<vmem>>) target(%dma_start3A_127 : memref<128x128xf32, #tpu.memory_space<hbm>>) target_semaphore(%arg13 : memref<!tpu.dma_semaphore, #tpu.memory_space<semaphore_mem>>)
    %add3A_128 = arith.constant 128 : i32
    %add3A_129 = arith.addi %add3A, %add3A_128 : i32
    %mul3A_130 = arith.constant 128 : i32
    %mul3A_131 = arith.muli %add3A_129, %mul3A_130 : i32
    %multiple_of3A_132 = tpu.assume_multiple %mul3A_131, 128 : i32
    %dma_wait3A_133 = tpu.memref_slice %arg3[%multiple_of3A_132] : memref<80000xi32, #tpu.memory_space<hbm>> -> memref<128xi32, #tpu.memory_space<hbm>>
    %dma_wait3A_134 = tpu.memref_slice %arg3[%multiple_of3A_132] : memref<80000xi32, #tpu.memory_space<hbm>> -> memref<128xi32, #tpu.memory_space<hbm>>
    tpu.wait_dma2 semaphore(%arg9 : memref<!tpu.dma_semaphore, #tpu.memory_space<semaphore_mem>>) src(%dma_wait3A_134 : memref<128xi32, #tpu.memory_space<hbm>>) dst(%arg5 : memref<128xi32, #tpu.memory_space<vmem>>)
    %add3A_135 = arith.constant 64 : i32
    %add3A_136 = arith.addi %add3A, %add3A_135 : i32
    %mul3A_137 = arith.constant 128 : i32
    %mul3A_138 = arith.muli %add3A_136, %mul3A_137 : i32
    %multiple_of3A_139 = tpu.assume_multiple %mul3A_138, 128 : i32
    %dma_wait3A_140 = arith.constant 0 : i32
    %dma_wait3A_141 = tpu.memref_slice %arg4[%multiple_of3A_139, %dma_wait3A_140] : memref<80000x128xf32, #tpu.memory_space<hbm>> -> memref<128x128xf32, #tpu.memory_space<hbm>>
    %dma_wait3A_142 = arith.constant 0 : i32
    %dma_wait3A_143 = tpu.memref_slice %arg4[%multiple_of3A_139, %dma_wait3A_142] : memref<80000x128xf32, #tpu.memory_space<hbm>> -> memref<128x128xf32, #tpu.memory_space<hbm>>
    tpu.wait_dma2 semaphore(%arg13 : memref<!tpu.dma_semaphore, #tpu.memory_space<semaphore_mem>>) src(%arg7 : memref<128x128xf32, #tpu.memory_space<vmem>>) dst(%dma_wait3A_143 : memref<128x128xf32, #tpu.memory_space<hbm>>)
    %dma_start3A_144 = arith.constant 0 : i32
    %dma_start3A_145 = arith.constant 0 : i32
    %dma_start3A_146 = tpu.memref_slice %arg2[%dma_start3A_144, %dma_start3A_145] : memref<10000x128xf32, #tpu.memory_space<hbm>> -> memref<10000x128xf32, #tpu.memory_space<hbm>>
    tpu.enqueue_indirect_dma source(%dma_start3A_146 : memref<10000x128xf32, #tpu.memory_space<hbm>>) target(%arg7 : memref<128x128xf32, #tpu.memory_space<vmem>>) offsets(%arg5 : memref<128xi32, #tpu.memory_space<vmem>>) semaphore(%arg11 : memref<!tpu.dma_semaphore, #tpu.memory_space<semaphore_mem>>)
    %dma_wait3A_147 = arith.constant 0 : i32
    %dma_wait3A_148 = arith.constant 0 : i32
    %dma_wait3A_149 = tpu.memref_slice %arg2[%dma_wait3A_147, %dma_wait3A_148] : memref<10000x128xf32, #tpu.memory_space<hbm>> -> memref<10000x128xf32, #tpu.memory_space<hbm>>
    tpu.wait_indirect_dma semaphore(%arg12 : memref<!tpu.dma_semaphore, #tpu.memory_space<semaphore_mem>>) src(%dma_wait3A_149 : memref<10000x128xf32, #tpu.memory_space<hbm>>) dst(%arg8 : memref<128x128xf32, #tpu.memory_space<vmem>>)
    %add3A_150 = arith.constant 160 : i32
    %add3A_151 = arith.addi %add3A, %add3A_150 : i32
    %mul3A_152 = arith.constant 128 : i32
    %mul3A_153 = arith.muli %add3A_151, %mul3A_152 : i32
    %multiple_of3A_154 = tpu.assume_multiple %mul3A_153, 128 : i32
    %dma_start3A_155 = tpu.memref_slice %arg3[%multiple_of3A_154] : memref<80000xi32, #tpu.memory_space<hbm>> -> memref<128xi32, #tpu.memory_space<hbm>>
    %dma_start3A_156 = tpu.memref_slice %arg3[%multiple_of3A_154] : memref<80000xi32, #tpu.memory_space<hbm>> -> memref<128xi32, #tpu.memory_space<hbm>>
    tpu.enqueue_dma source(%dma_start3A_156 : memref<128xi32, #tpu.memory_space<hbm>>) target(%arg6 : memref<128xi32, #tpu.memory_space<vmem>>) target_semaphore(%arg10 : memref<!tpu.dma_semaphore, #tpu.memory_space<semaphore_mem>>)
    %add3A_157 = arith.constant 96 : i32
    %add3A_158 = arith.addi %add3A, %add3A_157 : i32
    %mul3A_159 = arith.constant 128 : i32
    %mul3A_160 = arith.muli %add3A_158, %mul3A_159 : i32
    %multiple_of3A_161 = tpu.assume_multiple %mul3A_160, 128 : i32
    %dma_start3A_162 = arith.constant 0 : i32
    %dma_start3A_163 = tpu.memref_slice %arg4[%multiple_of3A_161, %dma_start3A_162] : memref<80000x128xf32, #tpu.memory_space<hbm>> -> memref<128x128xf32, #tpu.memory_space<hbm>>
    %dma_start3A_164 = arith.constant 0 : i32
    %dma_start3A_165 = tpu.memref_slice %arg4[%multiple_of3A_161, %dma_start3A_164] : memref<80000x128xf32, #tpu.memory_space<hbm>> -> memref<128x128xf32, #tpu.memory_space<hbm>>
    tpu.enqueue_dma source(%arg8 : memref<128x128xf32, #tpu.memory_space<vmem>>) target(%dma_start3A_165 : memref<128x128xf32, #tpu.memory_space<hbm>>) target_semaphore(%arg14 : memref<!tpu.dma_semaphore, #tpu.memory_space<semaphore_mem>>)
    %add3A_166 = arith.constant 160 : i32
    %add3A_167 = arith.addi %add3A, %add3A_166 : i32
    %mul3A_168 = arith.constant 128 : i32
    %mul3A_169 = arith.muli %add3A_167, %mul3A_168 : i32
    %multiple_of3A_170 = tpu.assume_multiple %mul3A_169, 128 : i32
    %dma_wait3A_171 = tpu.memref_slice %arg3[%multiple_of3A_170] : memref<80000xi32, #tpu.memory_space<hbm>> -> memref<128xi32, #tpu.memory_space<hbm>>
    %dma_wait3A_172 = tpu.memref_slice %arg3[%multiple_of3A_170] : memref<80000xi32, #tpu.memory_space<hbm>> -> memref<128xi32, #tpu.memory_space<hbm>>
    tpu.wait_dma2 semaphore(%arg10 : memref<!tpu.dma_semaphore, #tpu.memory_space<semaphore_mem>>) src(%dma_wait3A_172 : memref<128xi32, #tpu.memory_space<hbm>>) dst(%arg6 : memref<128xi32, #tpu.memory_space<vmem>>)
    %add3A_173 = arith.constant 96 : i32
    %add3A_174 = arith.addi %add3A, %add3A_173 : i32
    %mul3A_175 = arith.constant 128 : i32
    %mul3A_176 = arith.muli %add3A_174, %mul3A_175 : i32
    %multiple_of3A_177 = tpu.assume_multiple %mul3A_176, 128 : i32
    %dma_wait3A_178 = arith.constant 0 : i32
    %dma_wait3A_179 = tpu.memref_slice %arg4[%multiple_of3A_177, %dma_wait3A_178] : memref<80000x128xf32, #tpu.memory_space<hbm>> -> memref<128x128xf32, #tpu.memory_space<hbm>>
    %dma_wait3A_180 = arith.constant 0 : i32
    %dma_wait3A_181 = tpu.memref_slice %arg4[%multiple_of3A_177, %dma_wait3A_180] : memref<80000x128xf32, #tpu.memory_space<hbm>> -> memref<128x128xf32, #tpu.memory_space<hbm>>
    tpu.wait_dma2 semaphore(%arg14 : memref<!tpu.dma_semaphore, #tpu.memory_space<semaphore_mem>>) src(%arg8 : memref<128x128xf32, #tpu.memory_space<vmem>>) dst(%dma_wait3A_181 : memref<128x128xf32, #tpu.memory_space<hbm>>)
    %dma_start3A_182 = arith.constant 0 : i32
    %dma_start3A_183 = arith.constant 0 : i32
    %dma_start3A_184 = tpu.memref_slice %arg2[%dma_start3A_182, %dma_start3A_183] : memref<10000x128xf32, #tpu.memory_space<hbm>> -> memref<10000x128xf32, #tpu.memory_space<hbm>>
    tpu.enqueue_indirect_dma source(%dma_start3A_184 : memref<10000x128xf32, #tpu.memory_space<hbm>>) target(%arg8 : memref<128x128xf32, #tpu.memory_space<vmem>>) offsets(%arg6 : memref<128xi32, #tpu.memory_space<vmem>>) semaphore(%arg12 : memref<!tpu.dma_semaphore, #tpu.memory_space<semaphore_mem>>)
    %dma_wait3A_185 = arith.constant 0 : i32
    %dma_wait3A_186 = arith.constant 0 : i32
    %dma_wait3A_187 = tpu.memref_slice %arg2[%dma_wait3A_185, %dma_wait3A_186] : memref<10000x128xf32, #tpu.memory_space<hbm>> -> memref<10000x128xf32, #tpu.memory_space<hbm>>
    tpu.wait_indirect_dma semaphore(%arg11 : memref<!tpu.dma_semaphore, #tpu.memory_space<semaphore_mem>>) src(%dma_wait3A_187 : memref<10000x128xf32, #tpu.memory_space<hbm>>) dst(%arg7 : memref<128x128xf32, #tpu.memory_space<vmem>>)
    %add3A_188 = arith.constant 192 : i32
    %add3A_189 = arith.addi %add3A, %add3A_188 : i32
    %mul3A_190 = arith.constant 128 : i32
    %mul3A_191 = arith.muli %add3A_189, %mul3A_190 : i32
    %multiple_of3A_192 = tpu.assume_multiple %mul3A_191, 128 : i32
    %dma_start3A_193 = tpu.memref_slice %arg3[%multiple_of3A_192] : memref<80000xi32, #tpu.memory_space<hbm>> -> memref<128xi32, #tpu.memory_space<hbm>>
    %dma_start3A_194 = tpu.memref_slice %arg3[%multiple_of3A_192] : memref<80000xi32, #tpu.memory_space<hbm>> -> memref<128xi32, #tpu.memory_space<hbm>>
    tpu.enqueue_dma source(%dma_start3A_194 : memref<128xi32, #tpu.memory_space<hbm>>) target(%arg5 : memref<128xi32, #tpu.memory_space<vmem>>) target_semaphore(%arg9 : memref<!tpu.dma_semaphore, #tpu.memory_space<semaphore_mem>>)
    %add3A_195 = arith.constant 128 : i32
    %add3A_196 = arith.addi %add3A, %add3A_195 : i32
    %mul3A_197 = arith.constant 128 : i32
    %mul3A_198 = arith.muli %add3A_196, %mul3A_197 : i32
    %multiple_of3A_199 = tpu.assume_multiple %mul3A_198, 128 : i32
    %dma_start3A_200 = arith.constant 0 : i32
    %dma_start3A_201 = tpu.memref_slice %arg4[%multiple_of3A_199, %dma_start3A_200] : memref<80000x128xf32, #tpu.memory_space<hbm>> -> memref<128x128xf32, #tpu.memory_space<hbm>>
    %dma_start3A_202 = arith.constant 0 : i32
    %dma_start3A_203 = tpu.memref_slice %arg4[%multiple_of3A_199, %dma_start3A_202] : memref<80000x128xf32, #tpu.memory_space<hbm>> -> memref<128x128xf32, #tpu.memory_space<hbm>>
    tpu.enqueue_dma source(%arg7 : memref<128x128xf32, #tpu.memory_space<vmem>>) target(%dma_start3A_203 : memref<128x128xf32, #tpu.memory_space<hbm>>) target_semaphore(%arg13 : memref<!tpu.dma_semaphore, #tpu.memory_space<semaphore_mem>>)
    %add3A_204 = arith.constant 192 : i32
    %add3A_205 = arith.addi %add3A, %add3A_204 : i32
    %mul3A_206 = arith.constant 128 : i32
    %mul3A_207 = arith.muli %add3A_205, %mul3A_206 : i32
    %multiple_of3A_208 = tpu.assume_multiple %mul3A_207, 128 : i32
    %dma_wait3A_209 = tpu.memref_slice %arg3[%multiple_of3A_208] : memref<80000xi32, #tpu.memory_space<hbm>> -> memref<128xi32, #tpu.memory_space<hbm>>
    %dma_wait3A_210 = tpu.memref_slice %arg3[%multiple_of3A_208] : memref<80000xi32, #tpu.memory_space<hbm>> -> memref<128xi32, #tpu.memory_space<hbm>>
    tpu.wait_dma2 semaphore(%arg9 : memref<!tpu.dma_semaphore, #tpu.memory_space<semaphore_mem>>) src(%dma_wait3A_210 : memref<128xi32, #tpu.memory_space<hbm>>) dst(%arg5 : memref<128xi32, #tpu.memory_space<vmem>>)
    %add3A_211 = arith.constant 128 : i32
    %add3A_212 = arith.addi %add3A, %add3A_211 : i32
    %mul3A_213 = arith.constant 128 : i32
    %mul3A_214 = arith.muli %add3A_212, %mul3A_213 : i32
    %multiple_of3A_215 = tpu.assume_multiple %mul3A_214, 128 : i32
    %dma_wait3A_216 = arith.constant 0 : i32
    %dma_wait3A_217 = tpu.memref_slice %arg4[%multiple_of3A_215, %dma_wait3A_216] : memref<80000x128xf32, #tpu.memory_space<hbm>> -> memref<128x128xf32, #tpu.memory_space<hbm>>
    %dma_wait3A_218 = arith.constant 0 : i32
    %dma_wait3A_219 = tpu.memref_slice %arg4[%multiple_of3A_215, %dma_wait3A_218] : memref<80000x128xf32, #tpu.memory_space<hbm>> -> memref<128x128xf32, #tpu.memory_space<hbm>>
    tpu.wait_dma2 semaphore(%arg13 : memref<!tpu.dma_semaphore, #tpu.memory_space<semaphore_mem>>) src(%arg7 : memref<128x128xf32, #tpu.memory_space<vmem>>) dst(%dma_wait3A_219 : memref<128x128xf32, #tpu.memory_space<hbm>>)
    %dma_start3A_220 = arith.constant 0 : i32
    %dma_start3A_221 = arith.constant 0 : i32
    %dma_start3A_222 = tpu.memref_slice %arg2[%dma_start3A_220, %dma_start3A_221] : memref<10000x128xf32, #tpu.memory_space<hbm>> -> memref<10000x128xf32, #tpu.memory_space<hbm>>
    tpu.enqueue_indirect_dma source(%dma_start3A_222 : memref<10000x128xf32, #tpu.memory_space<hbm>>) target(%arg7 : memref<128x128xf32, #tpu.memory_space<vmem>>) offsets(%arg5 : memref<128xi32, #tpu.memory_space<vmem>>) semaphore(%arg11 : memref<!tpu.dma_semaphore, #tpu.memory_space<semaphore_mem>>)
    %dma_wait3A_223 = arith.constant 0 : i32
    %dma_wait3A_224 = arith.constant 0 : i32
    %dma_wait3A_225 = tpu.memref_slice %arg2[%dma_wait3A_223, %dma_wait3A_224] : memref<10000x128xf32, #tpu.memory_space<hbm>> -> memref<10000x128xf32, #tpu.memory_space<hbm>>
    tpu.wait_indirect_dma semaphore(%arg12 : memref<!tpu.dma_semaphore, #tpu.memory_space<semaphore_mem>>) src(%dma_wait3A_225 : memref<10000x128xf32, #tpu.memory_space<hbm>>) dst(%arg8 : memref<128x128xf32, #tpu.memory_space<vmem>>)
    %add3A_226 = arith.constant 224 : i32
    %add3A_227 = arith.addi %add3A, %add3A_226 : i32
    %mul3A_228 = arith.constant 128 : i32
    %mul3A_229 = arith.muli %add3A_227, %mul3A_228 : i32
    %multiple_of3A_230 = tpu.assume_multiple %mul3A_229, 128 : i32
    %dma_start3A_231 = tpu.memref_slice %arg3[%multiple_of3A_230] : memref<80000xi32, #tpu.memory_space<hbm>> -> memref<128xi32, #tpu.memory_space<hbm>>
    %dma_start3A_232 = tpu.memref_slice %arg3[%multiple_of3A_230] : memref<80000xi32, #tpu.memory_space<hbm>> -> memref<128xi32, #tpu.memory_space<hbm>>
    tpu.enqueue_dma source(%dma_start3A_232 : memref<128xi32, #tpu.memory_space<hbm>>) target(%arg6 : memref<128xi32, #tpu.memory_space<vmem>>) target_semaphore(%arg10 : memref<!tpu.dma_semaphore, #tpu.memory_space<semaphore_mem>>)
    %add3A_233 = arith.constant 160 : i32
    %add3A_234 = arith.addi %add3A, %add3A_233 : i32
    %mul3A_235 = arith.constant 128 : i32
    %mul3A_236 = arith.muli %add3A_234, %mul3A_235 : i32
    %multiple_of3A_237 = tpu.assume_multiple %mul3A_236, 128 : i32
    %dma_start3A_238 = arith.constant 0 : i32
    %dma_start3A_239 = tpu.memref_slice %arg4[%multiple_of3A_237, %dma_start3A_238] : memref<80000x128xf32, #tpu.memory_space<hbm>> -> memref<128x128xf32, #tpu.memory_space<hbm>>
    %dma_start3A_240 = arith.constant 0 : i32
    %dma_start3A_241 = tpu.memref_slice %arg4[%multiple_of3A_237, %dma_start3A_240] : memref<80000x128xf32, #tpu.memory_space<hbm>> -> memref<128x128xf32, #tpu.memory_space<hbm>>
    tpu.enqueue_dma source(%arg8 : memref<128x128xf32, #tpu.memory_space<vmem>>) target(%dma_start3A_241 : memref<128x128xf32, #tpu.memory_space<hbm>>) target_semaphore(%arg14 : memref<!tpu.dma_semaphore, #tpu.memory_space<semaphore_mem>>)
    %add3A_242 = arith.constant 224 : i32
    %add3A_243 = arith.addi %add3A, %add3A_242 : i32
    %mul3A_244 = arith.constant 128 : i32
    %mul3A_245 = arith.muli %add3A_243, %mul3A_244 : i32
    %multiple_of3A_246 = tpu.assume_multiple %mul3A_245, 128 : i32
    %dma_wait3A_247 = tpu.memref_slice %arg3[%multiple_of3A_246] : memref<80000xi32, #tpu.memory_space<hbm>> -> memref<128xi32, #tpu.memory_space<hbm>>
    %dma_wait3A_248 = tpu.memref_slice %arg3[%multiple_of3A_246] : memref<80000xi32, #tpu.memory_space<hbm>> -> memref<128xi32, #tpu.memory_space<hbm>>
    tpu.wait_dma2 semaphore(%arg10 : memref<!tpu.dma_semaphore, #tpu.memory_space<semaphore_mem>>) src(%dma_wait3A_248 : memref<128xi32, #tpu.memory_space<hbm>>) dst(%arg6 : memref<128xi32, #tpu.memory_space<vmem>>)
    %add3A_249 = arith.constant 160 : i32
    %add3A_250 = arith.addi %add3A, %add3A_249 : i32
    %mul3A_251 = arith.constant 128 : i32
    %mul3A_252 = arith.muli %add3A_250, %mul3A_251 : i32
    %multiple_of3A_253 = tpu.assume_multiple %mul3A_252, 128 : i32
    %dma_wait3A_254 = arith.constant 0 : i32
    %dma_wait3A_255 = tpu.memref_slice %arg4[%multiple_of3A_253, %dma_wait3A_254] : memref<80000x128xf32, #tpu.memory_space<hbm>> -> memref<128x128xf32, #tpu.memory_space<hbm>>
    %dma_wait3A_256 = arith.constant 0 : i32
    %dma_wait3A_257 = tpu.memref_slice %arg4[%multiple_of3A_253, %dma_wait3A_256] : memref<80000x128xf32, #tpu.memory_space<hbm>> -> memref<128x128xf32, #tpu.memory_space<hbm>>
    tpu.wait_dma2 semaphore(%arg14 : memref<!tpu.dma_semaphore, #tpu.memory_space<semaphore_mem>>) src(%arg8 : memref<128x128xf32, #tpu.memory_space<vmem>>) dst(%dma_wait3A_257 : memref<128x128xf32, #tpu.memory_space<hbm>>)
    %dma_start3A_258 = arith.constant 0 : i32
    %dma_start3A_259 = arith.constant 0 : i32
    %dma_start3A_260 = tpu.memref_slice %arg2[%dma_start3A_258, %dma_start3A_259] : memref<10000x128xf32, #tpu.memory_space<hbm>> -> memref<10000x128xf32, #tpu.memory_space<hbm>>
    tpu.enqueue_indirect_dma source(%dma_start3A_260 : memref<10000x128xf32, #tpu.memory_space<hbm>>) target(%arg8 : memref<128x128xf32, #tpu.memory_space<vmem>>) offsets(%arg6 : memref<128xi32, #tpu.memory_space<vmem>>) semaphore(%arg12 : memref<!tpu.dma_semaphore, #tpu.memory_space<semaphore_mem>>)
    %dma_wait3A_261 = arith.constant 0 : i32
    %dma_wait3A_262 = arith.constant 0 : i32
    %dma_wait3A_263 = tpu.memref_slice %arg2[%dma_wait3A_261, %dma_wait3A_262] : memref<10000x128xf32, #tpu.memory_space<hbm>> -> memref<10000x128xf32, #tpu.memory_space<hbm>>
    tpu.wait_indirect_dma semaphore(%arg11 : memref<!tpu.dma_semaphore, #tpu.memory_space<semaphore_mem>>) src(%dma_wait3A_263 : memref<10000x128xf32, #tpu.memory_space<hbm>>) dst(%arg7 : memref<128x128xf32, #tpu.memory_space<vmem>>)
    %add3A_264 = arith.constant 256 : i32
    %add3A_265 = arith.addi %add3A, %add3A_264 : i32
    %mul3A_266 = arith.constant 128 : i32
    %mul3A_267 = arith.muli %add3A_265, %mul3A_266 : i32
    %multiple_of3A_268 = tpu.assume_multiple %mul3A_267, 128 : i32
    %dma_start3A_269 = tpu.memref_slice %arg3[%multiple_of3A_268] : memref<80000xi32, #tpu.memory_space<hbm>> -> memref<128xi32, #tpu.memory_space<hbm>>
    %dma_start3A_270 = tpu.memref_slice %arg3[%multiple_of3A_268] : memref<80000xi32, #tpu.memory_space<hbm>> -> memref<128xi32, #tpu.memory_space<hbm>>
    tpu.enqueue_dma source(%dma_start3A_270 : memref<128xi32, #tpu.memory_space<hbm>>) target(%arg5 : memref<128xi32, #tpu.memory_space<vmem>>) target_semaphore(%arg9 : memref<!tpu.dma_semaphore, #tpu.memory_space<semaphore_mem>>)
    %add3A_271 = arith.constant 192 : i32
    %add3A_272 = arith.addi %add3A, %add3A_271 : i32
    %mul3A_273 = arith.constant 128 : i32
    %mul3A_274 = arith.muli %add3A_272, %mul3A_273 : i32
    %multiple_of3A_275 = tpu.assume_multiple %mul3A_274, 128 : i32
    %dma_start3A_276 = arith.constant 0 : i32
    %dma_start3A_277 = tpu.memref_slice %arg4[%multiple_of3A_275, %dma_start3A_276] : memref<80000x128xf32, #tpu.memory_space<hbm>> -> memref<128x128xf32, #tpu.memory_space<hbm>>
    %dma_start3A_278 = arith.constant 0 : i32
    %dma_start3A_279 = tpu.memref_slice %arg4[%multiple_of3A_275, %dma_start3A_278] : memref<80000x128xf32, #tpu.memory_space<hbm>> -> memref<128x128xf32, #tpu.memory_space<hbm>>
    tpu.enqueue_dma source(%arg7 : memref<128x128xf32, #tpu.memory_space<vmem>>) target(%dma_start3A_279 : memref<128x128xf32, #tpu.memory_space<hbm>>) target_semaphore(%arg13 : memref<!tpu.dma_semaphore, #tpu.memory_space<semaphore_mem>>)
    %add3A_280 = arith.constant 256 : i32
    %add3A_281 = arith.addi %add3A, %add3A_280 : i32
    %mul3A_282 = arith.constant 128 : i32
    %mul3A_283 = arith.muli %add3A_281, %mul3A_282 : i32
    %multiple_of3A_284 = tpu.assume_multiple %mul3A_283, 128 : i32
    %dma_wait3A_285 = tpu.memref_slice %arg3[%multiple_of3A_284] : memref<80000xi32, #tpu.memory_space<hbm>> -> memref<128xi32, #tpu.memory_space<hbm>>
    %dma_wait3A_286 = tpu.memref_slice %arg3[%multiple_of3A_284] : memref<80000xi32, #tpu.memory_space<hbm>> -> memref<128xi32, #tpu.memory_space<hbm>>
    tpu.wait_dma2 semaphore(%arg9 : memref<!tpu.dma_semaphore, #tpu.memory_space<semaphore_mem>>) src(%dma_wait3A_286 : memref<128xi32, #tpu.memory_space<hbm>>) dst(%arg5 : memref<128xi32, #tpu.memory_space<vmem>>)
    %add3A_287 = arith.constant 192 : i32
    %add3A_288 = arith.addi %add3A, %add3A_287 : i32
    %mul3A_289 = arith.constant 128 : i32
    %mul3A_290 = arith.muli %add3A_288, %mul3A_289 : i32
    %multiple_of3A_291 = tpu.assume_multiple %mul3A_290, 128 : i32
    %dma_wait3A_292 = arith.constant 0 : i32
    %dma_wait3A_293 = tpu.memref_slice %arg4[%multiple_of3A_291, %dma_wait3A_292] : memref<80000x128xf32, #tpu.memory_space<hbm>> -> memref<128x128xf32, #tpu.memory_space<hbm>>
    %dma_wait3A_294 = arith.constant 0 : i32
    %dma_wait3A_295 = tpu.memref_slice %arg4[%multiple_of3A_291, %dma_wait3A_294] : memref<80000x128xf32, #tpu.memory_space<hbm>> -> memref<128x128xf32, #tpu.memory_space<hbm>>
    tpu.wait_dma2 semaphore(%arg13 : memref<!tpu.dma_semaphore, #tpu.memory_space<semaphore_mem>>) src(%arg7 : memref<128x128xf32, #tpu.memory_space<vmem>>) dst(%dma_wait3A_295 : memref<128x128xf32, #tpu.memory_space<hbm>>)
    %dma_start3A_296 = arith.constant 0 : i32
    %dma_start3A_297 = arith.constant 0 : i32
    %dma_start3A_298 = tpu.memref_slice %arg2[%dma_start3A_296, %dma_start3A_297] : memref<10000x128xf32, #tpu.memory_space<hbm>> -> memref<10000x128xf32, #tpu.memory_space<hbm>>
    tpu.enqueue_indirect_dma source(%dma_start3A_298 : memref<10000x128xf32, #tpu.memory_space<hbm>>) target(%arg7 : memref<128x128xf32, #tpu.memory_space<vmem>>) offsets(%arg5 : memref<128xi32, #tpu.memory_space<vmem>>) semaphore(%arg11 : memref<!tpu.dma_semaphore, #tpu.memory_space<semaphore_mem>>)
    %dma_wait3A_299 = arith.constant 0 : i32
    %dma_wait3A_300 = arith.constant 0 : i32
    %dma_wait3A_301 = tpu.memref_slice %arg2[%dma_wait3A_299, %dma_wait3A_300] : memref<10000x128xf32, #tpu.memory_space<hbm>> -> memref<10000x128xf32, #tpu.memory_space<hbm>>
    tpu.wait_indirect_dma semaphore(%arg12 : memref<!tpu.dma_semaphore, #tpu.memory_space<semaphore_mem>>) src(%dma_wait3A_301 : memref<10000x128xf32, #tpu.memory_space<hbm>>) dst(%arg8 : memref<128x128xf32, #tpu.memory_space<vmem>>)
    %add3A_302 = arith.constant 288 : i32
    %add3A_303 = arith.addi %add3A, %add3A_302 : i32
    %mul3A_304 = arith.constant 128 : i32
    %mul3A_305 = arith.muli %add3A_303, %mul3A_304 : i32
    %multiple_of3A_306 = tpu.assume_multiple %mul3A_305, 128 : i32
    %dma_start3A_307 = tpu.memref_slice %arg3[%multiple_of3A_306] : memref<80000xi32, #tpu.memory_space<hbm>> -> memref<128xi32, #tpu.memory_space<hbm>>
    %dma_start3A_308 = tpu.memref_slice %arg3[%multiple_of3A_306] : memref<80000xi32, #tpu.memory_space<hbm>> -> memref<128xi32, #tpu.memory_space<hbm>>
    tpu.enqueue_dma source(%dma_start3A_308 : memref<128xi32, #tpu.memory_space<hbm>>) target(%arg6 : memref<128xi32, #tpu.memory_space<vmem>>) target_semaphore(%arg10 : memref<!tpu.dma_semaphore, #tpu.memory_space<semaphore_mem>>)
    %add3A_309 = arith.constant 224 : i32
    %add3A_310 = arith.addi %add3A, %add3A_309 : i32
    %mul3A_311 = arith.constant 128 : i32
    %mul3A_312 = arith.muli %add3A_310, %mul3A_311 : i32
    %multiple_of3A_313 = tpu.assume_multiple %mul3A_312, 128 : i32
    %dma_start3A_314 = arith.constant 0 : i32
    %dma_start3A_315 = tpu.memref_slice %arg4[%multiple_of3A_313, %dma_start3A_314] : memref<80000x128xf32, #tpu.memory_space<hbm>> -> memref<128x128xf32, #tpu.memory_space<hbm>>
    %dma_start3A_316 = arith.constant 0 : i32
    %dma_start3A_317 = tpu.memref_slice %arg4[%multiple_of3A_313, %dma_start3A_316] : memref<80000x128xf32, #tpu.memory_space<hbm>> -> memref<128x128xf32, #tpu.memory_space<hbm>>
    tpu.enqueue_dma source(%arg8 : memref<128x128xf32, #tpu.memory_space<vmem>>) target(%dma_start3A_317 : memref<128x128xf32, #tpu.memory_space<hbm>>) target_semaphore(%arg14 : memref<!tpu.dma_semaphore, #tpu.memory_space<semaphore_mem>>)
    %add3A_318 = arith.constant 288 : i32
    %add3A_319 = arith.addi %add3A, %add3A_318 : i32
    %mul3A_320 = arith.constant 128 : i32
    %mul3A_321 = arith.muli %add3A_319, %mul3A_320 : i32
    %multiple_of3A_322 = tpu.assume_multiple %mul3A_321, 128 : i32
    %dma_wait3A_323 = tpu.memref_slice %arg3[%multiple_of3A_322] : memref<80000xi32, #tpu.memory_space<hbm>> -> memref<128xi32, #tpu.memory_space<hbm>>
    %dma_wait3A_324 = tpu.memref_slice %arg3[%multiple_of3A_322] : memref<80000xi32, #tpu.memory_space<hbm>> -> memref<128xi32, #tpu.memory_space<hbm>>
    tpu.wait_dma2 semaphore(%arg10 : memref<!tpu.dma_semaphore, #tpu.memory_space<semaphore_mem>>) src(%dma_wait3A_324 : memref<128xi32, #tpu.memory_space<hbm>>) dst(%arg6 : memref<128xi32, #tpu.memory_space<vmem>>)
    %add3A_325 = arith.constant 224 : i32
    %add3A_326 = arith.addi %add3A, %add3A_325 : i32
    %mul3A_327 = arith.constant 128 : i32
    %mul3A_328 = arith.muli %add3A_326, %mul3A_327 : i32
    %multiple_of3A_329 = tpu.assume_multiple %mul3A_328, 128 : i32
    %dma_wait3A_330 = arith.constant 0 : i32
    %dma_wait3A_331 = tpu.memref_slice %arg4[%multiple_of3A_329, %dma_wait3A_330] : memref<80000x128xf32, #tpu.memory_space<hbm>> -> memref<128x128xf32, #tpu.memory_space<hbm>>
    %dma_wait3A_332 = arith.constant 0 : i32
    %dma_wait3A_333 = tpu.memref_slice %arg4[%multiple_of3A_329, %dma_wait3A_332] : memref<80000x128xf32, #tpu.memory_space<hbm>> -> memref<128x128xf32, #tpu.memory_space<hbm>>
    tpu.wait_dma2 semaphore(%arg14 : memref<!tpu.dma_semaphore, #tpu.memory_space<semaphore_mem>>) src(%arg8 : memref<128x128xf32, #tpu.memory_space<vmem>>) dst(%dma_wait3A_333 : memref<128x128xf32, #tpu.memory_space<hbm>>)
    %dma_start3A_334 = arith.constant 0 : i32
    %dma_start3A_335 = arith.constant 0 : i32
    %dma_start3A_336 = tpu.memref_slice %arg2[%dma_start3A_334, %dma_start3A_335] : memref<10000x128xf32, #tpu.memory_space<hbm>> -> memref<10000x128xf32, #tpu.memory_space<hbm>>
    tpu.enqueue_indirect_dma source(%dma_start3A_336 : memref<10000x128xf32, #tpu.memory_space<hbm>>) target(%arg8 : memref<128x128xf32, #tpu.memory_space<vmem>>) offsets(%arg6 : memref<128xi32, #tpu.memory_space<vmem>>) semaphore(%arg12 : memref<!tpu.dma_semaphore, #tpu.memory_space<semaphore_mem>>)
    %dma_wait3A_337 = arith.constant 0 : i32
    %dma_wait3A_338 = arith.constant 0 : i32
    %dma_wait3A_339 = tpu.memref_slice %arg2[%dma_wait3A_337, %dma_wait3A_338] : memref<10000x128xf32, #tpu.memory_space<hbm>> -> memref<10000x128xf32, #tpu.memory_space<hbm>>
    tpu.wait_indirect_dma semaphore(%arg11 : memref<!tpu.dma_semaphore, #tpu.memory_space<semaphore_mem>>) src(%dma_wait3A_339 : memref<10000x128xf32, #tpu.memory_space<hbm>>) dst(%arg7 : memref<128x128xf32, #tpu.memory_space<vmem>>)
    %add3A_340 = arith.constant 320 : i32
    %add3A_341 = arith.addi %add3A, %add3A_340 : i32
    %mul3A_342 = arith.constant 128 : i32
    %mul3A_343 = arith.muli %add3A_341, %mul3A_342 : i32
    %multiple_of3A_344 = tpu.assume_multiple %mul3A_343, 128 : i32
    %dma_start3A_345 = tpu.memref_slice %arg3[%multiple_of3A_344] : memref<80000xi32, #tpu.memory_space<hbm>> -> memref<128xi32, #tpu.memory_space<hbm>>
    %dma_start3A_346 = tpu.memref_slice %arg3[%multiple_of3A_344] : memref<80000xi32, #tpu.memory_space<hbm>> -> memref<128xi32, #tpu.memory_space<hbm>>
    tpu.enqueue_dma source(%dma_start3A_346 : memref<128xi32, #tpu.memory_space<hbm>>) target(%arg5 : memref<128xi32, #tpu.memory_space<vmem>>) target_semaphore(%arg9 : memref<!tpu.dma_semaphore, #tpu.memory_space<semaphore_mem>>)
    %add3A_347 = arith.constant 256 : i32
    %add3A_348 = arith.addi %add3A, %add3A_347 : i32
    %mul3A_349 = arith.constant 128 : i32
    %mul3A_350 = arith.muli %add3A_348, %mul3A_349 : i32
    %multiple_of3A_351 = tpu.assume_multiple %mul3A_350, 128 : i32
    %dma_start3A_352 = arith.constant 0 : i32
    %dma_start3A_353 = tpu.memref_slice %arg4[%multiple_of3A_351, %dma_start3A_352] : memref<80000x128xf32, #tpu.memory_space<hbm>> -> memref<128x128xf32, #tpu.memory_space<hbm>>
    %dma_start3A_354 = arith.constant 0 : i32
    %dma_start3A_355 = tpu.memref_slice %arg4[%multiple_of3A_351, %dma_start3A_354] : memref<80000x128xf32, #tpu.memory_space<hbm>> -> memref<128x128xf32, #tpu.memory_space<hbm>>
    tpu.enqueue_dma source(%arg7 : memref<128x128xf32, #tpu.memory_space<vmem>>) target(%dma_start3A_355 : memref<128x128xf32, #tpu.memory_space<hbm>>) target_semaphore(%arg13 : memref<!tpu.dma_semaphore, #tpu.memory_space<semaphore_mem>>)
    %add3A_356 = arith.constant 320 : i32
    %add3A_357 = arith.addi %add3A, %add3A_356 : i32
    %mul3A_358 = arith.constant 128 : i32
    %mul3A_359 = arith.muli %add3A_357, %mul3A_358 : i32
    %multiple_of3A_360 = tpu.assume_multiple %mul3A_359, 128 : i32
    %dma_wait3A_361 = tpu.memref_slice %arg3[%multiple_of3A_360] : memref<80000xi32, #tpu.memory_space<hbm>> -> memref<128xi32, #tpu.memory_space<hbm>>
    %dma_wait3A_362 = tpu.memref_slice %arg3[%multiple_of3A_360] : memref<80000xi32, #tpu.memory_space<hbm>> -> memref<128xi32, #tpu.memory_space<hbm>>
    tpu.wait_dma2 semaphore(%arg9 : memref<!tpu.dma_semaphore, #tpu.memory_space<semaphore_mem>>) src(%dma_wait3A_362 : memref<128xi32, #tpu.memory_space<hbm>>) dst(%arg5 : memref<128xi32, #tpu.memory_space<vmem>>)
    %add3A_363 = arith.constant 256 : i32
    %add3A_364 = arith.addi %add3A, %add3A_363 : i32
    %mul3A_365 = arith.constant 128 : i32
    %mul3A_366 = arith.muli %add3A_364, %mul3A_365 : i32
    %multiple_of3A_367 = tpu.assume_multiple %mul3A_366, 128 : i32
    %dma_wait3A_368 = arith.constant 0 : i32
    %dma_wait3A_369 = tpu.memref_slice %arg4[%multiple_of3A_367, %dma_wait3A_368] : memref<80000x128xf32, #tpu.memory_space<hbm>> -> memref<128x128xf32, #tpu.memory_space<hbm>>
    %dma_wait3A_370 = arith.constant 0 : i32
    %dma_wait3A_371 = tpu.memref_slice %arg4[%multiple_of3A_367, %dma_wait3A_370] : memref<80000x128xf32, #tpu.memory_space<hbm>> -> memref<128x128xf32, #tpu.memory_space<hbm>>
    tpu.wait_dma2 semaphore(%arg13 : memref<!tpu.dma_semaphore, #tpu.memory_space<semaphore_mem>>) src(%arg7 : memref<128x128xf32, #tpu.memory_space<vmem>>) dst(%dma_wait3A_371 : memref<128x128xf32, #tpu.memory_space<hbm>>)
    %dma_start3A_372 = arith.constant 0 : i32
    %dma_start3A_373 = arith.constant 0 : i32
    %dma_start3A_374 = tpu.memref_slice %arg2[%dma_start3A_372, %dma_start3A_373] : memref<10000x128xf32, #tpu.memory_space<hbm>> -> memref<10000x128xf32, #tpu.memory_space<hbm>>
    tpu.enqueue_indirect_dma source(%dma_start3A_374 : memref<10000x128xf32, #tpu.memory_space<hbm>>) target(%arg7 : memref<128x128xf32, #tpu.memory_space<vmem>>) offsets(%arg5 : memref<128xi32, #tpu.memory_space<vmem>>) semaphore(%arg11 : memref<!tpu.dma_semaphore, #tpu.memory_space<semaphore_mem>>)
    %dma_wait3A_375 = arith.constant 0 : i32
    %dma_wait3A_376 = arith.constant 0 : i32
    %dma_wait3A_377 = tpu.memref_slice %arg2[%dma_wait3A_375, %dma_wait3A_376] : memref<10000x128xf32, #tpu.memory_space<hbm>> -> memref<10000x128xf32, #tpu.memory_space<hbm>>
    tpu.wait_indirect_dma semaphore(%arg12 : memref<!tpu.dma_semaphore, #tpu.memory_space<semaphore_mem>>) src(%dma_wait3A_377 : memref<10000x128xf32, #tpu.memory_space<hbm>>) dst(%arg8 : memref<128x128xf32, #tpu.memory_space<vmem>>)
    %add3A_378 = arith.constant 352 : i32
    %add3A_379 = arith.addi %add3A, %add3A_378 : i32
    %mul3A_380 = arith.constant 128 : i32
    %mul3A_381 = arith.muli %add3A_379, %mul3A_380 : i32
    %multiple_of3A_382 = tpu.assume_multiple %mul3A_381, 128 : i32
    %dma_start3A_383 = tpu.memref_slice %arg3[%multiple_of3A_382] : memref<80000xi32, #tpu.memory_space<hbm>> -> memref<128xi32, #tpu.memory_space<hbm>>
    %dma_start3A_384 = tpu.memref_slice %arg3[%multiple_of3A_382] : memref<80000xi32, #tpu.memory_space<hbm>> -> memref<128xi32, #tpu.memory_space<hbm>>
    tpu.enqueue_dma source(%dma_start3A_384 : memref<128xi32, #tpu.memory_space<hbm>>) target(%arg6 : memref<128xi32, #tpu.memory_space<vmem>>) target_semaphore(%arg10 : memref<!tpu.dma_semaphore, #tpu.memory_space<semaphore_mem>>)
    %add3A_385 = arith.constant 288 : i32
    %add3A_386 = arith.addi %add3A, %add3A_385 : i32
    %mul3A_387 = arith.constant 128 : i32
    %mul3A_388 = arith.muli %add3A_386, %mul3A_387 : i32
    %multiple_of3A_389 = tpu.assume_multiple %mul3A_388, 128 : i32
    %dma_start3A_390 = arith.constant 0 : i32
    %dma_start3A_391 = tpu.memref_slice %arg4[%multiple_of3A_389, %dma_start3A_390] : memref<80000x128xf32, #tpu.memory_space<hbm>> -> memref<128x128xf32, #tpu.memory_space<hbm>>
    %dma_start3A_392 = arith.constant 0 : i32
    %dma_start3A_393 = tpu.memref_slice %arg4[%multiple_of3A_389, %dma_start3A_392] : memref<80000x128xf32, #tpu.memory_space<hbm>> -> memref<128x128xf32, #tpu.memory_space<hbm>>
    tpu.enqueue_dma source(%arg8 : memref<128x128xf32, #tpu.memory_space<vmem>>) target(%dma_start3A_393 : memref<128x128xf32, #tpu.memory_space<hbm>>) target_semaphore(%arg14 : memref<!tpu.dma_semaphore, #tpu.memory_space<semaphore_mem>>)
    %add3A_394 = arith.constant 352 : i32
    %add3A_395 = arith.addi %add3A, %add3A_394 : i32
    %mul3A_396 = arith.constant 128 : i32
    %mul3A_397 = arith.muli %add3A_395, %mul3A_396 : i32
    %multiple_of3A_398 = tpu.assume_multiple %mul3A_397, 128 : i32
    %dma_wait3A_399 = tpu.memref_slice %arg3[%multiple_of3A_398] : memref<80000xi32, #tpu.memory_space<hbm>> -> memref<128xi32, #tpu.memory_space<hbm>>
    %dma_wait3A_400 = tpu.memref_slice %arg3[%multiple_of3A_398] : memref<80000xi32, #tpu.memory_space<hbm>> -> memref<128xi32, #tpu.memory_space<hbm>>
    tpu.wait_dma2 semaphore(%arg10 : memref<!tpu.dma_semaphore, #tpu.memory_space<semaphore_mem>>) src(%dma_wait3A_400 : memref<128xi32, #tpu.memory_space<hbm>>) dst(%arg6 : memref<128xi32, #tpu.memory_space<vmem>>)
    %add3A_401 = arith.constant 288 : i32
    %add3A_402 = arith.addi %add3A, %add3A_401 : i32
    %mul3A_403 = arith.constant 128 : i32
    %mul3A_404 = arith.muli %add3A_402, %mul3A_403 : i32
    %multiple_of3A_405 = tpu.assume_multiple %mul3A_404, 128 : i32
    %dma_wait3A_406 = arith.constant 0 : i32
    %dma_wait3A_407 = tpu.memref_slice %arg4[%multiple_of3A_405, %dma_wait3A_406] : memref<80000x128xf32, #tpu.memory_space<hbm>> -> memref<128x128xf32, #tpu.memory_space<hbm>>
    %dma_wait3A_408 = arith.constant 0 : i32
    %dma_wait3A_409 = tpu.memref_slice %arg4[%multiple_of3A_405, %dma_wait3A_408] : memref<80000x128xf32, #tpu.memory_space<hbm>> -> memref<128x128xf32, #tpu.memory_space<hbm>>
    tpu.wait_dma2 semaphore(%arg14 : memref<!tpu.dma_semaphore, #tpu.memory_space<semaphore_mem>>) src(%arg8 : memref<128x128xf32, #tpu.memory_space<vmem>>) dst(%dma_wait3A_409 : memref<128x128xf32, #tpu.memory_space<hbm>>)
    %dma_start3A_410 = arith.constant 0 : i32
    %dma_start3A_411 = arith.constant 0 : i32
    %dma_start3A_412 = tpu.memref_slice %arg2[%dma_start3A_410, %dma_start3A_411] : memref<10000x128xf32, #tpu.memory_space<hbm>> -> memref<10000x128xf32, #tpu.memory_space<hbm>>
    tpu.enqueue_indirect_dma source(%dma_start3A_412 : memref<10000x128xf32, #tpu.memory_space<hbm>>) target(%arg8 : memref<128x128xf32, #tpu.memory_space<vmem>>) offsets(%arg6 : memref<128xi32, #tpu.memory_space<vmem>>) semaphore(%arg12 : memref<!tpu.dma_semaphore, #tpu.memory_space<semaphore_mem>>)
    %dma_wait3A_413 = arith.constant 0 : i32
    %dma_wait3A_414 = arith.constant 0 : i32
    %dma_wait3A_415 = tpu.memref_slice %arg2[%dma_wait3A_413, %dma_wait3A_414] : memref<10000x128xf32, #tpu.memory_space<hbm>> -> memref<10000x128xf32, #tpu.memory_space<hbm>>
    tpu.wait_indirect_dma semaphore(%arg11 : memref<!tpu.dma_semaphore, #tpu.memory_space<semaphore_mem>>) src(%dma_wait3A_415 : memref<10000x128xf32, #tpu.memory_space<hbm>>) dst(%arg7 : memref<128x128xf32, #tpu.memory_space<vmem>>)
    %add3A_416 = arith.constant 384 : i32
    %add3A_417 = arith.addi %add3A, %add3A_416 : i32
    %mul3A_418 = arith.constant 128 : i32
    %mul3A_419 = arith.muli %add3A_417, %mul3A_418 : i32
    %multiple_of3A_420 = tpu.assume_multiple %mul3A_419, 128 : i32
    %dma_start3A_421 = tpu.memref_slice %arg3[%multiple_of3A_420] : memref<80000xi32, #tpu.memory_space<hbm>> -> memref<128xi32, #tpu.memory_space<hbm>>
    %dma_start3A_422 = tpu.memref_slice %arg3[%multiple_of3A_420] : memref<80000xi32, #tpu.memory_space<hbm>> -> memref<128xi32, #tpu.memory_space<hbm>>
    tpu.enqueue_dma source(%dma_start3A_422 : memref<128xi32, #tpu.memory_space<hbm>>) target(%arg5 : memref<128xi32, #tpu.memory_space<vmem>>) target_semaphore(%arg9 : memref<!tpu.dma_semaphore, #tpu.memory_space<semaphore_mem>>)
    %add3A_423 = arith.constant 320 : i32
    %add3A_424 = arith.addi %add3A, %add3A_423 : i32
    %mul3A_425 = arith.constant 128 : i32
    %mul3A_426 = arith.muli %add3A_424, %mul3A_425 : i32
    %multiple_of3A_427 = tpu.assume_multiple %mul3A_426, 128 : i32
    %dma_start3A_428 = arith.constant 0 : i32
    %dma_start3A_429 = tpu.memref_slice %arg4[%multiple_of3A_427, %dma_start3A_428] : memref<80000x128xf32, #tpu.memory_space<hbm>> -> memref<128x128xf32, #tpu.memory_space<hbm>>
    %dma_start3A_430 = arith.constant 0 : i32
    %dma_start3A_431 = tpu.memref_slice %arg4[%multiple_of3A_427, %dma_start3A_430] : memref<80000x128xf32, #tpu.memory_space<hbm>> -> memref<128x128xf32, #tpu.memory_space<hbm>>
    tpu.enqueue_dma source(%arg7 : memref<128x128xf32, #tpu.memory_space<vmem>>) target(%dma_start3A_431 : memref<128x128xf32, #tpu.memory_space<hbm>>) target_semaphore(%arg13 : memref<!tpu.dma_semaphore, #tpu.memory_space<semaphore_mem>>)
    %add3A_432 = arith.constant 384 : i32
    %add3A_433 = arith.addi %add3A, %add3A_432 : i32
    %mul3A_434 = arith.constant 128 : i32
    %mul3A_435 = arith.muli %add3A_433, %mul3A_434 : i32
    %multiple_of3A_436 = tpu.assume_multiple %mul3A_435, 128 : i32
    %dma_wait3A_437 = tpu.memref_slice %arg3[%multiple_of3A_436] : memref<80000xi32, #tpu.memory_space<hbm>> -> memref<128xi32, #tpu.memory_space<hbm>>
    %dma_wait3A_438 = tpu.memref_slice %arg3[%multiple_of3A_436] : memref<80000xi32, #tpu.memory_space<hbm>> -> memref<128xi32, #tpu.memory_space<hbm>>
    tpu.wait_dma2 semaphore(%arg9 : memref<!tpu.dma_semaphore, #tpu.memory_space<semaphore_mem>>) src(%dma_wait3A_438 : memref<128xi32, #tpu.memory_space<hbm>>) dst(%arg5 : memref<128xi32, #tpu.memory_space<vmem>>)
    %add3A_439 = arith.constant 320 : i32
    %add3A_440 = arith.addi %add3A, %add3A_439 : i32
    %mul3A_441 = arith.constant 128 : i32
    %mul3A_442 = arith.muli %add3A_440, %mul3A_441 : i32
    %multiple_of3A_443 = tpu.assume_multiple %mul3A_442, 128 : i32
    %dma_wait3A_444 = arith.constant 0 : i32
    %dma_wait3A_445 = tpu.memref_slice %arg4[%multiple_of3A_443, %dma_wait3A_444] : memref<80000x128xf32, #tpu.memory_space<hbm>> -> memref<128x128xf32, #tpu.memory_space<hbm>>
    %dma_wait3A_446 = arith.constant 0 : i32
    %dma_wait3A_447 = tpu.memref_slice %arg4[%multiple_of3A_443, %dma_wait3A_446] : memref<80000x128xf32, #tpu.memory_space<hbm>> -> memref<128x128xf32, #tpu.memory_space<hbm>>
    tpu.wait_dma2 semaphore(%arg13 : memref<!tpu.dma_semaphore, #tpu.memory_space<semaphore_mem>>) src(%arg7 : memref<128x128xf32, #tpu.memory_space<vmem>>) dst(%dma_wait3A_447 : memref<128x128xf32, #tpu.memory_space<hbm>>)
    %dma_start3A_448 = arith.constant 0 : i32
    %dma_start3A_449 = arith.constant 0 : i32
    %dma_start3A_450 = tpu.memref_slice %arg2[%dma_start3A_448, %dma_start3A_449] : memref<10000x128xf32, #tpu.memory_space<hbm>> -> memref<10000x128xf32, #tpu.memory_space<hbm>>
    tpu.enqueue_indirect_dma source(%dma_start3A_450 : memref<10000x128xf32, #tpu.memory_space<hbm>>) target(%arg7 : memref<128x128xf32, #tpu.memory_space<vmem>>) offsets(%arg5 : memref<128xi32, #tpu.memory_space<vmem>>) semaphore(%arg11 : memref<!tpu.dma_semaphore, #tpu.memory_space<semaphore_mem>>)
    %dma_wait3A_451 = arith.constant 0 : i32
    %dma_wait3A_452 = arith.constant 0 : i32
    %dma_wait3A_453 = tpu.memref_slice %arg2[%dma_wait3A_451, %dma_wait3A_452] : memref<10000x128xf32, #tpu.memory_space<hbm>> -> memref<10000x128xf32, #tpu.memory_space<hbm>>
    tpu.wait_indirect_dma semaphore(%arg12 : memref<!tpu.dma_semaphore, #tpu.memory_space<semaphore_mem>>) src(%dma_wait3A_453 : memref<10000x128xf32, #tpu.memory_space<hbm>>) dst(%arg8 : memref<128x128xf32, #tpu.memory_space<vmem>>)
    %add3A_454 = arith.constant 416 : i32
    %add3A_455 = arith.addi %add3A, %add3A_454 : i32
    %mul3A_456 = arith.constant 128 : i32
    %mul3A_457 = arith.muli %add3A_455, %mul3A_456 : i32
    %multiple_of3A_458 = tpu.assume_multiple %mul3A_457, 128 : i32
    %dma_start3A_459 = tpu.memref_slice %arg3[%multiple_of3A_458] : memref<80000xi32, #tpu.memory_space<hbm>> -> memref<128xi32, #tpu.memory_space<hbm>>
    %dma_start3A_460 = tpu.memref_slice %arg3[%multiple_of3A_458] : memref<80000xi32, #tpu.memory_space<hbm>> -> memref<128xi32, #tpu.memory_space<hbm>>
    tpu.enqueue_dma source(%dma_start3A_460 : memref<128xi32, #tpu.memory_space<hbm>>) target(%arg6 : memref<128xi32, #tpu.memory_space<vmem>>) target_semaphore(%arg10 : memref<!tpu.dma_semaphore, #tpu.memory_space<semaphore_mem>>)
    %add3A_461 = arith.constant 352 : i32
    %add3A_462 = arith.addi %add3A, %add3A_461 : i32
    %mul3A_463 = arith.constant 128 : i32
    %mul3A_464 = arith.muli %add3A_462, %mul3A_463 : i32
    %multiple_of3A_465 = tpu.assume_multiple %mul3A_464, 128 : i32
    %dma_start3A_466 = arith.constant 0 : i32
    %dma_start3A_467 = tpu.memref_slice %arg4[%multiple_of3A_465, %dma_start3A_466] : memref<80000x128xf32, #tpu.memory_space<hbm>> -> memref<128x128xf32, #tpu.memory_space<hbm>>
    %dma_start3A_468 = arith.constant 0 : i32
    %dma_start3A_469 = tpu.memref_slice %arg4[%multiple_of3A_465, %dma_start3A_468] : memref<80000x128xf32, #tpu.memory_space<hbm>> -> memref<128x128xf32, #tpu.memory_space<hbm>>
    tpu.enqueue_dma source(%arg8 : memref<128x128xf32, #tpu.memory_space<vmem>>) target(%dma_start3A_469 : memref<128x128xf32, #tpu.memory_space<hbm>>) target_semaphore(%arg14 : memref<!tpu.dma_semaphore, #tpu.memory_space<semaphore_mem>>)
    %add3A_470 = arith.constant 416 : i32
    %add3A_471 = arith.addi %add3A, %add3A_470 : i32
    %mul3A_472 = arith.constant 128 : i32
    %mul3A_473 = arith.muli %add3A_471, %mul3A_472 : i32
    %multiple_of3A_474 = tpu.assume_multiple %mul3A_473, 128 : i32
    %dma_wait3A_475 = tpu.memref_slice %arg3[%multiple_of3A_474] : memref<80000xi32, #tpu.memory_space<hbm>> -> memref<128xi32, #tpu.memory_space<hbm>>
    %dma_wait3A_476 = tpu.memref_slice %arg3[%multiple_of3A_474] : memref<80000xi32, #tpu.memory_space<hbm>> -> memref<128xi32, #tpu.memory_space<hbm>>
    tpu.wait_dma2 semaphore(%arg10 : memref<!tpu.dma_semaphore, #tpu.memory_space<semaphore_mem>>) src(%dma_wait3A_476 : memref<128xi32, #tpu.memory_space<hbm>>) dst(%arg6 : memref<128xi32, #tpu.memory_space<vmem>>)
    %add3A_477 = arith.constant 352 : i32
    %add3A_478 = arith.addi %add3A, %add3A_477 : i32
    %mul3A_479 = arith.constant 128 : i32
    %mul3A_480 = arith.muli %add3A_478, %mul3A_479 : i32
    %multiple_of3A_481 = tpu.assume_multiple %mul3A_480, 128 : i32
    %dma_wait3A_482 = arith.constant 0 : i32
    %dma_wait3A_483 = tpu.memref_slice %arg4[%multiple_of3A_481, %dma_wait3A_482] : memref<80000x128xf32, #tpu.memory_space<hbm>> -> memref<128x128xf32, #tpu.memory_space<hbm>>
    %dma_wait3A_484 = arith.constant 0 : i32
    %dma_wait3A_485 = tpu.memref_slice %arg4[%multiple_of3A_481, %dma_wait3A_484] : memref<80000x128xf32, #tpu.memory_space<hbm>> -> memref<128x128xf32, #tpu.memory_space<hbm>>
    tpu.wait_dma2 semaphore(%arg14 : memref<!tpu.dma_semaphore, #tpu.memory_space<semaphore_mem>>) src(%arg8 : memref<128x128xf32, #tpu.memory_space<vmem>>) dst(%dma_wait3A_485 : memref<128x128xf32, #tpu.memory_space<hbm>>)
    %dma_start3A_486 = arith.constant 0 : i32
    %dma_start3A_487 = arith.constant 0 : i32
    %dma_start3A_488 = tpu.memref_slice %arg2[%dma_start3A_486, %dma_start3A_487] : memref<10000x128xf32, #tpu.memory_space<hbm>> -> memref<10000x128xf32, #tpu.memory_space<hbm>>
    tpu.enqueue_indirect_dma source(%dma_start3A_488 : memref<10000x128xf32, #tpu.memory_space<hbm>>) target(%arg8 : memref<128x128xf32, #tpu.memory_space<vmem>>) offsets(%arg6 : memref<128xi32, #tpu.memory_space<vmem>>) semaphore(%arg12 : memref<!tpu.dma_semaphore, #tpu.memory_space<semaphore_mem>>)
    %dma_wait3A_489 = arith.constant 0 : i32
    %dma_wait3A_490 = arith.constant 0 : i32
    %dma_wait3A_491 = tpu.memref_slice %arg2[%dma_wait3A_489, %dma_wait3A_490] : memref<10000x128xf32, #tpu.memory_space<hbm>> -> memref<10000x128xf32, #tpu.memory_space<hbm>>
    tpu.wait_indirect_dma semaphore(%arg11 : memref<!tpu.dma_semaphore, #tpu.memory_space<semaphore_mem>>) src(%dma_wait3A_491 : memref<10000x128xf32, #tpu.memory_space<hbm>>) dst(%arg7 : memref<128x128xf32, #tpu.memory_space<vmem>>)
    %add3A_492 = arith.constant 448 : i32
    %add3A_493 = arith.addi %add3A, %add3A_492 : i32
    %mul3A_494 = arith.constant 128 : i32
    %mul3A_495 = arith.muli %add3A_493, %mul3A_494 : i32
    %multiple_of3A_496 = tpu.assume_multiple %mul3A_495, 128 : i32
    %dma_start3A_497 = tpu.memref_slice %arg3[%multiple_of3A_496] : memref<80000xi32, #tpu.memory_space<hbm>> -> memref<128xi32, #tpu.memory_space<hbm>>
    %dma_start3A_498 = tpu.memref_slice %arg3[%multiple_of3A_496] : memref<80000xi32, #tpu.memory_space<hbm>> -> memref<128xi32, #tpu.memory_space<hbm>>
    tpu.enqueue_dma source(%dma_start3A_498 : memref<128xi32, #tpu.memory_space<hbm>>) target(%arg5 : memref<128xi32, #tpu.memory_space<vmem>>) target_semaphore(%arg9 : memref<!tpu.dma_semaphore, #tpu.memory_space<semaphore_mem>>)
    %add3A_499 = arith.constant 384 : i32
    %add3A_500 = arith.addi %add3A, %add3A_499 : i32
    %mul3A_501 = arith.constant 128 : i32
    %mul3A_502 = arith.muli %add3A_500, %mul3A_501 : i32
    %multiple_of3A_503 = tpu.assume_multiple %mul3A_502, 128 : i32
    %dma_start3A_504 = arith.constant 0 : i32
    %dma_start3A_505 = tpu.memref_slice %arg4[%multiple_of3A_503, %dma_start3A_504] : memref<80000x128xf32, #tpu.memory_space<hbm>> -> memref<128x128xf32, #tpu.memory_space<hbm>>
    %dma_start3A_506 = arith.constant 0 : i32
    %dma_start3A_507 = tpu.memref_slice %arg4[%multiple_of3A_503, %dma_start3A_506] : memref<80000x128xf32, #tpu.memory_space<hbm>> -> memref<128x128xf32, #tpu.memory_space<hbm>>
    tpu.enqueue_dma source(%arg7 : memref<128x128xf32, #tpu.memory_space<vmem>>) target(%dma_start3A_507 : memref<128x128xf32, #tpu.memory_space<hbm>>) target_semaphore(%arg13 : memref<!tpu.dma_semaphore, #tpu.memory_space<semaphore_mem>>)
    %add3A_508 = arith.constant 448 : i32
    %add3A_509 = arith.addi %add3A, %add3A_508 : i32
    %mul3A_510 = arith.constant 128 : i32
    %mul3A_511 = arith.muli %add3A_509, %mul3A_510 : i32
    %multiple_of3A_512 = tpu.assume_multiple %mul3A_511, 128 : i32
    %dma_wait3A_513 = tpu.memref_slice %arg3[%multiple_of3A_512] : memref<80000xi32, #tpu.memory_space<hbm>> -> memref<128xi32, #tpu.memory_space<hbm>>
    %dma_wait3A_514 = tpu.memref_slice %arg3[%multiple_of3A_512] : memref<80000xi32, #tpu.memory_space<hbm>> -> memref<128xi32, #tpu.memory_space<hbm>>
    tpu.wait_dma2 semaphore(%arg9 : memref<!tpu.dma_semaphore, #tpu.memory_space<semaphore_mem>>) src(%dma_wait3A_514 : memref<128xi32, #tpu.memory_space<hbm>>) dst(%arg5 : memref<128xi32, #tpu.memory_space<vmem>>)
    %add3A_515 = arith.constant 384 : i32
    %add3A_516 = arith.addi %add3A, %add3A_515 : i32
    %mul3A_517 = arith.constant 128 : i32
    %mul3A_518 = arith.muli %add3A_516, %mul3A_517 : i32
    %multiple_of3A_519 = tpu.assume_multiple %mul3A_518, 128 : i32
    %dma_wait3A_520 = arith.constant 0 : i32
    %dma_wait3A_521 = tpu.memref_slice %arg4[%multiple_of3A_519, %dma_wait3A_520] : memref<80000x128xf32, #tpu.memory_space<hbm>> -> memref<128x128xf32, #tpu.memory_space<hbm>>
    %dma_wait3A_522 = arith.constant 0 : i32
    %dma_wait3A_523 = tpu.memref_slice %arg4[%multiple_of3A_519, %dma_wait3A_522] : memref<80000x128xf32, #tpu.memory_space<hbm>> -> memref<128x128xf32, #tpu.memory_space<hbm>>
    tpu.wait_dma2 semaphore(%arg13 : memref<!tpu.dma_semaphore, #tpu.memory_space<semaphore_mem>>) src(%arg7 : memref<128x128xf32, #tpu.memory_space<vmem>>) dst(%dma_wait3A_523 : memref<128x128xf32, #tpu.memory_space<hbm>>)
    %dma_start3A_524 = arith.constant 0 : i32
    %dma_start3A_525 = arith.constant 0 : i32
    %dma_start3A_526 = tpu.memref_slice %arg2[%dma_start3A_524, %dma_start3A_525] : memref<10000x128xf32, #tpu.memory_space<hbm>> -> memref<10000x128xf32, #tpu.memory_space<hbm>>
    tpu.enqueue_indirect_dma source(%dma_start3A_526 : memref<10000x128xf32, #tpu.memory_space<hbm>>) target(%arg7 : memref<128x128xf32, #tpu.memory_space<vmem>>) offsets(%arg5 : memref<128xi32, #tpu.memory_space<vmem>>) semaphore(%arg11 : memref<!tpu.dma_semaphore, #tpu.memory_space<semaphore_mem>>)
    %dma_wait3A_527 = arith.constant 0 : i32
    %dma_wait3A_528 = arith.constant 0 : i32
    %dma_wait3A_529 = tpu.memref_slice %arg2[%dma_wait3A_527, %dma_wait3A_528] : memref<10000x128xf32, #tpu.memory_space<hbm>> -> memref<10000x128xf32, #tpu.memory_space<hbm>>
    tpu.wait_indirect_dma semaphore(%arg12 : memref<!tpu.dma_semaphore, #tpu.memory_space<semaphore_mem>>) src(%dma_wait3A_529 : memref<10000x128xf32, #tpu.memory_space<hbm>>) dst(%arg8 : memref<128x128xf32, #tpu.memory_space<vmem>>)
    %add3A_530 = arith.constant 480 : i32
    %add3A_531 = arith.addi %add3A, %add3A_530 : i32
    %mul3A_532 = arith.constant 128 : i32
    %mul3A_533 = arith.muli %add3A_531, %mul3A_532 : i32
    %multiple_of3A_534 = tpu.assume_multiple %mul3A_533, 128 : i32
    %dma_start3A_535 = tpu.memref_slice %arg3[%multiple_of3A_534] : memref<80000xi32, #tpu.memory_space<hbm>> -> memref<128xi32, #tpu.memory_space<hbm>>
    %dma_start3A_536 = tpu.memref_slice %arg3[%multiple_of3A_534] : memref<80000xi32, #tpu.memory_space<hbm>> -> memref<128xi32, #tpu.memory_space<hbm>>
    tpu.enqueue_dma source(%dma_start3A_536 : memref<128xi32, #tpu.memory_space<hbm>>) target(%arg6 : memref<128xi32, #tpu.memory_space<vmem>>) target_semaphore(%arg10 : memref<!tpu.dma_semaphore, #tpu.memory_space<semaphore_mem>>)
    %add3A_537 = arith.constant 416 : i32
    %add3A_538 = arith.addi %add3A, %add3A_537 : i32
    %mul3A_539 = arith.constant 128 : i32
    %mul3A_540 = arith.muli %add3A_538, %mul3A_539 : i32
    %multiple_of3A_541 = tpu.assume_multiple %mul3A_540, 128 : i32
    %dma_start3A_542 = arith.constant 0 : i32
    %dma_start3A_543 = tpu.memref_slice %arg4[%multiple_of3A_541, %dma_start3A_542] : memref<80000x128xf32, #tpu.memory_space<hbm>> -> memref<128x128xf32, #tpu.memory_space<hbm>>
    %dma_start3A_544 = arith.constant 0 : i32
    %dma_start3A_545 = tpu.memref_slice %arg4[%multiple_of3A_541, %dma_start3A_544] : memref<80000x128xf32, #tpu.memory_space<hbm>> -> memref<128x128xf32, #tpu.memory_space<hbm>>
    tpu.enqueue_dma source(%arg8 : memref<128x128xf32, #tpu.memory_space<vmem>>) target(%dma_start3A_545 : memref<128x128xf32, #tpu.memory_space<hbm>>) target_semaphore(%arg14 : memref<!tpu.dma_semaphore, #tpu.memory_space<semaphore_mem>>)
    %add3A_546 = arith.constant 480 : i32
    %add3A_547 = arith.addi %add3A, %add3A_546 : i32
    %mul3A_548 = arith.constant 128 : i32
    %mul3A_549 = arith.muli %add3A_547, %mul3A_548 : i32
    %multiple_of3A_550 = tpu.assume_multiple %mul3A_549, 128 : i32
    %dma_wait3A_551 = tpu.memref_slice %arg3[%multiple_of3A_550] : memref<80000xi32, #tpu.memory_space<hbm>> -> memref<128xi32, #tpu.memory_space<hbm>>
    %dma_wait3A_552 = tpu.memref_slice %arg3[%multiple_of3A_550] : memref<80000xi32, #tpu.memory_space<hbm>> -> memref<128xi32, #tpu.memory_space<hbm>>
    tpu.wait_dma2 semaphore(%arg10 : memref<!tpu.dma_semaphore, #tpu.memory_space<semaphore_mem>>) src(%dma_wait3A_552 : memref<128xi32, #tpu.memory_space<hbm>>) dst(%arg6 : memref<128xi32, #tpu.memory_space<vmem>>)
    %add3A_553 = arith.constant 416 : i32
    %add3A_554 = arith.addi %add3A, %add3A_553 : i32
    %mul3A_555 = arith.constant 128 : i32
    %mul3A_556 = arith.muli %add3A_554, %mul3A_555 : i32
    %multiple_of3A_557 = tpu.assume_multiple %mul3A_556, 128 : i32
    %dma_wait3A_558 = arith.constant 0 : i32
    %dma_wait3A_559 = tpu.memref_slice %arg4[%multiple_of3A_557, %dma_wait3A_558] : memref<80000x128xf32, #tpu.memory_space<hbm>> -> memref<128x128xf32, #tpu.memory_space<hbm>>
    %dma_wait3A_560 = arith.constant 0 : i32
    %dma_wait3A_561 = tpu.memref_slice %arg4[%multiple_of3A_557, %dma_wait3A_560] : memref<80000x128xf32, #tpu.memory_space<hbm>> -> memref<128x128xf32, #tpu.memory_space<hbm>>
    tpu.wait_dma2 semaphore(%arg14 : memref<!tpu.dma_semaphore, #tpu.memory_space<semaphore_mem>>) src(%arg8 : memref<128x128xf32, #tpu.memory_space<vmem>>) dst(%dma_wait3A_561 : memref<128x128xf32, #tpu.memory_space<hbm>>)
    %dma_start3A_562 = arith.constant 0 : i32
    %dma_start3A_563 = arith.constant 0 : i32
    %dma_start3A_564 = tpu.memref_slice %arg2[%dma_start3A_562, %dma_start3A_563] : memref<10000x128xf32, #tpu.memory_space<hbm>> -> memref<10000x128xf32, #tpu.memory_space<hbm>>
    tpu.enqueue_indirect_dma source(%dma_start3A_564 : memref<10000x128xf32, #tpu.memory_space<hbm>>) target(%arg8 : memref<128x128xf32, #tpu.memory_space<vmem>>) offsets(%arg6 : memref<128xi32, #tpu.memory_space<vmem>>) semaphore(%arg12 : memref<!tpu.dma_semaphore, #tpu.memory_space<semaphore_mem>>)
    %dma_wait3A_565 = arith.constant 0 : i32
    %dma_wait3A_566 = arith.constant 0 : i32
    %dma_wait3A_567 = tpu.memref_slice %arg2[%dma_wait3A_565, %dma_wait3A_566] : memref<10000x128xf32, #tpu.memory_space<hbm>> -> memref<10000x128xf32, #tpu.memory_space<hbm>>
    tpu.wait_indirect_dma semaphore(%arg11 : memref<!tpu.dma_semaphore, #tpu.memory_space<semaphore_mem>>) src(%dma_wait3A_567 : memref<10000x128xf32, #tpu.memory_space<hbm>>) dst(%arg7 : memref<128x128xf32, #tpu.memory_space<vmem>>)
    %add3A_568 = arith.constant 512 : i32
    %add3A_569 = arith.addi %add3A, %add3A_568 : i32
    %mul3A_570 = arith.constant 128 : i32
    %mul3A_571 = arith.muli %add3A_569, %mul3A_570 : i32
    %multiple_of3A_572 = tpu.assume_multiple %mul3A_571, 128 : i32
    %dma_start3A_573 = tpu.memref_slice %arg3[%multiple_of3A_572] : memref<80000xi32, #tpu.memory_space<hbm>> -> memref<128xi32, #tpu.memory_space<hbm>>
    %dma_start3A_574 = tpu.memref_slice %arg3[%multiple_of3A_572] : memref<80000xi32, #tpu.memory_space<hbm>> -> memref<128xi32, #tpu.memory_space<hbm>>
    tpu.enqueue_dma source(%dma_start3A_574 : memref<128xi32, #tpu.memory_space<hbm>>) target(%arg5 : memref<128xi32, #tpu.memory_space<vmem>>) target_semaphore(%arg9 : memref<!tpu.dma_semaphore, #tpu.memory_space<semaphore_mem>>)
    %add3A_575 = arith.constant 448 : i32
    %add3A_576 = arith.addi %add3A, %add3A_575 : i32
    %mul3A_577 = arith.constant 128 : i32
    %mul3A_578 = arith.muli %add3A_576, %mul3A_577 : i32
    %multiple_of3A_579 = tpu.assume_multiple %mul3A_578, 128 : i32
    %dma_start3A_580 = arith.constant 0 : i32
    %dma_start3A_581 = tpu.memref_slice %arg4[%multiple_of3A_579, %dma_start3A_580] : memref<80000x128xf32, #tpu.memory_space<hbm>> -> memref<128x128xf32, #tpu.memory_space<hbm>>
    %dma_start3A_582 = arith.constant 0 : i32
    %dma_start3A_583 = tpu.memref_slice %arg4[%multiple_of3A_579, %dma_start3A_582] : memref<80000x128xf32, #tpu.memory_space<hbm>> -> memref<128x128xf32, #tpu.memory_space<hbm>>
    tpu.enqueue_dma source(%arg7 : memref<128x128xf32, #tpu.memory_space<vmem>>) target(%dma_start3A_583 : memref<128x128xf32, #tpu.memory_space<hbm>>) target_semaphore(%arg13 : memref<!tpu.dma_semaphore, #tpu.memory_space<semaphore_mem>>)
    %add3A_584 = arith.constant 512 : i32
    %add3A_585 = arith.addi %add3A, %add3A_584 : i32
    %mul3A_586 = arith.constant 128 : i32
    %mul3A_587 = arith.muli %add3A_585, %mul3A_586 : i32
    %multiple_of3A_588 = tpu.assume_multiple %mul3A_587, 128 : i32
    %dma_wait3A_589 = tpu.memref_slice %arg3[%multiple_of3A_588] : memref<80000xi32, #tpu.memory_space<hbm>> -> memref<128xi32, #tpu.memory_space<hbm>>
    %dma_wait3A_590 = tpu.memref_slice %arg3[%multiple_of3A_588] : memref<80000xi32, #tpu.memory_space<hbm>> -> memref<128xi32, #tpu.memory_space<hbm>>
    tpu.wait_dma2 semaphore(%arg9 : memref<!tpu.dma_semaphore, #tpu.memory_space<semaphore_mem>>) src(%dma_wait3A_590 : memref<128xi32, #tpu.memory_space<hbm>>) dst(%arg5 : memref<128xi32, #tpu.memory_space<vmem>>)
    %add3A_591 = arith.constant 448 : i32
    %add3A_592 = arith.addi %add3A, %add3A_591 : i32
    %mul3A_593 = arith.constant 128 : i32
    %mul3A_594 = arith.muli %add3A_592, %mul3A_593 : i32
    %multiple_of3A_595 = tpu.assume_multiple %mul3A_594, 128 : i32
    %dma_wait3A_596 = arith.constant 0 : i32
    %dma_wait3A_597 = tpu.memref_slice %arg4[%multiple_of3A_595, %dma_wait3A_596] : memref<80000x128xf32, #tpu.memory_space<hbm>> -> memref<128x128xf32, #tpu.memory_space<hbm>>
    %dma_wait3A_598 = arith.constant 0 : i32
    %dma_wait3A_599 = tpu.memref_slice %arg4[%multiple_of3A_595, %dma_wait3A_598] : memref<80000x128xf32, #tpu.memory_space<hbm>> -> memref<128x128xf32, #tpu.memory_space<hbm>>
    tpu.wait_dma2 semaphore(%arg13 : memref<!tpu.dma_semaphore, #tpu.memory_space<semaphore_mem>>) src(%arg7 : memref<128x128xf32, #tpu.memory_space<vmem>>) dst(%dma_wait3A_599 : memref<128x128xf32, #tpu.memory_space<hbm>>)
    %dma_start3A_600 = arith.constant 0 : i32
    %dma_start3A_601 = arith.constant 0 : i32
    %dma_start3A_602 = tpu.memref_slice %arg2[%dma_start3A_600, %dma_start3A_601] : memref<10000x128xf32, #tpu.memory_space<hbm>> -> memref<10000x128xf32, #tpu.memory_space<hbm>>
    tpu.enqueue_indirect_dma source(%dma_start3A_602 : memref<10000x128xf32, #tpu.memory_space<hbm>>) target(%arg7 : memref<128x128xf32, #tpu.memory_space<vmem>>) offsets(%arg5 : memref<128xi32, #tpu.memory_space<vmem>>) semaphore(%arg11 : memref<!tpu.dma_semaphore, #tpu.memory_space<semaphore_mem>>)
    %dma_wait3A_603 = arith.constant 0 : i32
    %dma_wait3A_604 = arith.constant 0 : i32
    %dma_wait3A_605 = tpu.memref_slice %arg2[%dma_wait3A_603, %dma_wait3A_604] : memref<10000x128xf32, #tpu.memory_space<hbm>> -> memref<10000x128xf32, #tpu.memory_space<hbm>>
    tpu.wait_indirect_dma semaphore(%arg12 : memref<!tpu.dma_semaphore, #tpu.memory_space<semaphore_mem>>) src(%dma_wait3A_605 : memref<10000x128xf32, #tpu.memory_space<hbm>>) dst(%arg8 : memref<128x128xf32, #tpu.memory_space<vmem>>)
    %add3A_606 = arith.constant 544 : i32
    %add3A_607 = arith.addi %add3A, %add3A_606 : i32
    %mul3A_608 = arith.constant 128 : i32
    %mul3A_609 = arith.muli %add3A_607, %mul3A_608 : i32
    %multiple_of3A_610 = tpu.assume_multiple %mul3A_609, 128 : i32
    %dma_start3A_611 = tpu.memref_slice %arg3[%multiple_of3A_610] : memref<80000xi32, #tpu.memory_space<hbm>> -> memref<128xi32, #tpu.memory_space<hbm>>
    %dma_start3A_612 = tpu.memref_slice %arg3[%multiple_of3A_610] : memref<80000xi32, #tpu.memory_space<hbm>> -> memref<128xi32, #tpu.memory_space<hbm>>
    tpu.enqueue_dma source(%dma_start3A_612 : memref<128xi32, #tpu.memory_space<hbm>>) target(%arg6 : memref<128xi32, #tpu.memory_space<vmem>>) target_semaphore(%arg10 : memref<!tpu.dma_semaphore, #tpu.memory_space<semaphore_mem>>)
    %add3A_613 = arith.constant 480 : i32
    %add3A_614 = arith.addi %add3A, %add3A_613 : i32
    %mul3A_615 = arith.constant 128 : i32
    %mul3A_616 = arith.muli %add3A_614, %mul3A_615 : i32
    %multiple_of3A_617 = tpu.assume_multiple %mul3A_616, 128 : i32
    %dma_start3A_618 = arith.constant 0 : i32
    %dma_start3A_619 = tpu.memref_slice %arg4[%multiple_of3A_617, %dma_start3A_618] : memref<80000x128xf32, #tpu.memory_space<hbm>> -> memref<128x128xf32, #tpu.memory_space<hbm>>
    %dma_start3A_620 = arith.constant 0 : i32
    %dma_start3A_621 = tpu.memref_slice %arg4[%multiple_of3A_617, %dma_start3A_620] : memref<80000x128xf32, #tpu.memory_space<hbm>> -> memref<128x128xf32, #tpu.memory_space<hbm>>
    tpu.enqueue_dma source(%arg8 : memref<128x128xf32, #tpu.memory_space<vmem>>) target(%dma_start3A_621 : memref<128x128xf32, #tpu.memory_space<hbm>>) target_semaphore(%arg14 : memref<!tpu.dma_semaphore, #tpu.memory_space<semaphore_mem>>)
    %add3A_622 = arith.constant 544 : i32
    %add3A_623 = arith.addi %add3A, %add3A_622 : i32
    %mul3A_624 = arith.constant 128 : i32
    %mul3A_625 = arith.muli %add3A_623, %mul3A_624 : i32
    %multiple_of3A_626 = tpu.assume_multiple %mul3A_625, 128 : i32
    %dma_wait3A_627 = tpu.memref_slice %arg3[%multiple_of3A_626] : memref<80000xi32, #tpu.memory_space<hbm>> -> memref<128xi32, #tpu.memory_space<hbm>>
    %dma_wait3A_628 = tpu.memref_slice %arg3[%multiple_of3A_626] : memref<80000xi32, #tpu.memory_space<hbm>> -> memref<128xi32, #tpu.memory_space<hbm>>
    tpu.wait_dma2 semaphore(%arg10 : memref<!tpu.dma_semaphore, #tpu.memory_space<semaphore_mem>>) src(%dma_wait3A_628 : memref<128xi32, #tpu.memory_space<hbm>>) dst(%arg6 : memref<128xi32, #tpu.memory_space<vmem>>)
    %add3A_629 = arith.constant 480 : i32
    %add3A_630 = arith.addi %add3A, %add3A_629 : i32
    %mul3A_631 = arith.constant 128 : i32
    %mul3A_632 = arith.muli %add3A_630, %mul3A_631 : i32
    %multiple_of3A_633 = tpu.assume_multiple %mul3A_632, 128 : i32
    %dma_wait3A_634 = arith.constant 0 : i32
    %dma_wait3A_635 = tpu.memref_slice %arg4[%multiple_of3A_633, %dma_wait3A_634] : memref<80000x128xf32, #tpu.memory_space<hbm>> -> memref<128x128xf32, #tpu.memory_space<hbm>>
    %dma_wait3A_636 = arith.constant 0 : i32
    %dma_wait3A_637 = tpu.memref_slice %arg4[%multiple_of3A_633, %dma_wait3A_636] : memref<80000x128xf32, #tpu.memory_space<hbm>> -> memref<128x128xf32, #tpu.memory_space<hbm>>
    tpu.wait_dma2 semaphore(%arg14 : memref<!tpu.dma_semaphore, #tpu.memory_space<semaphore_mem>>) src(%arg8 : memref<128x128xf32, #tpu.memory_space<vmem>>) dst(%dma_wait3A_637 : memref<128x128xf32, #tpu.memory_space<hbm>>)
    %dma_start3A_638 = arith.constant 0 : i32
    %dma_start3A_639 = arith.constant 0 : i32
    %dma_start3A_640 = tpu.memref_slice %arg2[%dma_start3A_638, %dma_start3A_639] : memref<10000x128xf32, #tpu.memory_space<hbm>> -> memref<10000x128xf32, #tpu.memory_space<hbm>>
    tpu.enqueue_indirect_dma source(%dma_start3A_640 : memref<10000x128xf32, #tpu.memory_space<hbm>>) target(%arg8 : memref<128x128xf32, #tpu.memory_space<vmem>>) offsets(%arg6 : memref<128xi32, #tpu.memory_space<vmem>>) semaphore(%arg12 : memref<!tpu.dma_semaphore, #tpu.memory_space<semaphore_mem>>)
    %dma_wait3A_641 = arith.constant 0 : i32
    %dma_wait3A_642 = arith.constant 0 : i32
    %dma_wait3A_643 = tpu.memref_slice %arg2[%dma_wait3A_641, %dma_wait3A_642] : memref<10000x128xf32, #tpu.memory_space<hbm>> -> memref<10000x128xf32, #tpu.memory_space<hbm>>
    tpu.wait_indirect_dma semaphore(%arg11 : memref<!tpu.dma_semaphore, #tpu.memory_space<semaphore_mem>>) src(%dma_wait3A_643 : memref<10000x128xf32, #tpu.memory_space<hbm>>) dst(%arg7 : memref<128x128xf32, #tpu.memory_space<vmem>>)
    %add3A_644 = arith.constant 576 : i32
    %add3A_645 = arith.addi %add3A, %add3A_644 : i32
    %mul3A_646 = arith.constant 128 : i32
    %mul3A_647 = arith.muli %add3A_645, %mul3A_646 : i32
    %multiple_of3A_648 = tpu.assume_multiple %mul3A_647, 128 : i32
    %dma_start3A_649 = tpu.memref_slice %arg3[%multiple_of3A_648] : memref<80000xi32, #tpu.memory_space<hbm>> -> memref<128xi32, #tpu.memory_space<hbm>>
    %dma_start3A_650 = tpu.memref_slice %arg3[%multiple_of3A_648] : memref<80000xi32, #tpu.memory_space<hbm>> -> memref<128xi32, #tpu.memory_space<hbm>>
    tpu.enqueue_dma source(%dma_start3A_650 : memref<128xi32, #tpu.memory_space<hbm>>) target(%arg5 : memref<128xi32, #tpu.memory_space<vmem>>) target_semaphore(%arg9 : memref<!tpu.dma_semaphore, #tpu.memory_space<semaphore_mem>>)
    %add3A_651 = arith.constant 512 : i32
    %add3A_652 = arith.addi %add3A, %add3A_651 : i32
    %mul3A_653 = arith.constant 128 : i32
    %mul3A_654 = arith.muli %add3A_652, %mul3A_653 : i32
    %multiple_of3A_655 = tpu.assume_multiple %mul3A_654, 128 : i32
    %dma_start3A_656 = arith.constant 0 : i32
    %dma_start3A_657 = tpu.memref_slice %arg4[%multiple_of3A_655, %dma_start3A_656] : memref<80000x128xf32, #tpu.memory_space<hbm>> -> memref<128x128xf32, #tpu.memory_space<hbm>>
    %dma_start3A_658 = arith.constant 0 : i32
    %dma_start3A_659 = tpu.memref_slice %arg4[%multiple_of3A_655, %dma_start3A_658] : memref<80000x128xf32, #tpu.memory_space<hbm>> -> memref<128x128xf32, #tpu.memory_space<hbm>>
    tpu.enqueue_dma source(%arg7 : memref<128x128xf32, #tpu.memory_space<vmem>>) target(%dma_start3A_659 : memref<128x128xf32, #tpu.memory_space<hbm>>) target_semaphore(%arg13 : memref<!tpu.dma_semaphore, #tpu.memory_space<semaphore_mem>>)
    %add3A_660 = arith.constant 576 : i32
    %add3A_661 = arith.addi %add3A, %add3A_660 : i32
    %mul3A_662 = arith.constant 128 : i32
    %mul3A_663 = arith.muli %add3A_661, %mul3A_662 : i32
    %multiple_of3A_664 = tpu.assume_multiple %mul3A_663, 128 : i32
    %dma_wait3A_665 = tpu.memref_slice %arg3[%multiple_of3A_664] : memref<80000xi32, #tpu.memory_space<hbm>> -> memref<128xi32, #tpu.memory_space<hbm>>
    %dma_wait3A_666 = tpu.memref_slice %arg3[%multiple_of3A_664] : memref<80000xi32, #tpu.memory_space<hbm>> -> memref<128xi32, #tpu.memory_space<hbm>>
    tpu.wait_dma2 semaphore(%arg9 : memref<!tpu.dma_semaphore, #tpu.memory_space<semaphore_mem>>) src(%dma_wait3A_666 : memref<128xi32, #tpu.memory_space<hbm>>) dst(%arg5 : memref<128xi32, #tpu.memory_space<vmem>>)
    %add3A_667 = arith.constant 512 : i32
    %add3A_668 = arith.addi %add3A, %add3A_667 : i32
    %mul3A_669 = arith.constant 128 : i32
    %mul3A_670 = arith.muli %add3A_668, %mul3A_669 : i32
    %multiple_of3A_671 = tpu.assume_multiple %mul3A_670, 128 : i32
    %dma_wait3A_672 = arith.constant 0 : i32
    %dma_wait3A_673 = tpu.memref_slice %arg4[%multiple_of3A_671, %dma_wait3A_672] : memref<80000x128xf32, #tpu.memory_space<hbm>> -> memref<128x128xf32, #tpu.memory_space<hbm>>
    %dma_wait3A_674 = arith.constant 0 : i32
    %dma_wait3A_675 = tpu.memref_slice %arg4[%multiple_of3A_671, %dma_wait3A_674] : memref<80000x128xf32, #tpu.memory_space<hbm>> -> memref<128x128xf32, #tpu.memory_space<hbm>>
    tpu.wait_dma2 semaphore(%arg13 : memref<!tpu.dma_semaphore, #tpu.memory_space<semaphore_mem>>) src(%arg7 : memref<128x128xf32, #tpu.memory_space<vmem>>) dst(%dma_wait3A_675 : memref<128x128xf32, #tpu.memory_space<hbm>>)
    %dma_start3A_676 = arith.constant 0 : i32
    %dma_start3A_677 = arith.constant 0 : i32
    %dma_start3A_678 = tpu.memref_slice %arg2[%dma_start3A_676, %dma_start3A_677] : memref<10000x128xf32, #tpu.memory_space<hbm>> -> memref<10000x128xf32, #tpu.memory_space<hbm>>
    tpu.enqueue_indirect_dma source(%dma_start3A_678 : memref<10000x128xf32, #tpu.memory_space<hbm>>) target(%arg7 : memref<128x128xf32, #tpu.memory_space<vmem>>) offsets(%arg5 : memref<128xi32, #tpu.memory_space<vmem>>) semaphore(%arg11 : memref<!tpu.dma_semaphore, #tpu.memory_space<semaphore_mem>>)
    %dma_wait3A_679 = arith.constant 0 : i32
    %dma_wait3A_680 = arith.constant 0 : i32
    %dma_wait3A_681 = tpu.memref_slice %arg2[%dma_wait3A_679, %dma_wait3A_680] : memref<10000x128xf32, #tpu.memory_space<hbm>> -> memref<10000x128xf32, #tpu.memory_space<hbm>>
    tpu.wait_indirect_dma semaphore(%arg12 : memref<!tpu.dma_semaphore, #tpu.memory_space<semaphore_mem>>) src(%dma_wait3A_681 : memref<10000x128xf32, #tpu.memory_space<hbm>>) dst(%arg8 : memref<128x128xf32, #tpu.memory_space<vmem>>)
    %convert_element_type3A = arith.extui %lt3A_1 : i1 to i32
    %cond3A = arith.constant 0 : i32
    %cond3A_682 = arith.cmpi ne, %convert_element_type3A, %cond3A : i32
    scf.if %cond3A_682 {
      %add3A_737 = arith.constant 608 : i32
      %add3A_738 = arith.addi %add3A, %add3A_737 : i32
      %mul3A_739 = arith.constant 128 : i32
      %mul3A_740 = arith.muli %add3A_738, %mul3A_739 : i32
      %multiple_of3A_741 = tpu.assume_multiple %mul3A_740, 128 : i32
      %dma_start3A_742 = tpu.memref_slice %arg3[%multiple_of3A_741] : memref<80000xi32, #tpu.memory_space<hbm>> -> memref<128xi32, #tpu.memory_space<hbm>>
      %dma_start3A_743 = tpu.memref_slice %arg3[%multiple_of3A_741] : memref<80000xi32, #tpu.memory_space<hbm>> -> memref<128xi32, #tpu.memory_space<hbm>>
      tpu.enqueue_dma source(%dma_start3A_743 : memref<128xi32, #tpu.memory_space<hbm>>) target(%arg6 : memref<128xi32, #tpu.memory_space<vmem>>) target_semaphore(%arg10 : memref<!tpu.dma_semaphore, #tpu.memory_space<semaphore_mem>>)
    } else {
    }
    %add3A_683 = arith.constant 544 : i32
    %add3A_684 = arith.addi %add3A, %add3A_683 : i32
    %mul3A_685 = arith.constant 128 : i32
    %mul3A_686 = arith.muli %add3A_684, %mul3A_685 : i32
    %multiple_of3A_687 = tpu.assume_multiple %mul3A_686, 128 : i32
    %dma_start3A_688 = arith.constant 0 : i32
    %dma_start3A_689 = tpu.memref_slice %arg4[%multiple_of3A_687, %dma_start3A_688] : memref<80000x128xf32, #tpu.memory_space<hbm>> -> memref<128x128xf32, #tpu.memory_space<hbm>>
    %dma_start3A_690 = arith.constant 0 : i32
    %dma_start3A_691 = tpu.memref_slice %arg4[%multiple_of3A_687, %dma_start3A_690] : memref<80000x128xf32, #tpu.memory_space<hbm>> -> memref<128x128xf32, #tpu.memory_space<hbm>>
    tpu.enqueue_dma source(%arg8 : memref<128x128xf32, #tpu.memory_space<vmem>>) target(%dma_start3A_691 : memref<128x128xf32, #tpu.memory_space<hbm>>) target_semaphore(%arg14 : memref<!tpu.dma_semaphore, #tpu.memory_space<semaphore_mem>>)
    %convert_element_type3A_692 = arith.extui %lt3A_1 : i1 to i32
    %cond3A_693 = arith.constant 0 : i32
    %cond3A_694 = arith.cmpi ne, %convert_element_type3A_692, %cond3A_693 : i32
    scf.if %cond3A_694 {
      %add3A_737 = arith.constant 608 : i32
      %add3A_738 = arith.addi %add3A, %add3A_737 : i32
      %mul3A_739 = arith.constant 128 : i32
      %mul3A_740 = arith.muli %add3A_738, %mul3A_739 : i32
      %multiple_of3A_741 = tpu.assume_multiple %mul3A_740, 128 : i32
      %dma_wait3A_742 = tpu.memref_slice %arg3[%multiple_of3A_741] : memref<80000xi32, #tpu.memory_space<hbm>> -> memref<128xi32, #tpu.memory_space<hbm>>
      %dma_wait3A_743 = tpu.memref_slice %arg3[%multiple_of3A_741] : memref<80000xi32, #tpu.memory_space<hbm>> -> memref<128xi32, #tpu.memory_space<hbm>>
      tpu.wait_dma2 semaphore(%arg10 : memref<!tpu.dma_semaphore, #tpu.memory_space<semaphore_mem>>) src(%dma_wait3A_743 : memref<128xi32, #tpu.memory_space<hbm>>) dst(%arg6 : memref<128xi32, #tpu.memory_space<vmem>>)
    } else {
    }
    %add3A_695 = arith.constant 544 : i32
    %add3A_696 = arith.addi %add3A, %add3A_695 : i32
    %mul3A_697 = arith.constant 128 : i32
    %mul3A_698 = arith.muli %add3A_696, %mul3A_697 : i32
    %multiple_of3A_699 = tpu.assume_multiple %mul3A_698, 128 : i32
    %dma_wait3A_700 = arith.constant 0 : i32
    %dma_wait3A_701 = tpu.memref_slice %arg4[%multiple_of3A_699, %dma_wait3A_700] : memref<80000x128xf32, #tpu.memory_space<hbm>> -> memref<128x128xf32, #tpu.memory_space<hbm>>
    %dma_wait3A_702 = arith.constant 0 : i32
    %dma_wait3A_703 = tpu.memref_slice %arg4[%multiple_of3A_699, %dma_wait3A_702] : memref<80000x128xf32, #tpu.memory_space<hbm>> -> memref<128x128xf32, #tpu.memory_space<hbm>>
    tpu.wait_dma2 semaphore(%arg14 : memref<!tpu.dma_semaphore, #tpu.memory_space<semaphore_mem>>) src(%arg8 : memref<128x128xf32, #tpu.memory_space<vmem>>) dst(%dma_wait3A_703 : memref<128x128xf32, #tpu.memory_space<hbm>>)
    %convert_element_type3A_704 = arith.extui %lt3A_1 : i1 to i32
    %cond3A_705 = arith.constant 0 : i32
    %cond3A_706 = arith.cmpi ne, %convert_element_type3A_704, %cond3A_705 : i32
    scf.if %cond3A_706 {
      %dma_start3A_737 = arith.constant 0 : i32
      %dma_start3A_738 = arith.constant 0 : i32
      %dma_start3A_739 = tpu.memref_slice %arg2[%dma_start3A_737, %dma_start3A_738] : memref<10000x128xf32, #tpu.memory_space<hbm>> -> memref<10000x128xf32, #tpu.memory_space<hbm>>
      tpu.enqueue_indirect_dma source(%dma_start3A_739 : memref<10000x128xf32, #tpu.memory_space<hbm>>) target(%arg8 : memref<128x128xf32, #tpu.memory_space<vmem>>) offsets(%arg6 : memref<128xi32, #tpu.memory_space<vmem>>) semaphore(%arg12 : memref<!tpu.dma_semaphore, #tpu.memory_space<semaphore_mem>>)
    } else {
    }
    %dma_wait3A_707 = arith.constant 0 : i32
    %dma_wait3A_708 = arith.constant 0 : i32
    %dma_wait3A_709 = tpu.memref_slice %arg2[%dma_wait3A_707, %dma_wait3A_708] : memref<10000x128xf32, #tpu.memory_space<hbm>> -> memref<10000x128xf32, #tpu.memory_space<hbm>>
    tpu.wait_indirect_dma semaphore(%arg11 : memref<!tpu.dma_semaphore, #tpu.memory_space<semaphore_mem>>) src(%dma_wait3A_709 : memref<10000x128xf32, #tpu.memory_space<hbm>>) dst(%arg7 : memref<128x128xf32, #tpu.memory_space<vmem>>)
    %add3A_710 = arith.constant 576 : i32
    %add3A_711 = arith.addi %add3A, %add3A_710 : i32
    %mul3A_712 = arith.constant 128 : i32
    %mul3A_713 = arith.muli %add3A_711, %mul3A_712 : i32
    %multiple_of3A_714 = tpu.assume_multiple %mul3A_713, 128 : i32
    %dma_start3A_715 = arith.constant 0 : i32
    %dma_start3A_716 = tpu.memref_slice %arg4[%multiple_of3A_714, %dma_start3A_715] : memref<80000x128xf32, #tpu.memory_space<hbm>> -> memref<128x128xf32, #tpu.memory_space<hbm>>
    %dma_start3A_717 = arith.constant 0 : i32
    %dma_start3A_718 = tpu.memref_slice %arg4[%multiple_of3A_714, %dma_start3A_717] : memref<80000x128xf32, #tpu.memory_space<hbm>> -> memref<128x128xf32, #tpu.memory_space<hbm>>
    tpu.enqueue_dma source(%arg7 : memref<128x128xf32, #tpu.memory_space<vmem>>) target(%dma_start3A_718 : memref<128x128xf32, #tpu.memory_space<hbm>>) target_semaphore(%arg13 : memref<!tpu.dma_semaphore, #tpu.memory_space<semaphore_mem>>)
    %convert_element_type3A_719 = arith.extui %lt3A_1 : i1 to i32
    %cond3A_720 = arith.constant 0 : i32
    %cond3A_721 = arith.cmpi ne, %convert_element_type3A_719, %cond3A_720 : i32
    scf.if %cond3A_721 {
      %dma_wait3A_737 = arith.constant 0 : i32
      %dma_wait3A_738 = arith.constant 0 : i32
      %dma_wait3A_739 = tpu.memref_slice %arg2[%dma_wait3A_737, %dma_wait3A_738] : memref<10000x128xf32, #tpu.memory_space<hbm>> -> memref<10000x128xf32, #tpu.memory_space<hbm>>
      tpu.wait_indirect_dma semaphore(%arg12 : memref<!tpu.dma_semaphore, #tpu.memory_space<semaphore_mem>>) src(%dma_wait3A_739 : memref<10000x128xf32, #tpu.memory_space<hbm>>) dst(%arg8 : memref<128x128xf32, #tpu.memory_space<vmem>>)
    } else {
    }
    %convert_element_type3A_722 = arith.extui %lt3A_1 : i1 to i32
    %cond3A_723 = arith.constant 0 : i32
    %cond3A_724 = arith.cmpi ne, %convert_element_type3A_722, %cond3A_723 : i32
    scf.if %cond3A_724 {
      %add3A_737 = arith.constant 608 : i32
      %add3A_738 = arith.addi %add3A, %add3A_737 : i32
      %mul3A_739 = arith.constant 128 : i32
      %mul3A_740 = arith.muli %add3A_738, %mul3A_739 : i32
      %multiple_of3A_741 = tpu.assume_multiple %mul3A_740, 128 : i32
      %dma_start3A_742 = arith.constant 0 : i32
      %dma_start3A_743 = tpu.memref_slice %arg4[%multiple_of3A_741, %dma_start3A_742] : memref<80000x128xf32, #tpu.memory_space<hbm>> -> memref<128x128xf32, #tpu.memory_space<hbm>>
      %dma_start3A_744 = arith.constant 0 : i32
      %dma_start3A_745 = tpu.memref_slice %arg4[%multiple_of3A_741, %dma_start3A_744] : memref<80000x128xf32, #tpu.memory_space<hbm>> -> memref<128x128xf32, #tpu.memory_space<hbm>>
      tpu.enqueue_dma source(%arg8 : memref<128x128xf32, #tpu.memory_space<vmem>>) target(%dma_start3A_745 : memref<128x128xf32, #tpu.memory_space<hbm>>) target_semaphore(%arg14 : memref<!tpu.dma_semaphore, #tpu.memory_space<semaphore_mem>>)
    } else {
    }
    %add3A_725 = arith.constant 576 : i32
    %add3A_726 = arith.addi %add3A, %add3A_725 : i32
    %mul3A_727 = arith.constant 128 : i32
    %mul3A_728 = arith.muli %add3A_726, %mul3A_727 : i32
    %multiple_of3A_729 = tpu.assume_multiple %mul3A_728, 128 : i32
    %dma_wait3A_730 = arith.constant 0 : i32
    %dma_wait3A_731 = tpu.memref_slice %arg4[%multiple_of3A_729, %dma_wait3A_730] : memref<80000x128xf32, #tpu.memory_space<hbm>> -> memref<128x128xf32, #tpu.memory_space<hbm>>
    %dma_wait3A_732 = arith.constant 0 : i32
    %dma_wait3A_733 = tpu.memref_slice %arg4[%multiple_of3A_729, %dma_wait3A_732] : memref<80000x128xf32, #tpu.memory_space<hbm>> -> memref<128x128xf32, #tpu.memory_space<hbm>>
    tpu.wait_dma2 semaphore(%arg13 : memref<!tpu.dma_semaphore, #tpu.memory_space<semaphore_mem>>) src(%arg7 : memref<128x128xf32, #tpu.memory_space<vmem>>) dst(%dma_wait3A_733 : memref<128x128xf32, #tpu.memory_space<hbm>>)
    %convert_element_type3A_734 = arith.extui %lt3A_1 : i1 to i32
    %cond3A_735 = arith.constant 0 : i32
    %cond3A_736 = arith.cmpi ne, %convert_element_type3A_734, %cond3A_735 : i32
    scf.if %cond3A_736 {
      %add3A_737 = arith.constant 608 : i32
      %add3A_738 = arith.addi %add3A, %add3A_737 : i32
      %mul3A_739 = arith.constant 128 : i32
      %mul3A_740 = arith.muli %add3A_738, %mul3A_739 : i32
      %multiple_of3A_741 = tpu.assume_multiple %mul3A_740, 128 : i32
      %dma_wait3A_742 = arith.constant 0 : i32
      %dma_wait3A_743 = tpu.memref_slice %arg4[%multiple_of3A_741, %dma_wait3A_742] : memref<80000x128xf32, #tpu.memory_space<hbm>> -> memref<128x128xf32, #tpu.memory_space<hbm>>
      %dma_wait3A_744 = arith.constant 0 : i32
      %dma_wait3A_745 = tpu.memref_slice %arg4[%multiple_of3A_741, %dma_wait3A_744] : memref<80000x128xf32, #tpu.memory_space<hbm>> -> memref<128x128xf32, #tpu.memory_space<hbm>>
      tpu.wait_dma2 semaphore(%arg14 : memref<!tpu.dma_semaphore, #tpu.memory_space<semaphore_mem>>) src(%arg8 : memref<128x128xf32, #tpu.memory_space<vmem>>) dst(%dma_wait3A_745 : memref<128x128xf32, #tpu.memory_space<hbm>>)
    } else {
    }
    return
  }
}

#map = affine_map<(d0, d1) -> (0, 0)>
#map1 = affine_map<(d0, d1) -> (0)>
#map2 = affine_map<(d0, d1) -> (0, 0, 0)>
module attributes {stable_mosaic.version = 14 : i64} {
  func.func @sk(%arg0: i32, %arg1: i32, %arg2: memref<80000x128xf32, #tpu.memory_space<hbm>>, %arg3: memref<80000xi32, #tpu.memory_space<hbm>>, %arg4: memref<632x128xf32, #tpu.memory_space<hbm>>, %arg5: memref<2x10000x128xf32, #tpu.memory_space<hbm>>, %arg6: memref<128xi32, #tpu.memory_space<vmem>>, %arg7: memref<128xi32, #tpu.memory_space<vmem>>, %arg8: memref<128xi32, #tpu.memory_space<vmem>>, %arg9: memref<128x128xf32, #tpu.memory_space<vmem>>, %arg10: memref<128x128xf32, #tpu.memory_space<vmem>>, %arg11: memref<128x128xf32, #tpu.memory_space<vmem>>, %arg12: memref<10000x128xf32, #tpu.memory_space<vmem_shared>>, %arg13: memref<!tpu.dma_semaphore, #tpu.memory_space<semaphore_mem>>, %arg14: memref<!tpu.dma_semaphore, #tpu.memory_space<semaphore_mem>>, %arg15: memref<!tpu.dma_semaphore, #tpu.memory_space<semaphore_mem>>, %arg16: memref<!tpu.dma_semaphore, #tpu.memory_space<semaphore_mem>>, %arg17: memref<!tpu.dma_semaphore, #tpu.memory_space<semaphore_mem>>, %arg18: memref<!tpu.dma_semaphore, #tpu.memory_space<semaphore_mem>>) attributes {dimension_semantics = [#tpu.dimension_semantics<core_parallel>, #tpu.dimension_semantics<subcore_parallel>], iteration_bounds = array<i64: 2, 16>, scalar_prefetch = 0 : i64, scratch_operands = 13 : i64, tpu.core_type = #tpu.core_type<sc_vector_subcore>, window_params = [{transform_indices = #map}, {transform_indices = #map1}, {transform_indices = #map}, {transform_indices = #map2}]} {
    %mul3A = arith.constant 2 : i32
    %mul3A_0 = arith.muli %arg1, %mul3A : i32
    %add3A = arith.addi %mul3A_0, %arg0 : i32
    %mul3A_1 = arith.constant 632 : i32
    %mul3A_2 = arith.muli %arg1, %mul3A_1 : i32
    %multiple_of3A = tpu.assume_multiple %mul3A_2, 8 : i32
    %lt3A = arith.constant 15 : i32
    %lt3A_3 = arith.cmpi slt, %arg1, %lt3A : i32
    %convert_element_type3A = arith.extui %lt3A_3 : i1 to i32
    %cond3A = arith.constant 0 : i32
    %cond3A_4 = arith.cmpi ne, %convert_element_type3A, %cond3A : i32
    scf.if %cond3A_4 {
      "tpu.region"() ({
        %run_scoped3A = tpu.sem_alloc : memref<!tpu.dma_semaphore, #tpu.memory_space<semaphore_mem>>
        %dma_start3A_754 = arith.constant 0 : i32
        %dma_start3A_755 = tpu.memref_slice %arg12[%multiple_of3A, %dma_start3A_754] : memref<10000x128xf32, #tpu.memory_space<vmem_shared>> -> memref<632x128xf32, #tpu.memory_space<vmem_shared>>
        tpu.enqueue_dma source(%arg4 : memref<632x128xf32, #tpu.memory_space<hbm>>) target(%dma_start3A_755 : memref<632x128xf32, #tpu.memory_space<vmem_shared>>) target_semaphore(%run_scoped3A : memref<!tpu.dma_semaphore, #tpu.memory_space<semaphore_mem>>)
        %dma_wait3A_756 = arith.constant 0 : i32
        %dma_wait3A_757 = tpu.memref_slice %arg12[%multiple_of3A, %dma_wait3A_756] : memref<10000x128xf32, #tpu.memory_space<vmem_shared>> -> memref<632x128xf32, #tpu.memory_space<vmem_shared>>
        tpu.wait_dma2 semaphore(%run_scoped3A : memref<!tpu.dma_semaphore, #tpu.memory_space<semaphore_mem>>) src(%arg4 : memref<632x128xf32, #tpu.memory_space<hbm>>) dst(%dma_wait3A_757 : memref<632x128xf32, #tpu.memory_space<vmem_shared>>)
        tpu.yield
      }) : () -> ()
    } else {
    }
    %eq3A = arith.constant 15 : i32
    %eq3A_5 = arith.cmpi eq, %arg1, %eq3A : i32
    %convert_element_type3A_6 = arith.extui %eq3A_5 : i1 to i32
    %cond3A_7 = arith.constant 0 : i32
    %cond3A_8 = arith.cmpi ne, %convert_element_type3A_6, %cond3A_7 : i32
    scf.if %cond3A_8 {
      "tpu.region"() ({
        %run_scoped3A = tpu.sem_alloc : memref<!tpu.dma_semaphore, #tpu.memory_space<semaphore_mem>>
        %dma_start3A_754 = arith.constant 9480 : i32
        %dma_start3A_755 = arith.constant 0 : i32
        %dma_start3A_756 = tpu.memref_slice %arg12[%dma_start3A_754, %dma_start3A_755] : memref<10000x128xf32, #tpu.memory_space<vmem_shared>> -> memref<520x128xf32, #tpu.memory_space<vmem_shared>>
        %dma_start3A_757 = arith.constant 0 : i32
        %dma_start3A_758 = arith.constant 0 : i32
        %dma_start3A_759 = tpu.memref_slice %arg4[%dma_start3A_757, %dma_start3A_758] : memref<632x128xf32, #tpu.memory_space<hbm>> -> memref<520x128xf32, #tpu.memory_space<hbm>>
        tpu.enqueue_dma source(%dma_start3A_759 : memref<520x128xf32, #tpu.memory_space<hbm>>) target(%dma_start3A_756 : memref<520x128xf32, #tpu.memory_space<vmem_shared>>) target_semaphore(%run_scoped3A : memref<!tpu.dma_semaphore, #tpu.memory_space<semaphore_mem>>)
        %dma_wait3A_760 = arith.constant 9480 : i32
        %dma_wait3A_761 = arith.constant 0 : i32
        %dma_wait3A_762 = tpu.memref_slice %arg12[%dma_wait3A_760, %dma_wait3A_761] : memref<10000x128xf32, #tpu.memory_space<vmem_shared>> -> memref<520x128xf32, #tpu.memory_space<vmem_shared>>
        %dma_wait3A_763 = arith.constant 0 : i32
        %dma_wait3A_764 = arith.constant 0 : i32
        %dma_wait3A_765 = tpu.memref_slice %arg4[%dma_wait3A_763, %dma_wait3A_764] : memref<632x128xf32, #tpu.memory_space<hbm>> -> memref<520x128xf32, #tpu.memory_space<hbm>>
        tpu.wait_dma2 semaphore(%run_scoped3A : memref<!tpu.dma_semaphore, #tpu.memory_space<semaphore_mem>>) src(%dma_wait3A_765 : memref<520x128xf32, #tpu.memory_space<hbm>>) dst(%dma_wait3A_762 : memref<520x128xf32, #tpu.memory_space<vmem_shared>>)
        tpu.yield
      }) : () -> ()
    } else {
    }
    %barrier3A = arith.constant 0 : index
    tpu.barrier barrier_id(%barrier3A)
    %lt3A_9 = arith.constant 17 : i32
    %lt3A_10 = arith.cmpi slt, %add3A, %lt3A_9 : i32
    %add3A_11 = arith.constant 0 : i32
    %add3A_12 = arith.addi %add3A, %add3A_11 : i32
    %mul3A_13 = arith.constant 128 : i32
    %mul3A_14 = arith.muli %add3A_12, %mul3A_13 : i32
    %multiple_of3A_15 = tpu.assume_multiple %mul3A_14, 128 : i32
    %dma_start3A = tpu.memref_slice %arg3[%multiple_of3A_15] : memref<80000xi32, #tpu.memory_space<hbm>> -> memref<128xi32, #tpu.memory_space<hbm>>
    %dma_start3A_16 = tpu.memref_slice %arg3[%multiple_of3A_15] : memref<80000xi32, #tpu.memory_space<hbm>> -> memref<128xi32, #tpu.memory_space<hbm>>
    tpu.enqueue_dma source(%dma_start3A_16 : memref<128xi32, #tpu.memory_space<hbm>>) target(%arg6 : memref<128xi32, #tpu.memory_space<vmem>>) target_semaphore(%arg13 : memref<!tpu.dma_semaphore, #tpu.memory_space<semaphore_mem>>)
    %add3A_17 = arith.constant 0 : i32
    %add3A_18 = arith.addi %add3A, %add3A_17 : i32
    %mul3A_19 = arith.constant 128 : i32
    %mul3A_20 = arith.muli %add3A_18, %mul3A_19 : i32
    %multiple_of3A_21 = tpu.assume_multiple %mul3A_20, 128 : i32
    %dma_start3A_22 = arith.constant 0 : i32
    %dma_start3A_23 = tpu.memref_slice %arg2[%multiple_of3A_21, %dma_start3A_22] : memref<80000x128xf32, #tpu.memory_space<hbm>> -> memref<128x128xf32, #tpu.memory_space<hbm>>
    %dma_start3A_24 = arith.constant 0 : i32
    %dma_start3A_25 = tpu.memref_slice %arg2[%multiple_of3A_21, %dma_start3A_24] : memref<80000x128xf32, #tpu.memory_space<hbm>> -> memref<128x128xf32, #tpu.memory_space<hbm>>
    tpu.enqueue_dma source(%dma_start3A_25 : memref<128x128xf32, #tpu.memory_space<hbm>>) target(%arg9 : memref<128x128xf32, #tpu.memory_space<vmem>>) target_semaphore(%arg13 : memref<!tpu.dma_semaphore, #tpu.memory_space<semaphore_mem>>)
    %add3A_26 = arith.constant 32 : i32
    %add3A_27 = arith.addi %add3A, %add3A_26 : i32
    %mul3A_28 = arith.constant 128 : i32
    %mul3A_29 = arith.muli %add3A_27, %mul3A_28 : i32
    %multiple_of3A_30 = tpu.assume_multiple %mul3A_29, 128 : i32
    %dma_start3A_31 = tpu.memref_slice %arg3[%multiple_of3A_30] : memref<80000xi32, #tpu.memory_space<hbm>> -> memref<128xi32, #tpu.memory_space<hbm>>
    %dma_start3A_32 = tpu.memref_slice %arg3[%multiple_of3A_30] : memref<80000xi32, #tpu.memory_space<hbm>> -> memref<128xi32, #tpu.memory_space<hbm>>
    tpu.enqueue_dma source(%dma_start3A_32 : memref<128xi32, #tpu.memory_space<hbm>>) target(%arg7 : memref<128xi32, #tpu.memory_space<vmem>>) target_semaphore(%arg14 : memref<!tpu.dma_semaphore, #tpu.memory_space<semaphore_mem>>)
    %add3A_33 = arith.constant 32 : i32
    %add3A_34 = arith.addi %add3A, %add3A_33 : i32
    %mul3A_35 = arith.constant 128 : i32
    %mul3A_36 = arith.muli %add3A_34, %mul3A_35 : i32
    %multiple_of3A_37 = tpu.assume_multiple %mul3A_36, 128 : i32
    %dma_start3A_38 = arith.constant 0 : i32
    %dma_start3A_39 = tpu.memref_slice %arg2[%multiple_of3A_37, %dma_start3A_38] : memref<80000x128xf32, #tpu.memory_space<hbm>> -> memref<128x128xf32, #tpu.memory_space<hbm>>
    %dma_start3A_40 = arith.constant 0 : i32
    %dma_start3A_41 = tpu.memref_slice %arg2[%multiple_of3A_37, %dma_start3A_40] : memref<80000x128xf32, #tpu.memory_space<hbm>> -> memref<128x128xf32, #tpu.memory_space<hbm>>
    tpu.enqueue_dma source(%dma_start3A_41 : memref<128x128xf32, #tpu.memory_space<hbm>>) target(%arg10 : memref<128x128xf32, #tpu.memory_space<vmem>>) target_semaphore(%arg14 : memref<!tpu.dma_semaphore, #tpu.memory_space<semaphore_mem>>)
    %add3A_42 = arith.constant 64 : i32
    %add3A_43 = arith.addi %add3A, %add3A_42 : i32
    %mul3A_44 = arith.constant 128 : i32
    %mul3A_45 = arith.muli %add3A_43, %mul3A_44 : i32
    %multiple_of3A_46 = tpu.assume_multiple %mul3A_45, 128 : i32
    %dma_start3A_47 = tpu.memref_slice %arg3[%multiple_of3A_46] : memref<80000xi32, #tpu.memory_space<hbm>> -> memref<128xi32, #tpu.memory_space<hbm>>
    %dma_start3A_48 = tpu.memref_slice %arg3[%multiple_of3A_46] : memref<80000xi32, #tpu.memory_space<hbm>> -> memref<128xi32, #tpu.memory_space<hbm>>
    tpu.enqueue_dma source(%dma_start3A_48 : memref<128xi32, #tpu.memory_space<hbm>>) target(%arg8 : memref<128xi32, #tpu.memory_space<vmem>>) target_semaphore(%arg15 : memref<!tpu.dma_semaphore, #tpu.memory_space<semaphore_mem>>)
    %add3A_49 = arith.constant 64 : i32
    %add3A_50 = arith.addi %add3A, %add3A_49 : i32
    %mul3A_51 = arith.constant 128 : i32
    %mul3A_52 = arith.muli %add3A_50, %mul3A_51 : i32
    %multiple_of3A_53 = tpu.assume_multiple %mul3A_52, 128 : i32
    %dma_start3A_54 = arith.constant 0 : i32
    %dma_start3A_55 = tpu.memref_slice %arg2[%multiple_of3A_53, %dma_start3A_54] : memref<80000x128xf32, #tpu.memory_space<hbm>> -> memref<128x128xf32, #tpu.memory_space<hbm>>
    %dma_start3A_56 = arith.constant 0 : i32
    %dma_start3A_57 = tpu.memref_slice %arg2[%multiple_of3A_53, %dma_start3A_56] : memref<80000x128xf32, #tpu.memory_space<hbm>> -> memref<128x128xf32, #tpu.memory_space<hbm>>
    tpu.enqueue_dma source(%dma_start3A_57 : memref<128x128xf32, #tpu.memory_space<hbm>>) target(%arg11 : memref<128x128xf32, #tpu.memory_space<vmem>>) target_semaphore(%arg15 : memref<!tpu.dma_semaphore, #tpu.memory_space<semaphore_mem>>)
    %add3A_58 = arith.constant 0 : i32
    %add3A_59 = arith.addi %add3A, %add3A_58 : i32
    %mul3A_60 = arith.constant 128 : i32
    %mul3A_61 = arith.muli %add3A_59, %mul3A_60 : i32
    %multiple_of3A_62 = tpu.assume_multiple %mul3A_61, 128 : i32
    %dma_wait3A = tpu.memref_slice %arg3[%multiple_of3A_62] : memref<80000xi32, #tpu.memory_space<hbm>> -> memref<128xi32, #tpu.memory_space<hbm>>
    %dma_wait3A_63 = tpu.memref_slice %arg3[%multiple_of3A_62] : memref<80000xi32, #tpu.memory_space<hbm>> -> memref<128xi32, #tpu.memory_space<hbm>>
    tpu.wait_dma2 semaphore(%arg13 : memref<!tpu.dma_semaphore, #tpu.memory_space<semaphore_mem>>) src(%dma_wait3A_63 : memref<128xi32, #tpu.memory_space<hbm>>) dst(%arg6 : memref<128xi32, #tpu.memory_space<vmem>>)
    %add3A_64 = arith.constant 0 : i32
    %add3A_65 = arith.addi %add3A, %add3A_64 : i32
    %mul3A_66 = arith.constant 128 : i32
    %mul3A_67 = arith.muli %add3A_65, %mul3A_66 : i32
    %multiple_of3A_68 = tpu.assume_multiple %mul3A_67, 128 : i32
    %dma_wait3A_69 = arith.constant 0 : i32
    %dma_wait3A_70 = tpu.memref_slice %arg2[%multiple_of3A_68, %dma_wait3A_69] : memref<80000x128xf32, #tpu.memory_space<hbm>> -> memref<128x128xf32, #tpu.memory_space<hbm>>
    %dma_wait3A_71 = arith.constant 0 : i32
    %dma_wait3A_72 = tpu.memref_slice %arg2[%multiple_of3A_68, %dma_wait3A_71] : memref<80000x128xf32, #tpu.memory_space<hbm>> -> memref<128x128xf32, #tpu.memory_space<hbm>>
    tpu.wait_dma2 semaphore(%arg13 : memref<!tpu.dma_semaphore, #tpu.memory_space<semaphore_mem>>) src(%dma_wait3A_72 : memref<128x128xf32, #tpu.memory_space<hbm>>) dst(%arg9 : memref<128x128xf32, #tpu.memory_space<vmem>>)
    %dma_start3A_73 = arith.constant 0 : i32
    %dma_start3A_74 = arith.constant 0 : i32
    %dma_start3A_75 = tpu.memref_slice %arg12[%dma_start3A_73, %dma_start3A_74] : memref<10000x128xf32, #tpu.memory_space<vmem_shared>> -> memref<10000x128xf32, #tpu.memory_space<vmem_shared>>
    tpu.enqueue_indirect_dma source(%arg9 : memref<128x128xf32, #tpu.memory_space<vmem>>) target(%dma_start3A_75 : memref<10000x128xf32, #tpu.memory_space<vmem_shared>>) offsets(%arg6 : memref<128xi32, #tpu.memory_space<vmem>>) semaphore(%arg16 : memref<!tpu.dma_semaphore, #tpu.memory_space<semaphore_mem>>) {add = true}
    %dma_wait3A_76 = arith.constant 0 : i32
    %dma_wait3A_77 = arith.constant 0 : i32
    %dma_wait3A_78 = tpu.memref_slice %arg12[%dma_wait3A_76, %dma_wait3A_77] : memref<10000x128xf32, #tpu.memory_space<vmem_shared>> -> memref<10000x128xf32, #tpu.memory_space<vmem_shared>>
    tpu.wait_indirect_dma semaphore(%arg16 : memref<!tpu.dma_semaphore, #tpu.memory_space<semaphore_mem>>) src(%arg9 : memref<128x128xf32, #tpu.memory_space<vmem>>) dst(%dma_wait3A_78 : memref<10000x128xf32, #tpu.memory_space<vmem_shared>>)
    %add3A_79 = arith.constant 96 : i32
    %add3A_80 = arith.addi %add3A, %add3A_79 : i32
    %mul3A_81 = arith.constant 128 : i32
    %mul3A_82 = arith.muli %add3A_80, %mul3A_81 : i32
    %multiple_of3A_83 = tpu.assume_multiple %mul3A_82, 128 : i32
    %dma_start3A_84 = tpu.memref_slice %arg3[%multiple_of3A_83] : memref<80000xi32, #tpu.memory_space<hbm>> -> memref<128xi32, #tpu.memory_space<hbm>>
    %dma_start3A_85 = tpu.memref_slice %arg3[%multiple_of3A_83] : memref<80000xi32, #tpu.memory_space<hbm>> -> memref<128xi32, #tpu.memory_space<hbm>>
    tpu.enqueue_dma source(%dma_start3A_85 : memref<128xi32, #tpu.memory_space<hbm>>) target(%arg6 : memref<128xi32, #tpu.memory_space<vmem>>) target_semaphore(%arg13 : memref<!tpu.dma_semaphore, #tpu.memory_space<semaphore_mem>>)
    %add3A_86 = arith.constant 96 : i32
    %add3A_87 = arith.addi %add3A, %add3A_86 : i32
    %mul3A_88 = arith.constant 128 : i32
    %mul3A_89 = arith.muli %add3A_87, %mul3A_88 : i32
    %multiple_of3A_90 = tpu.assume_multiple %mul3A_89, 128 : i32
    %dma_start3A_91 = arith.constant 0 : i32
    %dma_start3A_92 = tpu.memref_slice %arg2[%multiple_of3A_90, %dma_start3A_91] : memref<80000x128xf32, #tpu.memory_space<hbm>> -> memref<128x128xf32, #tpu.memory_space<hbm>>
    %dma_start3A_93 = arith.constant 0 : i32
    %dma_start3A_94 = tpu.memref_slice %arg2[%multiple_of3A_90, %dma_start3A_93] : memref<80000x128xf32, #tpu.memory_space<hbm>> -> memref<128x128xf32, #tpu.memory_space<hbm>>
    tpu.enqueue_dma source(%dma_start3A_94 : memref<128x128xf32, #tpu.memory_space<hbm>>) target(%arg9 : memref<128x128xf32, #tpu.memory_space<vmem>>) target_semaphore(%arg13 : memref<!tpu.dma_semaphore, #tpu.memory_space<semaphore_mem>>)
    %add3A_95 = arith.constant 32 : i32
    %add3A_96 = arith.addi %add3A, %add3A_95 : i32
    %mul3A_97 = arith.constant 128 : i32
    %mul3A_98 = arith.muli %add3A_96, %mul3A_97 : i32
    %multiple_of3A_99 = tpu.assume_multiple %mul3A_98, 128 : i32
    %dma_wait3A_100 = tpu.memref_slice %arg3[%multiple_of3A_99] : memref<80000xi32, #tpu.memory_space<hbm>> -> memref<128xi32, #tpu.memory_space<hbm>>
    %dma_wait3A_101 = tpu.memref_slice %arg3[%multiple_of3A_99] : memref<80000xi32, #tpu.memory_space<hbm>> -> memref<128xi32, #tpu.memory_space<hbm>>
    tpu.wait_dma2 semaphore(%arg14 : memref<!tpu.dma_semaphore, #tpu.memory_space<semaphore_mem>>) src(%dma_wait3A_101 : memref<128xi32, #tpu.memory_space<hbm>>) dst(%arg7 : memref<128xi32, #tpu.memory_space<vmem>>)
    %add3A_102 = arith.constant 32 : i32
    %add3A_103 = arith.addi %add3A, %add3A_102 : i32
    %mul3A_104 = arith.constant 128 : i32
    %mul3A_105 = arith.muli %add3A_103, %mul3A_104 : i32
    %multiple_of3A_106 = tpu.assume_multiple %mul3A_105, 128 : i32
    %dma_wait3A_107 = arith.constant 0 : i32
    %dma_wait3A_108 = tpu.memref_slice %arg2[%multiple_of3A_106, %dma_wait3A_107] : memref<80000x128xf32, #tpu.memory_space<hbm>> -> memref<128x128xf32, #tpu.memory_space<hbm>>
    %dma_wait3A_109 = arith.constant 0 : i32
    %dma_wait3A_110 = tpu.memref_slice %arg2[%multiple_of3A_106, %dma_wait3A_109] : memref<80000x128xf32, #tpu.memory_space<hbm>> -> memref<128x128xf32, #tpu.memory_space<hbm>>
    tpu.wait_dma2 semaphore(%arg14 : memref<!tpu.dma_semaphore, #tpu.memory_space<semaphore_mem>>) src(%dma_wait3A_110 : memref<128x128xf32, #tpu.memory_space<hbm>>) dst(%arg10 : memref<128x128xf32, #tpu.memory_space<vmem>>)
    %dma_start3A_111 = arith.constant 0 : i32
    %dma_start3A_112 = arith.constant 0 : i32
    %dma_start3A_113 = tpu.memref_slice %arg12[%dma_start3A_111, %dma_start3A_112] : memref<10000x128xf32, #tpu.memory_space<vmem_shared>> -> memref<10000x128xf32, #tpu.memory_space<vmem_shared>>
    tpu.enqueue_indirect_dma source(%arg10 : memref<128x128xf32, #tpu.memory_space<vmem>>) target(%dma_start3A_113 : memref<10000x128xf32, #tpu.memory_space<vmem_shared>>) offsets(%arg7 : memref<128xi32, #tpu.memory_space<vmem>>) semaphore(%arg17 : memref<!tpu.dma_semaphore, #tpu.memory_space<semaphore_mem>>) {add = true}
    %dma_wait3A_114 = arith.constant 0 : i32
    %dma_wait3A_115 = arith.constant 0 : i32
    %dma_wait3A_116 = tpu.memref_slice %arg12[%dma_wait3A_114, %dma_wait3A_115] : memref<10000x128xf32, #tpu.memory_space<vmem_shared>> -> memref<10000x128xf32, #tpu.memory_space<vmem_shared>>
    tpu.wait_indirect_dma semaphore(%arg17 : memref<!tpu.dma_semaphore, #tpu.memory_space<semaphore_mem>>) src(%arg10 : memref<128x128xf32, #tpu.memory_space<vmem>>) dst(%dma_wait3A_116 : memref<10000x128xf32, #tpu.memory_space<vmem_shared>>)
    %add3A_117 = arith.constant 128 : i32
    %add3A_118 = arith.addi %add3A, %add3A_117 : i32
    %mul3A_119 = arith.constant 128 : i32
    %mul3A_120 = arith.muli %add3A_118, %mul3A_119 : i32
    %multiple_of3A_121 = tpu.assume_multiple %mul3A_120, 128 : i32
    %dma_start3A_122 = tpu.memref_slice %arg3[%multiple_of3A_121] : memref<80000xi32, #tpu.memory_space<hbm>> -> memref<128xi32, #tpu.memory_space<hbm>>
    %dma_start3A_123 = tpu.memref_slice %arg3[%multiple_of3A_121] : memref<80000xi32, #tpu.memory_space<hbm>> -> memref<128xi32, #tpu.memory_space<hbm>>
    tpu.enqueue_dma source(%dma_start3A_123 : memref<128xi32, #tpu.memory_space<hbm>>) target(%arg7 : memref<128xi32, #tpu.memory_space<vmem>>) target_semaphore(%arg14 : memref<!tpu.dma_semaphore, #tpu.memory_space<semaphore_mem>>)
    %add3A_124 = arith.constant 128 : i32
    %add3A_125 = arith.addi %add3A, %add3A_124 : i32
    %mul3A_126 = arith.constant 128 : i32
    %mul3A_127 = arith.muli %add3A_125, %mul3A_126 : i32
    %multiple_of3A_128 = tpu.assume_multiple %mul3A_127, 128 : i32
    %dma_start3A_129 = arith.constant 0 : i32
    %dma_start3A_130 = tpu.memref_slice %arg2[%multiple_of3A_128, %dma_start3A_129] : memref<80000x128xf32, #tpu.memory_space<hbm>> -> memref<128x128xf32, #tpu.memory_space<hbm>>
    %dma_start3A_131 = arith.constant 0 : i32
    %dma_start3A_132 = tpu.memref_slice %arg2[%multiple_of3A_128, %dma_start3A_131] : memref<80000x128xf32, #tpu.memory_space<hbm>> -> memref<128x128xf32, #tpu.memory_space<hbm>>
    tpu.enqueue_dma source(%dma_start3A_132 : memref<128x128xf32, #tpu.memory_space<hbm>>) target(%arg10 : memref<128x128xf32, #tpu.memory_space<vmem>>) target_semaphore(%arg14 : memref<!tpu.dma_semaphore, #tpu.memory_space<semaphore_mem>>)
    %add3A_133 = arith.constant 64 : i32
    %add3A_134 = arith.addi %add3A, %add3A_133 : i32
    %mul3A_135 = arith.constant 128 : i32
    %mul3A_136 = arith.muli %add3A_134, %mul3A_135 : i32
    %multiple_of3A_137 = tpu.assume_multiple %mul3A_136, 128 : i32
    %dma_wait3A_138 = tpu.memref_slice %arg3[%multiple_of3A_137] : memref<80000xi32, #tpu.memory_space<hbm>> -> memref<128xi32, #tpu.memory_space<hbm>>
    %dma_wait3A_139 = tpu.memref_slice %arg3[%multiple_of3A_137] : memref<80000xi32, #tpu.memory_space<hbm>> -> memref<128xi32, #tpu.memory_space<hbm>>
    tpu.wait_dma2 semaphore(%arg15 : memref<!tpu.dma_semaphore, #tpu.memory_space<semaphore_mem>>) src(%dma_wait3A_139 : memref<128xi32, #tpu.memory_space<hbm>>) dst(%arg8 : memref<128xi32, #tpu.memory_space<vmem>>)
    %add3A_140 = arith.constant 64 : i32
    %add3A_141 = arith.addi %add3A, %add3A_140 : i32
    %mul3A_142 = arith.constant 128 : i32
    %mul3A_143 = arith.muli %add3A_141, %mul3A_142 : i32
    %multiple_of3A_144 = tpu.assume_multiple %mul3A_143, 128 : i32
    %dma_wait3A_145 = arith.constant 0 : i32
    %dma_wait3A_146 = tpu.memref_slice %arg2[%multiple_of3A_144, %dma_wait3A_145] : memref<80000x128xf32, #tpu.memory_space<hbm>> -> memref<128x128xf32, #tpu.memory_space<hbm>>
    %dma_wait3A_147 = arith.constant 0 : i32
    %dma_wait3A_148 = tpu.memref_slice %arg2[%multiple_of3A_144, %dma_wait3A_147] : memref<80000x128xf32, #tpu.memory_space<hbm>> -> memref<128x128xf32, #tpu.memory_space<hbm>>
    tpu.wait_dma2 semaphore(%arg15 : memref<!tpu.dma_semaphore, #tpu.memory_space<semaphore_mem>>) src(%dma_wait3A_148 : memref<128x128xf32, #tpu.memory_space<hbm>>) dst(%arg11 : memref<128x128xf32, #tpu.memory_space<vmem>>)
    %dma_start3A_149 = arith.constant 0 : i32
    %dma_start3A_150 = arith.constant 0 : i32
    %dma_start3A_151 = tpu.memref_slice %arg12[%dma_start3A_149, %dma_start3A_150] : memref<10000x128xf32, #tpu.memory_space<vmem_shared>> -> memref<10000x128xf32, #tpu.memory_space<vmem_shared>>
    tpu.enqueue_indirect_dma source(%arg11 : memref<128x128xf32, #tpu.memory_space<vmem>>) target(%dma_start3A_151 : memref<10000x128xf32, #tpu.memory_space<vmem_shared>>) offsets(%arg8 : memref<128xi32, #tpu.memory_space<vmem>>) semaphore(%arg18 : memref<!tpu.dma_semaphore, #tpu.memory_space<semaphore_mem>>) {add = true}
    %dma_wait3A_152 = arith.constant 0 : i32
    %dma_wait3A_153 = arith.constant 0 : i32
    %dma_wait3A_154 = tpu.memref_slice %arg12[%dma_wait3A_152, %dma_wait3A_153] : memref<10000x128xf32, #tpu.memory_space<vmem_shared>> -> memref<10000x128xf32, #tpu.memory_space<vmem_shared>>
    tpu.wait_indirect_dma semaphore(%arg18 : memref<!tpu.dma_semaphore, #tpu.memory_space<semaphore_mem>>) src(%arg11 : memref<128x128xf32, #tpu.memory_space<vmem>>) dst(%dma_wait3A_154 : memref<10000x128xf32, #tpu.memory_space<vmem_shared>>)
    %add3A_155 = arith.constant 160 : i32
    %add3A_156 = arith.addi %add3A, %add3A_155 : i32
    %mul3A_157 = arith.constant 128 : i32
    %mul3A_158 = arith.muli %add3A_156, %mul3A_157 : i32
    %multiple_of3A_159 = tpu.assume_multiple %mul3A_158, 128 : i32
    %dma_start3A_160 = tpu.memref_slice %arg3[%multiple_of3A_159] : memref<80000xi32, #tpu.memory_space<hbm>> -> memref<128xi32, #tpu.memory_space<hbm>>
    %dma_start3A_161 = tpu.memref_slice %arg3[%multiple_of3A_159] : memref<80000xi32, #tpu.memory_space<hbm>> -> memref<128xi32, #tpu.memory_space<hbm>>
    tpu.enqueue_dma source(%dma_start3A_161 : memref<128xi32, #tpu.memory_space<hbm>>) target(%arg8 : memref<128xi32, #tpu.memory_space<vmem>>) target_semaphore(%arg15 : memref<!tpu.dma_semaphore, #tpu.memory_space<semaphore_mem>>)
    %add3A_162 = arith.constant 160 : i32
    %add3A_163 = arith.addi %add3A, %add3A_162 : i32
    %mul3A_164 = arith.constant 128 : i32
    %mul3A_165 = arith.muli %add3A_163, %mul3A_164 : i32
    %multiple_of3A_166 = tpu.assume_multiple %mul3A_165, 128 : i32
    %dma_start3A_167 = arith.constant 0 : i32
    %dma_start3A_168 = tpu.memref_slice %arg2[%multiple_of3A_166, %dma_start3A_167] : memref<80000x128xf32, #tpu.memory_space<hbm>> -> memref<128x128xf32, #tpu.memory_space<hbm>>
    %dma_start3A_169 = arith.constant 0 : i32
    %dma_start3A_170 = tpu.memref_slice %arg2[%multiple_of3A_166, %dma_start3A_169] : memref<80000x128xf32, #tpu.memory_space<hbm>> -> memref<128x128xf32, #tpu.memory_space<hbm>>
    tpu.enqueue_dma source(%dma_start3A_170 : memref<128x128xf32, #tpu.memory_space<hbm>>) target(%arg11 : memref<128x128xf32, #tpu.memory_space<vmem>>) target_semaphore(%arg15 : memref<!tpu.dma_semaphore, #tpu.memory_space<semaphore_mem>>)
    %add3A_171 = arith.constant 96 : i32
    %add3A_172 = arith.addi %add3A, %add3A_171 : i32
    %mul3A_173 = arith.constant 128 : i32
    %mul3A_174 = arith.muli %add3A_172, %mul3A_173 : i32
    %multiple_of3A_175 = tpu.assume_multiple %mul3A_174, 128 : i32
    %dma_wait3A_176 = tpu.memref_slice %arg3[%multiple_of3A_175] : memref<80000xi32, #tpu.memory_space<hbm>> -> memref<128xi32, #tpu.memory_space<hbm>>
    %dma_wait3A_177 = tpu.memref_slice %arg3[%multiple_of3A_175] : memref<80000xi32, #tpu.memory_space<hbm>> -> memref<128xi32, #tpu.memory_space<hbm>>
    tpu.wait_dma2 semaphore(%arg13 : memref<!tpu.dma_semaphore, #tpu.memory_space<semaphore_mem>>) src(%dma_wait3A_177 : memref<128xi32, #tpu.memory_space<hbm>>) dst(%arg6 : memref<128xi32, #tpu.memory_space<vmem>>)
    %add3A_178 = arith.constant 96 : i32
    %add3A_179 = arith.addi %add3A, %add3A_178 : i32
    %mul3A_180 = arith.constant 128 : i32
    %mul3A_181 = arith.muli %add3A_179, %mul3A_180 : i32
    %multiple_of3A_182 = tpu.assume_multiple %mul3A_181, 128 : i32
    %dma_wait3A_183 = arith.constant 0 : i32
    %dma_wait3A_184 = tpu.memref_slice %arg2[%multiple_of3A_182, %dma_wait3A_183] : memref<80000x128xf32, #tpu.memory_space<hbm>> -> memref<128x128xf32, #tpu.memory_space<hbm>>
    %dma_wait3A_185 = arith.constant 0 : i32
    %dma_wait3A_186 = tpu.memref_slice %arg2[%multiple_of3A_182, %dma_wait3A_185] : memref<80000x128xf32, #tpu.memory_space<hbm>> -> memref<128x128xf32, #tpu.memory_space<hbm>>
    tpu.wait_dma2 semaphore(%arg13 : memref<!tpu.dma_semaphore, #tpu.memory_space<semaphore_mem>>) src(%dma_wait3A_186 : memref<128x128xf32, #tpu.memory_space<hbm>>) dst(%arg9 : memref<128x128xf32, #tpu.memory_space<vmem>>)
    %dma_start3A_187 = arith.constant 0 : i32
    %dma_start3A_188 = arith.constant 0 : i32
    %dma_start3A_189 = tpu.memref_slice %arg12[%dma_start3A_187, %dma_start3A_188] : memref<10000x128xf32, #tpu.memory_space<vmem_shared>> -> memref<10000x128xf32, #tpu.memory_space<vmem_shared>>
    tpu.enqueue_indirect_dma source(%arg9 : memref<128x128xf32, #tpu.memory_space<vmem>>) target(%dma_start3A_189 : memref<10000x128xf32, #tpu.memory_space<vmem_shared>>) offsets(%arg6 : memref<128xi32, #tpu.memory_space<vmem>>) semaphore(%arg16 : memref<!tpu.dma_semaphore, #tpu.memory_space<semaphore_mem>>) {add = true}
    %dma_wait3A_190 = arith.constant 0 : i32
    %dma_wait3A_191 = arith.constant 0 : i32
    %dma_wait3A_192 = tpu.memref_slice %arg12[%dma_wait3A_190, %dma_wait3A_191] : memref<10000x128xf32, #tpu.memory_space<vmem_shared>> -> memref<10000x128xf32, #tpu.memory_space<vmem_shared>>
    tpu.wait_indirect_dma semaphore(%arg16 : memref<!tpu.dma_semaphore, #tpu.memory_space<semaphore_mem>>) src(%arg9 : memref<128x128xf32, #tpu.memory_space<vmem>>) dst(%dma_wait3A_192 : memref<10000x128xf32, #tpu.memory_space<vmem_shared>>)
    %add3A_193 = arith.constant 192 : i32
    %add3A_194 = arith.addi %add3A, %add3A_193 : i32
    %mul3A_195 = arith.constant 128 : i32
    %mul3A_196 = arith.muli %add3A_194, %mul3A_195 : i32
    %multiple_of3A_197 = tpu.assume_multiple %mul3A_196, 128 : i32
    %dma_start3A_198 = tpu.memref_slice %arg3[%multiple_of3A_197] : memref<80000xi32, #tpu.memory_space<hbm>> -> memref<128xi32, #tpu.memory_space<hbm>>
    %dma_start3A_199 = tpu.memref_slice %arg3[%multiple_of3A_197] : memref<80000xi32, #tpu.memory_space<hbm>> -> memref<128xi32, #tpu.memory_space<hbm>>
    tpu.enqueue_dma source(%dma_start3A_199 : memref<128xi32, #tpu.memory_space<hbm>>) target(%arg6 : memref<128xi32, #tpu.memory_space<vmem>>) target_semaphore(%arg13 : memref<!tpu.dma_semaphore, #tpu.memory_space<semaphore_mem>>)
    %add3A_200 = arith.constant 192 : i32
    %add3A_201 = arith.addi %add3A, %add3A_200 : i32
    %mul3A_202 = arith.constant 128 : i32
    %mul3A_203 = arith.muli %add3A_201, %mul3A_202 : i32
    %multiple_of3A_204 = tpu.assume_multiple %mul3A_203, 128 : i32
    %dma_start3A_205 = arith.constant 0 : i32
    %dma_start3A_206 = tpu.memref_slice %arg2[%multiple_of3A_204, %dma_start3A_205] : memref<80000x128xf32, #tpu.memory_space<hbm>> -> memref<128x128xf32, #tpu.memory_space<hbm>>
    %dma_start3A_207 = arith.constant 0 : i32
    %dma_start3A_208 = tpu.memref_slice %arg2[%multiple_of3A_204, %dma_start3A_207] : memref<80000x128xf32, #tpu.memory_space<hbm>> -> memref<128x128xf32, #tpu.memory_space<hbm>>
    tpu.enqueue_dma source(%dma_start3A_208 : memref<128x128xf32, #tpu.memory_space<hbm>>) target(%arg9 : memref<128x128xf32, #tpu.memory_space<vmem>>) target_semaphore(%arg13 : memref<!tpu.dma_semaphore, #tpu.memory_space<semaphore_mem>>)
    %add3A_209 = arith.constant 128 : i32
    %add3A_210 = arith.addi %add3A, %add3A_209 : i32
    %mul3A_211 = arith.constant 128 : i32
    %mul3A_212 = arith.muli %add3A_210, %mul3A_211 : i32
    %multiple_of3A_213 = tpu.assume_multiple %mul3A_212, 128 : i32
    %dma_wait3A_214 = tpu.memref_slice %arg3[%multiple_of3A_213] : memref<80000xi32, #tpu.memory_space<hbm>> -> memref<128xi32, #tpu.memory_space<hbm>>
    %dma_wait3A_215 = tpu.memref_slice %arg3[%multiple_of3A_213] : memref<80000xi32, #tpu.memory_space<hbm>> -> memref<128xi32, #tpu.memory_space<hbm>>
    tpu.wait_dma2 semaphore(%arg14 : memref<!tpu.dma_semaphore, #tpu.memory_space<semaphore_mem>>) src(%dma_wait3A_215 : memref<128xi32, #tpu.memory_space<hbm>>) dst(%arg7 : memref<128xi32, #tpu.memory_space<vmem>>)
    %add3A_216 = arith.constant 128 : i32
    %add3A_217 = arith.addi %add3A, %add3A_216 : i32
    %mul3A_218 = arith.constant 128 : i32
    %mul3A_219 = arith.muli %add3A_217, %mul3A_218 : i32
    %multiple_of3A_220 = tpu.assume_multiple %mul3A_219, 128 : i32
    %dma_wait3A_221 = arith.constant 0 : i32
    %dma_wait3A_222 = tpu.memref_slice %arg2[%multiple_of3A_220, %dma_wait3A_221] : memref<80000x128xf32, #tpu.memory_space<hbm>> -> memref<128x128xf32, #tpu.memory_space<hbm>>
    %dma_wait3A_223 = arith.constant 0 : i32
    %dma_wait3A_224 = tpu.memref_slice %arg2[%multiple_of3A_220, %dma_wait3A_223] : memref<80000x128xf32, #tpu.memory_space<hbm>> -> memref<128x128xf32, #tpu.memory_space<hbm>>
    tpu.wait_dma2 semaphore(%arg14 : memref<!tpu.dma_semaphore, #tpu.memory_space<semaphore_mem>>) src(%dma_wait3A_224 : memref<128x128xf32, #tpu.memory_space<hbm>>) dst(%arg10 : memref<128x128xf32, #tpu.memory_space<vmem>>)
    %dma_start3A_225 = arith.constant 0 : i32
    %dma_start3A_226 = arith.constant 0 : i32
    %dma_start3A_227 = tpu.memref_slice %arg12[%dma_start3A_225, %dma_start3A_226] : memref<10000x128xf32, #tpu.memory_space<vmem_shared>> -> memref<10000x128xf32, #tpu.memory_space<vmem_shared>>
    tpu.enqueue_indirect_dma source(%arg10 : memref<128x128xf32, #tpu.memory_space<vmem>>) target(%dma_start3A_227 : memref<10000x128xf32, #tpu.memory_space<vmem_shared>>) offsets(%arg7 : memref<128xi32, #tpu.memory_space<vmem>>) semaphore(%arg17 : memref<!tpu.dma_semaphore, #tpu.memory_space<semaphore_mem>>) {add = true}
    %dma_wait3A_228 = arith.constant 0 : i32
    %dma_wait3A_229 = arith.constant 0 : i32
    %dma_wait3A_230 = tpu.memref_slice %arg12[%dma_wait3A_228, %dma_wait3A_229] : memref<10000x128xf32, #tpu.memory_space<vmem_shared>> -> memref<10000x128xf32, #tpu.memory_space<vmem_shared>>
    tpu.wait_indirect_dma semaphore(%arg17 : memref<!tpu.dma_semaphore, #tpu.memory_space<semaphore_mem>>) src(%arg10 : memref<128x128xf32, #tpu.memory_space<vmem>>) dst(%dma_wait3A_230 : memref<10000x128xf32, #tpu.memory_space<vmem_shared>>)
    %add3A_231 = arith.constant 224 : i32
    %add3A_232 = arith.addi %add3A, %add3A_231 : i32
    %mul3A_233 = arith.constant 128 : i32
    %mul3A_234 = arith.muli %add3A_232, %mul3A_233 : i32
    %multiple_of3A_235 = tpu.assume_multiple %mul3A_234, 128 : i32
    %dma_start3A_236 = tpu.memref_slice %arg3[%multiple_of3A_235] : memref<80000xi32, #tpu.memory_space<hbm>> -> memref<128xi32, #tpu.memory_space<hbm>>
    %dma_start3A_237 = tpu.memref_slice %arg3[%multiple_of3A_235] : memref<80000xi32, #tpu.memory_space<hbm>> -> memref<128xi32, #tpu.memory_space<hbm>>
    tpu.enqueue_dma source(%dma_start3A_237 : memref<128xi32, #tpu.memory_space<hbm>>) target(%arg7 : memref<128xi32, #tpu.memory_space<vmem>>) target_semaphore(%arg14 : memref<!tpu.dma_semaphore, #tpu.memory_space<semaphore_mem>>)
    %add3A_238 = arith.constant 224 : i32
    %add3A_239 = arith.addi %add3A, %add3A_238 : i32
    %mul3A_240 = arith.constant 128 : i32
    %mul3A_241 = arith.muli %add3A_239, %mul3A_240 : i32
    %multiple_of3A_242 = tpu.assume_multiple %mul3A_241, 128 : i32
    %dma_start3A_243 = arith.constant 0 : i32
    %dma_start3A_244 = tpu.memref_slice %arg2[%multiple_of3A_242, %dma_start3A_243] : memref<80000x128xf32, #tpu.memory_space<hbm>> -> memref<128x128xf32, #tpu.memory_space<hbm>>
    %dma_start3A_245 = arith.constant 0 : i32
    %dma_start3A_246 = tpu.memref_slice %arg2[%multiple_of3A_242, %dma_start3A_245] : memref<80000x128xf32, #tpu.memory_space<hbm>> -> memref<128x128xf32, #tpu.memory_space<hbm>>
    tpu.enqueue_dma source(%dma_start3A_246 : memref<128x128xf32, #tpu.memory_space<hbm>>) target(%arg10 : memref<128x128xf32, #tpu.memory_space<vmem>>) target_semaphore(%arg14 : memref<!tpu.dma_semaphore, #tpu.memory_space<semaphore_mem>>)
    %add3A_247 = arith.constant 160 : i32
    %add3A_248 = arith.addi %add3A, %add3A_247 : i32
    %mul3A_249 = arith.constant 128 : i32
    %mul3A_250 = arith.muli %add3A_248, %mul3A_249 : i32
    %multiple_of3A_251 = tpu.assume_multiple %mul3A_250, 128 : i32
    %dma_wait3A_252 = tpu.memref_slice %arg3[%multiple_of3A_251] : memref<80000xi32, #tpu.memory_space<hbm>> -> memref<128xi32, #tpu.memory_space<hbm>>
    %dma_wait3A_253 = tpu.memref_slice %arg3[%multiple_of3A_251] : memref<80000xi32, #tpu.memory_space<hbm>> -> memref<128xi32, #tpu.memory_space<hbm>>
    tpu.wait_dma2 semaphore(%arg15 : memref<!tpu.dma_semaphore, #tpu.memory_space<semaphore_mem>>) src(%dma_wait3A_253 : memref<128xi32, #tpu.memory_space<hbm>>) dst(%arg8 : memref<128xi32, #tpu.memory_space<vmem>>)
    %add3A_254 = arith.constant 160 : i32
    %add3A_255 = arith.addi %add3A, %add3A_254 : i32
    %mul3A_256 = arith.constant 128 : i32
    %mul3A_257 = arith.muli %add3A_255, %mul3A_256 : i32
    %multiple_of3A_258 = tpu.assume_multiple %mul3A_257, 128 : i32
    %dma_wait3A_259 = arith.constant 0 : i32
    %dma_wait3A_260 = tpu.memref_slice %arg2[%multiple_of3A_258, %dma_wait3A_259] : memref<80000x128xf32, #tpu.memory_space<hbm>> -> memref<128x128xf32, #tpu.memory_space<hbm>>
    %dma_wait3A_261 = arith.constant 0 : i32
    %dma_wait3A_262 = tpu.memref_slice %arg2[%multiple_of3A_258, %dma_wait3A_261] : memref<80000x128xf32, #tpu.memory_space<hbm>> -> memref<128x128xf32, #tpu.memory_space<hbm>>
    tpu.wait_dma2 semaphore(%arg15 : memref<!tpu.dma_semaphore, #tpu.memory_space<semaphore_mem>>) src(%dma_wait3A_262 : memref<128x128xf32, #tpu.memory_space<hbm>>) dst(%arg11 : memref<128x128xf32, #tpu.memory_space<vmem>>)
    %dma_start3A_263 = arith.constant 0 : i32
    %dma_start3A_264 = arith.constant 0 : i32
    %dma_start3A_265 = tpu.memref_slice %arg12[%dma_start3A_263, %dma_start3A_264] : memref<10000x128xf32, #tpu.memory_space<vmem_shared>> -> memref<10000x128xf32, #tpu.memory_space<vmem_shared>>
    tpu.enqueue_indirect_dma source(%arg11 : memref<128x128xf32, #tpu.memory_space<vmem>>) target(%dma_start3A_265 : memref<10000x128xf32, #tpu.memory_space<vmem_shared>>) offsets(%arg8 : memref<128xi32, #tpu.memory_space<vmem>>) semaphore(%arg18 : memref<!tpu.dma_semaphore, #tpu.memory_space<semaphore_mem>>) {add = true}
    %dma_wait3A_266 = arith.constant 0 : i32
    %dma_wait3A_267 = arith.constant 0 : i32
    %dma_wait3A_268 = tpu.memref_slice %arg12[%dma_wait3A_266, %dma_wait3A_267] : memref<10000x128xf32, #tpu.memory_space<vmem_shared>> -> memref<10000x128xf32, #tpu.memory_space<vmem_shared>>
    tpu.wait_indirect_dma semaphore(%arg18 : memref<!tpu.dma_semaphore, #tpu.memory_space<semaphore_mem>>) src(%arg11 : memref<128x128xf32, #tpu.memory_space<vmem>>) dst(%dma_wait3A_268 : memref<10000x128xf32, #tpu.memory_space<vmem_shared>>)
    %add3A_269 = arith.constant 256 : i32
    %add3A_270 = arith.addi %add3A, %add3A_269 : i32
    %mul3A_271 = arith.constant 128 : i32
    %mul3A_272 = arith.muli %add3A_270, %mul3A_271 : i32
    %multiple_of3A_273 = tpu.assume_multiple %mul3A_272, 128 : i32
    %dma_start3A_274 = tpu.memref_slice %arg3[%multiple_of3A_273] : memref<80000xi32, #tpu.memory_space<hbm>> -> memref<128xi32, #tpu.memory_space<hbm>>
    %dma_start3A_275 = tpu.memref_slice %arg3[%multiple_of3A_273] : memref<80000xi32, #tpu.memory_space<hbm>> -> memref<128xi32, #tpu.memory_space<hbm>>
    tpu.enqueue_dma source(%dma_start3A_275 : memref<128xi32, #tpu.memory_space<hbm>>) target(%arg8 : memref<128xi32, #tpu.memory_space<vmem>>) target_semaphore(%arg15 : memref<!tpu.dma_semaphore, #tpu.memory_space<semaphore_mem>>)
    %add3A_276 = arith.constant 256 : i32
    %add3A_277 = arith.addi %add3A, %add3A_276 : i32
    %mul3A_278 = arith.constant 128 : i32
    %mul3A_279 = arith.muli %add3A_277, %mul3A_278 : i32
    %multiple_of3A_280 = tpu.assume_multiple %mul3A_279, 128 : i32
    %dma_start3A_281 = arith.constant 0 : i32
    %dma_start3A_282 = tpu.memref_slice %arg2[%multiple_of3A_280, %dma_start3A_281] : memref<80000x128xf32, #tpu.memory_space<hbm>> -> memref<128x128xf32, #tpu.memory_space<hbm>>
    %dma_start3A_283 = arith.constant 0 : i32
    %dma_start3A_284 = tpu.memref_slice %arg2[%multiple_of3A_280, %dma_start3A_283] : memref<80000x128xf32, #tpu.memory_space<hbm>> -> memref<128x128xf32, #tpu.memory_space<hbm>>
    tpu.enqueue_dma source(%dma_start3A_284 : memref<128x128xf32, #tpu.memory_space<hbm>>) target(%arg11 : memref<128x128xf32, #tpu.memory_space<vmem>>) target_semaphore(%arg15 : memref<!tpu.dma_semaphore, #tpu.memory_space<semaphore_mem>>)
    %add3A_285 = arith.constant 192 : i32
    %add3A_286 = arith.addi %add3A, %add3A_285 : i32
    %mul3A_287 = arith.constant 128 : i32
    %mul3A_288 = arith.muli %add3A_286, %mul3A_287 : i32
    %multiple_of3A_289 = tpu.assume_multiple %mul3A_288, 128 : i32
    %dma_wait3A_290 = tpu.memref_slice %arg3[%multiple_of3A_289] : memref<80000xi32, #tpu.memory_space<hbm>> -> memref<128xi32, #tpu.memory_space<hbm>>
    %dma_wait3A_291 = tpu.memref_slice %arg3[%multiple_of3A_289] : memref<80000xi32, #tpu.memory_space<hbm>> -> memref<128xi32, #tpu.memory_space<hbm>>
    tpu.wait_dma2 semaphore(%arg13 : memref<!tpu.dma_semaphore, #tpu.memory_space<semaphore_mem>>) src(%dma_wait3A_291 : memref<128xi32, #tpu.memory_space<hbm>>) dst(%arg6 : memref<128xi32, #tpu.memory_space<vmem>>)
    %add3A_292 = arith.constant 192 : i32
    %add3A_293 = arith.addi %add3A, %add3A_292 : i32
    %mul3A_294 = arith.constant 128 : i32
    %mul3A_295 = arith.muli %add3A_293, %mul3A_294 : i32
    %multiple_of3A_296 = tpu.assume_multiple %mul3A_295, 128 : i32
    %dma_wait3A_297 = arith.constant 0 : i32
    %dma_wait3A_298 = tpu.memref_slice %arg2[%multiple_of3A_296, %dma_wait3A_297] : memref<80000x128xf32, #tpu.memory_space<hbm>> -> memref<128x128xf32, #tpu.memory_space<hbm>>
    %dma_wait3A_299 = arith.constant 0 : i32
    %dma_wait3A_300 = tpu.memref_slice %arg2[%multiple_of3A_296, %dma_wait3A_299] : memref<80000x128xf32, #tpu.memory_space<hbm>> -> memref<128x128xf32, #tpu.memory_space<hbm>>
    tpu.wait_dma2 semaphore(%arg13 : memref<!tpu.dma_semaphore, #tpu.memory_space<semaphore_mem>>) src(%dma_wait3A_300 : memref<128x128xf32, #tpu.memory_space<hbm>>) dst(%arg9 : memref<128x128xf32, #tpu.memory_space<vmem>>)
    %dma_start3A_301 = arith.constant 0 : i32
    %dma_start3A_302 = arith.constant 0 : i32
    %dma_start3A_303 = tpu.memref_slice %arg12[%dma_start3A_301, %dma_start3A_302] : memref<10000x128xf32, #tpu.memory_space<vmem_shared>> -> memref<10000x128xf32, #tpu.memory_space<vmem_shared>>
    tpu.enqueue_indirect_dma source(%arg9 : memref<128x128xf32, #tpu.memory_space<vmem>>) target(%dma_start3A_303 : memref<10000x128xf32, #tpu.memory_space<vmem_shared>>) offsets(%arg6 : memref<128xi32, #tpu.memory_space<vmem>>) semaphore(%arg16 : memref<!tpu.dma_semaphore, #tpu.memory_space<semaphore_mem>>) {add = true}
    %dma_wait3A_304 = arith.constant 0 : i32
    %dma_wait3A_305 = arith.constant 0 : i32
    %dma_wait3A_306 = tpu.memref_slice %arg12[%dma_wait3A_304, %dma_wait3A_305] : memref<10000x128xf32, #tpu.memory_space<vmem_shared>> -> memref<10000x128xf32, #tpu.memory_space<vmem_shared>>
    tpu.wait_indirect_dma semaphore(%arg16 : memref<!tpu.dma_semaphore, #tpu.memory_space<semaphore_mem>>) src(%arg9 : memref<128x128xf32, #tpu.memory_space<vmem>>) dst(%dma_wait3A_306 : memref<10000x128xf32, #tpu.memory_space<vmem_shared>>)
    %add3A_307 = arith.constant 288 : i32
    %add3A_308 = arith.addi %add3A, %add3A_307 : i32
    %mul3A_309 = arith.constant 128 : i32
    %mul3A_310 = arith.muli %add3A_308, %mul3A_309 : i32
    %multiple_of3A_311 = tpu.assume_multiple %mul3A_310, 128 : i32
    %dma_start3A_312 = tpu.memref_slice %arg3[%multiple_of3A_311] : memref<80000xi32, #tpu.memory_space<hbm>> -> memref<128xi32, #tpu.memory_space<hbm>>
    %dma_start3A_313 = tpu.memref_slice %arg3[%multiple_of3A_311] : memref<80000xi32, #tpu.memory_space<hbm>> -> memref<128xi32, #tpu.memory_space<hbm>>
    tpu.enqueue_dma source(%dma_start3A_313 : memref<128xi32, #tpu.memory_space<hbm>>) target(%arg6 : memref<128xi32, #tpu.memory_space<vmem>>) target_semaphore(%arg13 : memref<!tpu.dma_semaphore, #tpu.memory_space<semaphore_mem>>)
    %add3A_314 = arith.constant 288 : i32
    %add3A_315 = arith.addi %add3A, %add3A_314 : i32
    %mul3A_316 = arith.constant 128 : i32
    %mul3A_317 = arith.muli %add3A_315, %mul3A_316 : i32
    %multiple_of3A_318 = tpu.assume_multiple %mul3A_317, 128 : i32
    %dma_start3A_319 = arith.constant 0 : i32
    %dma_start3A_320 = tpu.memref_slice %arg2[%multiple_of3A_318, %dma_start3A_319] : memref<80000x128xf32, #tpu.memory_space<hbm>> -> memref<128x128xf32, #tpu.memory_space<hbm>>
    %dma_start3A_321 = arith.constant 0 : i32
    %dma_start3A_322 = tpu.memref_slice %arg2[%multiple_of3A_318, %dma_start3A_321] : memref<80000x128xf32, #tpu.memory_space<hbm>> -> memref<128x128xf32, #tpu.memory_space<hbm>>
    tpu.enqueue_dma source(%dma_start3A_322 : memref<128x128xf32, #tpu.memory_space<hbm>>) target(%arg9 : memref<128x128xf32, #tpu.memory_space<vmem>>) target_semaphore(%arg13 : memref<!tpu.dma_semaphore, #tpu.memory_space<semaphore_mem>>)
    %add3A_323 = arith.constant 224 : i32
    %add3A_324 = arith.addi %add3A, %add3A_323 : i32
    %mul3A_325 = arith.constant 128 : i32
    %mul3A_326 = arith.muli %add3A_324, %mul3A_325 : i32
    %multiple_of3A_327 = tpu.assume_multiple %mul3A_326, 128 : i32
    %dma_wait3A_328 = tpu.memref_slice %arg3[%multiple_of3A_327] : memref<80000xi32, #tpu.memory_space<hbm>> -> memref<128xi32, #tpu.memory_space<hbm>>
    %dma_wait3A_329 = tpu.memref_slice %arg3[%multiple_of3A_327] : memref<80000xi32, #tpu.memory_space<hbm>> -> memref<128xi32, #tpu.memory_space<hbm>>
    tpu.wait_dma2 semaphore(%arg14 : memref<!tpu.dma_semaphore, #tpu.memory_space<semaphore_mem>>) src(%dma_wait3A_329 : memref<128xi32, #tpu.memory_space<hbm>>) dst(%arg7 : memref<128xi32, #tpu.memory_space<vmem>>)
    %add3A_330 = arith.constant 224 : i32
    %add3A_331 = arith.addi %add3A, %add3A_330 : i32
    %mul3A_332 = arith.constant 128 : i32
    %mul3A_333 = arith.muli %add3A_331, %mul3A_332 : i32
    %multiple_of3A_334 = tpu.assume_multiple %mul3A_333, 128 : i32
    %dma_wait3A_335 = arith.constant 0 : i32
    %dma_wait3A_336 = tpu.memref_slice %arg2[%multiple_of3A_334, %dma_wait3A_335] : memref<80000x128xf32, #tpu.memory_space<hbm>> -> memref<128x128xf32, #tpu.memory_space<hbm>>
    %dma_wait3A_337 = arith.constant 0 : i32
    %dma_wait3A_338 = tpu.memref_slice %arg2[%multiple_of3A_334, %dma_wait3A_337] : memref<80000x128xf32, #tpu.memory_space<hbm>> -> memref<128x128xf32, #tpu.memory_space<hbm>>
    tpu.wait_dma2 semaphore(%arg14 : memref<!tpu.dma_semaphore, #tpu.memory_space<semaphore_mem>>) src(%dma_wait3A_338 : memref<128x128xf32, #tpu.memory_space<hbm>>) dst(%arg10 : memref<128x128xf32, #tpu.memory_space<vmem>>)
    %dma_start3A_339 = arith.constant 0 : i32
    %dma_start3A_340 = arith.constant 0 : i32
    %dma_start3A_341 = tpu.memref_slice %arg12[%dma_start3A_339, %dma_start3A_340] : memref<10000x128xf32, #tpu.memory_space<vmem_shared>> -> memref<10000x128xf32, #tpu.memory_space<vmem_shared>>
    tpu.enqueue_indirect_dma source(%arg10 : memref<128x128xf32, #tpu.memory_space<vmem>>) target(%dma_start3A_341 : memref<10000x128xf32, #tpu.memory_space<vmem_shared>>) offsets(%arg7 : memref<128xi32, #tpu.memory_space<vmem>>) semaphore(%arg17 : memref<!tpu.dma_semaphore, #tpu.memory_space<semaphore_mem>>) {add = true}
    %dma_wait3A_342 = arith.constant 0 : i32
    %dma_wait3A_343 = arith.constant 0 : i32
    %dma_wait3A_344 = tpu.memref_slice %arg12[%dma_wait3A_342, %dma_wait3A_343] : memref<10000x128xf32, #tpu.memory_space<vmem_shared>> -> memref<10000x128xf32, #tpu.memory_space<vmem_shared>>
    tpu.wait_indirect_dma semaphore(%arg17 : memref<!tpu.dma_semaphore, #tpu.memory_space<semaphore_mem>>) src(%arg10 : memref<128x128xf32, #tpu.memory_space<vmem>>) dst(%dma_wait3A_344 : memref<10000x128xf32, #tpu.memory_space<vmem_shared>>)
    %add3A_345 = arith.constant 320 : i32
    %add3A_346 = arith.addi %add3A, %add3A_345 : i32
    %mul3A_347 = arith.constant 128 : i32
    %mul3A_348 = arith.muli %add3A_346, %mul3A_347 : i32
    %multiple_of3A_349 = tpu.assume_multiple %mul3A_348, 128 : i32
    %dma_start3A_350 = tpu.memref_slice %arg3[%multiple_of3A_349] : memref<80000xi32, #tpu.memory_space<hbm>> -> memref<128xi32, #tpu.memory_space<hbm>>
    %dma_start3A_351 = tpu.memref_slice %arg3[%multiple_of3A_349] : memref<80000xi32, #tpu.memory_space<hbm>> -> memref<128xi32, #tpu.memory_space<hbm>>
    tpu.enqueue_dma source(%dma_start3A_351 : memref<128xi32, #tpu.memory_space<hbm>>) target(%arg7 : memref<128xi32, #tpu.memory_space<vmem>>) target_semaphore(%arg14 : memref<!tpu.dma_semaphore, #tpu.memory_space<semaphore_mem>>)
    %add3A_352 = arith.constant 320 : i32
    %add3A_353 = arith.addi %add3A, %add3A_352 : i32
    %mul3A_354 = arith.constant 128 : i32
    %mul3A_355 = arith.muli %add3A_353, %mul3A_354 : i32
    %multiple_of3A_356 = tpu.assume_multiple %mul3A_355, 128 : i32
    %dma_start3A_357 = arith.constant 0 : i32
    %dma_start3A_358 = tpu.memref_slice %arg2[%multiple_of3A_356, %dma_start3A_357] : memref<80000x128xf32, #tpu.memory_space<hbm>> -> memref<128x128xf32, #tpu.memory_space<hbm>>
    %dma_start3A_359 = arith.constant 0 : i32
    %dma_start3A_360 = tpu.memref_slice %arg2[%multiple_of3A_356, %dma_start3A_359] : memref<80000x128xf32, #tpu.memory_space<hbm>> -> memref<128x128xf32, #tpu.memory_space<hbm>>
    tpu.enqueue_dma source(%dma_start3A_360 : memref<128x128xf32, #tpu.memory_space<hbm>>) target(%arg10 : memref<128x128xf32, #tpu.memory_space<vmem>>) target_semaphore(%arg14 : memref<!tpu.dma_semaphore, #tpu.memory_space<semaphore_mem>>)
    %add3A_361 = arith.constant 256 : i32
    %add3A_362 = arith.addi %add3A, %add3A_361 : i32
    %mul3A_363 = arith.constant 128 : i32
    %mul3A_364 = arith.muli %add3A_362, %mul3A_363 : i32
    %multiple_of3A_365 = tpu.assume_multiple %mul3A_364, 128 : i32
    %dma_wait3A_366 = tpu.memref_slice %arg3[%multiple_of3A_365] : memref<80000xi32, #tpu.memory_space<hbm>> -> memref<128xi32, #tpu.memory_space<hbm>>
    %dma_wait3A_367 = tpu.memref_slice %arg3[%multiple_of3A_365] : memref<80000xi32, #tpu.memory_space<hbm>> -> memref<128xi32, #tpu.memory_space<hbm>>
    tpu.wait_dma2 semaphore(%arg15 : memref<!tpu.dma_semaphore, #tpu.memory_space<semaphore_mem>>) src(%dma_wait3A_367 : memref<128xi32, #tpu.memory_space<hbm>>) dst(%arg8 : memref<128xi32, #tpu.memory_space<vmem>>)
    %add3A_368 = arith.constant 256 : i32
    %add3A_369 = arith.addi %add3A, %add3A_368 : i32
    %mul3A_370 = arith.constant 128 : i32
    %mul3A_371 = arith.muli %add3A_369, %mul3A_370 : i32
    %multiple_of3A_372 = tpu.assume_multiple %mul3A_371, 128 : i32
    %dma_wait3A_373 = arith.constant 0 : i32
    %dma_wait3A_374 = tpu.memref_slice %arg2[%multiple_of3A_372, %dma_wait3A_373] : memref<80000x128xf32, #tpu.memory_space<hbm>> -> memref<128x128xf32, #tpu.memory_space<hbm>>
    %dma_wait3A_375 = arith.constant 0 : i32
    %dma_wait3A_376 = tpu.memref_slice %arg2[%multiple_of3A_372, %dma_wait3A_375] : memref<80000x128xf32, #tpu.memory_space<hbm>> -> memref<128x128xf32, #tpu.memory_space<hbm>>
    tpu.wait_dma2 semaphore(%arg15 : memref<!tpu.dma_semaphore, #tpu.memory_space<semaphore_mem>>) src(%dma_wait3A_376 : memref<128x128xf32, #tpu.memory_space<hbm>>) dst(%arg11 : memref<128x128xf32, #tpu.memory_space<vmem>>)
    %dma_start3A_377 = arith.constant 0 : i32
    %dma_start3A_378 = arith.constant 0 : i32
    %dma_start3A_379 = tpu.memref_slice %arg12[%dma_start3A_377, %dma_start3A_378] : memref<10000x128xf32, #tpu.memory_space<vmem_shared>> -> memref<10000x128xf32, #tpu.memory_space<vmem_shared>>
    tpu.enqueue_indirect_dma source(%arg11 : memref<128x128xf32, #tpu.memory_space<vmem>>) target(%dma_start3A_379 : memref<10000x128xf32, #tpu.memory_space<vmem_shared>>) offsets(%arg8 : memref<128xi32, #tpu.memory_space<vmem>>) semaphore(%arg18 : memref<!tpu.dma_semaphore, #tpu.memory_space<semaphore_mem>>) {add = true}
    %dma_wait3A_380 = arith.constant 0 : i32
    %dma_wait3A_381 = arith.constant 0 : i32
    %dma_wait3A_382 = tpu.memref_slice %arg12[%dma_wait3A_380, %dma_wait3A_381] : memref<10000x128xf32, #tpu.memory_space<vmem_shared>> -> memref<10000x128xf32, #tpu.memory_space<vmem_shared>>
    tpu.wait_indirect_dma semaphore(%arg18 : memref<!tpu.dma_semaphore, #tpu.memory_space<semaphore_mem>>) src(%arg11 : memref<128x128xf32, #tpu.memory_space<vmem>>) dst(%dma_wait3A_382 : memref<10000x128xf32, #tpu.memory_space<vmem_shared>>)
    %add3A_383 = arith.constant 352 : i32
    %add3A_384 = arith.addi %add3A, %add3A_383 : i32
    %mul3A_385 = arith.constant 128 : i32
    %mul3A_386 = arith.muli %add3A_384, %mul3A_385 : i32
    %multiple_of3A_387 = tpu.assume_multiple %mul3A_386, 128 : i32
    %dma_start3A_388 = tpu.memref_slice %arg3[%multiple_of3A_387] : memref<80000xi32, #tpu.memory_space<hbm>> -> memref<128xi32, #tpu.memory_space<hbm>>
    %dma_start3A_389 = tpu.memref_slice %arg3[%multiple_of3A_387] : memref<80000xi32, #tpu.memory_space<hbm>> -> memref<128xi32, #tpu.memory_space<hbm>>
    tpu.enqueue_dma source(%dma_start3A_389 : memref<128xi32, #tpu.memory_space<hbm>>) target(%arg8 : memref<128xi32, #tpu.memory_space<vmem>>) target_semaphore(%arg15 : memref<!tpu.dma_semaphore, #tpu.memory_space<semaphore_mem>>)
    %add3A_390 = arith.constant 352 : i32
    %add3A_391 = arith.addi %add3A, %add3A_390 : i32
    %mul3A_392 = arith.constant 128 : i32
    %mul3A_393 = arith.muli %add3A_391, %mul3A_392 : i32
    %multiple_of3A_394 = tpu.assume_multiple %mul3A_393, 128 : i32
    %dma_start3A_395 = arith.constant 0 : i32
    %dma_start3A_396 = tpu.memref_slice %arg2[%multiple_of3A_394, %dma_start3A_395] : memref<80000x128xf32, #tpu.memory_space<hbm>> -> memref<128x128xf32, #tpu.memory_space<hbm>>
    %dma_start3A_397 = arith.constant 0 : i32
    %dma_start3A_398 = tpu.memref_slice %arg2[%multiple_of3A_394, %dma_start3A_397] : memref<80000x128xf32, #tpu.memory_space<hbm>> -> memref<128x128xf32, #tpu.memory_space<hbm>>
    tpu.enqueue_dma source(%dma_start3A_398 : memref<128x128xf32, #tpu.memory_space<hbm>>) target(%arg11 : memref<128x128xf32, #tpu.memory_space<vmem>>) target_semaphore(%arg15 : memref<!tpu.dma_semaphore, #tpu.memory_space<semaphore_mem>>)
    %add3A_399 = arith.constant 288 : i32
    %add3A_400 = arith.addi %add3A, %add3A_399 : i32
    %mul3A_401 = arith.constant 128 : i32
    %mul3A_402 = arith.muli %add3A_400, %mul3A_401 : i32
    %multiple_of3A_403 = tpu.assume_multiple %mul3A_402, 128 : i32
    %dma_wait3A_404 = tpu.memref_slice %arg3[%multiple_of3A_403] : memref<80000xi32, #tpu.memory_space<hbm>> -> memref<128xi32, #tpu.memory_space<hbm>>
    %dma_wait3A_405 = tpu.memref_slice %arg3[%multiple_of3A_403] : memref<80000xi32, #tpu.memory_space<hbm>> -> memref<128xi32, #tpu.memory_space<hbm>>
    tpu.wait_dma2 semaphore(%arg13 : memref<!tpu.dma_semaphore, #tpu.memory_space<semaphore_mem>>) src(%dma_wait3A_405 : memref<128xi32, #tpu.memory_space<hbm>>) dst(%arg6 : memref<128xi32, #tpu.memory_space<vmem>>)
    %add3A_406 = arith.constant 288 : i32
    %add3A_407 = arith.addi %add3A, %add3A_406 : i32
    %mul3A_408 = arith.constant 128 : i32
    %mul3A_409 = arith.muli %add3A_407, %mul3A_408 : i32
    %multiple_of3A_410 = tpu.assume_multiple %mul3A_409, 128 : i32
    %dma_wait3A_411 = arith.constant 0 : i32
    %dma_wait3A_412 = tpu.memref_slice %arg2[%multiple_of3A_410, %dma_wait3A_411] : memref<80000x128xf32, #tpu.memory_space<hbm>> -> memref<128x128xf32, #tpu.memory_space<hbm>>
    %dma_wait3A_413 = arith.constant 0 : i32
    %dma_wait3A_414 = tpu.memref_slice %arg2[%multiple_of3A_410, %dma_wait3A_413] : memref<80000x128xf32, #tpu.memory_space<hbm>> -> memref<128x128xf32, #tpu.memory_space<hbm>>
    tpu.wait_dma2 semaphore(%arg13 : memref<!tpu.dma_semaphore, #tpu.memory_space<semaphore_mem>>) src(%dma_wait3A_414 : memref<128x128xf32, #tpu.memory_space<hbm>>) dst(%arg9 : memref<128x128xf32, #tpu.memory_space<vmem>>)
    %dma_start3A_415 = arith.constant 0 : i32
    %dma_start3A_416 = arith.constant 0 : i32
    %dma_start3A_417 = tpu.memref_slice %arg12[%dma_start3A_415, %dma_start3A_416] : memref<10000x128xf32, #tpu.memory_space<vmem_shared>> -> memref<10000x128xf32, #tpu.memory_space<vmem_shared>>
    tpu.enqueue_indirect_dma source(%arg9 : memref<128x128xf32, #tpu.memory_space<vmem>>) target(%dma_start3A_417 : memref<10000x128xf32, #tpu.memory_space<vmem_shared>>) offsets(%arg6 : memref<128xi32, #tpu.memory_space<vmem>>) semaphore(%arg16 : memref<!tpu.dma_semaphore, #tpu.memory_space<semaphore_mem>>) {add = true}
    %dma_wait3A_418 = arith.constant 0 : i32
    %dma_wait3A_419 = arith.constant 0 : i32
    %dma_wait3A_420 = tpu.memref_slice %arg12[%dma_wait3A_418, %dma_wait3A_419] : memref<10000x128xf32, #tpu.memory_space<vmem_shared>> -> memref<10000x128xf32, #tpu.memory_space<vmem_shared>>
    tpu.wait_indirect_dma semaphore(%arg16 : memref<!tpu.dma_semaphore, #tpu.memory_space<semaphore_mem>>) src(%arg9 : memref<128x128xf32, #tpu.memory_space<vmem>>) dst(%dma_wait3A_420 : memref<10000x128xf32, #tpu.memory_space<vmem_shared>>)
    %add3A_421 = arith.constant 384 : i32
    %add3A_422 = arith.addi %add3A, %add3A_421 : i32
    %mul3A_423 = arith.constant 128 : i32
    %mul3A_424 = arith.muli %add3A_422, %mul3A_423 : i32
    %multiple_of3A_425 = tpu.assume_multiple %mul3A_424, 128 : i32
    %dma_start3A_426 = tpu.memref_slice %arg3[%multiple_of3A_425] : memref<80000xi32, #tpu.memory_space<hbm>> -> memref<128xi32, #tpu.memory_space<hbm>>
    %dma_start3A_427 = tpu.memref_slice %arg3[%multiple_of3A_425] : memref<80000xi32, #tpu.memory_space<hbm>> -> memref<128xi32, #tpu.memory_space<hbm>>
    tpu.enqueue_dma source(%dma_start3A_427 : memref<128xi32, #tpu.memory_space<hbm>>) target(%arg6 : memref<128xi32, #tpu.memory_space<vmem>>) target_semaphore(%arg13 : memref<!tpu.dma_semaphore, #tpu.memory_space<semaphore_mem>>)
    %add3A_428 = arith.constant 384 : i32
    %add3A_429 = arith.addi %add3A, %add3A_428 : i32
    %mul3A_430 = arith.constant 128 : i32
    %mul3A_431 = arith.muli %add3A_429, %mul3A_430 : i32
    %multiple_of3A_432 = tpu.assume_multiple %mul3A_431, 128 : i32
    %dma_start3A_433 = arith.constant 0 : i32
    %dma_start3A_434 = tpu.memref_slice %arg2[%multiple_of3A_432, %dma_start3A_433] : memref<80000x128xf32, #tpu.memory_space<hbm>> -> memref<128x128xf32, #tpu.memory_space<hbm>>
    %dma_start3A_435 = arith.constant 0 : i32
    %dma_start3A_436 = tpu.memref_slice %arg2[%multiple_of3A_432, %dma_start3A_435] : memref<80000x128xf32, #tpu.memory_space<hbm>> -> memref<128x128xf32, #tpu.memory_space<hbm>>
    tpu.enqueue_dma source(%dma_start3A_436 : memref<128x128xf32, #tpu.memory_space<hbm>>) target(%arg9 : memref<128x128xf32, #tpu.memory_space<vmem>>) target_semaphore(%arg13 : memref<!tpu.dma_semaphore, #tpu.memory_space<semaphore_mem>>)
    %add3A_437 = arith.constant 320 : i32
    %add3A_438 = arith.addi %add3A, %add3A_437 : i32
    %mul3A_439 = arith.constant 128 : i32
    %mul3A_440 = arith.muli %add3A_438, %mul3A_439 : i32
    %multiple_of3A_441 = tpu.assume_multiple %mul3A_440, 128 : i32
    %dma_wait3A_442 = tpu.memref_slice %arg3[%multiple_of3A_441] : memref<80000xi32, #tpu.memory_space<hbm>> -> memref<128xi32, #tpu.memory_space<hbm>>
    %dma_wait3A_443 = tpu.memref_slice %arg3[%multiple_of3A_441] : memref<80000xi32, #tpu.memory_space<hbm>> -> memref<128xi32, #tpu.memory_space<hbm>>
    tpu.wait_dma2 semaphore(%arg14 : memref<!tpu.dma_semaphore, #tpu.memory_space<semaphore_mem>>) src(%dma_wait3A_443 : memref<128xi32, #tpu.memory_space<hbm>>) dst(%arg7 : memref<128xi32, #tpu.memory_space<vmem>>)
    %add3A_444 = arith.constant 320 : i32
    %add3A_445 = arith.addi %add3A, %add3A_444 : i32
    %mul3A_446 = arith.constant 128 : i32
    %mul3A_447 = arith.muli %add3A_445, %mul3A_446 : i32
    %multiple_of3A_448 = tpu.assume_multiple %mul3A_447, 128 : i32
    %dma_wait3A_449 = arith.constant 0 : i32
    %dma_wait3A_450 = tpu.memref_slice %arg2[%multiple_of3A_448, %dma_wait3A_449] : memref<80000x128xf32, #tpu.memory_space<hbm>> -> memref<128x128xf32, #tpu.memory_space<hbm>>
    %dma_wait3A_451 = arith.constant 0 : i32
    %dma_wait3A_452 = tpu.memref_slice %arg2[%multiple_of3A_448, %dma_wait3A_451] : memref<80000x128xf32, #tpu.memory_space<hbm>> -> memref<128x128xf32, #tpu.memory_space<hbm>>
    tpu.wait_dma2 semaphore(%arg14 : memref<!tpu.dma_semaphore, #tpu.memory_space<semaphore_mem>>) src(%dma_wait3A_452 : memref<128x128xf32, #tpu.memory_space<hbm>>) dst(%arg10 : memref<128x128xf32, #tpu.memory_space<vmem>>)
    %dma_start3A_453 = arith.constant 0 : i32
    %dma_start3A_454 = arith.constant 0 : i32
    %dma_start3A_455 = tpu.memref_slice %arg12[%dma_start3A_453, %dma_start3A_454] : memref<10000x128xf32, #tpu.memory_space<vmem_shared>> -> memref<10000x128xf32, #tpu.memory_space<vmem_shared>>
    tpu.enqueue_indirect_dma source(%arg10 : memref<128x128xf32, #tpu.memory_space<vmem>>) target(%dma_start3A_455 : memref<10000x128xf32, #tpu.memory_space<vmem_shared>>) offsets(%arg7 : memref<128xi32, #tpu.memory_space<vmem>>) semaphore(%arg17 : memref<!tpu.dma_semaphore, #tpu.memory_space<semaphore_mem>>) {add = true}
    %dma_wait3A_456 = arith.constant 0 : i32
    %dma_wait3A_457 = arith.constant 0 : i32
    %dma_wait3A_458 = tpu.memref_slice %arg12[%dma_wait3A_456, %dma_wait3A_457] : memref<10000x128xf32, #tpu.memory_space<vmem_shared>> -> memref<10000x128xf32, #tpu.memory_space<vmem_shared>>
    tpu.wait_indirect_dma semaphore(%arg17 : memref<!tpu.dma_semaphore, #tpu.memory_space<semaphore_mem>>) src(%arg10 : memref<128x128xf32, #tpu.memory_space<vmem>>) dst(%dma_wait3A_458 : memref<10000x128xf32, #tpu.memory_space<vmem_shared>>)
    %add3A_459 = arith.constant 416 : i32
    %add3A_460 = arith.addi %add3A, %add3A_459 : i32
    %mul3A_461 = arith.constant 128 : i32
    %mul3A_462 = arith.muli %add3A_460, %mul3A_461 : i32
    %multiple_of3A_463 = tpu.assume_multiple %mul3A_462, 128 : i32
    %dma_start3A_464 = tpu.memref_slice %arg3[%multiple_of3A_463] : memref<80000xi32, #tpu.memory_space<hbm>> -> memref<128xi32, #tpu.memory_space<hbm>>
    %dma_start3A_465 = tpu.memref_slice %arg3[%multiple_of3A_463] : memref<80000xi32, #tpu.memory_space<hbm>> -> memref<128xi32, #tpu.memory_space<hbm>>
    tpu.enqueue_dma source(%dma_start3A_465 : memref<128xi32, #tpu.memory_space<hbm>>) target(%arg7 : memref<128xi32, #tpu.memory_space<vmem>>) target_semaphore(%arg14 : memref<!tpu.dma_semaphore, #tpu.memory_space<semaphore_mem>>)
    %add3A_466 = arith.constant 416 : i32
    %add3A_467 = arith.addi %add3A, %add3A_466 : i32
    %mul3A_468 = arith.constant 128 : i32
    %mul3A_469 = arith.muli %add3A_467, %mul3A_468 : i32
    %multiple_of3A_470 = tpu.assume_multiple %mul3A_469, 128 : i32
    %dma_start3A_471 = arith.constant 0 : i32
    %dma_start3A_472 = tpu.memref_slice %arg2[%multiple_of3A_470, %dma_start3A_471] : memref<80000x128xf32, #tpu.memory_space<hbm>> -> memref<128x128xf32, #tpu.memory_space<hbm>>
    %dma_start3A_473 = arith.constant 0 : i32
    %dma_start3A_474 = tpu.memref_slice %arg2[%multiple_of3A_470, %dma_start3A_473] : memref<80000x128xf32, #tpu.memory_space<hbm>> -> memref<128x128xf32, #tpu.memory_space<hbm>>
    tpu.enqueue_dma source(%dma_start3A_474 : memref<128x128xf32, #tpu.memory_space<hbm>>) target(%arg10 : memref<128x128xf32, #tpu.memory_space<vmem>>) target_semaphore(%arg14 : memref<!tpu.dma_semaphore, #tpu.memory_space<semaphore_mem>>)
    %add3A_475 = arith.constant 352 : i32
    %add3A_476 = arith.addi %add3A, %add3A_475 : i32
    %mul3A_477 = arith.constant 128 : i32
    %mul3A_478 = arith.muli %add3A_476, %mul3A_477 : i32
    %multiple_of3A_479 = tpu.assume_multiple %mul3A_478, 128 : i32
    %dma_wait3A_480 = tpu.memref_slice %arg3[%multiple_of3A_479] : memref<80000xi32, #tpu.memory_space<hbm>> -> memref<128xi32, #tpu.memory_space<hbm>>
    %dma_wait3A_481 = tpu.memref_slice %arg3[%multiple_of3A_479] : memref<80000xi32, #tpu.memory_space<hbm>> -> memref<128xi32, #tpu.memory_space<hbm>>
    tpu.wait_dma2 semaphore(%arg15 : memref<!tpu.dma_semaphore, #tpu.memory_space<semaphore_mem>>) src(%dma_wait3A_481 : memref<128xi32, #tpu.memory_space<hbm>>) dst(%arg8 : memref<128xi32, #tpu.memory_space<vmem>>)
    %add3A_482 = arith.constant 352 : i32
    %add3A_483 = arith.addi %add3A, %add3A_482 : i32
    %mul3A_484 = arith.constant 128 : i32
    %mul3A_485 = arith.muli %add3A_483, %mul3A_484 : i32
    %multiple_of3A_486 = tpu.assume_multiple %mul3A_485, 128 : i32
    %dma_wait3A_487 = arith.constant 0 : i32
    %dma_wait3A_488 = tpu.memref_slice %arg2[%multiple_of3A_486, %dma_wait3A_487] : memref<80000x128xf32, #tpu.memory_space<hbm>> -> memref<128x128xf32, #tpu.memory_space<hbm>>
    %dma_wait3A_489 = arith.constant 0 : i32
    %dma_wait3A_490 = tpu.memref_slice %arg2[%multiple_of3A_486, %dma_wait3A_489] : memref<80000x128xf32, #tpu.memory_space<hbm>> -> memref<128x128xf32, #tpu.memory_space<hbm>>
    tpu.wait_dma2 semaphore(%arg15 : memref<!tpu.dma_semaphore, #tpu.memory_space<semaphore_mem>>) src(%dma_wait3A_490 : memref<128x128xf32, #tpu.memory_space<hbm>>) dst(%arg11 : memref<128x128xf32, #tpu.memory_space<vmem>>)
    %dma_start3A_491 = arith.constant 0 : i32
    %dma_start3A_492 = arith.constant 0 : i32
    %dma_start3A_493 = tpu.memref_slice %arg12[%dma_start3A_491, %dma_start3A_492] : memref<10000x128xf32, #tpu.memory_space<vmem_shared>> -> memref<10000x128xf32, #tpu.memory_space<vmem_shared>>
    tpu.enqueue_indirect_dma source(%arg11 : memref<128x128xf32, #tpu.memory_space<vmem>>) target(%dma_start3A_493 : memref<10000x128xf32, #tpu.memory_space<vmem_shared>>) offsets(%arg8 : memref<128xi32, #tpu.memory_space<vmem>>) semaphore(%arg18 : memref<!tpu.dma_semaphore, #tpu.memory_space<semaphore_mem>>) {add = true}
    %dma_wait3A_494 = arith.constant 0 : i32
    %dma_wait3A_495 = arith.constant 0 : i32
    %dma_wait3A_496 = tpu.memref_slice %arg12[%dma_wait3A_494, %dma_wait3A_495] : memref<10000x128xf32, #tpu.memory_space<vmem_shared>> -> memref<10000x128xf32, #tpu.memory_space<vmem_shared>>
    tpu.wait_indirect_dma semaphore(%arg18 : memref<!tpu.dma_semaphore, #tpu.memory_space<semaphore_mem>>) src(%arg11 : memref<128x128xf32, #tpu.memory_space<vmem>>) dst(%dma_wait3A_496 : memref<10000x128xf32, #tpu.memory_space<vmem_shared>>)
    %add3A_497 = arith.constant 448 : i32
    %add3A_498 = arith.addi %add3A, %add3A_497 : i32
    %mul3A_499 = arith.constant 128 : i32
    %mul3A_500 = arith.muli %add3A_498, %mul3A_499 : i32
    %multiple_of3A_501 = tpu.assume_multiple %mul3A_500, 128 : i32
    %dma_start3A_502 = tpu.memref_slice %arg3[%multiple_of3A_501] : memref<80000xi32, #tpu.memory_space<hbm>> -> memref<128xi32, #tpu.memory_space<hbm>>
    %dma_start3A_503 = tpu.memref_slice %arg3[%multiple_of3A_501] : memref<80000xi32, #tpu.memory_space<hbm>> -> memref<128xi32, #tpu.memory_space<hbm>>
    tpu.enqueue_dma source(%dma_start3A_503 : memref<128xi32, #tpu.memory_space<hbm>>) target(%arg8 : memref<128xi32, #tpu.memory_space<vmem>>) target_semaphore(%arg15 : memref<!tpu.dma_semaphore, #tpu.memory_space<semaphore_mem>>)
    %add3A_504 = arith.constant 448 : i32
    %add3A_505 = arith.addi %add3A, %add3A_504 : i32
    %mul3A_506 = arith.constant 128 : i32
    %mul3A_507 = arith.muli %add3A_505, %mul3A_506 : i32
    %multiple_of3A_508 = tpu.assume_multiple %mul3A_507, 128 : i32
    %dma_start3A_509 = arith.constant 0 : i32
    %dma_start3A_510 = tpu.memref_slice %arg2[%multiple_of3A_508, %dma_start3A_509] : memref<80000x128xf32, #tpu.memory_space<hbm>> -> memref<128x128xf32, #tpu.memory_space<hbm>>
    %dma_start3A_511 = arith.constant 0 : i32
    %dma_start3A_512 = tpu.memref_slice %arg2[%multiple_of3A_508, %dma_start3A_511] : memref<80000x128xf32, #tpu.memory_space<hbm>> -> memref<128x128xf32, #tpu.memory_space<hbm>>
    tpu.enqueue_dma source(%dma_start3A_512 : memref<128x128xf32, #tpu.memory_space<hbm>>) target(%arg11 : memref<128x128xf32, #tpu.memory_space<vmem>>) target_semaphore(%arg15 : memref<!tpu.dma_semaphore, #tpu.memory_space<semaphore_mem>>)
    %add3A_513 = arith.constant 384 : i32
    %add3A_514 = arith.addi %add3A, %add3A_513 : i32
    %mul3A_515 = arith.constant 128 : i32
    %mul3A_516 = arith.muli %add3A_514, %mul3A_515 : i32
    %multiple_of3A_517 = tpu.assume_multiple %mul3A_516, 128 : i32
    %dma_wait3A_518 = tpu.memref_slice %arg3[%multiple_of3A_517] : memref<80000xi32, #tpu.memory_space<hbm>> -> memref<128xi32, #tpu.memory_space<hbm>>
    %dma_wait3A_519 = tpu.memref_slice %arg3[%multiple_of3A_517] : memref<80000xi32, #tpu.memory_space<hbm>> -> memref<128xi32, #tpu.memory_space<hbm>>
    tpu.wait_dma2 semaphore(%arg13 : memref<!tpu.dma_semaphore, #tpu.memory_space<semaphore_mem>>) src(%dma_wait3A_519 : memref<128xi32, #tpu.memory_space<hbm>>) dst(%arg6 : memref<128xi32, #tpu.memory_space<vmem>>)
    %add3A_520 = arith.constant 384 : i32
    %add3A_521 = arith.addi %add3A, %add3A_520 : i32
    %mul3A_522 = arith.constant 128 : i32
    %mul3A_523 = arith.muli %add3A_521, %mul3A_522 : i32
    %multiple_of3A_524 = tpu.assume_multiple %mul3A_523, 128 : i32
    %dma_wait3A_525 = arith.constant 0 : i32
    %dma_wait3A_526 = tpu.memref_slice %arg2[%multiple_of3A_524, %dma_wait3A_525] : memref<80000x128xf32, #tpu.memory_space<hbm>> -> memref<128x128xf32, #tpu.memory_space<hbm>>
    %dma_wait3A_527 = arith.constant 0 : i32
    %dma_wait3A_528 = tpu.memref_slice %arg2[%multiple_of3A_524, %dma_wait3A_527] : memref<80000x128xf32, #tpu.memory_space<hbm>> -> memref<128x128xf32, #tpu.memory_space<hbm>>
    tpu.wait_dma2 semaphore(%arg13 : memref<!tpu.dma_semaphore, #tpu.memory_space<semaphore_mem>>) src(%dma_wait3A_528 : memref<128x128xf32, #tpu.memory_space<hbm>>) dst(%arg9 : memref<128x128xf32, #tpu.memory_space<vmem>>)
    %dma_start3A_529 = arith.constant 0 : i32
    %dma_start3A_530 = arith.constant 0 : i32
    %dma_start3A_531 = tpu.memref_slice %arg12[%dma_start3A_529, %dma_start3A_530] : memref<10000x128xf32, #tpu.memory_space<vmem_shared>> -> memref<10000x128xf32, #tpu.memory_space<vmem_shared>>
    tpu.enqueue_indirect_dma source(%arg9 : memref<128x128xf32, #tpu.memory_space<vmem>>) target(%dma_start3A_531 : memref<10000x128xf32, #tpu.memory_space<vmem_shared>>) offsets(%arg6 : memref<128xi32, #tpu.memory_space<vmem>>) semaphore(%arg16 : memref<!tpu.dma_semaphore, #tpu.memory_space<semaphore_mem>>) {add = true}
    %dma_wait3A_532 = arith.constant 0 : i32
    %dma_wait3A_533 = arith.constant 0 : i32
    %dma_wait3A_534 = tpu.memref_slice %arg12[%dma_wait3A_532, %dma_wait3A_533] : memref<10000x128xf32, #tpu.memory_space<vmem_shared>> -> memref<10000x128xf32, #tpu.memory_space<vmem_shared>>
    tpu.wait_indirect_dma semaphore(%arg16 : memref<!tpu.dma_semaphore, #tpu.memory_space<semaphore_mem>>) src(%arg9 : memref<128x128xf32, #tpu.memory_space<vmem>>) dst(%dma_wait3A_534 : memref<10000x128xf32, #tpu.memory_space<vmem_shared>>)
    %add3A_535 = arith.constant 480 : i32
    %add3A_536 = arith.addi %add3A, %add3A_535 : i32
    %mul3A_537 = arith.constant 128 : i32
    %mul3A_538 = arith.muli %add3A_536, %mul3A_537 : i32
    %multiple_of3A_539 = tpu.assume_multiple %mul3A_538, 128 : i32
    %dma_start3A_540 = tpu.memref_slice %arg3[%multiple_of3A_539] : memref<80000xi32, #tpu.memory_space<hbm>> -> memref<128xi32, #tpu.memory_space<hbm>>
    %dma_start3A_541 = tpu.memref_slice %arg3[%multiple_of3A_539] : memref<80000xi32, #tpu.memory_space<hbm>> -> memref<128xi32, #tpu.memory_space<hbm>>
    tpu.enqueue_dma source(%dma_start3A_541 : memref<128xi32, #tpu.memory_space<hbm>>) target(%arg6 : memref<128xi32, #tpu.memory_space<vmem>>) target_semaphore(%arg13 : memref<!tpu.dma_semaphore, #tpu.memory_space<semaphore_mem>>)
    %add3A_542 = arith.constant 480 : i32
    %add3A_543 = arith.addi %add3A, %add3A_542 : i32
    %mul3A_544 = arith.constant 128 : i32
    %mul3A_545 = arith.muli %add3A_543, %mul3A_544 : i32
    %multiple_of3A_546 = tpu.assume_multiple %mul3A_545, 128 : i32
    %dma_start3A_547 = arith.constant 0 : i32
    %dma_start3A_548 = tpu.memref_slice %arg2[%multiple_of3A_546, %dma_start3A_547] : memref<80000x128xf32, #tpu.memory_space<hbm>> -> memref<128x128xf32, #tpu.memory_space<hbm>>
    %dma_start3A_549 = arith.constant 0 : i32
    %dma_start3A_550 = tpu.memref_slice %arg2[%multiple_of3A_546, %dma_start3A_549] : memref<80000x128xf32, #tpu.memory_space<hbm>> -> memref<128x128xf32, #tpu.memory_space<hbm>>
    tpu.enqueue_dma source(%dma_start3A_550 : memref<128x128xf32, #tpu.memory_space<hbm>>) target(%arg9 : memref<128x128xf32, #tpu.memory_space<vmem>>) target_semaphore(%arg13 : memref<!tpu.dma_semaphore, #tpu.memory_space<semaphore_mem>>)
    %add3A_551 = arith.constant 416 : i32
    %add3A_552 = arith.addi %add3A, %add3A_551 : i32
    %mul3A_553 = arith.constant 128 : i32
    %mul3A_554 = arith.muli %add3A_552, %mul3A_553 : i32
    %multiple_of3A_555 = tpu.assume_multiple %mul3A_554, 128 : i32
    %dma_wait3A_556 = tpu.memref_slice %arg3[%multiple_of3A_555] : memref<80000xi32, #tpu.memory_space<hbm>> -> memref<128xi32, #tpu.memory_space<hbm>>
    %dma_wait3A_557 = tpu.memref_slice %arg3[%multiple_of3A_555] : memref<80000xi32, #tpu.memory_space<hbm>> -> memref<128xi32, #tpu.memory_space<hbm>>
    tpu.wait_dma2 semaphore(%arg14 : memref<!tpu.dma_semaphore, #tpu.memory_space<semaphore_mem>>) src(%dma_wait3A_557 : memref<128xi32, #tpu.memory_space<hbm>>) dst(%arg7 : memref<128xi32, #tpu.memory_space<vmem>>)
    %add3A_558 = arith.constant 416 : i32
    %add3A_559 = arith.addi %add3A, %add3A_558 : i32
    %mul3A_560 = arith.constant 128 : i32
    %mul3A_561 = arith.muli %add3A_559, %mul3A_560 : i32
    %multiple_of3A_562 = tpu.assume_multiple %mul3A_561, 128 : i32
    %dma_wait3A_563 = arith.constant 0 : i32
    %dma_wait3A_564 = tpu.memref_slice %arg2[%multiple_of3A_562, %dma_wait3A_563] : memref<80000x128xf32, #tpu.memory_space<hbm>> -> memref<128x128xf32, #tpu.memory_space<hbm>>
    %dma_wait3A_565 = arith.constant 0 : i32
    %dma_wait3A_566 = tpu.memref_slice %arg2[%multiple_of3A_562, %dma_wait3A_565] : memref<80000x128xf32, #tpu.memory_space<hbm>> -> memref<128x128xf32, #tpu.memory_space<hbm>>
    tpu.wait_dma2 semaphore(%arg14 : memref<!tpu.dma_semaphore, #tpu.memory_space<semaphore_mem>>) src(%dma_wait3A_566 : memref<128x128xf32, #tpu.memory_space<hbm>>) dst(%arg10 : memref<128x128xf32, #tpu.memory_space<vmem>>)
    %dma_start3A_567 = arith.constant 0 : i32
    %dma_start3A_568 = arith.constant 0 : i32
    %dma_start3A_569 = tpu.memref_slice %arg12[%dma_start3A_567, %dma_start3A_568] : memref<10000x128xf32, #tpu.memory_space<vmem_shared>> -> memref<10000x128xf32, #tpu.memory_space<vmem_shared>>
    tpu.enqueue_indirect_dma source(%arg10 : memref<128x128xf32, #tpu.memory_space<vmem>>) target(%dma_start3A_569 : memref<10000x128xf32, #tpu.memory_space<vmem_shared>>) offsets(%arg7 : memref<128xi32, #tpu.memory_space<vmem>>) semaphore(%arg17 : memref<!tpu.dma_semaphore, #tpu.memory_space<semaphore_mem>>) {add = true}
    %dma_wait3A_570 = arith.constant 0 : i32
    %dma_wait3A_571 = arith.constant 0 : i32
    %dma_wait3A_572 = tpu.memref_slice %arg12[%dma_wait3A_570, %dma_wait3A_571] : memref<10000x128xf32, #tpu.memory_space<vmem_shared>> -> memref<10000x128xf32, #tpu.memory_space<vmem_shared>>
    tpu.wait_indirect_dma semaphore(%arg17 : memref<!tpu.dma_semaphore, #tpu.memory_space<semaphore_mem>>) src(%arg10 : memref<128x128xf32, #tpu.memory_space<vmem>>) dst(%dma_wait3A_572 : memref<10000x128xf32, #tpu.memory_space<vmem_shared>>)
    %add3A_573 = arith.constant 512 : i32
    %add3A_574 = arith.addi %add3A, %add3A_573 : i32
    %mul3A_575 = arith.constant 128 : i32
    %mul3A_576 = arith.muli %add3A_574, %mul3A_575 : i32
    %multiple_of3A_577 = tpu.assume_multiple %mul3A_576, 128 : i32
    %dma_start3A_578 = tpu.memref_slice %arg3[%multiple_of3A_577] : memref<80000xi32, #tpu.memory_space<hbm>> -> memref<128xi32, #tpu.memory_space<hbm>>
    %dma_start3A_579 = tpu.memref_slice %arg3[%multiple_of3A_577] : memref<80000xi32, #tpu.memory_space<hbm>> -> memref<128xi32, #tpu.memory_space<hbm>>
    tpu.enqueue_dma source(%dma_start3A_579 : memref<128xi32, #tpu.memory_space<hbm>>) target(%arg7 : memref<128xi32, #tpu.memory_space<vmem>>) target_semaphore(%arg14 : memref<!tpu.dma_semaphore, #tpu.memory_space<semaphore_mem>>)
    %add3A_580 = arith.constant 512 : i32
    %add3A_581 = arith.addi %add3A, %add3A_580 : i32
    %mul3A_582 = arith.constant 128 : i32
    %mul3A_583 = arith.muli %add3A_581, %mul3A_582 : i32
    %multiple_of3A_584 = tpu.assume_multiple %mul3A_583, 128 : i32
    %dma_start3A_585 = arith.constant 0 : i32
    %dma_start3A_586 = tpu.memref_slice %arg2[%multiple_of3A_584, %dma_start3A_585] : memref<80000x128xf32, #tpu.memory_space<hbm>> -> memref<128x128xf32, #tpu.memory_space<hbm>>
    %dma_start3A_587 = arith.constant 0 : i32
    %dma_start3A_588 = tpu.memref_slice %arg2[%multiple_of3A_584, %dma_start3A_587] : memref<80000x128xf32, #tpu.memory_space<hbm>> -> memref<128x128xf32, #tpu.memory_space<hbm>>
    tpu.enqueue_dma source(%dma_start3A_588 : memref<128x128xf32, #tpu.memory_space<hbm>>) target(%arg10 : memref<128x128xf32, #tpu.memory_space<vmem>>) target_semaphore(%arg14 : memref<!tpu.dma_semaphore, #tpu.memory_space<semaphore_mem>>)
    %add3A_589 = arith.constant 448 : i32
    %add3A_590 = arith.addi %add3A, %add3A_589 : i32
    %mul3A_591 = arith.constant 128 : i32
    %mul3A_592 = arith.muli %add3A_590, %mul3A_591 : i32
    %multiple_of3A_593 = tpu.assume_multiple %mul3A_592, 128 : i32
    %dma_wait3A_594 = tpu.memref_slice %arg3[%multiple_of3A_593] : memref<80000xi32, #tpu.memory_space<hbm>> -> memref<128xi32, #tpu.memory_space<hbm>>
    %dma_wait3A_595 = tpu.memref_slice %arg3[%multiple_of3A_593] : memref<80000xi32, #tpu.memory_space<hbm>> -> memref<128xi32, #tpu.memory_space<hbm>>
    tpu.wait_dma2 semaphore(%arg15 : memref<!tpu.dma_semaphore, #tpu.memory_space<semaphore_mem>>) src(%dma_wait3A_595 : memref<128xi32, #tpu.memory_space<hbm>>) dst(%arg8 : memref<128xi32, #tpu.memory_space<vmem>>)
    %add3A_596 = arith.constant 448 : i32
    %add3A_597 = arith.addi %add3A, %add3A_596 : i32
    %mul3A_598 = arith.constant 128 : i32
    %mul3A_599 = arith.muli %add3A_597, %mul3A_598 : i32
    %multiple_of3A_600 = tpu.assume_multiple %mul3A_599, 128 : i32
    %dma_wait3A_601 = arith.constant 0 : i32
    %dma_wait3A_602 = tpu.memref_slice %arg2[%multiple_of3A_600, %dma_wait3A_601] : memref<80000x128xf32, #tpu.memory_space<hbm>> -> memref<128x128xf32, #tpu.memory_space<hbm>>
    %dma_wait3A_603 = arith.constant 0 : i32
    %dma_wait3A_604 = tpu.memref_slice %arg2[%multiple_of3A_600, %dma_wait3A_603] : memref<80000x128xf32, #tpu.memory_space<hbm>> -> memref<128x128xf32, #tpu.memory_space<hbm>>
    tpu.wait_dma2 semaphore(%arg15 : memref<!tpu.dma_semaphore, #tpu.memory_space<semaphore_mem>>) src(%dma_wait3A_604 : memref<128x128xf32, #tpu.memory_space<hbm>>) dst(%arg11 : memref<128x128xf32, #tpu.memory_space<vmem>>)
    %dma_start3A_605 = arith.constant 0 : i32
    %dma_start3A_606 = arith.constant 0 : i32
    %dma_start3A_607 = tpu.memref_slice %arg12[%dma_start3A_605, %dma_start3A_606] : memref<10000x128xf32, #tpu.memory_space<vmem_shared>> -> memref<10000x128xf32, #tpu.memory_space<vmem_shared>>
    tpu.enqueue_indirect_dma source(%arg11 : memref<128x128xf32, #tpu.memory_space<vmem>>) target(%dma_start3A_607 : memref<10000x128xf32, #tpu.memory_space<vmem_shared>>) offsets(%arg8 : memref<128xi32, #tpu.memory_space<vmem>>) semaphore(%arg18 : memref<!tpu.dma_semaphore, #tpu.memory_space<semaphore_mem>>) {add = true}
    %dma_wait3A_608 = arith.constant 0 : i32
    %dma_wait3A_609 = arith.constant 0 : i32
    %dma_wait3A_610 = tpu.memref_slice %arg12[%dma_wait3A_608, %dma_wait3A_609] : memref<10000x128xf32, #tpu.memory_space<vmem_shared>> -> memref<10000x128xf32, #tpu.memory_space<vmem_shared>>
    tpu.wait_indirect_dma semaphore(%arg18 : memref<!tpu.dma_semaphore, #tpu.memory_space<semaphore_mem>>) src(%arg11 : memref<128x128xf32, #tpu.memory_space<vmem>>) dst(%dma_wait3A_610 : memref<10000x128xf32, #tpu.memory_space<vmem_shared>>)
    %add3A_611 = arith.constant 544 : i32
    %add3A_612 = arith.addi %add3A, %add3A_611 : i32
    %mul3A_613 = arith.constant 128 : i32
    %mul3A_614 = arith.muli %add3A_612, %mul3A_613 : i32
    %multiple_of3A_615 = tpu.assume_multiple %mul3A_614, 128 : i32
    %dma_start3A_616 = tpu.memref_slice %arg3[%multiple_of3A_615] : memref<80000xi32, #tpu.memory_space<hbm>> -> memref<128xi32, #tpu.memory_space<hbm>>
    %dma_start3A_617 = tpu.memref_slice %arg3[%multiple_of3A_615] : memref<80000xi32, #tpu.memory_space<hbm>> -> memref<128xi32, #tpu.memory_space<hbm>>
    tpu.enqueue_dma source(%dma_start3A_617 : memref<128xi32, #tpu.memory_space<hbm>>) target(%arg8 : memref<128xi32, #tpu.memory_space<vmem>>) target_semaphore(%arg15 : memref<!tpu.dma_semaphore, #tpu.memory_space<semaphore_mem>>)
    %add3A_618 = arith.constant 544 : i32
    %add3A_619 = arith.addi %add3A, %add3A_618 : i32
    %mul3A_620 = arith.constant 128 : i32
    %mul3A_621 = arith.muli %add3A_619, %mul3A_620 : i32
    %multiple_of3A_622 = tpu.assume_multiple %mul3A_621, 128 : i32
    %dma_start3A_623 = arith.constant 0 : i32
    %dma_start3A_624 = tpu.memref_slice %arg2[%multiple_of3A_622, %dma_start3A_623] : memref<80000x128xf32, #tpu.memory_space<hbm>> -> memref<128x128xf32, #tpu.memory_space<hbm>>
    %dma_start3A_625 = arith.constant 0 : i32
    %dma_start3A_626 = tpu.memref_slice %arg2[%multiple_of3A_622, %dma_start3A_625] : memref<80000x128xf32, #tpu.memory_space<hbm>> -> memref<128x128xf32, #tpu.memory_space<hbm>>
    tpu.enqueue_dma source(%dma_start3A_626 : memref<128x128xf32, #tpu.memory_space<hbm>>) target(%arg11 : memref<128x128xf32, #tpu.memory_space<vmem>>) target_semaphore(%arg15 : memref<!tpu.dma_semaphore, #tpu.memory_space<semaphore_mem>>)
    %add3A_627 = arith.constant 480 : i32
    %add3A_628 = arith.addi %add3A, %add3A_627 : i32
    %mul3A_629 = arith.constant 128 : i32
    %mul3A_630 = arith.muli %add3A_628, %mul3A_629 : i32
    %multiple_of3A_631 = tpu.assume_multiple %mul3A_630, 128 : i32
    %dma_wait3A_632 = tpu.memref_slice %arg3[%multiple_of3A_631] : memref<80000xi32, #tpu.memory_space<hbm>> -> memref<128xi32, #tpu.memory_space<hbm>>
    %dma_wait3A_633 = tpu.memref_slice %arg3[%multiple_of3A_631] : memref<80000xi32, #tpu.memory_space<hbm>> -> memref<128xi32, #tpu.memory_space<hbm>>
    tpu.wait_dma2 semaphore(%arg13 : memref<!tpu.dma_semaphore, #tpu.memory_space<semaphore_mem>>) src(%dma_wait3A_633 : memref<128xi32, #tpu.memory_space<hbm>>) dst(%arg6 : memref<128xi32, #tpu.memory_space<vmem>>)
    %add3A_634 = arith.constant 480 : i32
    %add3A_635 = arith.addi %add3A, %add3A_634 : i32
    %mul3A_636 = arith.constant 128 : i32
    %mul3A_637 = arith.muli %add3A_635, %mul3A_636 : i32
    %multiple_of3A_638 = tpu.assume_multiple %mul3A_637, 128 : i32
    %dma_wait3A_639 = arith.constant 0 : i32
    %dma_wait3A_640 = tpu.memref_slice %arg2[%multiple_of3A_638, %dma_wait3A_639] : memref<80000x128xf32, #tpu.memory_space<hbm>> -> memref<128x128xf32, #tpu.memory_space<hbm>>
    %dma_wait3A_641 = arith.constant 0 : i32
    %dma_wait3A_642 = tpu.memref_slice %arg2[%multiple_of3A_638, %dma_wait3A_641] : memref<80000x128xf32, #tpu.memory_space<hbm>> -> memref<128x128xf32, #tpu.memory_space<hbm>>
    tpu.wait_dma2 semaphore(%arg13 : memref<!tpu.dma_semaphore, #tpu.memory_space<semaphore_mem>>) src(%dma_wait3A_642 : memref<128x128xf32, #tpu.memory_space<hbm>>) dst(%arg9 : memref<128x128xf32, #tpu.memory_space<vmem>>)
    %dma_start3A_643 = arith.constant 0 : i32
    %dma_start3A_644 = arith.constant 0 : i32
    %dma_start3A_645 = tpu.memref_slice %arg12[%dma_start3A_643, %dma_start3A_644] : memref<10000x128xf32, #tpu.memory_space<vmem_shared>> -> memref<10000x128xf32, #tpu.memory_space<vmem_shared>>
    tpu.enqueue_indirect_dma source(%arg9 : memref<128x128xf32, #tpu.memory_space<vmem>>) target(%dma_start3A_645 : memref<10000x128xf32, #tpu.memory_space<vmem_shared>>) offsets(%arg6 : memref<128xi32, #tpu.memory_space<vmem>>) semaphore(%arg16 : memref<!tpu.dma_semaphore, #tpu.memory_space<semaphore_mem>>) {add = true}
    %dma_wait3A_646 = arith.constant 0 : i32
    %dma_wait3A_647 = arith.constant 0 : i32
    %dma_wait3A_648 = tpu.memref_slice %arg12[%dma_wait3A_646, %dma_wait3A_647] : memref<10000x128xf32, #tpu.memory_space<vmem_shared>> -> memref<10000x128xf32, #tpu.memory_space<vmem_shared>>
    tpu.wait_indirect_dma semaphore(%arg16 : memref<!tpu.dma_semaphore, #tpu.memory_space<semaphore_mem>>) src(%arg9 : memref<128x128xf32, #tpu.memory_space<vmem>>) dst(%dma_wait3A_648 : memref<10000x128xf32, #tpu.memory_space<vmem_shared>>)
    %add3A_649 = arith.constant 576 : i32
    %add3A_650 = arith.addi %add3A, %add3A_649 : i32
    %mul3A_651 = arith.constant 128 : i32
    %mul3A_652 = arith.muli %add3A_650, %mul3A_651 : i32
    %multiple_of3A_653 = tpu.assume_multiple %mul3A_652, 128 : i32
    %dma_start3A_654 = tpu.memref_slice %arg3[%multiple_of3A_653] : memref<80000xi32, #tpu.memory_space<hbm>> -> memref<128xi32, #tpu.memory_space<hbm>>
    %dma_start3A_655 = tpu.memref_slice %arg3[%multiple_of3A_653] : memref<80000xi32, #tpu.memory_space<hbm>> -> memref<128xi32, #tpu.memory_space<hbm>>
    tpu.enqueue_dma source(%dma_start3A_655 : memref<128xi32, #tpu.memory_space<hbm>>) target(%arg6 : memref<128xi32, #tpu.memory_space<vmem>>) target_semaphore(%arg13 : memref<!tpu.dma_semaphore, #tpu.memory_space<semaphore_mem>>)
    %add3A_656 = arith.constant 576 : i32
    %add3A_657 = arith.addi %add3A, %add3A_656 : i32
    %mul3A_658 = arith.constant 128 : i32
    %mul3A_659 = arith.muli %add3A_657, %mul3A_658 : i32
    %multiple_of3A_660 = tpu.assume_multiple %mul3A_659, 128 : i32
    %dma_start3A_661 = arith.constant 0 : i32
    %dma_start3A_662 = tpu.memref_slice %arg2[%multiple_of3A_660, %dma_start3A_661] : memref<80000x128xf32, #tpu.memory_space<hbm>> -> memref<128x128xf32, #tpu.memory_space<hbm>>
    %dma_start3A_663 = arith.constant 0 : i32
    %dma_start3A_664 = tpu.memref_slice %arg2[%multiple_of3A_660, %dma_start3A_663] : memref<80000x128xf32, #tpu.memory_space<hbm>> -> memref<128x128xf32, #tpu.memory_space<hbm>>
    tpu.enqueue_dma source(%dma_start3A_664 : memref<128x128xf32, #tpu.memory_space<hbm>>) target(%arg9 : memref<128x128xf32, #tpu.memory_space<vmem>>) target_semaphore(%arg13 : memref<!tpu.dma_semaphore, #tpu.memory_space<semaphore_mem>>)
    %add3A_665 = arith.constant 512 : i32
    %add3A_666 = arith.addi %add3A, %add3A_665 : i32
    %mul3A_667 = arith.constant 128 : i32
    %mul3A_668 = arith.muli %add3A_666, %mul3A_667 : i32
    %multiple_of3A_669 = tpu.assume_multiple %mul3A_668, 128 : i32
    %dma_wait3A_670 = tpu.memref_slice %arg3[%multiple_of3A_669] : memref<80000xi32, #tpu.memory_space<hbm>> -> memref<128xi32, #tpu.memory_space<hbm>>
    %dma_wait3A_671 = tpu.memref_slice %arg3[%multiple_of3A_669] : memref<80000xi32, #tpu.memory_space<hbm>> -> memref<128xi32, #tpu.memory_space<hbm>>
    tpu.wait_dma2 semaphore(%arg14 : memref<!tpu.dma_semaphore, #tpu.memory_space<semaphore_mem>>) src(%dma_wait3A_671 : memref<128xi32, #tpu.memory_space<hbm>>) dst(%arg7 : memref<128xi32, #tpu.memory_space<vmem>>)
    %add3A_672 = arith.constant 512 : i32
    %add3A_673 = arith.addi %add3A, %add3A_672 : i32
    %mul3A_674 = arith.constant 128 : i32
    %mul3A_675 = arith.muli %add3A_673, %mul3A_674 : i32
    %multiple_of3A_676 = tpu.assume_multiple %mul3A_675, 128 : i32
    %dma_wait3A_677 = arith.constant 0 : i32
    %dma_wait3A_678 = tpu.memref_slice %arg2[%multiple_of3A_676, %dma_wait3A_677] : memref<80000x128xf32, #tpu.memory_space<hbm>> -> memref<128x128xf32, #tpu.memory_space<hbm>>
    %dma_wait3A_679 = arith.constant 0 : i32
    %dma_wait3A_680 = tpu.memref_slice %arg2[%multiple_of3A_676, %dma_wait3A_679] : memref<80000x128xf32, #tpu.memory_space<hbm>> -> memref<128x128xf32, #tpu.memory_space<hbm>>
    tpu.wait_dma2 semaphore(%arg14 : memref<!tpu.dma_semaphore, #tpu.memory_space<semaphore_mem>>) src(%dma_wait3A_680 : memref<128x128xf32, #tpu.memory_space<hbm>>) dst(%arg10 : memref<128x128xf32, #tpu.memory_space<vmem>>)
    %dma_start3A_681 = arith.constant 0 : i32
    %dma_start3A_682 = arith.constant 0 : i32
    %dma_start3A_683 = tpu.memref_slice %arg12[%dma_start3A_681, %dma_start3A_682] : memref<10000x128xf32, #tpu.memory_space<vmem_shared>> -> memref<10000x128xf32, #tpu.memory_space<vmem_shared>>
    tpu.enqueue_indirect_dma source(%arg10 : memref<128x128xf32, #tpu.memory_space<vmem>>) target(%dma_start3A_683 : memref<10000x128xf32, #tpu.memory_space<vmem_shared>>) offsets(%arg7 : memref<128xi32, #tpu.memory_space<vmem>>) semaphore(%arg17 : memref<!tpu.dma_semaphore, #tpu.memory_space<semaphore_mem>>) {add = true}
    %dma_wait3A_684 = arith.constant 0 : i32
    %dma_wait3A_685 = arith.constant 0 : i32
    %dma_wait3A_686 = tpu.memref_slice %arg12[%dma_wait3A_684, %dma_wait3A_685] : memref<10000x128xf32, #tpu.memory_space<vmem_shared>> -> memref<10000x128xf32, #tpu.memory_space<vmem_shared>>
    tpu.wait_indirect_dma semaphore(%arg17 : memref<!tpu.dma_semaphore, #tpu.memory_space<semaphore_mem>>) src(%arg10 : memref<128x128xf32, #tpu.memory_space<vmem>>) dst(%dma_wait3A_686 : memref<10000x128xf32, #tpu.memory_space<vmem_shared>>)
    %convert_element_type3A_687 = arith.extui %lt3A_10 : i1 to i32
    %cond3A_688 = arith.constant 0 : i32
    %cond3A_689 = arith.cmpi ne, %convert_element_type3A_687, %cond3A_688 : i32
    scf.if %cond3A_689 {
      %add3A_754 = arith.constant 608 : i32
      %add3A_755 = arith.addi %add3A, %add3A_754 : i32
      %mul3A_756 = arith.constant 128 : i32
      %mul3A_757 = arith.muli %add3A_755, %mul3A_756 : i32
      %multiple_of3A_758 = tpu.assume_multiple %mul3A_757, 128 : i32
      %dma_start3A_759 = tpu.memref_slice %arg3[%multiple_of3A_758] : memref<80000xi32, #tpu.memory_space<hbm>> -> memref<128xi32, #tpu.memory_space<hbm>>
      %dma_start3A_760 = tpu.memref_slice %arg3[%multiple_of3A_758] : memref<80000xi32, #tpu.memory_space<hbm>> -> memref<128xi32, #tpu.memory_space<hbm>>
      tpu.enqueue_dma source(%dma_start3A_760 : memref<128xi32, #tpu.memory_space<hbm>>) target(%arg7 : memref<128xi32, #tpu.memory_space<vmem>>) target_semaphore(%arg14 : memref<!tpu.dma_semaphore, #tpu.memory_space<semaphore_mem>>)
      %add3A_761 = arith.constant 608 : i32
      %add3A_762 = arith.addi %add3A, %add3A_761 : i32
      %mul3A_763 = arith.constant 128 : i32
      %mul3A_764 = arith.muli %add3A_762, %mul3A_763 : i32
      %multiple_of3A_765 = tpu.assume_multiple %mul3A_764, 128 : i32
      %dma_start3A_766 = arith.constant 0 : i32
      %dma_start3A_767 = tpu.memref_slice %arg2[%multiple_of3A_765, %dma_start3A_766] : memref<80000x128xf32, #tpu.memory_space<hbm>> -> memref<128x128xf32, #tpu.memory_space<hbm>>
      %dma_start3A_768 = arith.constant 0 : i32
      %dma_start3A_769 = tpu.memref_slice %arg2[%multiple_of3A_765, %dma_start3A_768] : memref<80000x128xf32, #tpu.memory_space<hbm>> -> memref<128x128xf32, #tpu.memory_space<hbm>>
      tpu.enqueue_dma source(%dma_start3A_769 : memref<128x128xf32, #tpu.memory_space<hbm>>) target(%arg10 : memref<128x128xf32, #tpu.memory_space<vmem>>) target_semaphore(%arg14 : memref<!tpu.dma_semaphore, #tpu.memory_space<semaphore_mem>>)
    } else {
    }
    %add3A_690 = arith.constant 544 : i32
    %add3A_691 = arith.addi %add3A, %add3A_690 : i32
    %mul3A_692 = arith.constant 128 : i32
    %mul3A_693 = arith.muli %add3A_691, %mul3A_692 : i32
    %multiple_of3A_694 = tpu.assume_multiple %mul3A_693, 128 : i32
    %dma_wait3A_695 = tpu.memref_slice %arg3[%multiple_of3A_694] : memref<80000xi32, #tpu.memory_space<hbm>> -> memref<128xi32, #tpu.memory_space<hbm>>
    %dma_wait3A_696 = tpu.memref_slice %arg3[%multiple_of3A_694] : memref<80000xi32, #tpu.memory_space<hbm>> -> memref<128xi32, #tpu.memory_space<hbm>>
    tpu.wait_dma2 semaphore(%arg15 : memref<!tpu.dma_semaphore, #tpu.memory_space<semaphore_mem>>) src(%dma_wait3A_696 : memref<128xi32, #tpu.memory_space<hbm>>) dst(%arg8 : memref<128xi32, #tpu.memory_space<vmem>>)
    %add3A_697 = arith.constant 544 : i32
    %add3A_698 = arith.addi %add3A, %add3A_697 : i32
    %mul3A_699 = arith.constant 128 : i32
    %mul3A_700 = arith.muli %add3A_698, %mul3A_699 : i32
    %multiple_of3A_701 = tpu.assume_multiple %mul3A_700, 128 : i32
    %dma_wait3A_702 = arith.constant 0 : i32
    %dma_wait3A_703 = tpu.memref_slice %arg2[%multiple_of3A_701, %dma_wait3A_702] : memref<80000x128xf32, #tpu.memory_space<hbm>> -> memref<128x128xf32, #tpu.memory_space<hbm>>
    %dma_wait3A_704 = arith.constant 0 : i32
    %dma_wait3A_705 = tpu.memref_slice %arg2[%multiple_of3A_701, %dma_wait3A_704] : memref<80000x128xf32, #tpu.memory_space<hbm>> -> memref<128x128xf32, #tpu.memory_space<hbm>>
    tpu.wait_dma2 semaphore(%arg15 : memref<!tpu.dma_semaphore, #tpu.memory_space<semaphore_mem>>) src(%dma_wait3A_705 : memref<128x128xf32, #tpu.memory_space<hbm>>) dst(%arg11 : memref<128x128xf32, #tpu.memory_space<vmem>>)
    %dma_start3A_706 = arith.constant 0 : i32
    %dma_start3A_707 = arith.constant 0 : i32
    %dma_start3A_708 = tpu.memref_slice %arg12[%dma_start3A_706, %dma_start3A_707] : memref<10000x128xf32, #tpu.memory_space<vmem_shared>> -> memref<10000x128xf32, #tpu.memory_space<vmem_shared>>
    tpu.enqueue_indirect_dma source(%arg11 : memref<128x128xf32, #tpu.memory_space<vmem>>) target(%dma_start3A_708 : memref<10000x128xf32, #tpu.memory_space<vmem_shared>>) offsets(%arg8 : memref<128xi32, #tpu.memory_space<vmem>>) semaphore(%arg18 : memref<!tpu.dma_semaphore, #tpu.memory_space<semaphore_mem>>) {add = true}
    %add3A_709 = arith.constant 576 : i32
    %add3A_710 = arith.addi %add3A, %add3A_709 : i32
    %mul3A_711 = arith.constant 128 : i32
    %mul3A_712 = arith.muli %add3A_710, %mul3A_711 : i32
    %multiple_of3A_713 = tpu.assume_multiple %mul3A_712, 128 : i32
    %dma_wait3A_714 = tpu.memref_slice %arg3[%multiple_of3A_713] : memref<80000xi32, #tpu.memory_space<hbm>> -> memref<128xi32, #tpu.memory_space<hbm>>
    %dma_wait3A_715 = tpu.memref_slice %arg3[%multiple_of3A_713] : memref<80000xi32, #tpu.memory_space<hbm>> -> memref<128xi32, #tpu.memory_space<hbm>>
    tpu.wait_dma2 semaphore(%arg13 : memref<!tpu.dma_semaphore, #tpu.memory_space<semaphore_mem>>) src(%dma_wait3A_715 : memref<128xi32, #tpu.memory_space<hbm>>) dst(%arg6 : memref<128xi32, #tpu.memory_space<vmem>>)
    %add3A_716 = arith.constant 576 : i32
    %add3A_717 = arith.addi %add3A, %add3A_716 : i32
    %mul3A_718 = arith.constant 128 : i32
    %mul3A_719 = arith.muli %add3A_717, %mul3A_718 : i32
    %multiple_of3A_720 = tpu.assume_multiple %mul3A_719, 128 : i32
    %dma_wait3A_721 = arith.constant 0 : i32
    %dma_wait3A_722 = tpu.memref_slice %arg2[%multiple_of3A_720, %dma_wait3A_721] : memref<80000x128xf32, #tpu.memory_space<hbm>> -> memref<128x128xf32, #tpu.memory_space<hbm>>
    %dma_wait3A_723 = arith.constant 0 : i32
    %dma_wait3A_724 = tpu.memref_slice %arg2[%multiple_of3A_720, %dma_wait3A_723] : memref<80000x128xf32, #tpu.memory_space<hbm>> -> memref<128x128xf32, #tpu.memory_space<hbm>>
    tpu.wait_dma2 semaphore(%arg13 : memref<!tpu.dma_semaphore, #tpu.memory_space<semaphore_mem>>) src(%dma_wait3A_724 : memref<128x128xf32, #tpu.memory_space<hbm>>) dst(%arg9 : memref<128x128xf32, #tpu.memory_space<vmem>>)
    %dma_start3A_725 = arith.constant 0 : i32
    %dma_start3A_726 = arith.constant 0 : i32
    %dma_start3A_727 = tpu.memref_slice %arg12[%dma_start3A_725, %dma_start3A_726] : memref<10000x128xf32, #tpu.memory_space<vmem_shared>> -> memref<10000x128xf32, #tpu.memory_space<vmem_shared>>
    tpu.enqueue_indirect_dma source(%arg9 : memref<128x128xf32, #tpu.memory_space<vmem>>) target(%dma_start3A_727 : memref<10000x128xf32, #tpu.memory_space<vmem_shared>>) offsets(%arg6 : memref<128xi32, #tpu.memory_space<vmem>>) semaphore(%arg16 : memref<!tpu.dma_semaphore, #tpu.memory_space<semaphore_mem>>) {add = true}
    %convert_element_type3A_728 = arith.extui %lt3A_10 : i1 to i32
    %cond3A_729 = arith.constant 0 : i32
    %cond3A_730 = arith.cmpi ne, %convert_element_type3A_728, %cond3A_729 : i32
    scf.if %cond3A_730 {
      %add3A_754 = arith.constant 608 : i32
      %add3A_755 = arith.addi %add3A, %add3A_754 : i32
      %mul3A_756 = arith.constant 128 : i32
      %mul3A_757 = arith.muli %add3A_755, %mul3A_756 : i32
      %multiple_of3A_758 = tpu.assume_multiple %mul3A_757, 128 : i32
      %dma_wait3A_759 = tpu.memref_slice %arg3[%multiple_of3A_758] : memref<80000xi32, #tpu.memory_space<hbm>> -> memref<128xi32, #tpu.memory_space<hbm>>
      %dma_wait3A_760 = tpu.memref_slice %arg3[%multiple_of3A_758] : memref<80000xi32, #tpu.memory_space<hbm>> -> memref<128xi32, #tpu.memory_space<hbm>>
      tpu.wait_dma2 semaphore(%arg14 : memref<!tpu.dma_semaphore, #tpu.memory_space<semaphore_mem>>) src(%dma_wait3A_760 : memref<128xi32, #tpu.memory_space<hbm>>) dst(%arg7 : memref<128xi32, #tpu.memory_space<vmem>>)
      %add3A_761 = arith.constant 608 : i32
      %add3A_762 = arith.addi %add3A, %add3A_761 : i32
      %mul3A_763 = arith.constant 128 : i32
      %mul3A_764 = arith.muli %add3A_762, %mul3A_763 : i32
      %multiple_of3A_765 = tpu.assume_multiple %mul3A_764, 128 : i32
      %dma_wait3A_766 = arith.constant 0 : i32
      %dma_wait3A_767 = tpu.memref_slice %arg2[%multiple_of3A_765, %dma_wait3A_766] : memref<80000x128xf32, #tpu.memory_space<hbm>> -> memref<128x128xf32, #tpu.memory_space<hbm>>
      %dma_wait3A_768 = arith.constant 0 : i32
      %dma_wait3A_769 = tpu.memref_slice %arg2[%multiple_of3A_765, %dma_wait3A_768] : memref<80000x128xf32, #tpu.memory_space<hbm>> -> memref<128x128xf32, #tpu.memory_space<hbm>>
      tpu.wait_dma2 semaphore(%arg14 : memref<!tpu.dma_semaphore, #tpu.memory_space<semaphore_mem>>) src(%dma_wait3A_769 : memref<128x128xf32, #tpu.memory_space<hbm>>) dst(%arg10 : memref<128x128xf32, #tpu.memory_space<vmem>>)
    } else {
    }
    %convert_element_type3A_731 = arith.extui %lt3A_10 : i1 to i32
    %cond3A_732 = arith.constant 0 : i32
    %cond3A_733 = arith.cmpi ne, %convert_element_type3A_731, %cond3A_732 : i32
    scf.if %cond3A_733 {
      %dma_start3A_754 = arith.constant 0 : i32
      %dma_start3A_755 = arith.constant 0 : i32
      %dma_start3A_756 = tpu.memref_slice %arg12[%dma_start3A_754, %dma_start3A_755] : memref<10000x128xf32, #tpu.memory_space<vmem_shared>> -> memref<10000x128xf32, #tpu.memory_space<vmem_shared>>
      tpu.enqueue_indirect_dma source(%arg10 : memref<128x128xf32, #tpu.memory_space<vmem>>) target(%dma_start3A_756 : memref<10000x128xf32, #tpu.memory_space<vmem_shared>>) offsets(%arg7 : memref<128xi32, #tpu.memory_space<vmem>>) semaphore(%arg17 : memref<!tpu.dma_semaphore, #tpu.memory_space<semaphore_mem>>) {add = true}
    } else {
    }
    %dma_wait3A_734 = arith.constant 0 : i32
    %dma_wait3A_735 = arith.constant 0 : i32
    %dma_wait3A_736 = tpu.memref_slice %arg12[%dma_wait3A_734, %dma_wait3A_735] : memref<10000x128xf32, #tpu.memory_space<vmem_shared>> -> memref<10000x128xf32, #tpu.memory_space<vmem_shared>>
    tpu.wait_indirect_dma semaphore(%arg18 : memref<!tpu.dma_semaphore, #tpu.memory_space<semaphore_mem>>) src(%arg11 : memref<128x128xf32, #tpu.memory_space<vmem>>) dst(%dma_wait3A_736 : memref<10000x128xf32, #tpu.memory_space<vmem_shared>>)
    %dma_wait3A_737 = arith.constant 0 : i32
    %dma_wait3A_738 = arith.constant 0 : i32
    %dma_wait3A_739 = tpu.memref_slice %arg12[%dma_wait3A_737, %dma_wait3A_738] : memref<10000x128xf32, #tpu.memory_space<vmem_shared>> -> memref<10000x128xf32, #tpu.memory_space<vmem_shared>>
    tpu.wait_indirect_dma semaphore(%arg16 : memref<!tpu.dma_semaphore, #tpu.memory_space<semaphore_mem>>) src(%arg9 : memref<128x128xf32, #tpu.memory_space<vmem>>) dst(%dma_wait3A_739 : memref<10000x128xf32, #tpu.memory_space<vmem_shared>>)
    %convert_element_type3A_740 = arith.extui %lt3A_10 : i1 to i32
    %cond3A_741 = arith.constant 0 : i32
    %cond3A_742 = arith.cmpi ne, %convert_element_type3A_740, %cond3A_741 : i32
    scf.if %cond3A_742 {
      %dma_wait3A_754 = arith.constant 0 : i32
      %dma_wait3A_755 = arith.constant 0 : i32
      %dma_wait3A_756 = tpu.memref_slice %arg12[%dma_wait3A_754, %dma_wait3A_755] : memref<10000x128xf32, #tpu.memory_space<vmem_shared>> -> memref<10000x128xf32, #tpu.memory_space<vmem_shared>>
      tpu.wait_indirect_dma semaphore(%arg17 : memref<!tpu.dma_semaphore, #tpu.memory_space<semaphore_mem>>) src(%arg10 : memref<128x128xf32, #tpu.memory_space<vmem>>) dst(%dma_wait3A_756 : memref<10000x128xf32, #tpu.memory_space<vmem_shared>>)
    } else {
    }
    %barrier3A_743 = arith.constant 0 : index
    tpu.barrier barrier_id(%barrier3A_743)
    %lt3A_744 = arith.constant 15 : i32
    %lt3A_745 = arith.cmpi slt, %arg1, %lt3A_744 : i32
    %convert_element_type3A_746 = arith.extui %lt3A_745 : i1 to i32
    %cond3A_747 = arith.constant 0 : i32
    %cond3A_748 = arith.cmpi ne, %convert_element_type3A_746, %cond3A_747 : i32
    scf.if %cond3A_748 {
      "tpu.region"() ({
        %run_scoped3A = tpu.sem_alloc : memref<!tpu.dma_semaphore, #tpu.memory_space<semaphore_mem>>
        %dma_start3A_754 = arith.constant 0 : i32
        %dma_start3A_755 = tpu.memref_slice %arg5[%arg0, %multiple_of3A, %dma_start3A_754] : memref<2x10000x128xf32, #tpu.memory_space<hbm>> -> memref<1x632x128xf32, #tpu.memory_space<hbm>>
        %dma_start3A_756 = tpu.memref_squeeze %dma_start3A_755 : memref<1x632x128xf32, #tpu.memory_space<hbm>> -> memref<632x128xf32, #tpu.memory_space<hbm>>
        %dma_start3A_757 = arith.constant 0 : i32
        %dma_start3A_758 = tpu.memref_slice %arg12[%multiple_of3A, %dma_start3A_757] : memref<10000x128xf32, #tpu.memory_space<vmem_shared>> -> memref<632x128xf32, #tpu.memory_space<vmem_shared>>
        tpu.enqueue_dma source(%dma_start3A_758 : memref<632x128xf32, #tpu.memory_space<vmem_shared>>) target(%dma_start3A_756 : memref<632x128xf32, #tpu.memory_space<hbm>>) target_semaphore(%run_scoped3A : memref<!tpu.dma_semaphore, #tpu.memory_space<semaphore_mem>>)
        %dma_wait3A_759 = arith.constant 0 : i32
        %dma_wait3A_760 = tpu.memref_slice %arg5[%arg0, %multiple_of3A, %dma_wait3A_759] : memref<2x10000x128xf32, #tpu.memory_space<hbm>> -> memref<1x632x128xf32, #tpu.memory_space<hbm>>
        %dma_wait3A_761 = tpu.memref_squeeze %dma_wait3A_760 : memref<1x632x128xf32, #tpu.memory_space<hbm>> -> memref<632x128xf32, #tpu.memory_space<hbm>>
        %dma_wait3A_762 = arith.constant 0 : i32
        %dma_wait3A_763 = tpu.memref_slice %arg12[%multiple_of3A, %dma_wait3A_762] : memref<10000x128xf32, #tpu.memory_space<vmem_shared>> -> memref<632x128xf32, #tpu.memory_space<vmem_shared>>
        tpu.wait_dma2 semaphore(%run_scoped3A : memref<!tpu.dma_semaphore, #tpu.memory_space<semaphore_mem>>) src(%dma_wait3A_763 : memref<632x128xf32, #tpu.memory_space<vmem_shared>>) dst(%dma_wait3A_761 : memref<632x128xf32, #tpu.memory_space<hbm>>)
        tpu.yield
      }) : () -> ()
    } else {
    }
    %eq3A_749 = arith.constant 15 : i32
    %eq3A_750 = arith.cmpi eq, %arg1, %eq3A_749 : i32
    %convert_element_type3A_751 = arith.extui %eq3A_750 : i1 to i32
    %cond3A_752 = arith.constant 0 : i32
    %cond3A_753 = arith.cmpi ne, %convert_element_type3A_751, %cond3A_752 : i32
    scf.if %cond3A_753 {
      "tpu.region"() ({
        %run_scoped3A = tpu.sem_alloc : memref<!tpu.dma_semaphore, #tpu.memory_space<semaphore_mem>>
        %dma_start3A_754 = arith.constant 9480 : i32
        %dma_start3A_755 = arith.constant 0 : i32
        %dma_start3A_756 = tpu.memref_slice %arg5[%arg0, %dma_start3A_754, %dma_start3A_755] : memref<2x10000x128xf32, #tpu.memory_space<hbm>> -> memref<1x520x128xf32, #tpu.memory_space<hbm>>
        %dma_start3A_757 = tpu.memref_squeeze %dma_start3A_756 : memref<1x520x128xf32, #tpu.memory_space<hbm>> -> memref<520x128xf32, #tpu.memory_space<hbm>>
        %dma_start3A_758 = arith.constant 9480 : i32
        %dma_start3A_759 = arith.constant 0 : i32
        %dma_start3A_760 = tpu.memref_slice %arg12[%dma_start3A_758, %dma_start3A_759] : memref<10000x128xf32, #tpu.memory_space<vmem_shared>> -> memref<520x128xf32, #tpu.memory_space<vmem_shared>>
        tpu.enqueue_dma source(%dma_start3A_760 : memref<520x128xf32, #tpu.memory_space<vmem_shared>>) target(%dma_start3A_757 : memref<520x128xf32, #tpu.memory_space<hbm>>) target_semaphore(%run_scoped3A : memref<!tpu.dma_semaphore, #tpu.memory_space<semaphore_mem>>)
        %dma_wait3A_761 = arith.constant 9480 : i32
        %dma_wait3A_762 = arith.constant 0 : i32
        %dma_wait3A_763 = tpu.memref_slice %arg5[%arg0, %dma_wait3A_761, %dma_wait3A_762] : memref<2x10000x128xf32, #tpu.memory_space<hbm>> -> memref<1x520x128xf32, #tpu.memory_space<hbm>>
        %dma_wait3A_764 = tpu.memref_squeeze %dma_wait3A_763 : memref<1x520x128xf32, #tpu.memory_space<hbm>> -> memref<520x128xf32, #tpu.memory_space<hbm>>
        %dma_wait3A_765 = arith.constant 9480 : i32
        %dma_wait3A_766 = arith.constant 0 : i32
        %dma_wait3A_767 = tpu.memref_slice %arg12[%dma_wait3A_765, %dma_wait3A_766] : memref<10000x128xf32, #tpu.memory_space<vmem_shared>> -> memref<520x128xf32, #tpu.memory_space<vmem_shared>>
        tpu.wait_dma2 semaphore(%run_scoped3A : memref<!tpu.dma_semaphore, #tpu.memory_space<semaphore_mem>>) src(%dma_wait3A_767 : memref<520x128xf32, #tpu.memory_space<vmem_shared>>) dst(%dma_wait3A_764 : memref<520x128xf32, #tpu.memory_space<hbm>>)
        tpu.yield
      }) : () -> ()
    } else {
    }
    return
  }
}

module attributes {stable_mosaic.version = 14 : i64} {
  func.func @_tp_body(%arg0: i32, %arg1: memref<1600x128xf32, #tpu.memory_space<vmem>>, %arg2: memref<1600x64xf32, #tpu.memory_space<vmem>>, %arg3: memref<1600x64xf32, #tpu.memory_space<vmem>>, %arg4: memref<64x1024xbf16, #tpu.memory_space<vmem>>, %arg5: memref<1x1024xf32, #tpu.memory_space<vmem>>, %arg6: memref<16x256xbf16, #tpu.memory_space<vmem>>, %arg7: memref<256x16xbf16, #tpu.memory_space<vmem>>, %arg8: memref<48x256xbf16, #tpu.memory_space<vmem>>, %arg9: memref<48x768xbf16, #tpu.memory_space<vmem>>, %arg10: memref<256x48xbf16, #tpu.memory_space<vmem>>, %arg11: memref<768x48xbf16, #tpu.memory_space<vmem>>, %arg12: memref<1600x128xf32, #tpu.memory_space<vmem>>) attributes {dimension_semantics = [#tpu.dimension_semantics<arbitrary>], iteration_bounds = array<i64: 50>, scalar_prefetch = 0 : i64, scratch_operands = 0 : i64, tpu.core_type = #tpu.core_type<tc>, window_params = [{transform_indices = @transform_0, window_bounds = array<i64: 1600, 128>}, {transform_indices = @transform_1, window_bounds = array<i64: 1600, 64>}, {transform_indices = @transform_2, window_bounds = array<i64: 1600, 64>}, {pipeline_mode = #tpu.pipeline_mode<synchronous>, transform_indices = @transform_3, window_bounds = array<i64: 64, 1024>}, {pipeline_mode = #tpu.pipeline_mode<synchronous>, transform_indices = @transform_4, window_bounds = array<i64: 1, 1024>}, {pipeline_mode = #tpu.pipeline_mode<synchronous>, transform_indices = @transform_5, window_bounds = array<i64: 16, 256>}, {pipeline_mode = #tpu.pipeline_mode<synchronous>, transform_indices = @transform_6, window_bounds = array<i64: 256, 16>}, {pipeline_mode = #tpu.pipeline_mode<synchronous>, transform_indices = @transform_7, window_bounds = array<i64: 48, 256>}, {pipeline_mode = #tpu.pipeline_mode<synchronous>, transform_indices = @transform_8, window_bounds = array<i64: 48, 768>}, {pipeline_mode = #tpu.pipeline_mode<synchronous>, transform_indices = @transform_9, window_bounds = array<i64: 256, 48>}, {pipeline_mode = #tpu.pipeline_mode<synchronous>, transform_indices = @transform_10, window_bounds = array<i64: 768, 48>}, {transform_indices = @transform_11, window_bounds = array<i64: 1600, 128>}]} {
    %get3A = arith.constant 0 : index
    %get3A_0 = arith.constant 0 : index
    %get3A_1 = vector.load %arg3[%get3A, %get3A_0] : memref<1600x64xf32, #tpu.memory_space<vmem>>, vector<1600x64xf32>
    %mul3A = arith.constant 5.000000e-01 : f32
    %mul3A_2 = vector.broadcast %mul3A : f32 to vector<1600x64xf32>
    %mul3A_3 = arith.mulf %mul3A_2, %get3A_1 : vector<1600x64xf32>
    %mul3A_4 = arith.constant 0.707106769 : f32
    %mul3A_5 = vector.broadcast %mul3A_4 : f32 to vector<1600x64xf32>
    %mul3A_6 = arith.mulf %get3A_1, %mul3A_5 : vector<1600x64xf32>
    %erf3A = math.erf %mul3A_6 : vector<1600x64xf32>
    %add3A = arith.constant 1.000000e+00 : f32
    %add3A_7 = vector.broadcast %add3A : f32 to vector<1600x64xf32>
    %add3A_8 = arith.addf %add3A_7, %erf3A : vector<1600x64xf32>
    %mul3A_9 = arith.mulf %mul3A_3, %add3A_8 : vector<1600x64xf32>
    %convert_element_type3A = arith.truncf %mul3A_9 : vector<1600x64xf32> to vector<1600x64xbf16>
    %get3A_10 = arith.constant 0 : index
    %get3A_11 = arith.constant 0 : index
    %get3A_12 = vector.load %arg4[%get3A_10, %get3A_11] : memref<64x1024xbf16, #tpu.memory_space<vmem>>, vector<64x1024xbf16>
    %dot_general3A = arith.constant dense<0.000000e+00> : vector<1600x1024xf32>
    %dot_general3A_13 = tpu.matmul %convert_element_type3A, %get3A_12, %dot_general3A {dimension_numbers = #tpu.dot_dimension_numbers<[1], [0], [0], [1], [0, 0, 1, 1], [], []>, transpose_lhs_hint = false} : vector<1600x64xbf16>, vector<64x1024xbf16>, vector<1600x1024xf32> -> vector<1600x1024xf32>
    %get3A_14 = arith.constant 0 : index
    %get3A_15 = arith.constant 0 : index
    %get3A_16 = vector.load %arg5[%get3A_14, %get3A_15] : memref<1x1024xf32, #tpu.memory_space<vmem>>, vector<1x1024xf32>
    %add3A_17 = vector.broadcast %get3A_16 : vector<1x1024xf32> to vector<1600x1024xf32>
    %add3A_18 = arith.addf %dot_general3A_13, %add3A_17 : vector<1600x1024xf32>
    %get3A_19 = arith.constant 0 : index
    %get3A_20 = arith.constant 0 : index
    %get3A_21 = vector.load %arg1[%get3A_19, %get3A_20] : memref<1600x128xf32, #tpu.memory_space<vmem>>, vector<1600x128xf32>
    %get3A_22 = arith.constant 0 : index
    %get3A_23 = arith.constant 0 : index
    %get3A_24 = vector.load %arg2[%get3A_22, %get3A_23] : memref<1600x64xf32, #tpu.memory_space<vmem>>, vector<1600x64xf32>
    %slice3A = vector.extract_strided_slice %get3A_21 {offsets = [0, 0], sizes = [1600, 16], strides = [1, 1]} : vector<1600x128xf32> to vector<1600x16xf32>
    %slice3A_25 = vector.extract_strided_slice %get3A_21 {offsets = [0, 16], sizes = [1600, 48], strides = [1, 1]} : vector<1600x128xf32> to vector<1600x48xf32>
    %slice3A_26 = vector.extract_strided_slice %get3A_24 {offsets = [0, 48], sizes = [1600, 1], strides = [1, 1]} : vector<1600x64xf32> to vector<1600x1xf32>
    %slice3A_27 = vector.extract_strided_slice %get3A_24 {offsets = [0, 0], sizes = [1600, 48], strides = [1, 1]} : vector<1600x64xf32> to vector<1600x48xf32>
    %convert_element_type3A_28 = arith.truncf %add3A_18 : vector<1600x1024xf32> to vector<1600x1024xbf16>
    %convert_element_type3A_29 = arith.truncf %slice3A : vector<1600x16xf32> to vector<1600x16xbf16>
    %get3A_30 = arith.constant 0 : index
    %get3A_31 = arith.constant 0 : index
    %get3A_32 = vector.load %arg6[%get3A_30, %get3A_31] : memref<16x256xbf16, #tpu.memory_space<vmem>>, vector<16x256xbf16>
    %dot_general3A_33 = arith.constant dense<0.000000e+00> : vector<1600x256xf32>
    %dot_general3A_34 = tpu.matmul %convert_element_type3A_29, %get3A_32, %dot_general3A_33 {dimension_numbers = #tpu.dot_dimension_numbers<[1], [0], [0], [1], [0, 0, 1, 1], [], []>, transpose_lhs_hint = false} : vector<1600x16xbf16>, vector<16x256xbf16>, vector<1600x256xf32> -> vector<1600x256xf32>
    %convert_element_type3A_35 = arith.truncf %dot_general3A_34 : vector<1600x256xf32> to vector<1600x256xbf16>
    %convert_element_type3A_36 = arith.truncf %slice3A_26 : vector<1600x1xf32> to vector<1600x1xbf16>
    %mul3A_37 = vector.broadcast %convert_element_type3A_36 : vector<1600x1xbf16> to vector<1600x256xbf16>
    %mul3A_38 = arith.mulf %convert_element_type3A_35, %mul3A_37 : vector<1600x256xbf16>
    %mul3A_39 = arith.constant 0.577350259 : f32
    %mul3A_40 = vector.broadcast %mul3A_39 : f32 to vector<1600x48xf32>
    %mul3A_41 = arith.mulf %slice3A_27, %mul3A_40 : vector<1600x48xf32>
    %mul3A_42 = arith.mulf %slice3A_25, %mul3A_41 : vector<1600x48xf32>
    %convert_element_type3A_43 = arith.truncf %mul3A_42 : vector<1600x48xf32> to vector<1600x48xbf16>
    %get3A_44 = arith.constant 0 : index
    %get3A_45 = arith.constant 0 : index
    %get3A_46 = vector.load %arg8[%get3A_44, %get3A_45] : memref<48x256xbf16, #tpu.memory_space<vmem>>, vector<48x256xbf16>
    %dot_general3A_47 = arith.constant dense<0.000000e+00> : vector<1600x256xf32>
    %dot_general3A_48 = tpu.matmul %convert_element_type3A_43, %get3A_46, %dot_general3A_47 {dimension_numbers = #tpu.dot_dimension_numbers<[1], [0], [0], [1], [0, 0, 1, 1], [], []>, transpose_lhs_hint = false} : vector<1600x48xbf16>, vector<48x256xbf16>, vector<1600x256xf32> -> vector<1600x256xf32>
    %convert_element_type3A_49 = arith.truncf %dot_general3A_48 : vector<1600x256xf32> to vector<1600x256xbf16>
    %convert_element_type3A_50 = arith.truncf %slice3A_25 : vector<1600x48xf32> to vector<1600x48xbf16>
    %get3A_51 = arith.constant 0 : index
    %get3A_52 = arith.constant 0 : index
    %get3A_53 = vector.load %arg9[%get3A_51, %get3A_52] : memref<48x768xbf16, #tpu.memory_space<vmem>>, vector<48x768xbf16>
    %dot_general3A_54 = arith.constant dense<0.000000e+00> : vector<1600x768xf32>
    %dot_general3A_55 = tpu.matmul %convert_element_type3A_50, %get3A_53, %dot_general3A_54 {dimension_numbers = #tpu.dot_dimension_numbers<[1], [0], [0], [1], [0, 0, 1, 1], [], []>, transpose_lhs_hint = false} : vector<1600x48xbf16>, vector<48x768xbf16>, vector<1600x768xf32> -> vector<1600x768xf32>
    %convert_element_type3A_56 = arith.truncf %dot_general3A_55 : vector<1600x768xf32> to vector<1600x768xbf16>
    %slice3A_57 = vector.extract_strided_slice %convert_element_type3A_28 {offsets = [0, 0], sizes = [1600, 256], strides = [1, 1]} : vector<1600x1024xbf16> to vector<1600x256xbf16>
    %slice3A_58 = vector.extract_strided_slice %convert_element_type3A_28 {offsets = [0, 256], sizes = [1600, 256], strides = [1, 1]} : vector<1600x1024xbf16> to vector<1600x256xbf16>
    %slice3A_59 = vector.extract_strided_slice %convert_element_type3A_28 {offsets = [0, 512], sizes = [1600, 256], strides = [1, 1]} : vector<1600x1024xbf16> to vector<1600x256xbf16>
    %slice3A_60 = vector.extract_strided_slice %convert_element_type3A_28 {offsets = [0, 768], sizes = [1600, 256], strides = [1, 1]} : vector<1600x1024xbf16> to vector<1600x256xbf16>
    %concatenate3A = tpu.concatenate %slice3A_59, %slice3A_59, %slice3A_59 in 1 : vector<1600x256xbf16>, vector<1600x256xbf16>, vector<1600x256xbf16> -> vector<1600x768xbf16>
    %mul3A_61 = arith.mulf %mul3A_38, %slice3A_57 : vector<1600x256xbf16>
    %mul3A_62 = arith.mulf %convert_element_type3A_49, %slice3A_60 : vector<1600x256xbf16>
    %add3A_63 = arith.addf %mul3A_61, %mul3A_62 : vector<1600x256xbf16>
    %get3A_64 = arith.constant 0 : index
    %get3A_65 = arith.constant 0 : index
    %get3A_66 = vector.load %arg7[%get3A_64, %get3A_65] : memref<256x16xbf16, #tpu.memory_space<vmem>>, vector<256x16xbf16>
    %dot_general3A_67 = arith.constant dense<0.000000e+00> : vector<1600x16xf32>
    %dot_general3A_68 = tpu.matmul %add3A_63, %get3A_66, %dot_general3A_67 {dimension_numbers = #tpu.dot_dimension_numbers<[1], [0], [0], [1], [0, 0, 1, 1], [], []>, transpose_lhs_hint = false} : vector<1600x256xbf16>, vector<256x16xbf16>, vector<1600x16xf32> -> vector<1600x16xf32>
    %mul3A_69 = arith.constant 0.176776692 : f32
    %mul3A_70 = vector.broadcast %mul3A_69 : f32 to vector<1600x16xf32>
    %mul3A_71 = arith.mulf %mul3A_70, %dot_general3A_68 : vector<1600x16xf32>
    %mul3A_72 = arith.mulf %convert_element_type3A_35, %slice3A_58 : vector<1600x256xbf16>
    %get3A_73 = arith.constant 0 : index
    %get3A_74 = arith.constant 0 : index
    %get3A_75 = vector.load %arg10[%get3A_73, %get3A_74] : memref<256x48xbf16, #tpu.memory_space<vmem>>, vector<256x48xbf16>
    %dot_general3A_76 = arith.constant dense<0.000000e+00> : vector<1600x48xf32>
    %dot_general3A_77 = tpu.matmul %mul3A_72, %get3A_75, %dot_general3A_76 {dimension_numbers = #tpu.dot_dimension_numbers<[1], [0], [0], [1], [0, 0, 1, 1], [], []>, transpose_lhs_hint = false} : vector<1600x256xbf16>, vector<256x48xbf16>, vector<1600x48xf32> -> vector<1600x48xf32>
    %mul3A_78 = arith.mulf %dot_general3A_77, %slice3A_27 : vector<1600x48xf32>
    %mul3A_79 = arith.mulf %convert_element_type3A_56, %concatenate3A : vector<1600x768xbf16>
    %get3A_80 = arith.constant 0 : index
    %get3A_81 = arith.constant 0 : index
    %get3A_82 = vector.load %arg11[%get3A_80, %get3A_81] : memref<768x48xbf16, #tpu.memory_space<vmem>>, vector<768x48xbf16>
    %dot_general3A_83 = arith.constant dense<0.000000e+00> : vector<1600x48xf32>
    %dot_general3A_84 = tpu.matmul %mul3A_79, %get3A_82, %dot_general3A_83 {dimension_numbers = #tpu.dot_dimension_numbers<[1], [0], [0], [1], [0, 0, 1, 1], [], []>, transpose_lhs_hint = false} : vector<1600x768xbf16>, vector<768x48xbf16>, vector<1600x48xf32> -> vector<1600x48xf32>
    %mul3A_85 = vector.broadcast %slice3A_26 : vector<1600x1xf32> to vector<1600x48xf32>
    %mul3A_86 = arith.mulf %dot_general3A_84, %mul3A_85 : vector<1600x48xf32>
    %add3A_87 = arith.addf %mul3A_78, %mul3A_86 : vector<1600x48xf32>
    %mul3A_88 = arith.constant 0.176776692 : f32
    %mul3A_89 = vector.broadcast %mul3A_88 : f32 to vector<1600x48xf32>
    %mul3A_90 = arith.mulf %mul3A_89, %add3A_87 : vector<1600x48xf32>
    %broadcast_in_dim3A = arith.constant 0.000000e+00 : f32
    %broadcast_in_dim3A_91 = vector.broadcast %broadcast_in_dim3A : f32 to vector<1600x63xf32>
    %broadcast_in_dim3A_92 = arith.constant 1.000000e+00 : f32
    %broadcast_in_dim3A_93 = vector.broadcast %broadcast_in_dim3A_92 : f32 to vector<1600x1xf32>
    %concatenate3A_94 = tpu.concatenate %mul3A_71, %mul3A_90, %broadcast_in_dim3A_93, %broadcast_in_dim3A_91 in 1 : vector<1600x16xf32>, vector<1600x48xf32>, vector<1600x1xf32>, vector<1600x63xf32> -> vector<1600x128xf32>
    %swap3A = arith.constant 0 : index
    %swap3A_95 = arith.constant 0 : index
    %swap3A_96 = vector.load %arg12[%swap3A, %swap3A_95] : memref<1600x128xf32, #tpu.memory_space<vmem>>, vector<1600x128xf32>
    tpu.vector_store %arg12[%swap3A, %swap3A_95], %concatenate3A_94 {strides = array<i32>} : memref<1600x128xf32, #tpu.memory_space<vmem>>, vector<1600x128xf32>,
    return
  }
  func.func @transform_0(%arg0: i32) -> (i32, i32) {
    %c0_i32 = arith.constant 0 : i32
    %c0_i32_0 = arith.constant 0 : i32
    return %arg0, %c0_i32 : i32, i32
  }
  func.func @transform_1(%arg0: i32) -> (i32, i32) {
    %c0_i32 = arith.constant 0 : i32
    %c0_i32_0 = arith.constant 0 : i32
    return %arg0, %c0_i32 : i32, i32
  }
  func.func @transform_2(%arg0: i32) -> (i32, i32) {
    %c0_i32 = arith.constant 0 : i32
    %c0_i32_0 = arith.constant 0 : i32
    return %arg0, %c0_i32 : i32, i32
  }
  func.func @transform_3(%arg0: i32) -> (i32, i32) {
    %c0_i32 = arith.constant 0 : i32
    %c0_i32_0 = arith.constant 0 : i32
    %c0_i32_1 = arith.constant 0 : i32
    return %c0_i32, %c0_i32_0 : i32, i32
  }
  func.func @transform_4(%arg0: i32) -> (i32, i32) {
    %c0_i32 = arith.constant 0 : i32
    %c0_i32_0 = arith.constant 0 : i32
    %c0_i32_1 = arith.constant 0 : i32
    return %c0_i32, %c0_i32_0 : i32, i32
  }
  func.func @transform_5(%arg0: i32) -> (i32, i32) {
    %c0_i32 = arith.constant 0 : i32
    %c0_i32_0 = arith.constant 0 : i32
    %c0_i32_1 = arith.constant 0 : i32
    return %c0_i32, %c0_i32_0 : i32, i32
  }
  func.func @transform_6(%arg0: i32) -> (i32, i32) {
    %c0_i32 = arith.constant 0 : i32
    %c0_i32_0 = arith.constant 0 : i32
    %c0_i32_1 = arith.constant 0 : i32
    return %c0_i32, %c0_i32_0 : i32, i32
  }
  func.func @transform_7(%arg0: i32) -> (i32, i32) {
    %c0_i32 = arith.constant 0 : i32
    %c0_i32_0 = arith.constant 0 : i32
    %c0_i32_1 = arith.constant 0 : i32
    return %c0_i32, %c0_i32_0 : i32, i32
  }
  func.func @transform_8(%arg0: i32) -> (i32, i32) {
    %c0_i32 = arith.constant 0 : i32
    %c0_i32_0 = arith.constant 0 : i32
    %c0_i32_1 = arith.constant 0 : i32
    return %c0_i32, %c0_i32_0 : i32, i32
  }
  func.func @transform_9(%arg0: i32) -> (i32, i32) {
    %c0_i32 = arith.constant 0 : i32
    %c0_i32_0 = arith.constant 0 : i32
    %c0_i32_1 = arith.constant 0 : i32
    return %c0_i32, %c0_i32_0 : i32, i32
  }
  func.func @transform_10(%arg0: i32) -> (i32, i32) {
    %c0_i32 = arith.constant 0 : i32
    %c0_i32_0 = arith.constant 0 : i32
    %c0_i32_1 = arith.constant 0 : i32
    return %c0_i32, %c0_i32_0 : i32, i32
  }
  func.func @transform_11(%arg0: i32) -> (i32, i32) {
    %c0_i32 = arith.constant 0 : i32
    %c0_i32_0 = arith.constant 0 : i32
    return %arg0, %c0_i32 : i32, i32
  }
}

module attributes {stable_mosaic.version = 14 : i64} {
  func.func @_combine_body(%arg0: memref<2x10000x128xf32, #tpu.memory_space<vmem>>, %arg1: memref<10000x64xf32, #tpu.memory_space<vmem>>) attributes {dimension_semantics = [], scalar_prefetch = 0 : i64, scratch_operands = 0 : i64, tpu.core_type = #tpu.core_type<tc>} {
    %get3A = arith.constant 0 : index
    %get3A_0 = arith.constant 0 : index
    %get3A_1 = arith.constant 0 : index
    %get3A_2 = vector.load %arg0[%get3A, %get3A_0, %get3A_1] : memref<2x10000x128xf32, #tpu.memory_space<vmem>>, vector<1x10000x128xf32>
    %get3A_3 = vector.shape_cast %get3A_2 : vector<1x10000x128xf32> to vector<10000x128xf32>
    %get3A_4 = arith.constant 1 : index
    %get3A_5 = arith.constant 0 : index
    %get3A_6 = arith.constant 0 : index
    %get3A_7 = vector.load %arg0[%get3A_4, %get3A_5, %get3A_6] : memref<2x10000x128xf32, #tpu.memory_space<vmem>>, vector<1x10000x128xf32>
    %get3A_8 = vector.shape_cast %get3A_7 : vector<1x10000x128xf32> to vector<10000x128xf32>
    %add3A = arith.addf %get3A_3, %get3A_8 : vector<10000x128xf32>
    %slice3A = vector.extract_strided_slice %add3A {offsets = [0, 64], sizes = [10000, 1], strides = [1, 1]} : vector<10000x128xf32> to vector<10000x1xf32>
    %slice3A_9 = vector.extract_strided_slice %add3A {offsets = [0, 0], sizes = [10000, 64], strides = [1, 1]} : vector<10000x128xf32> to vector<10000x64xf32>
    %max3A = arith.constant 1.000000e+00 : f32
    %max3A_10 = vector.broadcast %max3A : f32 to vector<10000x1xf32>
    %max3A_11 = arith.maximumf %slice3A, %max3A_10 : vector<10000x1xf32>
    %div3A = vector.broadcast %max3A_11 : vector<10000x1xf32> to vector<10000x64xf32>
    %div3A_12 = arith.divf %slice3A_9, %div3A : vector<10000x64xf32>
    %swap3A = arith.constant 0 : index
    %swap3A_13 = arith.constant 0 : index
    %swap3A_14 = vector.load %arg1[%swap3A, %swap3A_13] : memref<10000x64xf32, #tpu.memory_space<vmem>>, vector<10000x64xf32>
    tpu.vector_store %arg1[%swap3A, %swap3A_13], %div3A_12 {strides = array<i32>} : memref<10000x64xf32, #tpu.memory_space<vmem>>, vector<10000x64xf32>,
    return
  }
}

</mosaic_0001>

<sc_bundles>
// kernel: kernel.6.cloned.1.call-start
scs
__scs_entry_jumppad:
0x0: {  	(pc) =	sbr.rel $0x88, $3  }
0x1: {  	(tag) =	ssettag $0x0;
	lr =	simm.s32 $0x1  }
0x2: {  	[smem:$0x3F98] =	sst lr;
	_ =	strace $0xD0000000  }
0x3: {  	_ = 	snop  }
0x4: {  	_ = 	snop  }
0x5: {  	_ = 	snop  }
0x6: {  	_ = 	snop  }
0x7: {  	_ = 	snop  }
__scs_overlays_trampoline_lowered:
0x8: {  	[smem:$0x3FA7] =	sst s0  }
0x9: {  	[smem:$0x3FA8] =	sst s1  }
0xa: {  	[smem:$0x3FA9] =	sst s2  }
0xb: {  	[smem:$0x3FAA] =	sst s3  }
0xc: {  	[smem:$0x3FAB] =	sst s4  }
0xd: {  	[smem:$0x3FAC] =	sst s5  }
0xe: {  	[smem:$0x3FAD] =	sst s6  }
0xf: {  	[smem:$0x3FAE] =	sst s7  }
0x10: {  	[smem:$0x3FAF] =	sst s8  }
0x11: {  	[smem:$0x3FB0] =	sst s9;
	s0 =	simm.s32 @!p0 $0x0  }
0x12: {  	s1 =	sld [smem:$0x3F96];
	s0 =	simm.s32 @p0 $0x1  }
0x13: {  	[smem:$0x3FB1] =	sst s0;
	s0 =	simm.s32 @!p1 $0x0  }
0x14: {  	s2 =	sld [smem:$0x3F95];
	s0 =	simm.s32 @p1 $0x1  }
0x15: {  	[smem:$0x3FB2] =	sst s0;
	s0 =	simm.s32 @!p2 $0x0  }
0x16: {  	s3 =	sld [smem:$0x3FDB];
	s0 =	simm.s32 @p2 $0x1  }
0x17: {  	s4 =	simm.s32 $0x1BF5;
	[smem:$0x3FB4] =	sst s0  }
0x18: {  	s0 =	sld [smem:$0x3F97];
	_ =	swait.ge [sflag:s4], $0x0  }
0x19: {  	s7 =	sld [smem:$0x3F98]  }
0x1a: {  	s8 =	sadd.s32 $0xFFFFE003, lr  }
0x1b: {  	s9 =	sadd.s32 $0xFFFFFEF7, lr;
	s5 =	simm.s32 $0xFFFFFFFF;
	p2 =	slt.u32 s8, $0xFFFFF086  }
0x1c: {  	p1 =	slt.u32 s9, $0xF7A;
	s5 =	simm.s32 @!p2 $0x0  }
0x1d: {  	s5 =	simm.s32 @p1 $0x1;
	p0 =	seq.s32 s7, s2  }
0x1e: {  	s7 =	smul.u32 @!p0 $0xF7A, s2;
	p2 =	seq.s32 @!p0 s5, $0x0  }
0x1f: {  	s9 =	smul.u32 $0xF7A, s1;
	s8 =	simm.s32 @!p0 $0x1BF5;
	p2 =	por !p2, p0  }
0x20: {  	[sflag:s8] =	ssyncset.s32 @!p0 $0xFFFFF086;
	s6 =	sadd.s32 @!p0 s3, s7;
	s7 =	simm.s32 @!p0 $0x108  }
0x21: {  	s3 =	sadd.s32 s3, s9;
	s6 =	sadd.s32 @!p0 $0x88, s6;
	s7 =	simm.s32 @p2 $0x1082  }
0x22: {  	[simem:s7], [sflag:s8] =	dma.local @!p0 [hbm:s6], $0xF7A  }
0x23: {  	s9 =	sor.u32 $0xD0000000, s2;
	s6 =	simm.s32 $0x108;
	_ =	swait.ge @!p0 [sflag:s8], $0x0  }
0x24: {  	s3 =	sadd.s32 $0x88, s3;
	s6 =	simm.s32 @!p1 $0x1082;
	[sflag:s4] =	ssyncset.s32 $0xFFFFF086  }
0x25: {  	[simem:s6], [sflag:s4] =	dma.local [hbm:s3], $0xF7A  }
0x26: {  	[smem:$0x3F98] =	sst s1;
	(tag) =	ssettag s2;
	_ =	strace s9  }
0x27: {  	s1 =	sld [smem:$0x3FA8]  }
0x28: {  	s2 =	sld [smem:$0x3FA9]  }
0x29: {  	s4 =	sld [smem:$0x3FAB]  }
0x2a: {  	p0 =	seq.s32 s5, $0x0;
	s5 =	sld [smem:$0x3FAC]  }
0x2b: {  	s6 =	sld [smem:$0x3FAD]  }
0x2c: {  	s7 =	sld [smem:$0x3FAE]  }
0x2d: {  	s3 =	simm.s32 $0x108;
	s8 =	sld [smem:$0x3FAF]  }
0x2e: {  	s3 =	simm.s32 @!p0 $0x1082;
	s9 =	sld [smem:$0x3FB0]  }
0x2f: {  	lr =	sadd.s32 s0, s3;
	s0 =	sld [smem:$0x3FA7]  }
0x30: {  	s3 =	sld [smem:$0x3FAA]  }
0x31: {  	[smem:$0x3FB3] =	sst s10  }
0x32: {  	s10 =	sld [smem:$0x3FB1];
	_ =	sdelay $0x3  }
0x33: {  	p0 =	seq.s32 s10, $0x1;
	s10 =	sld [smem:$0x3FB3];
	_ =	sdelay $0x3  }
0x34: {  	[smem:$0x3FB3] =	sst s10  }
0x35: {  	s10 =	sld [smem:$0x3FB2];
	_ =	sdelay $0x3  }
0x36: {  	p1 =	seq.s32 s10, $0x1;
	s10 =	sld [smem:$0x3FB3];
	_ =	sdelay $0x3  }
0x37: {  	[smem:$0x3FB3] =	sst s10  }
0x38: {  	s10 =	sld [smem:$0x3FB4]  }
0x39: {  	_ = 	snop;
	(pc) =	sbr.ind lr, $3  }
0x3a: {  	_ = 	snop  }
0x3b: {  	_ = 	snop  }
0x3c: {  	p2 =	seq.s32 s10, $0x1;
	s10 =	sld [smem:$0x3FB3]  }
0x3d: {  	_ =	shalt  }
0x3e: {  	_ =	shalt  }
0x3f: {  	_ =	shalt  }
0x40: {  	_ =	shalt  }
0x41: {  	_ =	shalt  }
0x42: {  	_ =	shalt  }
0x43: {  	_ =	shalt  }
0x44: {  	_ =	shalt  }
0x45: {  	_ =	shalt  }
0x46: {  	_ =	shalt  }
0x47: {  	_ =	shalt  }
0x48: {  	_ =	shalt  }
0x49: {  	_ =	shalt  }
0x4a: {  	_ =	shalt  }
0x4b: {  	_ =	shalt  }
0x4c: {  	_ =	shalt  }
0x4d: {  	_ =	shalt  }
0x4e: {  	_ =	shalt  }
0x4f: {  	_ =	shalt  }
0x50: {  	_ =	shalt  }
0x51: {  	_ =	shalt  }
0x52: {  	_ =	shalt  }
0x53: {  	_ =	shalt  }
0x54: {  	_ =	shalt  }
0x55: {  	_ =	shalt  }
0x56: {  	_ =	shalt  }
0x57: {  	_ =	shalt  }
0x58: {  	_ =	shalt  }
0x59: {  	_ =	shalt  }
0x5a: {  	_ =	shalt  }
0x5b: {  	_ =	shalt  }
0x5c: {  	_ =	shalt  }
0x5d: {  	_ =	shalt  }
0x5e: {  	_ =	shalt  }
0x5f: {  	_ =	shalt  }
0x60: {  	_ =	shalt  }
0x61: {  	_ =	shalt  }
0x62: {  	_ =	shalt  }
0x63: {  	_ =	shalt  }
0x64: {  	_ =	shalt  }
0x65: {  	_ =	shalt  }
0x66: {  	_ =	shalt  }
0x67: {  	_ =	shalt  }
0x68: {  	_ =	shalt  }
0x69: {  	_ =	shalt  }
0x6a: {  	_ =	shalt  }
0x6b: {  	_ =	shalt  }
0x6c: {  	_ =	shalt  }
0x6d: {  	_ =	shalt  }
0x6e: {  	_ =	shalt  }
0x6f: {  	_ =	shalt  }
0x70: {  	_ =	shalt  }
0x71: {  	_ =	shalt  }
0x72: {  	_ =	shalt  }
0x73: {  	_ =	shalt  }
0x74: {  	_ =	shalt  }
0x75: {  	_ =	shalt  }
0x76: {  	_ =	shalt  }
0x77: {  	_ =	shalt  }
0x78: {  	_ =	shalt  }
0x79: {  	_ =	shalt  }
0x7a: {  	_ =	shalt  }
0x7b: {  	_ =	shalt  }
0x7c: {  	_ =	shalt  }
0x7d: {  	_ =	shalt  }
0x7e: {  	_ =	shalt  }
0x7f: {  	_ =	shalt  }
0x80: {  	_ =	shalt  }
0x81: {  	_ =	shalt  }
0x82: {  	_ =	shalt  }
0x83: {  	_ =	shalt  }
0x84: {  	_ =	shalt  }
0x85: {  	_ =	shalt  }
0x86: {  	_ =	shalt  }
0x87: {  	_ =	shalt  }
.Lfunc_end0:
.L_simem_size_0:
called_computation_lowered:
.L_overlay_start_0:
0x88: {  	s2 =	sld [smem:$0x3FD9]  }
0x89: {  	s3 =	sld [smem:$0x3FFE];
	_ =	sdelay $0x1  }
0x8a: {  	s1 =	srdreg.scid  }
0x8b: {  	s0 =	sand.u32 $0x1, s1  }
0x8c: {  	s17 =	sshll.u32 s0, $0xA;
	s2 =	sadd.s32 s3, s2  }
0x8d: {  	s2 =	sadd.s32 s2, s17  }
0x8e: {  	[smem:$0x3FBF] =	sst s2  }
0x8f: {  	_ = 	snop  }
0x90: {  	s2 =	sld [smem:$0x3FC6];
	(tm) =	ssettm $0x1  }
0x91: {  	s18 =	sld [smem:$0x3FFB];
	_ =	sdelay $0x3  }
0x92: {  	_ =	strace s18  }
0x93: {  	s3 =	sld [smem:$0x3FFC];
	_ =	sdelay $0x3  }
0x94: {  	_ =	strace s3  }
0x95: {  	s3 =	sld [smem:$0x3FFD];
	_ =	sdelay $0x3  }
0x96: {  	_ =	strace s3  }
0x97: {  	_ =	strace $0x8FFFFFFF  }
0x98: {  	s19 =	sld [smem:$0x3FDB];
	_ =	sdelay $0x1  }
0x99: {  	s4 =	simm.s32 $_scs_section_size  }
0x9a: {  	s5 =	simm.s32 $_size__tile_overlayer_lowered;
	s6 =	simm.s32 $_tile_overlayer_lowered  }
0x9b: {  	s22 =	simm.s32 $0x1BFF;
	s21 =	sshll.u32 s6, $0x1;
	s3 =	sadd.s32 s4, s19  }
0x9c: {  	s7 =	simm.s32 $0x0;
	s20 =	sshll.u32 s5, $0x1;
	s5 =	sadd.s32 s21, s3  }
0x9d: {  	[timem:s7], [sflag:s22] =	dma.local [hbm:s5], s20  }
0x9e: {  	_ =	swait.ge [sflag:s22], s20  }
0x9f: {  	s4 =	ssub.s32 $0x0, s20;
	[sflag:s22] =	ssyncset.done $0x0  }
0xa0: {  	[sflag:s22] =	ssyncadd.s32 s4;
	_ =	sdelay $0x1  }
0xa1: {  	s23 =	simm.s32 $0x1B8B  }
0xa2: {  	_ =	swait.ge [sflag:s23], $0x1  }
0xa3: {  	[sflag:s23] =	ssyncset.done $0x0  }
0xa4: {  	s25 =	simm.s32 $0x1B8E;
	s24 =	sld [smem:$0x3FFE];
	[sflag:s23] =	ssyncadd.s32 $0xFFFFFFFF  }
0xa5: {  	s26 =	simm.s32 $execute0_lowered;
	[smem:$0x3FD2] =	sst s25  }
0xa6: {  	s5 =	sshll.u32 s26, $0x1;
	_ =	strace $0x80000046;
	[dreg:$0x1] =	wrdreg $0xFFFFFFFF  }
0xa7: {  	s28 =	simm.s32 $_size_execute0_lowered;
	s3 =	sadd.s32 s3, s5;
	[dreg:$0x0] =	wrdreg $0x0  }
0xa8: {  	s5 =	sshll.u32 s28, $0x1;
	[dreg:$0x2] =	wrdreg s3  }
0xa9: {  	[dreg:$0x3] =	wrdreg s5  }
0xaa: {  	[dreg:$0x4] =	wrdreg $0xC0  }
0xab: {  	_ =	task [dreg:s7], $0x5FFFF  }
0xac: {  	[dreg:$0x1] =	wrdreg $0xFFFFFFFF  }
0xad: {  	[dreg:$0x0] =	wrdreg $0x60  }
0xae: {  	[dreg:$0x2] =	wrdreg s24  }
0xaf: {  	[dreg:$0x3] =	wrdreg s2  }
0xb0: {  	[dreg:$0x4] =	wrdreg $0x9  }
0xb1: {  	_ =	task.clear_ibuf [dreg:s7], $0x5FFFF;
	_ =	strace $0x90000046  }
0xb2: {  	s29 =	simm.s32 $0x9;
	_ =	strace $0x80000048  }
0xb3: {  	_ =	swait.ge [sflag:s29], $0x1  }
0xb4: {  	[sflag:s29] =	ssyncadd.s32 $0xFFFFFFFF  }
0xb5: {  	_ =	strace $0x90000048  }
0xb6: {  	_ =	sfence  }
0xb7: {  	s30 =	sld [smem:$0x0];
	_ =	sdelay $0x2  }
0xb8: {  	s31 =	sshll.u32 s1, $0xD;
	s1 =	sshrl.u32 s1, $0x2  }
0xb9: {  	s3 =	sand.u32 $0x4000, s31;
	s1 =	sadd.s32 s1, s30  }
0xba: {  	s0 =	sor.u32 s3, s0;
	s1 =	sshll.u32 s1, $0x11  }
0xbb: {  	s0 =	sor.u32 s1, s0  }
0xbc: {  	s0 =	sadd.s32 $0x8F2B, s0  }
0xbd: {  	[sflag:s0] =	ssyncadd.remote.s32 $0x1  }
0xbe: {  	_ =	sfence.sel $0xFFFF  }
0xbf: {  	[dreg:$0x0] =	wrdreg $0xFFFFFFFF;
	(pc) =	sbr.abs _section_cstart, $3  }
0xc0: {  	[dreg:$0x1] =	wrdreg $0xFFFFFFFF  }
0xc1: {  	_ =	task.clear_ibuf [dreg:s7], $0x2FFFF;
	_ =	strace $0x9FFFFFFF  }
0xc2: {  	(tm) =	ssettm $0x7FFFFFFF  }
0xc3: {  	_ =	shalt  }
tec
execute0_lowered:
.L_overlay_start_1:
0x0: {  	(tag) =	ssettag $0x1  }
0x1: {  	s4 =	rddreg [dreg:$0x0]  }
0x2: {  	s0 =	srdreg.scid;
	s1 =	rddreg [dreg:$0x1]  }
0x3: {  	s22 =	stileid.u32;
	s24 =	rddreg [dreg:$0x2];
	s2 =	simm.s32 $0x0  }
0x4: {  	p1 =	por $0x0, $0x0;
	s6 =	sand.u32 $0x1, s0;
	s12 =	sshll.u32 s22, $0x1  }
0x5: {  	[smem:$0x7FF] =	sst s2;
	s3 =	sadd.s32 $0x3800, s4;
	s4 =	sadd.s32 $0x2AA00, s4  }
0x6: {  	s0 =	sor.u32 s6, s12;
	_ =	strace $0x80000047;
	s6 =	ssub.s32 $0x2, s6  }
0x7: {  	s5 =	sshll.u32 s0, $0x7;
	s28 =	sshrl.u32 s6, $0x1;
	p0 =	sgt.u32 s0, $0x10  }
0x8: {  	s7 =	sor.u32 $0x1000, s5;
	s9 =	sor.u32 $0x2000, s5;
	s11 =	sor.u32 $0x3000, s5  }
0x9: {  	s16 =	sor.u32 $0x4000, s5;
	s18 =	sor.u32 $0x5000, s5;
	s26 =	sor.u32 $0x6000, s5  }
0xa: {  	s12 =	sor.u32 $0x7000, s5;
	s6 =	ssub.s32 s6, s28;
	s8 =	sshrl.u32 s7, $0x3  }
0xb: {  	s10 =	sshrl.u32 s9, $0x3;
	s14 =	sshrl.u32 s11, $0x3;
	s7 =	sshll.u32 s7, $0x4  }
0xc: {  	s17 =	sshrl.u32 s16, $0x3;
	s9 =	sshll.u32 s9, $0x4;
	s8 =	sadd.s32 s1, s8  }
0xd: {  	s20 =	sshrl.u32 s18, $0x3;
	s13 =	sadd.s32 s1, s10;
	[dreg:$0x3] =	wrdreg s8  }
0xe: {  	s23 =	sshll.u32 s11, $0x4;
	s15 =	sadd.s32 s1, s14;
	[dreg:$0x4] =	wrdreg s13  }
0xf: {  	s29 =	sshrl.u32 s26, $0x3;
	s7 =	sadd.s32 s4, s7;
	[dreg:$0x5] =	wrdreg s15  }
0x10: {  	s31 =	sshrl.u32 s12, $0x3;
	s19 =	sadd.s32 s4, s9;
	[dreg:$0x6] =	wrdreg s7  }
0x11: {  	s21 =	sadd.s32 s1, s20;
	s25 =	sadd.s32 s4, s23;
	[dreg:$0x8] =	wrdreg s19  }
0x12: {  	s9 =	sshll.u32 s26, $0x4;
	s26 =	sshll.u32 s0, $0x4;
	[dreg:$0x9] =	wrdreg s21  }
0x13: {  	s7 =	sadd.s32 s1, s17;
	[dreg:$0xa] =	wrdreg s25;
	s8 =	sshll.u32 s16, $0x4  }
0x14: {  	s13 =	sshll.u32 s18, $0x4;
	s15 =	sor.u32 $0x8000, s5;
	s17 =	sor.u32 $0x9000, s5  }
0x15: {  	s18 =	sadd.s32 s4, s9;
	s21 =	sshll.u32 s12, $0x4;
	s25 =	sor.u32 $0xA000, s5  }
0x16: {  	s12 =	simm.s32 $0x80;
	[dreg:$0x7] =	wrdreg s7;
	s7 =	sadd.s32 s1, s29  }
0x17: {  	s30 =	sadd.s32 s4, s8;
	s8 =	sadd.s32 s1, s31;
	[dreg:$0x10] =	wrdreg s18  }
0x18: {  	s14 =	sadd.s32 s4, s13;
	s16 =	sshrl.u32 s15, $0x3;
	[dreg:$0xb] =	wrdreg s7  }
0x19: {  	s19 =	sshrl.u32 s17, $0x3;
	s23 =	sadd.s32 s4, s21;
	[dreg:$0xc] =	wrdreg s30  }
0x1a: {  	s28 =	sshrl.u32 s25, $0x3;
	s29 =	sor.u32 $0xB000, s5;
	[dreg:$0xd] =	wrdreg s8  }
0x1b: {  	s9 =	sshll.u32 s25, $0x4;
	s18 =	sor.u32 $0xD000, s5;
	[dreg:$0xe] =	wrdreg s14  }
0x1c: {  	s7 =	sadd.s32 s1, s16;
	s20 =	sadd.s32 s1, s19;
	[dreg:$0x12] =	wrdreg s23  }
0x1d: {  	s8 =	sshll.u32 s15, $0x4;
	s31 =	sshrl.u32 s29, $0x3;
	s14 =	sshll.u32 s17, $0x4  }
0x1e: {  	s16 =	sor.u32 $0xC000, s5;
	s19 =	sadd.s32 s4, s9;
	[dreg:$0xf] =	wrdreg s7  }
0x1f: {  	s21 =	sshrl.u32 s18, $0x3;
	s25 =	sshll.u32 s29, $0x4;
	[dreg:$0x11] =	wrdreg s20  }
0x20: {  	s29 =	sshll.u32 s0, $0xB;
	s7 =	sadd.s32 s1, s28;
	[dreg:$0x18] =	wrdreg s19  }
0x21: {  	s30 =	sadd.s32 s4, s8;
	s13 =	sadd.s32 s1, s31;
	[dreg:$0x13] =	wrdreg s7  }
0x22: {  	s15 =	sadd.s32 s4, s14;
	s20 =	sadd.s32 s1, s26;
	[dreg:$0x14] =	wrdreg s30  }
0x23: {  	s17 =	sshrl.u32 s16, $0x3;
	s23 =	sadd.s32 s1, s21;
	[dreg:$0x15] =	wrdreg s13  }
0x24: {  	s26 =	sadd.s32 s4, s25;
	s28 =	sor.u32 $0xE000, s5;
	[dreg:$0x16] =	wrdreg s15  }
0x25: {  	s8 =	sshll.u32 s16, $0x4;
	s31 =	sor.u32 $0xF000, s5;
	[dreg:$0x19] =	wrdreg s23  }
0x26: {  	s21 =	sadd.s32 s4, s29;
	s7 =	sadd.s32 s1, s17;
	[dreg:$0x1a] =	wrdreg s26  }
0x27: {  	s30 =	sshrl.u32 s28, $0x3;
	s8 =	sadd.s32 s4, s8;
	s13 =	sshrl.u32 s31, $0x3  }
0x28: {  	s15 =	sshll.u32 s18, $0x4;
	s17 =	sor.u32 $0x10000, s5;
	s9 =	sshll.u32 s28, $0x4  }
0x29: {  	s26 =	sshll.u32 s31, $0x4;
	s31 =	smax.u32 s6, $0x1;
	[dreg:$0x17] =	wrdreg s7  }
0x2a: {  	s6 =	simm.s32 $0x100;
	s7 =	sadd.s32 s1, s30;
	[dreg:$0x1c] =	wrdreg s8  }
0x2b: {  	s14 =	sadd.s32 s1, s13;
	s16 =	sadd.s32 s4, s15;
	s18 =	sshrl.u32 s17, $0x3  }
0x2c: {  	s13 =	sor.u32 $0x11000, s5;
	s19 =	sadd.s32 s4, s9;
	s5 =	sor.u32 $0x12000, s5  }
0x2d: {  	s15 =	sadd.s32 s4, s26;
	s29 =	sshll.u32 s17, $0x4;
	[dreg:$0x1b] =	wrdreg s7  }
0x2e: {  	s9 =	sadd.s32 $0x2600, s20;
	s17 =	simm.s32 $0x4100;
	[dreg:$0x1d] =	wrdreg s14  }
0x2f: {  	s8 =	simm.s32 $0x3;
	[dreg:$0x1e] =	wrdreg s16;
	s23 =	sshrl.u32 s13, $0x3  }
0x30: {  	s7 =	sadd.s32 s1, s18;
	s25 =	sadd.s32 s1, s23;
	s23 =	sadd.s32 $0xFFFFFFFF, s31  }
0x31: {  	[smem:$0x7FC] =	sst s19;
	s28 =	sshrl.u32 s5, $0x3;
	p2 =	sne.s32 s23, $0x0  }
.Ltmp0:
0x32: {  	s11 =	sadd.s32 s4, s29;
	s30 =	sshll.u32 s13, $0x4;
	(pc) =	sbr.rel @!p2 .LBB2_5-.Ltmp0, $4  }
0x33: {  	s5 =	sshll.u32 s5, $0x4;
	s13 =	simm.s32 $0x1;
	s18 =	simm.s32 $0x2  }
0x34: {  	s16 =	simm.s32 $0x5;
	s14 =	simm.s32 $0x4;
	s19 =	simm.s32 $0x6  }
0x35: {  	[dreg:$0x1f] =	wrdreg s7;
	s10 =	sadd.s32 s1, s28;
	s7 =	sadd.s32 s4, s30  }
0x36: {  	s5 =	sadd.s32 s4, s5;
	s4 =	sadd.s32 $0x130000, s21;
	[smem:$0x7FD] =	sst s25  }
0x37: {  	[tilespmem:s2], [sflag:$0x1] =	stream.linear.gather [hbm4b:s20+s2], $0x80, $0x38;
	[tilespmem:$0x8100] =	vst v63  }
0x38: {  	s0 =	rddreg [dreg:$0x3]  }
0x39: {  	[tilespmem:s12], [sflag:$0x2] =	stream.linear.gather [hbm4b:s0+s2], $0x80, $0x38;
	[tilespmem:$0x8100] =	vst v63  }
0x3a: {  	_ =	swait.ge [sflag:s13], $0x80  }
0x3b: {  	[sflag:s13] =	ssyncset.done $0x0  }
0x3c: {  	[sflag:s13] =	ssyncadd.s32 $0xFFFFFF80  }
0x3d: {  	[tilespmem:s6], [sflag:$0x3] =	stream.indirect.gather [hbm4b:s3+s12], $0x80, s2, s12, $0xb8;
	[tilespmem:$0x8100] =	vst v63  }
0x3e: {  	_ =	swait.ge [sflag:s18], $0x80  }
0x3f: {  	[sflag:s18] =	ssyncset.done $0x0  }
0x40: {  	[sflag:s18] =	ssyncadd.s32 $0xFFFFFF80  }
0x41: {  	[tilespmem:s17], [sflag:$0x4] =	stream.indirect.gather [hbm4b:s3+s12], $0x80, s12, s12, $0xb8;
	[tilespmem:$0x8100] =	vst v63  }
0x42: {  	_ =	swait.ge [sflag:s8], $0x4000  }
0x43: {  	[sflag:s8] =	ssyncset.done $0x0  }
0x44: {  	s22 =	rddreg [dreg:$0x4];
	[sflag:s8] =	ssyncadd.s32 $0xFFFFC000  }
0x45: {  	[tilespmem:s2], [sflag:$0x1] =	stream.linear.gather [hbm4b:s22+s2], $0x80, $0x38;
	[tilespmem:$0x8100] =	vst v63  }
0x46: {  	_ = 	snop  }
0x47: {  	[hbm4b:s21+s2] =	stream.linear.scatter [tilespmem:s6], [sflag:$0x5], $0x4000, $0x38;
	[tilespmem:$0x8100] =	vst v63  }
0x48: {  	_ =	swait.ge [sflag:s13], $0x80  }
0x49: {  	[sflag:s13] =	ssyncset.done $0x0  }
0x4a: {  	[sflag:s13] =	ssyncadd.s32 $0xFFFFFF80  }
0x4b: {  	_ =	swait.ge [sflag:s16], $0x4000  }
0x4c: {  	[sflag:s16] =	ssyncset.done $0x0  }
0x4d: {  	[sflag:s16] =	ssyncadd.s32 $0xFFFFC000  }
0x4e: {  	[tilespmem:s6], [sflag:$0x3] =	stream.indirect.gather [hbm4b:s3+s12], $0x80, s2, s12, $0xb8;
	[tilespmem:$0x8100] =	vst v63  }
0x4f: {  	_ =	swait.ge [sflag:s14], $0x4000  }
0x50: {  	[sflag:s14] =	ssyncset.done $0x0  }
0x51: {  	s24 =	rddreg [dreg:$0x5];
	[sflag:s14] =	ssyncadd.s32 $0xFFFFC000  }
0x52: {  	[tilespmem:s12], [sflag:$0x2] =	stream.linear.gather [hbm4b:s24+s2], $0x80, $0x38;
	[tilespmem:$0x8100] =	vst v63  }
0x53: {  	s1 =	rddreg [dreg:$0x6]  }
0x54: {  	[hbm4b:s1+s2] =	stream.linear.scatter [tilespmem:s17], [sflag:$0x6], $0x4000, $0x38;
	[tilespmem:$0x8100] =	vst v63  }
0x55: {  	_ =	swait.ge [sflag:s18], $0x80  }
0x56: {  	[sflag:s18] =	ssyncset.done $0x0  }
0x57: {  	[sflag:s18] =	ssyncadd.s32 $0xFFFFFF80  }
0x58: {  	_ =	swait.ge [sflag:s19], $0x4000  }
0x59: {  	[sflag:s19] =	ssyncset.done $0x0  }
0x5a: {  	[sflag:s19] =	ssyncadd.s32 $0xFFFFC000  }
0x5b: {  	[tilespmem:s17], [sflag:$0x4] =	stream.indirect.gather [hbm4b:s3+s12], $0x80, s12, s12, $0xb8;
	[tilespmem:$0x8100] =	vst v63  }
0x5c: {  	_ =	swait.ge [sflag:s8], $0x4000  }
0x5d: {  	[sflag:s8] =	ssyncset.done $0x0  }
0x5e: {  	s25 =	rddreg [dreg:$0x7];
	[sflag:s8] =	ssyncadd.s32 $0xFFFFC000  }
0x5f: {  	[tilespmem:s2], [sflag:$0x1] =	stream.linear.gather [hbm4b:s25+s2], $0x80, $0x38;
	[tilespmem:$0x8100] =	vst v63  }
0x60: {  	s26 =	rddreg [dreg:$0x8]  }
0x61: {  	[hbm4b:s26+s2] =	stream.linear.scatter [tilespmem:s6], [sflag:$0x5], $0x4000, $0x38;
	[tilespmem:$0x8100] =	vst v63  }
0x62: {  	_ =	swait.ge [sflag:s13], $0x80  }
0x63: {  	[sflag:s13] =	ssyncset.done $0x0  }
0x64: {  	[sflag:s13] =	ssyncadd.s32 $0xFFFFFF80  }
0x65: {  	_ =	swait.ge [sflag:s16], $0x4000  }
0x66: {  	[sflag:s16] =	ssyncset.done $0x0  }
0x67: {  	[sflag:s16] =	ssyncadd.s32 $0xFFFFC000  }
0x68: {  	[tilespmem:s6], [sflag:$0x3] =	stream.indirect.gather [hbm4b:s3+s12], $0x80, s2, s12, $0xb8;
	[tilespmem:$0x8100] =	vst v63  }
0x69: {  	_ =	swait.ge [sflag:s14], $0x4000  }
0x6a: {  	[sflag:s14] =	ssyncset.done $0x0  }
0x6b: {  	s22 =	rddreg [dreg:$0x9];
	[sflag:s14] =	ssyncadd.s32 $0xFFFFC000  }
0x6c: {  	[tilespmem:s12], [sflag:$0x2] =	stream.linear.gather [hbm4b:s22+s2], $0x80, $0x38;
	[tilespmem:$0x8100] =	vst v63  }
0x6d: {  	s24 =	rddreg [dreg:$0xa]  }
0x6e: {  	[hbm4b:s24+s2] =	stream.linear.scatter [tilespmem:s17], [sflag:$0x6], $0x4000, $0x38;
	[tilespmem:$0x8100] =	vst v63  }
0x6f: {  	_ =	swait.ge [sflag:s18], $0x80  }
0x70: {  	[sflag:s18] =	ssyncset.done $0x0  }
0x71: {  	[sflag:s18] =	ssyncadd.s32 $0xFFFFFF80  }
0x72: {  	_ =	swait.ge [sflag:s19], $0x4000  }
0x73: {  	[sflag:s19] =	ssyncset.done $0x0  }
0x74: {  	[sflag:s19] =	ssyncadd.s32 $0xFFFFC000  }
0x75: {  	[tilespmem:s17], [sflag:$0x4] =	stream.indirect.gather [hbm4b:s3+s12], $0x80, s12, s12, $0xb8;
	[tilespmem:$0x8100] =	vst v63  }
0x76: {  	_ =	swait.ge [sflag:s8], $0x4000  }
0x77: {  	[sflag:s8] =	ssyncset.done $0x0  }
0x78: {  	s25 =	rddreg [dreg:$0xb];
	[sflag:s8] =	ssyncadd.s32 $0xFFFFC000  }
0x79: {  	[tilespmem:s2], [sflag:$0x1] =	stream.linear.gather [hbm4b:s25+s2], $0x80, $0x38;
	[tilespmem:$0x8100] =	vst v63  }
0x7a: {  	s26 =	rddreg [dreg:$0xc]  }
0x7b: {  	[hbm4b:s26+s2] =	stream.linear.scatter [tilespmem:s6], [sflag:$0x5], $0x4000, $0x38;
	[tilespmem:$0x8100] =	vst v63  }
0x7c: {  	_ =	swait.ge [sflag:s13], $0x80  }
0x7d: {  	[sflag:s13] =	ssyncset.done $0x0  }
0x7e: {  	[sflag:s13] =	ssyncadd.s32 $0xFFFFFF80  }
0x7f: {  	_ =	swait.ge [sflag:s16], $0x4000  }
0x80: {  	[sflag:s16] =	ssyncset.done $0x0  }
0x81: {  	[sflag:s16] =	ssyncadd.s32 $0xFFFFC000  }
0x82: {  	[tilespmem:s6], [sflag:$0x3] =	stream.indirect.gather [hbm4b:s3+s12], $0x80, s2, s12, $0xb8;
	[tilespmem:$0x8100] =	vst v63  }
0x83: {  	_ =	swait.ge [sflag:s14], $0x4000  }
0x84: {  	[sflag:s14] =	ssyncset.done $0x0  }
0x85: {  	s22 =	rddreg [dreg:$0xd];
	[sflag:s14] =	ssyncadd.s32 $0xFFFFC000  }
0x86: {  	[tilespmem:s12], [sflag:$0x2] =	stream.linear.gather [hbm4b:s22+s2], $0x80, $0x38;
	[tilespmem:$0x8100] =	vst v63  }
0x87: {  	s24 =	rddreg [dreg:$0xe]  }
0x88: {  	[hbm4b:s24+s2] =	stream.linear.scatter [tilespmem:s17], [sflag:$0x6], $0x4000, $0x38;
	[tilespmem:$0x8100] =	vst v63  }
0x89: {  	_ =	swait.ge [sflag:s18], $0x80  }
0x8a: {  	[sflag:s18] =	ssyncset.done $0x0  }
0x8b: {  	[sflag:s18] =	ssyncadd.s32 $0xFFFFFF80  }
0x8c: {  	_ =	swait.ge [sflag:s19], $0x4000  }
0x8d: {  	[sflag:s19] =	ssyncset.done $0x0  }
0x8e: {  	[sflag:s19] =	ssyncadd.s32 $0xFFFFC000  }
0x8f: {  	[tilespmem:s17], [sflag:$0x4] =	stream.indirect.gather [hbm4b:s3+s12], $0x80, s12, s12, $0xb8;
	[tilespmem:$0x8100] =	vst v63  }
0x90: {  	_ =	swait.ge [sflag:s8], $0x4000  }
0x91: {  	[sflag:s8] =	ssyncset.done $0x0  }
0x92: {  	s25 =	rddreg [dreg:$0xf];
	[sflag:s8] =	ssyncadd.s32 $0xFFFFC000  }
0x93: {  	[tilespmem:s2], [sflag:$0x1] =	stream.linear.gather [hbm4b:s25+s2], $0x80, $0x38;
	[tilespmem:$0x8100] =	vst v63  }
0x94: {  	s26 =	rddreg [dreg:$0x10]  }
0x95: {  	[hbm4b:s26+s2] =	stream.linear.scatter [tilespmem:s6], [sflag:$0x5], $0x4000, $0x38;
	[tilespmem:$0x8100] =	vst v63  }
0x96: {  	_ =	swait.ge [sflag:s13], $0x80  }
0x97: {  	[sflag:s13] =	ssyncset.done $0x0  }
0x98: {  	[sflag:s13] =	ssyncadd.s32 $0xFFFFFF80  }
0x99: {  	_ =	swait.ge [sflag:s16], $0x4000  }
0x9a: {  	[sflag:s16] =	ssyncset.done $0x0  }
0x9b: {  	[sflag:s16] =	ssyncadd.s32 $0xFFFFC000  }
0x9c: {  	[tilespmem:s6], [sflag:$0x3] =	stream.indirect.gather [hbm4b:s3+s12], $0x80, s2, s12, $0xb8;
	[tilespmem:$0x8100] =	vst v63  }
0x9d: {  	_ =	swait.ge [sflag:s14], $0x4000  }
0x9e: {  	[sflag:s14] =	ssyncset.done $0x0  }
0x9f: {  	s22 =	rddreg [dreg:$0x11];
	[sflag:s14] =	ssyncadd.s32 $0xFFFFC000  }
0xa0: {  	[tilespmem:s12], [sflag:$0x2] =	stream.linear.gather [hbm4b:s22+s2], $0x80, $0x38;
	[tilespmem:$0x8100] =	vst v63  }
0xa1: {  	s24 =	rddreg [dreg:$0x12]  }
0xa2: {  	[hbm4b:s24+s2] =	stream.linear.scatter [tilespmem:s17], [sflag:$0x6], $0x4000, $0x38;
	[tilespmem:$0x8100] =	vst v63  }
0xa3: {  	_ =	swait.ge [sflag:s18], $0x80  }
0xa4: {  	[sflag:s18] =	ssyncset.done $0x0  }
0xa5: {  	[sflag:s18] =	ssyncadd.s32 $0xFFFFFF80  }
0xa6: {  	_ =	swait.ge [sflag:s19], $0x4000  }
0xa7: {  	[sflag:s19] =	ssyncset.done $0x0  }
0xa8: {  	[sflag:s19] =	ssyncadd.s32 $0xFFFFC000  }
0xa9: {  	[tilespmem:s17], [sflag:$0x4] =	stream.indirect.gather [hbm4b:s3+s12], $0x80, s12, s12, $0xb8;
	[tilespmem:$0x8100] =	vst v63  }
0xaa: {  	_ =	swait.ge [sflag:s8], $0x4000  }
0xab: {  	[sflag:s8] =	ssyncset.done $0x0  }
0xac: {  	s25 =	rddreg [dreg:$0x13];
	[sflag:s8] =	ssyncadd.s32 $0xFFFFC000  }
0xad: {  	[tilespmem:s2], [sflag:$0x1] =	stream.linear.gather [hbm4b:s25+s2], $0x80, $0x38;
	[tilespmem:$0x8100] =	vst v63  }
0xae: {  	s26 =	rddreg [dreg:$0x14]  }
0xaf: {  	[hbm4b:s26+s2] =	stream.linear.scatter [tilespmem:s6], [sflag:$0x5], $0x4000, $0x38;
	[tilespmem:$0x8100] =	vst v63  }
0xb0: {  	_ =	swait.ge [sflag:s13], $0x80  }
0xb1: {  	[sflag:s13] =	ssyncset.done $0x0  }
0xb2: {  	[sflag:s13] =	ssyncadd.s32 $0xFFFFFF80  }
0xb3: {  	_ =	swait.ge [sflag:s16], $0x4000  }
0xb4: {  	[sflag:s16] =	ssyncset.done $0x0  }
0xb5: {  	[sflag:s16] =	ssyncadd.s32 $0xFFFFC000  }
0xb6: {  	[tilespmem:s6], [sflag:$0x3] =	stream.indirect.gather [hbm4b:s3+s12], $0x80, s2, s12, $0xb8;
	[tilespmem:$0x8100] =	vst v63  }
0xb7: {  	_ =	swait.ge [sflag:s14], $0x4000  }
0xb8: {  	[sflag:s14] =	ssyncset.done $0x0  }
0xb9: {  	s22 =	rddreg [dreg:$0x15];
	[sflag:s14] =	ssyncadd.s32 $0xFFFFC000  }
0xba: {  	[tilespmem:s12], [sflag:$0x2] =	stream.linear.gather [hbm4b:s22+s2], $0x80, $0x38;
	[tilespmem:$0x8100] =	vst v63  }
0xbb: {  	s24 =	rddreg [dreg:$0x16]  }
0xbc: {  	[hbm4b:s24+s2] =	stream.linear.scatter [tilespmem:s17], [sflag:$0x6], $0x4000, $0x38;
	[tilespmem:$0x8100] =	vst v63  }
0xbd: {  	_ =	swait.ge [sflag:s18], $0x80  }
0xbe: {  	[sflag:s18] =	ssyncset.done $0x0  }
0xbf: {  	[sflag:s18] =	ssyncadd.s32 $0xFFFFFF80  }
0xc0: {  	_ =	swait.ge [sflag:s19], $0x4000  }
0xc1: {  	[sflag:s19] =	ssyncset.done $0x0  }
0xc2: {  	[sflag:s19] =	ssyncadd.s32 $0xFFFFC000  }
0xc3: {  	[tilespmem:s17], [sflag:$0x4] =	stream.indirect.gather [hbm4b:s3+s12], $0x80, s12, s12, $0xb8;
	[tilespmem:$0x8100] =	vst v63  }
0xc4: {  	_ =	swait.ge [sflag:s8], $0x4000  }
0xc5: {  	[sflag:s8] =	ssyncset.done $0x0  }
0xc6: {  	s25 =	rddreg [dreg:$0x17];
	[sflag:s8] =	ssyncadd.s32 $0xFFFFC000  }
0xc7: {  	[tilespmem:s2], [sflag:$0x1] =	stream.linear.gather [hbm4b:s25+s2], $0x80, $0x38;
	[tilespmem:$0x8100] =	vst v63  }
0xc8: {  	s26 =	rddreg [dreg:$0x18]  }
0xc9: {  	[hbm4b:s26+s2] =	stream.linear.scatter [tilespmem:s6], [sflag:$0x5], $0x4000, $0x38;
	[tilespmem:$0x8100] =	vst v63  }
0xca: {  	_ =	swait.ge [sflag:s13], $0x80  }
0xcb: {  	[sflag:s13] =	ssyncset.done $0x0  }
0xcc: {  	[sflag:s13] =	ssyncadd.s32 $0xFFFFFF80  }
0xcd: {  	_ =	swait.ge [sflag:s16], $0x4000  }
0xce: {  	[sflag:s16] =	ssyncset.done $0x0  }
0xcf: {  	[sflag:s16] =	ssyncadd.s32 $0xFFFFC000  }
0xd0: {  	[tilespmem:s6], [sflag:$0x3] =	stream.indirect.gather [hbm4b:s3+s12], $0x80, s2, s12, $0xb8;
	[tilespmem:$0x8100] =	vst v63  }
0xd1: {  	_ =	swait.ge [sflag:s14], $0x4000  }
0xd2: {  	[sflag:s14] =	ssyncset.done $0x0  }
0xd3: {  	s22 =	rddreg [dreg:$0x19];
	[sflag:s14] =	ssyncadd.s32 $0xFFFFC000  }
0xd4: {  	[tilespmem:s12], [sflag:$0x2] =	stream.linear.gather [hbm4b:s22+s2], $0x80, $0x38;
	[tilespmem:$0x8100] =	vst v63  }
0xd5: {  	s24 =	rddreg [dreg:$0x1a]  }
0xd6: {  	[hbm4b:s24+s2] =	stream.linear.scatter [tilespmem:s17], [sflag:$0x6], $0x4000, $0x38;
	[tilespmem:$0x8100] =	vst v63  }
0xd7: {  	_ =	swait.ge [sflag:s18], $0x80  }
0xd8: {  	[sflag:s18] =	ssyncset.done $0x0  }
0xd9: {  	[sflag:s18] =	ssyncadd.s32 $0xFFFFFF80  }
0xda: {  	_ =	swait.ge [sflag:s19], $0x4000  }
0xdb: {  	[sflag:s19] =	ssyncset.done $0x0  }
0xdc: {  	[sflag:s19] =	ssyncadd.s32 $0xFFFFC000  }
0xdd: {  	[tilespmem:s17], [sflag:$0x4] =	stream.indirect.gather [hbm4b:s3+s12], $0x80, s12, s12, $0xb8;
	[tilespmem:$0x8100] =	vst v63  }
0xde: {  	_ =	swait.ge [sflag:s8], $0x4000  }
0xdf: {  	[sflag:s8] =	ssyncset.done $0x0  }
0xe0: {  	s25 =	rddreg [dreg:$0x1b];
	[sflag:s8] =	ssyncadd.s32 $0xFFFFC000  }
0xe1: {  	[tilespmem:s2], [sflag:$0x1] =	stream.linear.gather [hbm4b:s25+s2], $0x80, $0x38;
	[tilespmem:$0x8100] =	vst v63  }
0xe2: {  	s26 =	rddreg [dreg:$0x1c]  }
0xe3: {  	[hbm4b:s26+s2] =	stream.linear.scatter [tilespmem:s6], [sflag:$0x5], $0x4000, $0x38;
	[tilespmem:$0x8100] =	vst v63  }
0xe4: {  	_ =	swait.ge [sflag:s13], $0x80  }
0xe5: {  	[sflag:s13] =	ssyncset.done $0x0  }
0xe6: {  	[sflag:s13] =	ssyncadd.s32 $0xFFFFFF80  }
0xe7: {  	_ =	swait.ge [sflag:s16], $0x4000  }
0xe8: {  	[sflag:s16] =	ssyncset.done $0x0  }
0xe9: {  	[sflag:s16] =	ssyncadd.s32 $0xFFFFC000  }
0xea: {  	[tilespmem:s6], [sflag:$0x3] =	stream.indirect.gather [hbm4b:s3+s12], $0x80, s2, s12, $0xb8;
	[tilespmem:$0x8100] =	vst v63  }
0xeb: {  	_ =	swait.ge [sflag:s14], $0x4000  }
0xec: {  	[sflag:s14] =	ssyncset.done $0x0  }
0xed: {  	s1 =	rddreg [dreg:$0x1d];
	[sflag:s14] =	ssyncadd.s32 $0xFFFFC000  }
0xee: {  	[tilespmem:s12], [sflag:$0x2] =	stream.linear.gather [hbm4b:s1+s2], $0x80, $0x38;
	[tilespmem:$0x8100] =	vst v63  }
0xef: {  	s22 =	rddreg [dreg:$0x1e]  }
0xf0: {  	[hbm4b:s22+s2] =	stream.linear.scatter [tilespmem:s17], [sflag:$0x6], $0x4000, $0x38;
	[tilespmem:$0x8100] =	vst v63  }
0xf1: {  	_ =	swait.ge [sflag:s18], $0x80  }
0xf2: {  	[sflag:s18] =	ssyncset.done $0x0  }
0xf3: {  	[sflag:s18] =	ssyncadd.s32 $0xFFFFFF80  }
0xf4: {  	_ =	swait.ge [sflag:s19], $0x4000  }
0xf5: {  	[sflag:s19] =	ssyncset.done $0x0  }
0xf6: {  	[sflag:s19] =	ssyncadd.s32 $0xFFFFC000  }
0xf7: {  	[tilespmem:s17], [sflag:$0x4] =	stream.indirect.gather [hbm4b:s3+s12], $0x80, s12, s12, $0xb8;
	[tilespmem:$0x8100] =	vst v63  }
0xf8: {  	_ =	swait.ge [sflag:s8], $0x4000  }
0xf9: {  	s24 =	rddreg [dreg:$0x1f];
	[sflag:s8] =	ssyncset.done $0x0  }
0xfa: {  	s25 =	sld [smem:$0x7FC];
	[sflag:s8] =	ssyncadd.s32 $0xFFFFC000  }
0xfb: {  	[tilespmem:s2], [sflag:$0x1] =	stream.linear.gather [hbm4b:s24+s2], $0x80, $0x38;
	[tilespmem:$0x8100] =	vst v63  }
0xfc: {  	_ = 	snop  }
0xfd: {  	[hbm4b:s25+s2] =	stream.linear.scatter [tilespmem:s6], [sflag:$0x5], $0x4000, $0x38;
	[tilespmem:$0x8100] =	vst v63  }
0xfe: {  	_ =	swait.ge [sflag:s13], $0x80  }
0xff: {  	[sflag:s13] =	ssyncset.done $0x0  }
0x100: {  	[sflag:s13] =	ssyncadd.s32 $0xFFFFFF80  }
0x101: {  	_ =	swait.ge [sflag:s16], $0x4000  }
0x102: {  	[sflag:s16] =	ssyncset.done $0x0  }
0x103: {  	[sflag:s16] =	ssyncadd.s32 $0xFFFFC000  }
0x104: {  	[tilespmem:s6], [sflag:$0x3] =	stream.indirect.gather [hbm4b:s3+s12], $0x80, s2, s12, $0xb8;
	[tilespmem:$0x8100] =	vst v63  }
0x105: {  	_ =	swait.ge [sflag:s14], $0x4000  }
0x106: {  	s26 =	sld [smem:$0x7FD]  }
0x107: {  	[sflag:s14] =	ssyncset.done $0x0  }
0x108: {  	[sflag:s14] =	ssyncadd.s32 $0xFFFFC000  }
0x109: {  	[tilespmem:s12], [sflag:$0x2] =	stream.linear.gather [hbm4b:s26+s2], $0x80, $0x38;
	[tilespmem:$0x8100] =	vst v63  }
0x10a: {  	_ = 	snop  }
0x10b: {  	[hbm4b:s15+s2] =	stream.linear.scatter [tilespmem:s17], [sflag:$0x6], $0x4000, $0x38;
	[tilespmem:$0x8100] =	vst v63  }
0x10c: {  	_ =	swait.ge [sflag:s18], $0x80  }
0x10d: {  	[sflag:s18] =	ssyncset.done $0x0  }
0x10e: {  	[sflag:s18] =	ssyncadd.s32 $0xFFFFFF80  }
0x10f: {  	_ =	swait.ge [sflag:s19], $0x4000  }
0x110: {  	[sflag:s19] =	ssyncset.done $0x0  }
0x111: {  	[sflag:s19] =	ssyncadd.s32 $0xFFFFC000  }
0x112: {  	[tilespmem:s17], [sflag:$0x4] =	stream.indirect.gather [hbm4b:s3+s12], $0x80, s12, s12, $0xb8;
	[tilespmem:$0x8100] =	vst v63  }
0x113: {  	_ =	swait.ge [sflag:s8], $0x4000  }
0x114: {  	[sflag:s8] =	ssyncset.done $0x0  }
0x115: {  	[sflag:s8] =	ssyncadd.s32 $0xFFFFC000  }
0x116: {  	[tilespmem:s2], [sflag:$0x1] =	stream.linear.gather [hbm4b:s10+s2], $0x80, $0x38;
	[tilespmem:$0x8100] =	vst v63  }
0x117: {  	_ = 	snop  }
0x118: {  	[hbm4b:s11+s2] =	stream.linear.scatter [tilespmem:s6], [sflag:$0x5], $0x4000, $0x38;
	[tilespmem:$0x8100] =	vst v63  }
0x119: {  	_ =	swait.ge [sflag:s13], $0x80  }
0x11a: {  	[sflag:s13] =	ssyncset.done $0x0  }
0x11b: {  	[sflag:s13] =	ssyncadd.s32 $0xFFFFFF80  }
0x11c: {  	_ =	swait.ge [sflag:s16], $0x4000  }
0x11d: {  	[sflag:s16] =	ssyncset.done $0x0  }
0x11e: {  	[sflag:s16] =	ssyncadd.s32 $0xFFFFC000  }
0x11f: {  	[tilespmem:s6], [sflag:$0x3] =	stream.indirect.gather [hbm4b:s3+s12], $0x80, s2, s12, $0xb8;
	[tilespmem:$0x8100] =	vst v63  }
0x120: {  	_ =	swait.ge [sflag:s14], $0x4000  }
0x121: {  	s0 =	simm.s32 @p0 $0x0;
	[sflag:s14] =	ssyncset.done $0x0  }
0x122: {  	s1 =	simm.s32 @p0 $0x4100;
	s22 =	simm.s32 @p0 $0x6;
	[sflag:s14] =	ssyncadd.s32 $0xFFFFC000  }
0x123: {  	[hbm4b:s7+s0] =	stream.linear.scatter @p0 [tilespmem:s1], [sflag:$0x6], $0x4000, $0x38;
	[tilespmem:$0x8100] =	vst v63  }
0x124: {  	_ =	swait.ge @p0 [sflag:s22], $0x4000  }
0x125: {  	[sflag:s22] =	ssyncset.done @p0 $0x0  }
0x126: {  	s25 =	simm.s32 @!p0 $0x0;
	s0 =	simm.s32 @!p0 $0x80;
	[sflag:s22] =	ssyncadd.s32 @p0 $0xFFFFC000  }
0x127: {  	[tilespmem:s0], [sflag:$0x2] =	stream.linear.gather @!p0 [hbm4b:s9+s25], $0x80, $0x38;
	[tilespmem:$0x8100] =	vst v63  }
0x128: {  	s28 =	simm.s32 @!p0 $0x4100;
	s29 =	simm.s32 @!p0 $0x2  }
0x129: {  	[hbm4b:s7+s25] =	stream.linear.scatter @!p0 [tilespmem:s28], [sflag:$0x6], $0x4000, $0x38;
	[tilespmem:$0x8100] =	vst v63  }
0x12a: {  	_ =	swait.ge @!p0 [sflag:s29], $0x80  }
0x12b: {  	[sflag:s29] =	ssyncset.done @!p0 $0x0  }
0x12c: {  	s30 =	simm.s32 @!p0 $0x6;
	[sflag:s29] =	ssyncadd.s32 @!p0 $0xFFFFFF80  }
0x12d: {  	_ =	swait.ge @!p0 [sflag:s30], $0x4000  }
0x12e: {  	[sflag:s30] =	ssyncset.done @!p0 $0x0  }
0x12f: {  	[sflag:s30] =	ssyncadd.s32 @!p0 $0xFFFFC000  }
0x130: {  	[tilespmem:s28], [sflag:$0x4] =	stream.indirect.gather @!p0 [hbm4b:s3+s0], $0x80, s0, s0, $0xb8;
	[tilespmem:$0x8100] =	vst v63  }
0x131: {  	_ =	swait.ge [sflag:s8], $0x4000  }
0x132: {  	[sflag:s8] =	ssyncset.done $0x0  }
0x133: {  	s31 =	simm.s32 @!p0 $0x4;
	[sflag:s8] =	ssyncadd.s32 $0xFFFFC000  }
0x134: {  	[hbm4b:s5+s2] =	stream.linear.scatter [tilespmem:s6], [sflag:$0x5], $0x4000, $0x38;
	[tilespmem:$0x8100] =	vst v63  }
0x135: {  	_ =	swait.ge @!p0 [sflag:s31], $0x4000  }
0x136: {  	s23 =	sadd.s32 $0xFFFFFFFF, s23;
	[sflag:s31] =	ssyncset.done @!p0 $0x0  }
0x137: {  	p2 =	sne.s32 s23, $0x0;
	s0 =	simm.s32 @!p0 $0x5;
	[sflag:s31] =	ssyncadd.s32 @!p0 $0xFFFFC000  }
0x138: {  	[hbm4b:s4+s25] =	stream.linear.scatter @!p0 [tilespmem:s28], [sflag:$0x6], $0x4000, $0x38;
	[tilespmem:$0x8100] =	vst v63  }
.Ltmp1:
0x139: {  	_ =	swait.ge @!p0 [sflag:s0], $0x4000;
	(pc) =	sbr.rel @!p2 .LBB2_2-.Ltmp1, $4  }
0x13a: {  	s1 =	simm.s32 @!p0 $0x6;
	[sflag:s0] =	ssyncset.done @!p0 $0x0  }
0x13b: {  	s1 =	simm.s32 @p0 $0x5;
	[sflag:s0] =	ssyncadd.s32 @!p0 $0xFFFFC000  }
0x13c: {  	_ =	swait.ge [sflag:s1], $0x4000  }
0x13d: {  	p1 =	por $0x1, $0x1;
	[sflag:s1] =	ssyncset.done $0x0  }
.LBB2_3:
0x13e: {  	[sflag:s1] =	ssyncadd.s32 $0xFFFFC000  }
0x13f: {  	[tilespmem:s2], [sflag:$0x1] =	stream.linear.gather [hbm4b:s20+s2], $0x80, $0x38;
	[tilespmem:$0x8100] =	vst v63  }
0x140: {  	s24 =	rddreg [dreg:$0x3]  }
0x141: {  	[tilespmem:s12], [sflag:$0x2] =	stream.linear.gather [hbm4b:s24+s2], $0x80, $0x38;
	[tilespmem:$0x8100] =	vst v63  }
0x142: {  	_ =	swait.ge [sflag:s13], $0x80  }
0x143: {  	[sflag:s13] =	ssyncset.done $0x0  }
0x144: {  	[sflag:s13] =	ssyncadd.s32 $0xFFFFFF80  }
0x145: {  	[tilespmem:s6], [sflag:$0x3] =	stream.indirect.gather [hbm4b:s3+s12], $0x80, s2, s12, $0xb8;
	[tilespmem:$0x8100] =	vst v63  }
0x146: {  	_ =	swait.ge [sflag:s18], $0x80  }
0x147: {  	[sflag:s18] =	ssyncset.done $0x0  }
0x148: {  	[sflag:s18] =	ssyncadd.s32 $0xFFFFFF80  }
0x149: {  	[tilespmem:s17], [sflag:$0x4] =	stream.indirect.gather [hbm4b:s3+s12], $0x80, s12, s12, $0xb8;
	[tilespmem:$0x8100] =	vst v63  }
0x14a: {  	_ =	swait.ge [sflag:s8], $0x4000  }
0x14b: {  	[sflag:s8] =	ssyncset.done $0x0  }
0x14c: {  	s26 =	rddreg [dreg:$0x4];
	[sflag:s8] =	ssyncadd.s32 $0xFFFFC000  }
0x14d: {  	[tilespmem:s2], [sflag:$0x1] =	stream.linear.gather [hbm4b:s26+s2], $0x80, $0x38;
	[tilespmem:$0x8100] =	vst v63  }
0x14e: {  	_ = 	snop  }
0x14f: {  	[hbm4b:s21+s2] =	stream.linear.scatter [tilespmem:s6], [sflag:$0x5], $0x4000, $0x38;
	[tilespmem:$0x8100] =	vst v63  }
0x150: {  	_ =	swait.ge [sflag:s13], $0x80  }
0x151: {  	[sflag:s13] =	ssyncset.done $0x0  }
0x152: {  	[sflag:s13] =	ssyncadd.s32 $0xFFFFFF80  }
0x153: {  	_ =	swait.ge [sflag:s16], $0x4000  }
0x154: {  	[sflag:s16] =	ssyncset.done $0x0  }
0x155: {  	s26 =	smov.u32 s21;
	[sflag:s16] =	ssyncadd.s32 $0xFFFFC000  }
0x156: {  	[tilespmem:s6], [sflag:$0x3] =	stream.indirect.gather [hbm4b:s3+s12], $0x80, s2, s12, $0xb8;
	[tilespmem:$0x8100] =	vst v63  }
0x157: {  	s21 =	smov.u32 s20;
	s20 =	smov.u32 s15;
	_ =	swait.ge [sflag:s14], $0x4000  }
0x158: {  	s15 =	smov.u32 s11;
	s11 =	smov.u32 s10;
	[sflag:s14] =	ssyncset.done $0x0  }
0x159: {  	s10 =	smov.u32 s9;
	s24 =	rddreg [dreg:$0x5];
	[sflag:s14] =	ssyncadd.s32 $0xFFFFC000  }
0x15a: {  	[tilespmem:s12], [sflag:$0x2] =	stream.linear.gather [hbm4b:s24+s2], $0x80, $0x38;
	[tilespmem:$0x8100] =	vst v63  }
0x15b: {  	s9 =	smov.u32 s5;
	s5 =	smov.u32 s4;
	s4 =	rddreg [dreg:$0x6]  }
0x15c: {  	[hbm4b:s4+s2] =	stream.linear.scatter [tilespmem:s17], [sflag:$0x6], $0x4000, $0x38;
	[tilespmem:$0x8100] =	vst v63  }
0x15d: {  	_ =	swait.ge [sflag:s18], $0x80  }
0x15e: {  	[sflag:s18] =	ssyncset.done $0x0  }
0x15f: {  	[sflag:s18] =	ssyncadd.s32 $0xFFFFFF80  }
0x160: {  	_ =	swait.ge [sflag:s19], $0x4000  }
0x161: {  	[sflag:s19] =	ssyncset.done $0x0  }
0x162: {  	[sflag:s19] =	ssyncadd.s32 $0xFFFFC000  }
0x163: {  	[tilespmem:s17], [sflag:$0x4] =	stream.indirect.gather [hbm4b:s3+s12], $0x80, s12, s12, $0xb8;
	[tilespmem:$0x8100] =	vst v63  }
0x164: {  	_ =	swait.ge [sflag:s8], $0x4000  }
0x165: {  	[sflag:s8] =	ssyncset.done $0x0  }
0x166: {  	s4 =	rddreg [dreg:$0x7];
	[sflag:s8] =	ssyncadd.s32 $0xFFFFC000  }
0x167: {  	[tilespmem:s2], [sflag:$0x1] =	stream.linear.gather [hbm4b:s4+s2], $0x80, $0x38;
	[tilespmem:$0x8100] =	vst v63  }
0x168: {  	s24 =	rddreg [dreg:$0x8]  }
0x169: {  	[hbm4b:s24+s2] =	stream.linear.scatter [tilespmem:s6], [sflag:$0x5], $0x4000, $0x38;
	[tilespmem:$0x8100] =	vst v63  }
0x16a: {  	_ =	swait.ge [sflag:s13], $0x80  }
0x16b: {  	[sflag:s13] =	ssyncset.done $0x0  }
0x16c: {  	[sflag:s13] =	ssyncadd.s32 $0xFFFFFF80  }
0x16d: {  	_ =	swait.ge [sflag:s16], $0x4000  }
0x16e: {  	[sflag:s16] =	ssyncset.done $0x0  }
0x16f: {  	[sflag:s16] =	ssyncadd.s32 $0xFFFFC000  }
0x170: {  	[tilespmem:s6], [sflag:$0x3] =	stream.indirect.gather [hbm4b:s3+s12], $0x80, s2, s12, $0xb8;
	[tilespmem:$0x8100] =	vst v63  }
0x171: {  	_ =	swait.ge [sflag:s14], $0x4000  }
0x172: {  	[sflag:s14] =	ssyncset.done $0x0  }
0x173: {  	s4 =	rddreg [dreg:$0x9];
	[sflag:s14] =	ssyncadd.s32 $0xFFFFC000  }
0x174: {  	[tilespmem:s12], [sflag:$0x2] =	stream.linear.gather [hbm4b:s4+s2], $0x80, $0x38;
	[tilespmem:$0x8100] =	vst v63  }
0x175: {  	s24 =	rddreg [dreg:$0xa]  }
0x176: {  	[hbm4b:s24+s2] =	stream.linear.scatter [tilespmem:s17], [sflag:$0x6], $0x4000, $0x38;
	[tilespmem:$0x8100] =	vst v63  }
0x177: {  	_ =	swait.ge [sflag:s18], $0x80  }
0x178: {  	[sflag:s18] =	ssyncset.done $0x0  }
0x179: {  	[sflag:s18] =	ssyncadd.s32 $0xFFFFFF80  }
0x17a: {  	_ =	swait.ge [sflag:s19], $0x4000  }
0x17b: {  	[sflag:s19] =	ssyncset.done $0x0  }
0x17c: {  	[sflag:s19] =	ssyncadd.s32 $0xFFFFC000  }
0x17d: {  	[tilespmem:s17], [sflag:$0x4] =	stream.indirect.gather [hbm4b:s3+s12], $0x80, s12, s12, $0xb8;
	[tilespmem:$0x8100] =	vst v63  }
0x17e: {  	_ =	swait.ge [sflag:s8], $0x4000  }
0x17f: {  	[sflag:s8] =	ssyncset.done $0x0  }
0x180: {  	s4 =	rddreg [dreg:$0xb];
	[sflag:s8] =	ssyncadd.s32 $0xFFFFC000  }
0x181: {  	[tilespmem:s2], [sflag:$0x1] =	stream.linear.gather [hbm4b:s4+s2], $0x80, $0x38;
	[tilespmem:$0x8100] =	vst v63  }
0x182: {  	s24 =	rddreg [dreg:$0xc]  }
0x183: {  	[hbm4b:s24+s2] =	stream.linear.scatter [tilespmem:s6], [sflag:$0x5], $0x4000, $0x38;
	[tilespmem:$0x8100] =	vst v63  }
0x184: {  	_ =	swait.ge [sflag:s13], $0x80  }
0x185: {  	[sflag:s13] =	ssyncset.done $0x0  }
0x186: {  	[sflag:s13] =	ssyncadd.s32 $0xFFFFFF80  }
0x187: {  	_ =	swait.ge [sflag:s16], $0x4000  }
0x188: {  	[sflag:s16] =	ssyncset.done $0x0  }
0x189: {  	[sflag:s16] =	ssyncadd.s32 $0xFFFFC000  }
0x18a: {  	[tilespmem:s6], [sflag:$0x3] =	stream.indirect.gather [hbm4b:s3+s12], $0x80, s2, s12, $0xb8;
	[tilespmem:$0x8100] =	vst v63  }
0x18b: {  	_ =	swait.ge [sflag:s14], $0x4000  }
0x18c: {  	[sflag:s14] =	ssyncset.done $0x0  }
0x18d: {  	s4 =	rddreg [dreg:$0xd];
	[sflag:s14] =	ssyncadd.s32 $0xFFFFC000  }
0x18e: {  	[tilespmem:s12], [sflag:$0x2] =	stream.linear.gather [hbm4b:s4+s2], $0x80, $0x38;
	[tilespmem:$0x8100] =	vst v63  }
0x18f: {  	s24 =	rddreg [dreg:$0xe]  }
0x190: {  	[hbm4b:s24+s2] =	stream.linear.scatter [tilespmem:s17], [sflag:$0x6], $0x4000, $0x38;
	[tilespmem:$0x8100] =	vst v63  }
0x191: {  	_ =	swait.ge [sflag:s18], $0x80  }
0x192: {  	[sflag:s18] =	ssyncset.done $0x0  }
0x193: {  	[sflag:s18] =	ssyncadd.s32 $0xFFFFFF80  }
0x194: {  	_ =	swait.ge [sflag:s19], $0x4000  }
0x195: {  	[sflag:s19] =	ssyncset.done $0x0  }
0x196: {  	[sflag:s19] =	ssyncadd.s32 $0xFFFFC000  }
0x197: {  	[tilespmem:s17], [sflag:$0x4] =	stream.indirect.gather [hbm4b:s3+s12], $0x80, s12, s12, $0xb8;
	[tilespmem:$0x8100] =	vst v63  }
0x198: {  	_ =	swait.ge [sflag:s8], $0x4000  }
0x199: {  	[sflag:s8] =	ssyncset.done $0x0  }
0x19a: {  	s4 =	rddreg [dreg:$0xf];
	[sflag:s8] =	ssyncadd.s32 $0xFFFFC000  }
0x19b: {  	[tilespmem:s2], [sflag:$0x1] =	stream.linear.gather [hbm4b:s4+s2], $0x80, $0x38;
	[tilespmem:$0x8100] =	vst v63  }
0x19c: {  	s24 =	rddreg [dreg:$0x10]  }
0x19d: {  	[hbm4b:s24+s2] =	stream.linear.scatter [tilespmem:s6], [sflag:$0x5], $0x4000, $0x38;
	[tilespmem:$0x8100] =	vst v63  }
0x19e: {  	_ =	swait.ge [sflag:s13], $0x80  }
0x19f: {  	[sflag:s13] =	ssyncset.done $0x0  }
0x1a0: {  	[sflag:s13] =	ssyncadd.s32 $0xFFFFFF80  }
0x1a1: {  	_ =	swait.ge [sflag:s16], $0x4000  }
0x1a2: {  	[sflag:s16] =	ssyncset.done $0x0  }
0x1a3: {  	[sflag:s16] =	ssyncadd.s32 $0xFFFFC000  }
0x1a4: {  	[tilespmem:s6], [sflag:$0x3] =	stream.indirect.gather [hbm4b:s3+s12], $0x80, s2, s12, $0xb8;
	[tilespmem:$0x8100] =	vst v63  }
0x1a5: {  	_ =	swait.ge [sflag:s14], $0x4000  }
0x1a6: {  	[sflag:s14] =	ssyncset.done $0x0  }
0x1a7: {  	s4 =	rddreg [dreg:$0x11];
	[sflag:s14] =	ssyncadd.s32 $0xFFFFC000  }
0x1a8: {  	[tilespmem:s12], [sflag:$0x2] =	stream.linear.gather [hbm4b:s4+s2], $0x80, $0x38;
	[tilespmem:$0x8100] =	vst v63  }
0x1a9: {  	s24 =	rddreg [dreg:$0x12]  }
0x1aa: {  	[hbm4b:s24+s2] =	stream.linear.scatter [tilespmem:s17], [sflag:$0x6], $0x4000, $0x38;
	[tilespmem:$0x8100] =	vst v63  }
0x1ab: {  	_ =	swait.ge [sflag:s18], $0x80  }
0x1ac: {  	[sflag:s18] =	ssyncset.done $0x0  }
0x1ad: {  	[sflag:s18] =	ssyncadd.s32 $0xFFFFFF80  }
0x1ae: {  	_ =	swait.ge [sflag:s19], $0x4000  }
0x1af: {  	[sflag:s19] =	ssyncset.done $0x0  }
0x1b0: {  	[sflag:s19] =	ssyncadd.s32 $0xFFFFC000  }
0x1b1: {  	[tilespmem:s17], [sflag:$0x4] =	stream.indirect.gather [hbm4b:s3+s12], $0x80, s12, s12, $0xb8;
	[tilespmem:$0x8100] =	vst v63  }
0x1b2: {  	_ =	swait.ge [sflag:s8], $0x4000  }
0x1b3: {  	[sflag:s8] =	ssyncset.done $0x0  }
0x1b4: {  	s4 =	rddreg [dreg:$0x13];
	[sflag:s8] =	ssyncadd.s32 $0xFFFFC000  }
0x1b5: {  	[tilespmem:s2], [sflag:$0x1] =	stream.linear.gather [hbm4b:s4+s2], $0x80, $0x38;
	[tilespmem:$0x8100] =	vst v63  }
0x1b6: {  	s24 =	rddreg [dreg:$0x14]  }
0x1b7: {  	[hbm4b:s24+s2] =	stream.linear.scatter [tilespmem:s6], [sflag:$0x5], $0x4000, $0x38;
	[tilespmem:$0x8100] =	vst v63  }
0x1b8: {  	_ =	swait.ge [sflag:s13], $0x80  }
0x1b9: {  	[sflag:s13] =	ssyncset.done $0x0  }
0x1ba: {  	[sflag:s13] =	ssyncadd.s32 $0xFFFFFF80  }
0x1bb: {  	_ =	swait.ge [sflag:s16], $0x4000  }
0x1bc: {  	[sflag:s16] =	ssyncset.done $0x0  }
0x1bd: {  	[sflag:s16] =	ssyncadd.s32 $0xFFFFC000  }
0x1be: {  	[tilespmem:s6], [sflag:$0x3] =	stream.indirect.gather [hbm4b:s3+s12], $0x80, s2, s12, $0xb8;
	[tilespmem:$0x8100] =	vst v63  }
0x1bf: {  	_ =	swait.ge [sflag:s14], $0x4000  }
0x1c0: {  	[sflag:s14] =	ssyncset.done $0x0  }
0x1c1: {  	s4 =	rddreg [dreg:$0x15];
	[sflag:s14] =	ssyncadd.s32 $0xFFFFC000  }
0x1c2: {  	[tilespmem:s12], [sflag:$0x2] =	stream.linear.gather [hbm4b:s4+s2], $0x80, $0x38;
	[tilespmem:$0x8100] =	vst v63  }
0x1c3: {  	s24 =	rddreg [dreg:$0x16]  }
0x1c4: {  	[hbm4b:s24+s2] =	stream.linear.scatter [tilespmem:s17], [sflag:$0x6], $0x4000, $0x38;
	[tilespmem:$0x8100] =	vst v63  }
0x1c5: {  	_ =	swait.ge [sflag:s18], $0x80  }
0x1c6: {  	[sflag:s18] =	ssyncset.done $0x0  }
0x1c7: {  	[sflag:s18] =	ssyncadd.s32 $0xFFFFFF80  }
0x1c8: {  	_ =	swait.ge [sflag:s19], $0x4000  }
0x1c9: {  	[sflag:s19] =	ssyncset.done $0x0  }
0x1ca: {  	[sflag:s19] =	ssyncadd.s32 $0xFFFFC000  }
0x1cb: {  	[tilespmem:s17], [sflag:$0x4] =	stream.indirect.gather [hbm4b:s3+s12], $0x80, s12, s12, $0xb8;
	[tilespmem:$0x8100] =	vst v63  }
0x1cc: {  	_ =	swait.ge [sflag:s8], $0x4000  }
0x1cd: {  	[sflag:s8] =	ssyncset.done $0x0  }
0x1ce: {  	s4 =	rddreg [dreg:$0x17];
	[sflag:s8] =	ssyncadd.s32 $0xFFFFC000  }
0x1cf: {  	[tilespmem:s2], [sflag:$0x1] =	stream.linear.gather [hbm4b:s4+s2], $0x80, $0x38;
	[tilespmem:$0x8100] =	vst v63  }
0x1d0: {  	s24 =	rddreg [dreg:$0x18]  }
0x1d1: {  	[hbm4b:s24+s2] =	stream.linear.scatter [tilespmem:s6], [sflag:$0x5], $0x4000, $0x38;
	[tilespmem:$0x8100] =	vst v63  }
0x1d2: {  	_ =	swait.ge [sflag:s13], $0x80  }
0x1d3: {  	[sflag:s13] =	ssyncset.done $0x0  }
0x1d4: {  	[sflag:s13] =	ssyncadd.s32 $0xFFFFFF80  }
0x1d5: {  	_ =	swait.ge [sflag:s16], $0x4000  }
0x1d6: {  	[sflag:s16] =	ssyncset.done $0x0  }
0x1d7: {  	[sflag:s16] =	ssyncadd.s32 $0xFFFFC000  }
0x1d8: {  	[tilespmem:s6], [sflag:$0x3] =	stream.indirect.gather [hbm4b:s3+s12], $0x80, s2, s12, $0xb8;
	[tilespmem:$0x8100] =	vst v63  }
0x1d9: {  	_ =	swait.ge [sflag:s14], $0x4000  }
0x1da: {  	[sflag:s14] =	ssyncset.done $0x0  }
0x1db: {  	s4 =	rddreg [dreg:$0x19];
	[sflag:s14] =	ssyncadd.s32 $0xFFFFC000  }
0x1dc: {  	[tilespmem:s12], [sflag:$0x2] =	stream.linear.gather [hbm4b:s4+s2], $0x80, $0x38;
	[tilespmem:$0x8100] =	vst v63  }
0x1dd: {  	s24 =	rddreg [dreg:$0x1a]  }
0x1de: {  	[hbm4b:s24+s2] =	stream.linear.scatter [tilespmem:s17], [sflag:$0x6], $0x4000, $0x38;
	[tilespmem:$0x8100] =	vst v63  }
0x1df: {  	_ =	swait.ge [sflag:s18], $0x80  }
0x1e0: {  	[sflag:s18] =	ssyncset.done $0x0  }
0x1e1: {  	[sflag:s18] =	ssyncadd.s32 $0xFFFFFF80  }
0x1e2: {  	_ =	swait.ge [sflag:s19], $0x4000  }
0x1e3: {  	[sflag:s19] =	ssyncset.done $0x0  }
0x1e4: {  	[sflag:s19] =	ssyncadd.s32 $0xFFFFC000  }
0x1e5: {  	[tilespmem:s17], [sflag:$0x4] =	stream.indirect.gather [hbm4b:s3+s12], $0x80, s12, s12, $0xb8;
	[tilespmem:$0x8100] =	vst v63  }
0x1e6: {  	_ =	swait.ge [sflag:s8], $0x4000  }
0x1e7: {  	[sflag:s8] =	ssyncset.done $0x0  }
0x1e8: {  	s4 =	rddreg [dreg:$0x1b];
	[sflag:s8] =	ssyncadd.s32 $0xFFFFC000  }
0x1e9: {  	[tilespmem:s2], [sflag:$0x1] =	stream.linear.gather [hbm4b:s4+s2], $0x80, $0x38;
	[tilespmem:$0x8100] =	vst v63  }
0x1ea: {  	s24 =	rddreg [dreg:$0x1c]  }
0x1eb: {  	[hbm4b:s24+s2] =	stream.linear.scatter [tilespmem:s6], [sflag:$0x5], $0x4000, $0x38;
	[tilespmem:$0x8100] =	vst v63  }
0x1ec: {  	_ =	swait.ge [sflag:s13], $0x80  }
0x1ed: {  	[sflag:s13] =	ssyncset.done $0x0  }
0x1ee: {  	[sflag:s13] =	ssyncadd.s32 $0xFFFFFF80  }
0x1ef: {  	_ =	swait.ge [sflag:s16], $0x4000  }
0x1f0: {  	[sflag:s16] =	ssyncset.done $0x0  }
0x1f1: {  	[sflag:s16] =	ssyncadd.s32 $0xFFFFC000  }
0x1f2: {  	[tilespmem:s6], [sflag:$0x3] =	stream.indirect.gather [hbm4b:s3+s12], $0x80, s2, s12, $0xb8;
	[tilespmem:$0x8100] =	vst v63  }
0x1f3: {  	_ =	swait.ge [sflag:s14], $0x4000  }
0x1f4: {  	[sflag:s14] =	ssyncset.done $0x0  }
0x1f5: {  	s4 =	rddreg [dreg:$0x1d];
	[sflag:s14] =	ssyncadd.s32 $0xFFFFC000  }
0x1f6: {  	[tilespmem:s12], [sflag:$0x2] =	stream.linear.gather [hbm4b:s4+s2], $0x80, $0x38;
	[tilespmem:$0x8100] =	vst v63  }
0x1f7: {  	s24 =	rddreg [dreg:$0x1e]  }
0x1f8: {  	[hbm4b:s24+s2] =	stream.linear.scatter [tilespmem:s17], [sflag:$0x6], $0x4000, $0x38;
	[tilespmem:$0x8100] =	vst v63  }
0x1f9: {  	_ =	swait.ge [sflag:s18], $0x80  }
0x1fa: {  	[sflag:s18] =	ssyncset.done $0x0  }
0x1fb: {  	[sflag:s18] =	ssyncadd.s32 $0xFFFFFF80  }
0x1fc: {  	_ =	swait.ge [sflag:s19], $0x4000  }
0x1fd: {  	[sflag:s19] =	ssyncset.done $0x0  }
0x1fe: {  	[sflag:s19] =	ssyncadd.s32 $0xFFFFC000  }
0x1ff: {  	[tilespmem:s17], [sflag:$0x4] =	stream.indirect.gather [hbm4b:s3+s12], $0x80, s12, s12, $0xb8;
	[tilespmem:$0x8100] =	vst v63  }
0x200: {  	_ =	swait.ge [sflag:s8], $0x4000  }
0x201: {  	s4 =	rddreg [dreg:$0x1f];
	[sflag:s8] =	ssyncset.done $0x0  }
0x202: {  	s24 =	sld [smem:$0x7FC];
	[sflag:s8] =	ssyncadd.s32 $0xFFFFC000  }
0x203: {  	[tilespmem:s2], [sflag:$0x1] =	stream.linear.gather [hbm4b:s4+s2], $0x80, $0x38;
	[tilespmem:$0x8100] =	vst v63  }
0x204: {  	_ = 	snop  }
0x205: {  	[hbm4b:s24+s2] =	stream.linear.scatter [tilespmem:s6], [sflag:$0x5], $0x4000, $0x38;
	[tilespmem:$0x8100] =	vst v63  }
0x206: {  	_ =	swait.ge [sflag:s13], $0x80  }
0x207: {  	[sflag:s13] =	ssyncset.done $0x0  }
0x208: {  	[sflag:s13] =	ssyncadd.s32 $0xFFFFFF80  }
0x209: {  	_ =	swait.ge [sflag:s16], $0x4000  }
0x20a: {  	[sflag:s16] =	ssyncset.done $0x0  }
0x20b: {  	[sflag:s16] =	ssyncadd.s32 $0xFFFFC000  }
0x20c: {  	[tilespmem:s6], [sflag:$0x3] =	stream.indirect.gather [hbm4b:s3+s12], $0x80, s2, s12, $0xb8;
	[tilespmem:$0x8100] =	vst v63  }
0x20d: {  	_ =	swait.ge [sflag:s14], $0x4000  }
0x20e: {  	s24 =	sld [smem:$0x7FD]  }
0x20f: {  	s4 =	smov.u32 s5;
	[sflag:s14] =	ssyncset.done $0x0  }
0x210: {  	s5 =	smov.u32 s9;
	s9 =	smov.u32 s10;
	[sflag:s14] =	ssyncadd.s32 $0xFFFFC000  }
0x211: {  	[tilespmem:s12], [sflag:$0x2] =	stream.linear.gather [hbm4b:s24+s2], $0x80, $0x38;
	[tilespmem:$0x8100] =	vst v63  }
0x212: {  	s10 =	smov.u32 s11;
	s11 =	smov.u32 s15;
	s15 =	smov.u32 s20  }
0x213: {  	[hbm4b:s15+s2] =	stream.linear.scatter [tilespmem:s17], [sflag:$0x6], $0x4000, $0x38;
	[tilespmem:$0x8100] =	vst v63  }
0x214: {  	_ =	swait.ge [sflag:s18], $0x80  }
0x215: {  	[sflag:s18] =	ssyncset.done $0x0  }
0x216: {  	[sflag:s18] =	ssyncadd.s32 $0xFFFFFF80  }
0x217: {  	_ =	swait.ge [sflag:s19], $0x4000  }
0x218: {  	[sflag:s19] =	ssyncset.done $0x0  }
0x219: {  	[sflag:s19] =	ssyncadd.s32 $0xFFFFC000  }
0x21a: {  	[tilespmem:s17], [sflag:$0x4] =	stream.indirect.gather [hbm4b:s3+s12], $0x80, s12, s12, $0xb8;
	[tilespmem:$0x8100] =	vst v63  }
0x21b: {  	_ =	swait.ge [sflag:s8], $0x4000  }
0x21c: {  	[sflag:s8] =	ssyncset.done $0x0  }
0x21d: {  	[sflag:s8] =	ssyncadd.s32 $0xFFFFC000  }
0x21e: {  	[tilespmem:s2], [sflag:$0x1] =	stream.linear.gather [hbm4b:s10+s2], $0x80, $0x38;
	[tilespmem:$0x8100] =	vst v63  }
0x21f: {  	_ = 	snop  }
0x220: {  	[hbm4b:s11+s2] =	stream.linear.scatter [tilespmem:s6], [sflag:$0x5], $0x4000, $0x38;
	[tilespmem:$0x8100] =	vst v63  }
0x221: {  	_ =	swait.ge [sflag:s13], $0x80  }
0x222: {  	[sflag:s13] =	ssyncset.done $0x0  }
0x223: {  	[sflag:s13] =	ssyncadd.s32 $0xFFFFFF80  }
0x224: {  	_ =	swait.ge [sflag:s16], $0x4000  }
0x225: {  	[sflag:s16] =	ssyncset.done $0x0  }
0x226: {  	[sflag:s16] =	ssyncadd.s32 $0xFFFFC000  }
0x227: {  	[tilespmem:s6], [sflag:$0x3] =	stream.indirect.gather [hbm4b:s3+s12], $0x80, s2, s12, $0xb8;
	[tilespmem:$0x8100] =	vst v63  }
0x228: {  	_ =	swait.ge [sflag:s14], $0x4000  }
0x229: {  	s20 =	smov.u32 s21;
	s21 =	smov.u32 s26;
	[sflag:s14] =	ssyncset.done $0x0  }
0x22a: {  	s26 =	simm.s32 @p0 $0x4100;
	s24 =	simm.s32 @p0 $0x0;
	[sflag:s14] =	ssyncadd.s32 $0xFFFFC000  }
0x22b: {  	[hbm4b:s7+s24] =	stream.linear.scatter @p0 [tilespmem:s26], [sflag:$0x6], $0x4000, $0x38;
	[tilespmem:$0x8100] =	vst v63  }
0x22c: {  	_ =	swait.ge @p0 [sflag:s22], $0x4000  }
0x22d: {  	[sflag:s22] =	ssyncset.done @p0 $0x0  }
0x22e: {  	s24 =	simm.s32 @!p0 $0x80;
	[sflag:s22] =	ssyncadd.s32 @p0 $0xFFFFC000  }
0x22f: {  	[tilespmem:s24], [sflag:$0x2] =	stream.linear.gather @!p0 [hbm4b:s9+s25], $0x80, $0x38;
	[tilespmem:$0x8100] =	vst v63  }
0x230: {  	_ = 	snop  }
0x231: {  	[hbm4b:s7+s25] =	stream.linear.scatter @!p0 [tilespmem:s28], [sflag:$0x6], $0x4000, $0x38;
	[tilespmem:$0x8100] =	vst v63  }
0x232: {  	_ =	swait.ge @!p0 [sflag:s29], $0x80  }
0x233: {  	[sflag:s29] =	ssyncset.done @!p0 $0x0  }
0x234: {  	[sflag:s29] =	ssyncadd.s32 @!p0 $0xFFFFFF80  }
0x235: {  	_ =	swait.ge @!p0 [sflag:s30], $0x4000  }
0x236: {  	[sflag:s30] =	ssyncset.done @!p0 $0x0  }
0x237: {  	[sflag:s30] =	ssyncadd.s32 @!p0 $0xFFFFC000  }
0x238: {  	[tilespmem:s28], [sflag:$0x4] =	stream.indirect.gather @!p0 [hbm4b:s3+s24], $0x80, s24, s24, $0xb8;
	[tilespmem:$0x8100] =	vst v63  }
0x239: {  	_ =	swait.ge [sflag:s8], $0x4000  }
0x23a: {  	[sflag:s8] =	ssyncset.done $0x0  }
0x23b: {  	[sflag:s8] =	ssyncadd.s32 $0xFFFFC000  }
0x23c: {  	[hbm4b:s5+s2] =	stream.linear.scatter [tilespmem:s6], [sflag:$0x5], $0x4000, $0x38;
	[tilespmem:$0x8100] =	vst v63  }
0x23d: {  	_ =	swait.ge @!p0 [sflag:s31], $0x4000  }
0x23e: {  	s23 =	sadd.s32 $0xFFFFFFFF, s23;
	[sflag:s31] =	ssyncset.done @!p0 $0x0  }
0x23f: {  	p2 =	sne.s32 s23, $0x0;
	[sflag:s31] =	ssyncadd.s32 @!p0 $0xFFFFC000  }
0x240: {  	[hbm4b:s4+s25] =	stream.linear.scatter @!p0 [tilespmem:s28], [sflag:$0x6], $0x4000, $0x38;
	[tilespmem:$0x8100] =	vst v63  }
.Ltmp2:
0x241: {  	_ =	swait.ge @!p0 [sflag:s0], $0x4000;
	(pc) =	sbr.rel @p2 .LBB2_3-.Ltmp2, $4  }
0x242: {  	[sflag:s0] =	ssyncset.done @!p0 $0x0  }
0x243: {  	[sflag:s0] =	ssyncadd.s32 @!p0 $0xFFFFC000  }
0x244: {  	_ =	swait.ge [sflag:s1], $0x4000  }
0x245: {  	[sflag:s1] =	ssyncset.done $0x0  }
0x246: {  	s22 =	stileid.u32;
	s24 =	rddreg [dreg:$0x2]  }
.LBB2_5:
0x247: {  	[sflag:s1] =	ssyncadd.s32 @p1 $0xFFFFC000  }
0x248: {  	[tilespmem:s2], [sflag:$0x1] =	stream.linear.gather [hbm4b:s20+s2], $0x80, $0x38;
	[tilespmem:$0x8100] =	vst v63  }
0x249: {  	s0 =	rddreg [dreg:$0x3]  }
0x24a: {  	[tilespmem:s12], [sflag:$0x2] =	stream.linear.gather [hbm4b:s0+s2], $0x80, $0x38;
	[tilespmem:$0x8100] =	vst v63  }
0x24b: {  	_ =	swait.ge [sflag:s13], $0x80  }
0x24c: {  	[sflag:s13] =	ssyncset.done $0x0  }
0x24d: {  	[sflag:s13] =	ssyncadd.s32 $0xFFFFFF80  }
0x24e: {  	[tilespmem:s6], [sflag:$0x3] =	stream.indirect.gather [hbm4b:s3+s12], $0x80, s2, s12, $0xb8;
	[tilespmem:$0x8100] =	vst v63  }
0x24f: {  	_ =	swait.ge [sflag:s18], $0x80  }
0x250: {  	[sflag:s18] =	ssyncset.done $0x0  }
0x251: {  	[sflag:s18] =	ssyncadd.s32 $0xFFFFFF80  }
0x252: {  	[tilespmem:s17], [sflag:$0x4] =	stream.indirect.gather [hbm4b:s3+s12], $0x80, s12, s12, $0xb8;
	[tilespmem:$0x8100] =	vst v63  }
0x253: {  	_ =	swait.ge [sflag:s8], $0x4000  }
0x254: {  	[sflag:s8] =	ssyncset.done $0x0  }
0x255: {  	s31 =	rddreg [dreg:$0x4];
	[sflag:s8] =	ssyncadd.s32 $0xFFFFC000  }
0x256: {  	[tilespmem:s2], [sflag:$0x1] =	stream.linear.gather [hbm4b:s31+s2], $0x80, $0x38;
	[tilespmem:$0x8100] =	vst v63  }
0x257: {  	_ = 	snop  }
0x258: {  	[hbm4b:s21+s2] =	stream.linear.scatter [tilespmem:s6], [sflag:$0x5], $0x4000, $0x38;
	[tilespmem:$0x8100] =	vst v63  }
0x259: {  	_ =	swait.ge [sflag:s13], $0x80  }
0x25a: {  	[sflag:s13] =	ssyncset.done $0x0  }
0x25b: {  	[sflag:s13] =	ssyncadd.s32 $0xFFFFFF80  }
0x25c: {  	_ =	swait.ge [sflag:s16], $0x4000  }
0x25d: {  	[sflag:s16] =	ssyncset.done $0x0  }
0x25e: {  	[sflag:s16] =	ssyncadd.s32 $0xFFFFC000  }
0x25f: {  	[tilespmem:s6], [sflag:$0x3] =	stream.indirect.gather [hbm4b:s3+s12], $0x80, s2, s12, $0xb8;
	[tilespmem:$0x8100] =	vst v63  }
0x260: {  	_ =	swait.ge [sflag:s14], $0x4000  }
0x261: {  	[sflag:s14] =	ssyncset.done $0x0  }
0x262: {  	s1 =	rddreg [dreg:$0x5];
	[sflag:s14] =	ssyncadd.s32 $0xFFFFC000  }
0x263: {  	[tilespmem:s12], [sflag:$0x2] =	stream.linear.gather [hbm4b:s1+s2], $0x80, $0x38;
	[tilespmem:$0x8100] =	vst v63  }
0x264: {  	s20 =	rddreg [dreg:$0x6]  }
0x265: {  	[hbm4b:s20+s2] =	stream.linear.scatter [tilespmem:s17], [sflag:$0x6], $0x4000, $0x38;
	[tilespmem:$0x8100] =	vst v63  }
0x266: {  	_ =	swait.ge [sflag:s18], $0x80  }
0x267: {  	[sflag:s18] =	ssyncset.done $0x0  }
0x268: {  	[sflag:s18] =	ssyncadd.s32 $0xFFFFFF80  }
0x269: {  	_ =	swait.ge [sflag:s19], $0x4000  }
0x26a: {  	[sflag:s19] =	ssyncset.done $0x0  }
0x26b: {  	[sflag:s19] =	ssyncadd.s32 $0xFFFFC000  }
0x26c: {  	[tilespmem:s17], [sflag:$0x4] =	stream.indirect.gather [hbm4b:s3+s12], $0x80, s12, s12, $0xb8;
	[tilespmem:$0x8100] =	vst v63  }
0x26d: {  	_ =	swait.ge [sflag:s8], $0x4000  }
0x26e: {  	[sflag:s8] =	ssyncset.done $0x0  }
0x26f: {  	s21 =	rddreg [dreg:$0x7];
	[sflag:s8] =	ssyncadd.s32 $0xFFFFC000  }
0x270: {  	[tilespmem:s2], [sflag:$0x1] =	stream.linear.gather [hbm4b:s21+s2], $0x80, $0x38;
	[tilespmem:$0x8100] =	vst v63  }
0x271: {  	s23 =	rddreg [dreg:$0x8]  }
0x272: {  	[hbm4b:s23+s2] =	stream.linear.scatter [tilespmem:s6], [sflag:$0x5], $0x4000, $0x38;
	[tilespmem:$0x8100] =	vst v63  }
0x273: {  	_ =	swait.ge [sflag:s13], $0x80  }
0x274: {  	[sflag:s13] =	ssyncset.done $0x0  }
0x275: {  	[sflag:s13] =	ssyncadd.s32 $0xFFFFFF80  }
0x276: {  	_ =	swait.ge [sflag:s16], $0x4000  }
0x277: {  	[sflag:s16] =	ssyncset.done $0x0  }
0x278: {  	[sflag:s16] =	ssyncadd.s32 $0xFFFFC000  }
0x279: {  	[tilespmem:s6], [sflag:$0x3] =	stream.indirect.gather [hbm4b:s3+s12], $0x80, s2, s12, $0xb8;
	[tilespmem:$0x8100] =	vst v63  }
0x27a: {  	_ =	swait.ge [sflag:s14], $0x4000  }
0x27b: {  	[sflag:s14] =	ssyncset.done $0x0  }
0x27c: {  	s25 =	rddreg [dreg:$0x9];
	[sflag:s14] =	ssyncadd.s32 $0xFFFFC000  }
0x27d: {  	[tilespmem:s12], [sflag:$0x2] =	stream.linear.gather [hbm4b:s25+s2], $0x80, $0x38;
	[tilespmem:$0x8100] =	vst v63  }
0x27e: {  	s26 =	rddreg [dreg:$0xa]  }
0x27f: {  	[hbm4b:s26+s2] =	stream.linear.scatter [tilespmem:s17], [sflag:$0x6], $0x4000, $0x38;
	[tilespmem:$0x8100] =	vst v63  }
0x280: {  	_ =	swait.ge [sflag:s18], $0x80  }
0x281: {  	[sflag:s18] =	ssyncset.done $0x0  }
0x282: {  	[sflag:s18] =	ssyncadd.s32 $0xFFFFFF80  }
0x283: {  	_ =	swait.ge [sflag:s19], $0x4000  }
0x284: {  	[sflag:s19] =	ssyncset.done $0x0  }
0x285: {  	[sflag:s19] =	ssyncadd.s32 $0xFFFFC000  }
0x286: {  	[tilespmem:s17], [sflag:$0x4] =	stream.indirect.gather [hbm4b:s3+s12], $0x80, s12, s12, $0xb8;
	[tilespmem:$0x8100] =	vst v63  }
0x287: {  	_ =	swait.ge [sflag:s8], $0x4000  }
0x288: {  	[sflag:s8] =	ssyncset.done $0x0  }
0x289: {  	s28 =	rddreg [dreg:$0xb];
	[sflag:s8] =	ssyncadd.s32 $0xFFFFC000  }
0x28a: {  	[tilespmem:s2], [sflag:$0x1] =	stream.linear.gather [hbm4b:s28+s2], $0x80, $0x38;
	[tilespmem:$0x8100] =	vst v63  }
0x28b: {  	s29 =	rddreg [dreg:$0xc]  }
0x28c: {  	[hbm4b:s29+s2] =	stream.linear.scatter [tilespmem:s6], [sflag:$0x5], $0x4000, $0x38;
	[tilespmem:$0x8100] =	vst v63  }
0x28d: {  	_ =	swait.ge [sflag:s13], $0x80  }
0x28e: {  	[sflag:s13] =	ssyncset.done $0x0  }
0x28f: {  	[sflag:s13] =	ssyncadd.s32 $0xFFFFFF80  }
0x290: {  	_ =	swait.ge [sflag:s16], $0x4000  }
0x291: {  	[sflag:s16] =	ssyncset.done $0x0  }
0x292: {  	[sflag:s16] =	ssyncadd.s32 $0xFFFFC000  }
0x293: {  	[tilespmem:s6], [sflag:$0x3] =	stream.indirect.gather [hbm4b:s3+s12], $0x80, s2, s12, $0xb8;
	[tilespmem:$0x8100] =	vst v63  }
0x294: {  	_ =	swait.ge [sflag:s14], $0x4000  }
0x295: {  	[sflag:s14] =	ssyncset.done $0x0  }
0x296: {  	s30 =	rddreg [dreg:$0xd];
	[sflag:s14] =	ssyncadd.s32 $0xFFFFC000  }
0x297: {  	[tilespmem:s12], [sflag:$0x2] =	stream.linear.gather [hbm4b:s30+s2], $0x80, $0x38;
	[tilespmem:$0x8100] =	vst v63  }
0x298: {  	s31 =	rddreg [dreg:$0xe]  }
0x299: {  	[hbm4b:s31+s2] =	stream.linear.scatter [tilespmem:s17], [sflag:$0x6], $0x4000, $0x38;
	[tilespmem:$0x8100] =	vst v63  }
0x29a: {  	_ =	swait.ge [sflag:s18], $0x80  }
0x29b: {  	[sflag:s18] =	ssyncset.done $0x0  }
0x29c: {  	[sflag:s18] =	ssyncadd.s32 $0xFFFFFF80  }
0x29d: {  	_ =	swait.ge [sflag:s19], $0x4000  }
0x29e: {  	[sflag:s19] =	ssyncset.done $0x0  }
0x29f: {  	[sflag:s19] =	ssyncadd.s32 $0xFFFFC000  }
0x2a0: {  	[tilespmem:s17], [sflag:$0x4] =	stream.indirect.gather [hbm4b:s3+s12], $0x80, s12, s12, $0xb8;
	[tilespmem:$0x8100] =	vst v63  }
0x2a1: {  	_ =	swait.ge [sflag:s8], $0x4000  }
0x2a2: {  	[sflag:s8] =	ssyncset.done $0x0  }
0x2a3: {  	s1 =	rddreg [dreg:$0xf];
	[sflag:s8] =	ssyncadd.s32 $0xFFFFC000  }
0x2a4: {  	[tilespmem:s2], [sflag:$0x1] =	stream.linear.gather [hbm4b:s1+s2], $0x80, $0x38;
	[tilespmem:$0x8100] =	vst v63  }
0x2a5: {  	s20 =	rddreg [dreg:$0x10]  }
0x2a6: {  	[hbm4b:s20+s2] =	stream.linear.scatter [tilespmem:s6], [sflag:$0x5], $0x4000, $0x38;
	[tilespmem:$0x8100] =	vst v63  }
0x2a7: {  	_ =	swait.ge [sflag:s13], $0x80  }
0x2a8: {  	[sflag:s13] =	ssyncset.done $0x0  }
0x2a9: {  	[sflag:s13] =	ssyncadd.s32 $0xFFFFFF80  }
0x2aa: {  	_ =	swait.ge [sflag:s16], $0x4000  }
0x2ab: {  	[sflag:s16] =	ssyncset.done $0x0  }
0x2ac: {  	[sflag:s16] =	ssyncadd.s32 $0xFFFFC000  }
0x2ad: {  	[tilespmem:s6], [sflag:$0x3] =	stream.indirect.gather [hbm4b:s3+s12], $0x80, s2, s12, $0xb8;
	[tilespmem:$0x8100] =	vst v63  }
0x2ae: {  	_ =	swait.ge [sflag:s14], $0x4000  }
0x2af: {  	[sflag:s14] =	ssyncset.done $0x0  }
0x2b0: {  	s21 =	rddreg [dreg:$0x11];
	[sflag:s14] =	ssyncadd.s32 $0xFFFFC000  }
0x2b1: {  	[tilespmem:s12], [sflag:$0x2] =	stream.linear.gather [hbm4b:s21+s2], $0x80, $0x38;
	[tilespmem:$0x8100] =	vst v63  }
0x2b2: {  	s23 =	rddreg [dreg:$0x12]  }
0x2b3: {  	[hbm4b:s23+s2] =	stream.linear.scatter [tilespmem:s17], [sflag:$0x6], $0x4000, $0x38;
	[tilespmem:$0x8100] =	vst v63  }
0x2b4: {  	_ =	swait.ge [sflag:s18], $0x80  }
0x2b5: {  	[sflag:s18] =	ssyncset.done $0x0  }
0x2b6: {  	[sflag:s18] =	ssyncadd.s32 $0xFFFFFF80  }
0x2b7: {  	_ =	swait.ge [sflag:s19], $0x4000  }
0x2b8: {  	[sflag:s19] =	ssyncset.done $0x0  }
0x2b9: {  	[sflag:s19] =	ssyncadd.s32 $0xFFFFC000  }
0x2ba: {  	[tilespmem:s17], [sflag:$0x4] =	stream.indirect.gather [hbm4b:s3+s12], $0x80, s12, s12, $0xb8;
	[tilespmem:$0x8100] =	vst v63  }
0x2bb: {  	_ =	swait.ge [sflag:s8], $0x4000  }
0x2bc: {  	[sflag:s8] =	ssyncset.done $0x0  }
0x2bd: {  	s25 =	rddreg [dreg:$0x13];
	[sflag:s8] =	ssyncadd.s32 $0xFFFFC000  }
0x2be: {  	[tilespmem:s2], [sflag:$0x1] =	stream.linear.gather [hbm4b:s25+s2], $0x80, $0x38;
	[tilespmem:$0x8100] =	vst v63  }
0x2bf: {  	s26 =	rddreg [dreg:$0x14]  }
0x2c0: {  	[hbm4b:s26+s2] =	stream.linear.scatter [tilespmem:s6], [sflag:$0x5], $0x4000, $0x38;
	[tilespmem:$0x8100] =	vst v63  }
0x2c1: {  	_ =	swait.ge [sflag:s13], $0x80  }
0x2c2: {  	[sflag:s13] =	ssyncset.done $0x0  }
0x2c3: {  	[sflag:s13] =	ssyncadd.s32 $0xFFFFFF80  }
0x2c4: {  	_ =	swait.ge [sflag:s16], $0x4000  }
0x2c5: {  	[sflag:s16] =	ssyncset.done $0x0  }
0x2c6: {  	[sflag:s16] =	ssyncadd.s32 $0xFFFFC000  }
0x2c7: {  	[tilespmem:s6], [sflag:$0x3] =	stream.indirect.gather [hbm4b:s3+s12], $0x80, s2, s12, $0xb8;
	[tilespmem:$0x8100] =	vst v63  }
0x2c8: {  	_ =	swait.ge [sflag:s14], $0x4000  }
0x2c9: {  	[sflag:s14] =	ssyncset.done $0x0  }
0x2ca: {  	s28 =	rddreg [dreg:$0x15];
	[sflag:s14] =	ssyncadd.s32 $0xFFFFC000  }
0x2cb: {  	[tilespmem:s12], [sflag:$0x2] =	stream.linear.gather [hbm4b:s28+s2], $0x80, $0x38;
	[tilespmem:$0x8100] =	vst v63  }
0x2cc: {  	s29 =	rddreg [dreg:$0x16]  }
0x2cd: {  	[hbm4b:s29+s2] =	stream.linear.scatter [tilespmem:s17], [sflag:$0x6], $0x4000, $0x38;
	[tilespmem:$0x8100] =	vst v63  }
0x2ce: {  	_ =	swait.ge [sflag:s18], $0x80  }
0x2cf: {  	[sflag:s18] =	ssyncset.done $0x0  }
0x2d0: {  	[sflag:s18] =	ssyncadd.s32 $0xFFFFFF80  }
0x2d1: {  	_ =	swait.ge [sflag:s19], $0x4000  }
0x2d2: {  	[sflag:s19] =	ssyncset.done $0x0  }
0x2d3: {  	[sflag:s19] =	ssyncadd.s32 $0xFFFFC000  }
0x2d4: {  	[tilespmem:s17], [sflag:$0x4] =	stream.indirect.gather [hbm4b:s3+s12], $0x80, s12, s12, $0xb8;
	[tilespmem:$0x8100] =	vst v63  }
0x2d5: {  	_ =	swait.ge [sflag:s8], $0x4000  }
0x2d6: {  	[sflag:s8] =	ssyncset.done $0x0  }
0x2d7: {  	s30 =	rddreg [dreg:$0x17];
	[sflag:s8] =	ssyncadd.s32 $0xFFFFC000  }
0x2d8: {  	[tilespmem:s2], [sflag:$0x1] =	stream.linear.gather [hbm4b:s30+s2], $0x80, $0x38;
	[tilespmem:$0x8100] =	vst v63  }
0x2d9: {  	s31 =	rddreg [dreg:$0x18]  }
0x2da: {  	[hbm4b:s31+s2] =	stream.linear.scatter [tilespmem:s6], [sflag:$0x5], $0x4000, $0x38;
	[tilespmem:$0x8100] =	vst v63  }
0x2db: {  	_ =	swait.ge [sflag:s13], $0x80  }
0x2dc: {  	[sflag:s13] =	ssyncset.done $0x0  }
0x2dd: {  	[sflag:s13] =	ssyncadd.s32 $0xFFFFFF80  }
0x2de: {  	_ =	swait.ge [sflag:s16], $0x4000  }
0x2df: {  	[sflag:s16] =	ssyncset.done $0x0  }
0x2e0: {  	[sflag:s16] =	ssyncadd.s32 $0xFFFFC000  }
0x2e1: {  	[tilespmem:s6], [sflag:$0x3] =	stream.indirect.gather [hbm4b:s3+s12], $0x80, s2, s12, $0xb8;
	[tilespmem:$0x8100] =	vst v63  }
0x2e2: {  	_ =	swait.ge [sflag:s14], $0x4000  }
0x2e3: {  	[sflag:s14] =	ssyncset.done $0x0  }
0x2e4: {  	s1 =	rddreg [dreg:$0x19];
	[sflag:s14] =	ssyncadd.s32 $0xFFFFC000  }
0x2e5: {  	[tilespmem:s12], [sflag:$0x2] =	stream.linear.gather [hbm4b:s1+s2], $0x80, $0x38;
	[tilespmem:$0x8100] =	vst v63  }
0x2e6: {  	s20 =	rddreg [dreg:$0x1a]  }
0x2e7: {  	[hbm4b:s20+s2] =	stream.linear.scatter [tilespmem:s17], [sflag:$0x6], $0x4000, $0x38;
	[tilespmem:$0x8100] =	vst v63  }
0x2e8: {  	_ =	swait.ge [sflag:s18], $0x80  }
0x2e9: {  	[sflag:s18] =	ssyncset.done $0x0  }
0x2ea: {  	[sflag:s18] =	ssyncadd.s32 $0xFFFFFF80  }
0x2eb: {  	_ =	swait.ge [sflag:s19], $0x4000  }
0x2ec: {  	[sflag:s19] =	ssyncset.done $0x0  }
0x2ed: {  	[sflag:s19] =	ssyncadd.s32 $0xFFFFC000  }
0x2ee: {  	[tilespmem:s17], [sflag:$0x4] =	stream.indirect.gather [hbm4b:s3+s12], $0x80, s12, s12, $0xb8;
	[tilespmem:$0x8100] =	vst v63  }
0x2ef: {  	_ =	swait.ge [sflag:s8], $0x4000  }
0x2f0: {  	[sflag:s8] =	ssyncset.done $0x0  }
0x2f1: {  	s21 =	rddreg [dreg:$0x1b];
	[sflag:s8] =	ssyncadd.s32 $0xFFFFC000  }
0x2f2: {  	[tilespmem:s2], [sflag:$0x1] =	stream.linear.gather [hbm4b:s21+s2], $0x80, $0x38;
	[tilespmem:$0x8100] =	vst v63  }
0x2f3: {  	s23 =	rddreg [dreg:$0x1c]  }
0x2f4: {  	[hbm4b:s23+s2] =	stream.linear.scatter [tilespmem:s6], [sflag:$0x5], $0x4000, $0x38;
	[tilespmem:$0x8100] =	vst v63  }
0x2f5: {  	_ =	swait.ge [sflag:s13], $0x80  }
0x2f6: {  	[sflag:s13] =	ssyncset.done $0x0  }
0x2f7: {  	[sflag:s13] =	ssyncadd.s32 $0xFFFFFF80  }
0x2f8: {  	_ =	swait.ge [sflag:s16], $0x4000  }
0x2f9: {  	[sflag:s16] =	ssyncset.done $0x0  }
0x2fa: {  	[sflag:s16] =	ssyncadd.s32 $0xFFFFC000  }
0x2fb: {  	[tilespmem:s6], [sflag:$0x3] =	stream.indirect.gather [hbm4b:s3+s12], $0x80, s2, s12, $0xb8;
	[tilespmem:$0x8100] =	vst v63  }
0x2fc: {  	_ =	swait.ge [sflag:s14], $0x4000  }
0x2fd: {  	[sflag:s14] =	ssyncset.done $0x0  }
0x2fe: {  	s25 =	rddreg [dreg:$0x1d];
	[sflag:s14] =	ssyncadd.s32 $0xFFFFC000  }
0x2ff: {  	[tilespmem:s12], [sflag:$0x2] =	stream.linear.gather [hbm4b:s25+s2], $0x80, $0x38;
	[tilespmem:$0x8100] =	vst v63  }
0x300: {  	s26 =	rddreg [dreg:$0x1e]  }
0x301: {  	[hbm4b:s26+s2] =	stream.linear.scatter [tilespmem:s17], [sflag:$0x6], $0x4000, $0x38;
	[tilespmem:$0x8100] =	vst v63  }
0x302: {  	_ =	swait.ge [sflag:s18], $0x80  }
0x303: {  	[sflag:s18] =	ssyncset.done $0x0  }
0x304: {  	[sflag:s18] =	ssyncadd.s32 $0xFFFFFF80  }
0x305: {  	_ =	swait.ge [sflag:s19], $0x4000  }
0x306: {  	[sflag:s19] =	ssyncset.done $0x0  }
0x307: {  	[sflag:s19] =	ssyncadd.s32 $0xFFFFC000  }
0x308: {  	[tilespmem:s17], [sflag:$0x4] =	stream.indirect.gather [hbm4b:s3+s12], $0x80, s12, s12, $0xb8;
	[tilespmem:$0x8100] =	vst v63  }
0x309: {  	_ =	swait.ge [sflag:s8], $0x4000  }
0x30a: {  	s28 =	rddreg [dreg:$0x1f];
	[sflag:s8] =	ssyncset.done $0x0  }
0x30b: {  	s29 =	sld [smem:$0x7FC];
	[sflag:s8] =	ssyncadd.s32 $0xFFFFC000  }
0x30c: {  	[tilespmem:s2], [sflag:$0x1] =	stream.linear.gather [hbm4b:s28+s2], $0x80, $0x38;
	[tilespmem:$0x8100] =	vst v63  }
0x30d: {  	_ = 	snop  }
0x30e: {  	[hbm4b:s29+s2] =	stream.linear.scatter [tilespmem:s6], [sflag:$0x5], $0x4000, $0x38;
	[tilespmem:$0x8100] =	vst v63  }
0x30f: {  	_ =	swait.ge [sflag:s13], $0x80  }
0x310: {  	[sflag:s13] =	ssyncset.done $0x0  }
0x311: {  	[sflag:s13] =	ssyncadd.s32 $0xFFFFFF80  }
0x312: {  	_ =	swait.ge [sflag:s16], $0x4000  }
0x313: {  	[sflag:s16] =	ssyncset.done $0x0  }
0x314: {  	[sflag:s16] =	ssyncadd.s32 $0xFFFFC000  }
0x315: {  	[tilespmem:s6], [sflag:$0x3] =	stream.indirect.gather [hbm4b:s3+s12], $0x80, s2, s12, $0xb8;
	[tilespmem:$0x8100] =	vst v63  }
0x316: {  	_ =	swait.ge [sflag:s14], $0x4000  }
0x317: {  	s30 =	sld [smem:$0x7FD]  }
0x318: {  	[sflag:s14] =	ssyncset.done $0x0  }
0x319: {  	[sflag:s14] =	ssyncadd.s32 $0xFFFFC000  }
0x31a: {  	[tilespmem:s12], [sflag:$0x2] =	stream.linear.gather [hbm4b:s30+s2], $0x80, $0x38;
	[tilespmem:$0x8100] =	vst v63  }
0x31b: {  	_ = 	snop  }
0x31c: {  	[hbm4b:s15+s2] =	stream.linear.scatter [tilespmem:s17], [sflag:$0x6], $0x4000, $0x38;
	[tilespmem:$0x8100] =	vst v63  }
0x31d: {  	_ =	swait.ge [sflag:s18], $0x80  }
0x31e: {  	[sflag:s18] =	ssyncset.done $0x0  }
0x31f: {  	[sflag:s18] =	ssyncadd.s32 $0xFFFFFF80  }
0x320: {  	_ =	swait.ge [sflag:s19], $0x4000  }
0x321: {  	[sflag:s19] =	ssyncset.done $0x0  }
0x322: {  	[sflag:s19] =	ssyncadd.s32 $0xFFFFC000  }
0x323: {  	[tilespmem:s17], [sflag:$0x4] =	stream.indirect.gather [hbm4b:s3+s12], $0x80, s12, s12, $0xb8;
	[tilespmem:$0x8100] =	vst v63  }
0x324: {  	_ =	swait.ge [sflag:s8], $0x4000  }
0x325: {  	[sflag:s8] =	ssyncset.done $0x0  }
0x326: {  	[sflag:s8] =	ssyncadd.s32 $0xFFFFC000  }
0x327: {  	[tilespmem:s2], [sflag:$0x1] =	stream.linear.gather [hbm4b:s10+s2], $0x80, $0x38;
	[tilespmem:$0x8100] =	vst v63  }
0x328: {  	_ = 	snop  }
0x329: {  	[hbm4b:s11+s2] =	stream.linear.scatter [tilespmem:s6], [sflag:$0x5], $0x4000, $0x38;
	[tilespmem:$0x8100] =	vst v63  }
0x32a: {  	_ =	swait.ge [sflag:s13], $0x80  }
0x32b: {  	[sflag:s13] =	ssyncset.done $0x0  }
0x32c: {  	[sflag:s13] =	ssyncadd.s32 $0xFFFFFF80  }
0x32d: {  	_ =	swait.ge [sflag:s16], $0x4000  }
0x32e: {  	[sflag:s16] =	ssyncset.done $0x0  }
0x32f: {  	[sflag:s16] =	ssyncadd.s32 $0xFFFFC000  }
0x330: {  	[tilespmem:s6], [sflag:$0x3] =	stream.indirect.gather [hbm4b:s3+s12], $0x80, s2, s12, $0xb8;
	[tilespmem:$0x8100] =	vst v63  }
0x331: {  	s0 =	simm.s32 @p0 $0x6;
	_ =	swait.ge [sflag:s14], $0x4000  }
0x332: {  	s31 =	smov.u32 s5;
	s5 =	smov.u32 s4;
	[sflag:s14] =	ssyncset.done $0x0  }
0x333: {  	s4 =	simm.s32 @p0 $0x4100;
	s1 =	simm.s32 @p0 $0x0;
	[sflag:s14] =	ssyncadd.s32 $0xFFFFC000  }
0x334: {  	[hbm4b:s7+s1] =	stream.linear.scatter @p0 [tilespmem:s4], [sflag:$0x6], $0x4000, $0x38;
	[tilespmem:$0x8100] =	vst v63  }
0x335: {  	_ =	swait.ge @p0 [sflag:s0], $0x4000  }
0x336: {  	[sflag:s0] =	ssyncset.done @p0 $0x0  }
0x337: {  	s1 =	simm.s32 @!p0 $0x80;
	[sflag:s0] =	ssyncadd.s32 @p0 $0xFFFFC000;
	s0 =	simm.s32 @!p0 $0x0  }
0x338: {  	[tilespmem:s1], [sflag:$0x2] =	stream.linear.gather @!p0 [hbm4b:s9+s0], $0x80, $0x38;
	[tilespmem:$0x8100] =	vst v63  }
0x339: {  	s4 =	simm.s32 @!p0 $0x4100;
	s9 =	simm.s32 @!p0 $0x2  }
0x33a: {  	[hbm4b:s7+s0] =	stream.linear.scatter @!p0 [tilespmem:s4], [sflag:$0x6], $0x4000, $0x38;
	[tilespmem:$0x8100] =	vst v63  }
0x33b: {  	_ =	swait.ge @!p0 [sflag:s9], $0x80  }
0x33c: {  	[sflag:s9] =	ssyncset.done @!p0 $0x0  }
0x33d: {  	s7 =	simm.s32 @!p0 $0x6;
	[sflag:s9] =	ssyncadd.s32 @!p0 $0xFFFFFF80  }
0x33e: {  	_ =	swait.ge @!p0 [sflag:s7], $0x4000  }
0x33f: {  	[sflag:s7] =	ssyncset.done @!p0 $0x0  }
0x340: {  	[sflag:s7] =	ssyncadd.s32 @!p0 $0xFFFFC000  }
0x341: {  	[tilespmem:s4], [sflag:$0x4] =	stream.indirect.gather @!p0 [hbm4b:s3+s1], $0x80, s1, s1, $0xb8;
	[tilespmem:$0x8100] =	vst v63  }
0x342: {  	_ =	swait.ge [sflag:s8], $0x4000  }
0x343: {  	[sflag:s8] =	ssyncset.done $0x0  }
0x344: {  	s1 =	simm.s32 @!p0 $0x4;
	[sflag:s8] =	ssyncadd.s32 $0xFFFFC000  }
0x345: {  	[hbm4b:s31+s2] =	stream.linear.scatter [tilespmem:s6], [sflag:$0x5], $0x4000, $0x38;
	[tilespmem:$0x8100] =	vst v63  }
0x346: {  	_ =	swait.ge @!p0 [sflag:s1], $0x4000  }
0x347: {  	[sflag:s1] =	ssyncset.done @!p0 $0x0  }
0x348: {  	[sflag:s1] =	ssyncadd.s32 @!p0 $0xFFFFC000;
	s1 =	simm.s32 @!p0 $0x5  }
0x349: {  	[hbm4b:s5+s0] =	stream.linear.scatter @!p0 [tilespmem:s4], [sflag:$0x6], $0x4000, $0x38;
	[tilespmem:$0x8100] =	vst v63  }
0x34a: {  	_ =	swait.ge @!p0 [sflag:s1], $0x4000  }
0x34b: {  	[sflag:s1] =	ssyncset.done @!p0 $0x0  }
0x34c: {  	s7 =	simm.s32 @p0 $0x5;
	[sflag:s1] =	ssyncadd.s32 @!p0 $0xFFFFC000  }
0x34d: {  	_ =	swait.ge [sflag:s7], $0x4000  }
0x34e: {  	[sflag:s7] =	ssyncset.done $0x0  }
0x34f: {  	[sflag:s7] =	ssyncadd.s32 $0xFFFFC000  }
0x350: {  	_ =	sfence.sel $0x180000  }
0x351: {  	[bflag:$0x0] =	sbarrier.arrive $0xFFFF  }
0x352: {  	p0 =	sne.s32 s22, $0x0;
	_ =	strace $0x90000047  }
0x353: {  	s0 =	sadd.s32 @!p0 $0x100000, s24;
	[bflag:$0x2] =	sbarrier.arrive $0xFFFF  }
0x354: {  	[sflag:s0] =	ssyncadd.tile.s32 @!p0 $0x1;
	_ =	shalt  }
.LBB2_2:
.Ltmp3:
0x355: {  	(pc) =	sbr.rel .LBB2_5-.Ltmp3, $2  }
0x356: {  	_ =	sdelay $0x2  }
0x357: {  	s22 =	stileid.u32;
	s24 =	rddreg [dreg:$0x2]  }
.Lfunc_end2:
_tile_overlayer_lowered:
.L_overlay_start_2:
0x358: {  	(tag) =	ssettag $0x2  }
0x359: {  	s0 =	rddreg [dreg:$0x0];
	s2 =	stileid.u32  }
0x35a: {  	s1 =	rddreg [dreg:$0x1];
	p0 =	sne.s32 s2, $0x0  }
0x35b: {  	s3 =	rddreg [dreg:$0x2];
	[bflag:$0x3] =	sbarrier.arrive $0xFFFF;
	s2 =	simm.s32 @!p0 $0x1C07  }
0x35c: {  	[timem:s3], [sflag:s2] =	dma.local @!p0 [hbm:s0], s1  }
0x35d: {  	s0 =	simm.s32 @!p0 $0x7  }
0x35e: {  	_ =	swait.ge @!p0 [sflag:s0], s1  }
0x35f: {  	s1 =	ssub.s32 @!p0 $0x0, s1;
	[sflag:s0] =	ssyncset.done @!p0 $0x0  }
0x360: {  	[sflag:s0] =	ssyncadd.s32 @!p0 s1  }
0x361: {  	[bflag:$0x3] =	sbarrier.arrive $0xFFFF  }
0x362: {  	_ =	shalt  }

// kernel: kernel.9.cloned.1.call-start
scs
__scs_entry_jumppad:
0x0: {  	(pc) =	sbr.rel $0x88, $3  }
0x1: {  	(tag) =	ssettag $0x0;
	lr =	simm.s32 $0x1  }
0x2: {  	[smem:$0x3F98] =	sst lr;
	_ =	strace $0xD0000000  }
0x3: {  	_ = 	snop  }
0x4: {  	_ = 	snop  }
0x5: {  	_ = 	snop  }
0x6: {  	_ = 	snop  }
0x7: {  	_ = 	snop  }
__scs_overlays_trampoline_lowered:
0x8: {  	[smem:$0x3FA7] =	sst s0  }
0x9: {  	[smem:$0x3FA8] =	sst s1  }
0xa: {  	[smem:$0x3FA9] =	sst s2  }
0xb: {  	[smem:$0x3FAA] =	sst s3  }
0xc: {  	[smem:$0x3FAB] =	sst s4  }
0xd: {  	[smem:$0x3FAC] =	sst s5  }
0xe: {  	[smem:$0x3FAD] =	sst s6  }
0xf: {  	[smem:$0x3FAE] =	sst s7  }
0x10: {  	[smem:$0x3FAF] =	sst s8  }
0x11: {  	[smem:$0x3FB0] =	sst s9;
	s0 =	simm.s32 @!p0 $0x0  }
0x12: {  	s1 =	sld [smem:$0x3F96];
	s0 =	simm.s32 @p0 $0x1  }
0x13: {  	[smem:$0x3FB1] =	sst s0;
	s0 =	simm.s32 @!p1 $0x0  }
0x14: {  	s2 =	sld [smem:$0x3F95];
	s0 =	simm.s32 @p1 $0x1  }
0x15: {  	[smem:$0x3FB2] =	sst s0;
	s0 =	simm.s32 @!p2 $0x0  }
0x16: {  	s3 =	sld [smem:$0x3FDB];
	s0 =	simm.s32 @p2 $0x1  }
0x17: {  	s4 =	simm.s32 $0x1BF5;
	[smem:$0x3FB4] =	sst s0  }
0x18: {  	s0 =	sld [smem:$0x3F97];
	_ =	swait.ge [sflag:s4], $0x0  }
0x19: {  	s7 =	sld [smem:$0x3F98]  }
0x1a: {  	s8 =	sadd.s32 $0xFFFFE003, lr  }
0x1b: {  	s9 =	sadd.s32 $0xFFFFFEF7, lr;
	s5 =	simm.s32 $0xFFFFFFFF;
	p2 =	slt.u32 s8, $0xFFFFF086  }
0x1c: {  	p1 =	slt.u32 s9, $0xF7A;
	s5 =	simm.s32 @!p2 $0x0  }
0x1d: {  	s5 =	simm.s32 @p1 $0x1;
	p0 =	seq.s32 s7, s2  }
0x1e: {  	s7 =	smul.u32 @!p0 $0xF7A, s2;
	p2 =	seq.s32 @!p0 s5, $0x0  }
0x1f: {  	s9 =	smul.u32 $0xF7A, s1;
	s8 =	simm.s32 @!p0 $0x1BF5;
	p2 =	por !p2, p0  }
0x20: {  	[sflag:s8] =	ssyncset.s32 @!p0 $0xFFFFF086;
	s6 =	sadd.s32 @!p0 s3, s7;
	s7 =	simm.s32 @!p0 $0x108  }
0x21: {  	s3 =	sadd.s32 s3, s9;
	s6 =	sadd.s32 @!p0 $0x88, s6;
	s7 =	simm.s32 @p2 $0x1082  }
0x22: {  	[simem:s7], [sflag:s8] =	dma.local @!p0 [hbm:s6], $0xF7A  }
0x23: {  	s9 =	sor.u32 $0xD0000000, s2;
	s6 =	simm.s32 $0x108;
	_ =	swait.ge @!p0 [sflag:s8], $0x0  }
0x24: {  	s3 =	sadd.s32 $0x88, s3;
	s6 =	simm.s32 @!p1 $0x1082;
	[sflag:s4] =	ssyncset.s32 $0xFFFFF086  }
0x25: {  	[simem:s6], [sflag:s4] =	dma.local [hbm:s3], $0xF7A  }
0x26: {  	[smem:$0x3F98] =	sst s1;
	(tag) =	ssettag s2;
	_ =	strace s9  }
0x27: {  	s1 =	sld [smem:$0x3FA8]  }
0x28: {  	s2 =	sld [smem:$0x3FA9]  }
0x29: {  	s4 =	sld [smem:$0x3FAB]  }
0x2a: {  	p0 =	seq.s32 s5, $0x0;
	s5 =	sld [smem:$0x3FAC]  }
0x2b: {  	s6 =	sld [smem:$0x3FAD]  }
0x2c: {  	s7 =	sld [smem:$0x3FAE]  }
0x2d: {  	s3 =	simm.s32 $0x108;
	s8 =	sld [smem:$0x3FAF]  }
0x2e: {  	s3 =	simm.s32 @!p0 $0x1082;
	s9 =	sld [smem:$0x3FB0]  }
0x2f: {  	lr =	sadd.s32 s0, s3;
	s0 =	sld [smem:$0x3FA7]  }
0x30: {  	s3 =	sld [smem:$0x3FAA]  }
0x31: {  	[smem:$0x3FB3] =	sst s10  }
0x32: {  	s10 =	sld [smem:$0x3FB1];
	_ =	sdelay $0x3  }
0x33: {  	p0 =	seq.s32 s10, $0x1;
	s10 =	sld [smem:$0x3FB3];
	_ =	sdelay $0x3  }
0x34: {  	[smem:$0x3FB3] =	sst s10  }
0x35: {  	s10 =	sld [smem:$0x3FB2];
	_ =	sdelay $0x3  }
0x36: {  	p1 =	seq.s32 s10, $0x1;
	s10 =	sld [smem:$0x3FB3];
	_ =	sdelay $0x3  }
0x37: {  	[smem:$0x3FB3] =	sst s10  }
0x38: {  	s10 =	sld [smem:$0x3FB4]  }
0x39: {  	_ = 	snop;
	(pc) =	sbr.ind lr, $3  }
0x3a: {  	_ = 	snop  }
0x3b: {  	_ = 	snop  }
0x3c: {  	p2 =	seq.s32 s10, $0x1;
	s10 =	sld [smem:$0x3FB3]  }
0x3d: {  	_ =	shalt  }
0x3e: {  	_ =	shalt  }
0x3f: {  	_ =	shalt  }
0x40: {  	_ =	shalt  }
0x41: {  	_ =	shalt  }
0x42: {  	_ =	shalt  }
0x43: {  	_ =	shalt  }
0x44: {  	_ =	shalt  }
0x45: {  	_ =	shalt  }
0x46: {  	_ =	shalt  }
0x47: {  	_ =	shalt  }
0x48: {  	_ =	shalt  }
0x49: {  	_ =	shalt  }
0x4a: {  	_ =	shalt  }
0x4b: {  	_ =	shalt  }
0x4c: {  	_ =	shalt  }
0x4d: {  	_ =	shalt  }
0x4e: {  	_ =	shalt  }
0x4f: {  	_ =	shalt  }
0x50: {  	_ =	shalt  }
0x51: {  	_ =	shalt  }
0x52: {  	_ =	shalt  }
0x53: {  	_ =	shalt  }
0x54: {  	_ =	shalt  }
0x55: {  	_ =	shalt  }
0x56: {  	_ =	shalt  }
0x57: {  	_ =	shalt  }
0x58: {  	_ =	shalt  }
0x59: {  	_ =	shalt  }
0x5a: {  	_ =	shalt  }
0x5b: {  	_ =	shalt  }
0x5c: {  	_ =	shalt  }
0x5d: {  	_ =	shalt  }
0x5e: {  	_ =	shalt  }
0x5f: {  	_ =	shalt  }
0x60: {  	_ =	shalt  }
0x61: {  	_ =	shalt  }
0x62: {  	_ =	shalt  }
0x63: {  	_ =	shalt  }
0x64: {  	_ =	shalt  }
0x65: {  	_ =	shalt  }
0x66: {  	_ =	shalt  }
0x67: {  	_ =	shalt  }
0x68: {  	_ =	shalt  }
0x69: {  	_ =	shalt  }
0x6a: {  	_ =	shalt  }
0x6b: {  	_ =	shalt  }
0x6c: {  	_ =	shalt  }
0x6d: {  	_ =	shalt  }
0x6e: {  	_ =	shalt  }
0x6f: {  	_ =	shalt  }
0x70: {  	_ =	shalt  }
0x71: {  	_ =	shalt  }
0x72: {  	_ =	shalt  }
0x73: {  	_ =	shalt  }
0x74: {  	_ =	shalt  }
0x75: {  	_ =	shalt  }
0x76: {  	_ =	shalt  }
0x77: {  	_ =	shalt  }
0x78: {  	_ =	shalt  }
0x79: {  	_ =	shalt  }
0x7a: {  	_ =	shalt  }
0x7b: {  	_ =	shalt  }
0x7c: {  	_ =	shalt  }
0x7d: {  	_ =	shalt  }
0x7e: {  	_ =	shalt  }
0x7f: {  	_ =	shalt  }
0x80: {  	_ =	shalt  }
0x81: {  	_ =	shalt  }
0x82: {  	_ =	shalt  }
0x83: {  	_ =	shalt  }
0x84: {  	_ =	shalt  }
0x85: {  	_ =	shalt  }
0x86: {  	_ =	shalt  }
0x87: {  	_ =	shalt  }
.Lfunc_end0:
.L_simem_size_0:
called_computation.1_lowered:
.L_overlay_start_0:
0x88: {  	s2 =	sld [smem:$0x3FD9]  }
0x89: {  	s3 =	sld [smem:$0x3FFE];
	_ =	sdelay $0x1  }
0x8a: {  	s1 =	srdreg.scid  }
0x8b: {  	s0 =	sand.u32 $0x1, s1  }
0x8c: {  	s17 =	sshll.u32 s0, $0xA;
	s2 =	sadd.s32 s3, s2  }
0x8d: {  	s2 =	sadd.s32 s2, s17  }
0x8e: {  	[smem:$0x3FBF] =	sst s2  }
0x8f: {  	_ = 	snop  }
0x90: {  	s2 =	sld [smem:$0x3FC5]  }
0x91: {  	s18 =	sld [smem:$0x3FD0];
	(tm) =	ssettm $0x1  }
0x92: {  	s4 =	sld [smem:$0x3FFB];
	_ =	sdelay $0x3  }
0x93: {  	_ =	strace s4  }
0x94: {  	s4 =	sld [smem:$0x3FFC];
	_ =	sdelay $0x3  }
0x95: {  	_ =	strace s4  }
0x96: {  	s4 =	sld [smem:$0x3FFD];
	_ =	sdelay $0x3  }
0x97: {  	_ =	strace s4  }
0x98: {  	_ =	strace $0x8FFFFFFF  }
0x99: {  	s19 =	sld [smem:$0x3FDB];
	_ =	sdelay $0x1  }
0x9a: {  	s5 =	simm.s32 $_scs_section_size  }
0x9b: {  	s6 =	simm.s32 $_size__tile_overlayer_lowered;
	s7 =	simm.s32 $_tile_overlayer_lowered  }
0x9c: {  	s22 =	simm.s32 $0x1BFF;
	s21 =	sshll.u32 s7, $0x1;
	s4 =	sadd.s32 s5, s19  }
0x9d: {  	s8 =	simm.s32 $0x0;
	s20 =	sshll.u32 s6, $0x1;
	s6 =	sadd.s32 s21, s4  }
0x9e: {  	[timem:s8], [sflag:s22] =	dma.local [hbm:s6], s20  }
0x9f: {  	_ =	swait.ge [sflag:s22], s20  }
0xa0: {  	s5 =	ssub.s32 $0x0, s20;
	[sflag:s22] =	ssyncset.done $0x0  }
0xa1: {  	[sflag:s22] =	ssyncadd.s32 s5;
	_ =	sdelay $0x1  }
0xa2: {  	s23 =	simm.s32 $0x1B8B  }
0xa3: {  	_ =	swait.ge [sflag:s23], $0x1  }
0xa4: {  	[sflag:s23] =	ssyncset.done $0x0  }
0xa5: {  	s25 =	simm.s32 $0x1B8E;
	s24 =	sld [smem:$0x3FFE];
	[sflag:s23] =	ssyncadd.s32 $0xFFFFFFFF  }
0xa6: {  	s26 =	simm.s32 $execute0_lowered;
	[smem:$0x3FD2] =	sst s25  }
0xa7: {  	s6 =	sshll.u32 s26, $0x1;
	_ =	strace $0x80000049;
	[dreg:$0x1] =	wrdreg $0xFFFFFFFF  }
0xa8: {  	s28 =	simm.s32 $_size_execute0_lowered;
	s4 =	sadd.s32 s4, s6;
	[dreg:$0x0] =	wrdreg $0x0  }
0xa9: {  	s6 =	sshll.u32 s28, $0x1;
	[dreg:$0x2] =	wrdreg s4  }
0xaa: {  	[dreg:$0x3] =	wrdreg s6  }
0xab: {  	[dreg:$0x4] =	wrdreg $0xC0  }
0xac: {  	_ =	task [dreg:s8], $0x5FFFF  }
0xad: {  	[dreg:$0x1] =	wrdreg $0xFFFFFFFF  }
0xae: {  	[dreg:$0x0] =	wrdreg $0x60  }
0xaf: {  	[dreg:$0x2] =	wrdreg s24  }
0xb0: {  	[dreg:$0x3] =	wrdreg s2  }
0xb1: {  	[dreg:$0x4] =	wrdreg s18  }
0xb2: {  	[dreg:$0x5] =	wrdreg $0xC1800  }
0xb3: {  	[dreg:$0x6] =	wrdreg $0x9  }
0xb4: {  	_ =	task.clear_ibuf [dreg:s8], $0x7FFFF;
	_ =	strace $0x90000049  }
0xb5: {  	s29 =	simm.s32 $0x9;
	_ =	strace $0x8000004B  }
0xb6: {  	_ =	swait.ge [sflag:s29], $0x1  }
0xb7: {  	[sflag:s29] =	ssyncadd.s32 $0xFFFFFFFF  }
0xb8: {  	_ =	strace $0x9000004B  }
0xb9: {  	_ =	sfence  }
0xba: {  	s30 =	sld [smem:$0x0];
	_ =	sdelay $0x2  }
0xbb: {  	s31 =	sshll.u32 s1, $0xD;
	s1 =	sshrl.u32 s1, $0x2  }
0xbc: {  	s3 =	sand.u32 $0x4000, s31;
	s1 =	sadd.s32 s1, s30  }
0xbd: {  	s0 =	sor.u32 s3, s0;
	s1 =	sshll.u32 s1, $0x11  }
0xbe: {  	s0 =	sor.u32 s1, s0  }
0xbf: {  	s0 =	sadd.s32 $0x8F2B, s0  }
0xc0: {  	[sflag:s0] =	ssyncadd.remote.s32 $0x1  }
0xc1: {  	_ =	sfence.sel $0xFFFF  }
0xc2: {  	[dreg:$0x0] =	wrdreg $0xFFFFFFFF;
	(pc) =	sbr.abs _section_cstart, $3  }
0xc3: {  	[dreg:$0x1] =	wrdreg $0xFFFFFFFF  }
0xc4: {  	_ =	task.clear_ibuf [dreg:s8], $0x2FFFF;
	_ =	strace $0x9FFFFFFF  }
0xc5: {  	(tm) =	ssettm $0x7FFFFFFF  }
tec
execute0_lowered:
.L_overlay_start_1:
0x0: {  	(tag) =	ssettag $0x1  }
0x1: {  	s5 =	rddreg [dreg:$0x0]  }
0x2: {  	s4 =	rddreg [dreg:$0x1]  }
0x3: {  	s16 =	rddreg [dreg:$0x2]  }
0x4: {  	s2 =	rddreg [dreg:$0x3]  }
0x5: {  	s23 =	stileid.u32;
	s22 =	rddreg [dreg:$0x4];
	s3 =	simm.s32 $0x0  }
0x6: {  	s6 =	srdreg.scid;
	p2 =	por $0x0, $0x0;
	s0 =	smul.u32 $0x4F000, s23  }
0x7: {  	[smem:$0x7FF] =	sst s3;
	s7 =	sand.u32 $0x1, s6;
	s13 =	sadd.s32 $0x128400, s2  }
0x8: {  	s12 =	sshll.u32 s23, $0x1;
	s6 =	sadd.s32 $0x3D4200, s5;
	s5 =	sadd.s32 $0x3800, s5  }
0x9: {  	_ =	strace $0x8000004A;
	[dreg:$0x6] =	wrdreg s13;
	s0 =	sshrl.u32 s0, $0x2  }
0xa: {  	s31 =	rddreg [dreg:$0x6];
	s8 =	sadd.s32 s0, s2;
	s0 =	sor.u32 s7, s12  }
0xb: {  	p0 =	seq.s32 s23, $0xF;
	[dreg:$0x5] =	wrdreg s8;
	s14 =	sshll.u32 s0, $0x4  }
0xc: {  	s10 =	sshll.u32 s0, $0xB;
	s8 =	sshll.u32 s0, $0x7;
	p1 =	sgt.u32 s0, $0x10  }
0xd: {  	s9 =	sadd.s32 s4, s14;
	s15 =	sadd.s32 s6, s10;
	s17 =	sor.u32 $0x1000, s8  }
0xe: {  	s11 =	sor.u32 $0x2000, s8;
	s26 =	sor.u32 $0x3000, s8;
	[dreg:$0x7] =	wrdreg s9  }
0xf: {  	s29 =	sor.u32 $0x4000, s8;
	[dreg:$0x8] =	wrdreg s15;
	s18 =	sshrl.u32 s17, $0x3  }
0x10: {  	s10 =	sshll.u32 s17, $0x4;
	s20 =	sshrl.u32 s11, $0x3;
	s24 =	sshll.u32 s11, $0x4  }
0x11: {  	s28 =	sshrl.u32 s26, $0x3;
	s1 =	sshrl.u32 s29, $0x3;
	s13 =	sshll.u32 s29, $0x4  }
0x12: {  	s15 =	sor.u32 $0x5000, s8;
	s29 =	sor.u32 $0x8000, s8;
	s11 =	simm.s32 $0x4180  }
0x13: {  	s9 =	sadd.s32 s4, s18;
	s19 =	sadd.s32 s6, s10;
	s21 =	sadd.s32 s4, s20  }
0x14: {  	s25 =	sadd.s32 s6, s24;
	s10 =	sshll.u32 s26, $0x4;
	[dreg:$0x9] =	wrdreg s9  }
0x15: {  	s12 =	sadd.s32 s4, s1;
	s14 =	sadd.s32 s6, s13;
	[dreg:$0xa] =	wrdreg s19  }
0x16: {  	s17 =	sshrl.u32 s15, $0x3;
	s18 =	sor.u32 $0x6000, s8;
	[dreg:$0xb] =	wrdreg s21  }
0x17: {  	s26 =	sor.u32 $0x7000, s8;
	s1 =	sshrl.u32 s29, $0x3;
	[dreg:$0xc] =	wrdreg s25  }
0x18: {  	s13 =	sshll.u32 s29, $0x4;
	s29 =	sor.u32 $0xC000, s8;
	[dreg:$0xf] =	wrdreg s12  }
0x19: {  	s9 =	sadd.s32 s4, s28;
	s30 =	sadd.s32 s6, s10;
	[dreg:$0x10] =	wrdreg s14  }
0x1a: {  	s10 =	sshll.u32 s15, $0x4;
	s20 =	sshrl.u32 s18, $0x3;
	s24 =	sshll.u32 s18, $0x4  }
0x1b: {  	s28 =	sshrl.u32 s26, $0x3;
	s12 =	sadd.s32 s4, s1;
	s14 =	sadd.s32 s6, s13  }
0x1c: {  	s15 =	sor.u32 $0x9000, s8;
	s18 =	sor.u32 $0xA000, s8;
	s1 =	sshrl.u32 s29, $0x3  }
0x1d: {  	s13 =	sshll.u32 s29, $0x4;
	s29 =	sor.u32 $0x10000, s8;
	[dreg:$0xd] =	wrdreg s9  }
0x1e: {  	[dreg:$0xe] =	wrdreg s30;
	s9 =	sadd.s32 s4, s17;
	s19 =	sadd.s32 s6, s10  }
0x1f: {  	s21 =	sadd.s32 s4, s20;
	s25 =	sadd.s32 s6, s24;
	[dreg:$0x17] =	wrdreg s12  }
0x20: {  	s10 =	sshll.u32 s26, $0x4;
	[dreg:$0x18] =	wrdreg s14;
	s17 =	sshrl.u32 s15, $0x3  }
0x21: {  	s20 =	sshrl.u32 s18, $0x3;
	s24 =	sshll.u32 s18, $0x4;
	[dreg:$0x11] =	wrdreg s9  }
0x22: {  	s26 =	sor.u32 $0xB000, s8;
	s12 =	sadd.s32 s4, s1;
	[dreg:$0x12] =	wrdreg s19  }
0x23: {  	s14 =	sadd.s32 s6, s13;
	s18 =	sor.u32 $0xE000, s8;
	[dreg:$0x13] =	wrdreg s21  }
0x24: {  	s1 =	sshrl.u32 s29, $0x3;
	[dreg:$0x14] =	wrdreg s25;
	s9 =	sadd.s32 s4, s28  }
0x25: {  	s30 =	sadd.s32 s6, s10;
	s10 =	sshll.u32 s15, $0x4;
	[dreg:$0x1f] =	wrdreg s12  }
0x26: {  	s21 =	sadd.s32 s4, s20;
	s25 =	sadd.s32 s6, s24;
	[smem:$0x7EE] =	sst s14  }
0x27: {  	s28 =	sshrl.u32 s26, $0x3;
	s15 =	sor.u32 $0xD000, s8;
	[dreg:$0x15] =	wrdreg s9  }
0x28: {  	s20 =	sshrl.u32 s18, $0x3;
	s24 =	sshll.u32 s18, $0x4;
	[dreg:$0x16] =	wrdreg s30  }
0x29: {  	s12 =	sshll.u32 s29, $0x4;
	s14 =	sor.u32 $0x11000, s8;
	[dreg:$0x1b] =	wrdreg s21  }
0x2a: {  	s9 =	sadd.s32 s4, s17;
	s19 =	sadd.s32 s6, s10;
	[dreg:$0x1c] =	wrdreg s25  }
0x2b: {  	s10 =	sshll.u32 s26, $0x4;
	s17 =	sshrl.u32 s15, $0x3;
	s21 =	sadd.s32 s4, s20  }
0x2c: {  	s25 =	sadd.s32 s6, s24;
	s26 =	sor.u32 $0xF000, s8;
	[dreg:$0x19] =	wrdreg s9  }
0x2d: {  	s13 =	sadd.s32 s6, s12;
	s12 =	ssub.s32 $0x2, s7;
	[dreg:$0x1a] =	wrdreg s19  }
0x2e: {  	s7 =	smul.u32 $0x138800, s7;
	s9 =	sadd.s32 s4, s28;
	[smem:$0x7F1] =	sst s21  }
0x2f: {  	s30 =	sadd.s32 s6, s10;
	s10 =	sshll.u32 s15, $0x4;
	[smem:$0x7F2] =	sst s25  }
0x30: {  	s28 =	sshrl.u32 s26, $0x3;
	[smem:$0x7F6] =	sst s13;
	s15 =	sshrl.u32 s14, $0x3  }
0x31: {  	s21 =	sshrl.u32 s12, $0x1;
	s13 =	smul.u32 $0x13C00, s23;
	[dreg:$0x1d] =	wrdreg s9  }
0x32: {  	[dreg:$0x1e] =	wrdreg s30;
	s9 =	sadd.s32 s4, s17;
	s19 =	sadd.s32 s6, s10  }
0x33: {  	s10 =	sshll.u32 s26, $0x4;
	s17 =	sor.u32 $0x12000, s8;
	[smem:$0x7EF] =	sst s9  }
0x34: {  	s8 =	sor.u32 $0x13000, s8;
	[smem:$0x7F0] =	sst s19;
	s9 =	sadd.s32 s4, s28  }
0x35: {  	s30 =	sadd.s32 s6, s10;
	s10 =	sadd.s32 s4, s1;
	s19 =	sshrl.u32 s17, $0x3  }
0x36: {  	s24 =	sshll.u32 s17, $0x4;
	s25 =	sshrl.u32 s8, $0x3;
	s26 =	sshll.u32 s8, $0x4  }
0x37: {  	s28 =	sadd.s32 s13, s7;
	s7 =	sshrl.u32 s7, $0x3;
	[smem:$0x7F3] =	sst s9  }
0x38: {  	s8 =	simm.s32 $0x100;
	s13 =	simm.s32 $0x2;
	[smem:$0x7F4] =	sst s30  }
0x39: {  	s17 =	sshll.u32 @!p0 s23, $0x6;
	[smem:$0x7F5] =	sst s10;
	s9 =	sadd.s32 s4, s15  }
0x3a: {  	s10 =	sshll.u32 s14, $0x4;
	s20 =	sadd.s32 s4, s19;
	s4 =	sadd.s32 s4, s25  }
0x3b: {  	s29 =	sshrl.u32 s28, $0x3;
	s18 =	sadd.s32 s6, s10;
	s10 =	ssub.s32 s12, s21  }
0x3c: {  	s14 =	simm.s32 $0x4;
	[smem:$0x7F7] =	sst s9;
	s10 =	smax.u32 s10, $0x1  }
0x3d: {  	s15 =	simm.s32 $0x6;
	[smem:$0x7F9] =	sst s20;
	s0 =	sadd.s32 $0xFFFFFFFF, s10  }
0x3e: {  	s9 =	sadd.s32 s6, s24;
	[smem:$0x7FB] =	sst s4;
	p3 =	sne.s32 s0, $0x0  }
.Ltmp0:
0x3f: {  	s4 =	sadd.s32 s6, s26;
	[smem:$0x7F8] =	sst s18;
	(pc) =	sbr.rel @!p3 .LBB2_1-.Ltmp0, $4  }
0x40: {  	s30 =	sadd.s32 s5, s29;
	s5 =	sadd.s32 s5, s7;
	[smem:$0x7FA] =	sst s9  }
0x41: {  	s6 =	simm.s32 $0x80;
	s7 =	simm.s32 $0x1;
	[smem:$0x7FC] =	sst s4  }
0x42: {  	s12 =	simm.s32 $0x5;
	[smem:$0x7FD] =	sst s30;
	s4 =	sadd.s32 $0x25080, s5  }
0x43: {  	s5 =	simm.s32 $0x180;
	s9 =	simm.s32 $0x8180;
	s10 =	simm.s32 $0x3  }
0x44: {  	s30 =	sshrl.u32 @p0 s31, $0x3;
	s18 =	simm.s32 @p0 $0x1FC7;
	s19 =	simm.s32 @p0 $0x7  }
0x45: {  	[spmem:s30], [sflag:s18] =	dma.local @p0 [hbm:s16], $0x2080  }
0x46: {  	_ =	swait.ge @p0 [sflag:s19], $0x2080  }
0x47: {  	s20 =	rddreg [dreg:$0x5]  }
0x48: {  	s21 =	sor.u32 @!p0 $0x1C07, s17;
	[sflag:s19] =	ssyncset.done @p0 $0x0;
	[smem:$0x7ED] =	sst s17  }
0x49: {  	[sflag:s19] =	ssyncadd.s32 @p0 $0xFFFFDF80;
	s31 =	sshrl.u32 @!p0 s20, $0x3;
	s20 =	simm.s32 @!p0 $0x7  }
0x4a: {  	[spmem:s31], [sflag:s21] =	dma.local @!p0 [hbm:s16], $0x2780  }
0x4b: {  	_ =	swait.ge @!p0 [sflag:s20], $0x2780  }
0x4c: {  	[sflag:s20] =	ssyncset.done @!p0 $0x0  }
0x4d: {  	[sflag:s20] =	ssyncadd.s32 @!p0 $0xFFFFD880  }
0x4e: {  	[bflag:$0x0] =	sbarrier.arrive $0xFFFF  }
0x4f: {  	s22 =	rddreg [dreg:$0x7]  }
0x50: {  	[tilespmem:s3], [sflag:$0x1] =	stream.linear.gather [hbm4b:s22+s3], $0x80, $0x38;
	[tilespmem:$0x1FA00] =	vst v63  }
0x51: {  	s23 =	rddreg [dreg:$0x8]  }
0x52: {  	[tilespmem:s5], [sflag:$0x1] =	stream.linear.gather [hbm4b:s23+s3], $0x4000, $0x38;
	[tilespmem:$0x1FA00] =	vst v63  }
0x53: {  	s26 =	rddreg [dreg:$0x9]  }
0x54: {  	[tilespmem:s6], [sflag:$0x2] =	stream.linear.gather [hbm4b:s26+s3], $0x80, $0x38;
	[tilespmem:$0x1FA00] =	vst v63  }
0x55: {  	s1 =	rddreg [dreg:$0xa]  }
0x56: {  	[tilespmem:s11], [sflag:$0x2] =	stream.linear.gather [hbm4b:s1+s3], $0x4000, $0x38;
	[tilespmem:$0x1FA00] =	vst v63  }
0x57: {  	s17 =	rddreg [dreg:$0xb]  }
0x58: {  	[tilespmem:s8], [sflag:$0x3] =	stream.linear.gather [hbm4b:s17+s3], $0x80, $0x38;
	[tilespmem:$0x1FA00] =	vst v63  }
0x59: {  	s24 =	rddreg [dreg:$0xc]  }
0x5a: {  	[tilespmem:s9], [sflag:$0x3] =	stream.linear.gather [hbm4b:s24+s3], $0x4000, $0x38;
	[tilespmem:$0x1FA00] =	vst v63  }
0x5b: {  	_ =	swait.ge [sflag:s7], $0x80  }
0x5c: {  	[sflag:s7] =	ssyncset.done $0x0  }
0x5d: {  	[sflag:s7] =	ssyncadd.s32 $0xFFFFFF80  }
0x5e: {  	_ =	swait.ge [sflag:s7], $0x4000  }
0x5f: {  	[sflag:s7] =	ssyncset.done $0x0  }
0x60: {  	[sflag:s7] =	ssyncadd.s32 $0xFFFFC000  }
0x61: {  	[spmem:s2] =	stream.indirect.scatter.add.f32 [tilespmem:s5], [sflag:$0x4], $0x80, s3, s6, $0xb8;
	[tilespmem:$0x1FA00] =	vst v63  }
0x62: {  	_ =	swait.ge [sflag:s14], $0x4000  }
0x63: {  	[sflag:s14] =	ssyncset.done $0x0  }
0x64: {  	s25 =	rddreg [dreg:$0xd];
	[sflag:s14] =	ssyncadd.s32 $0xFFFFC000  }
0x65: {  	[tilespmem:s3], [sflag:$0x1] =	stream.linear.gather [hbm4b:s25+s3], $0x80, $0x38;
	[tilespmem:$0x1FA00] =	vst v63  }
0x66: {  	s26 =	rddreg [dreg:$0xe]  }
0x67: {  	[tilespmem:s5], [sflag:$0x1] =	stream.linear.gather [hbm4b:s26+s3], $0x4000, $0x38;
	[tilespmem:$0x1FA00] =	vst v63  }
0x68: {  	_ =	swait.ge [sflag:s13], $0x80  }
0x69: {  	[sflag:s13] =	ssyncset.done $0x0  }
0x6a: {  	[sflag:s13] =	ssyncadd.s32 $0xFFFFFF80  }
0x6b: {  	_ =	swait.ge [sflag:s13], $0x4000  }
0x6c: {  	[sflag:s13] =	ssyncset.done $0x0  }
0x6d: {  	[sflag:s13] =	ssyncadd.s32 $0xFFFFC000  }
0x6e: {  	[spmem:s2] =	stream.indirect.scatter.add.f32 [tilespmem:s11], [sflag:$0x5], $0x80, s6, s6, $0xb8;
	[tilespmem:$0x1FA00] =	vst v63  }
0x6f: {  	_ =	swait.ge [sflag:s12], $0x4000  }
0x70: {  	[sflag:s12] =	ssyncset.done $0x0  }
0x71: {  	s1 =	rddreg [dreg:$0xf];
	[sflag:s12] =	ssyncadd.s32 $0xFFFFC000  }
0x72: {  	[tilespmem:s6], [sflag:$0x2] =	stream.linear.gather [hbm4b:s1+s3], $0x80, $0x38;
	[tilespmem:$0x1FA00] =	vst v63  }
0x73: {  	s17 =	rddreg [dreg:$0x10]  }
0x74: {  	[tilespmem:s11], [sflag:$0x2] =	stream.linear.gather [hbm4b:s17+s3], $0x4000, $0x38;
	[tilespmem:$0x1FA00] =	vst v63  }
0x75: {  	_ =	swait.ge [sflag:s10], $0x80  }
0x76: {  	[sflag:s10] =	ssyncset.done $0x0  }
0x77: {  	[sflag:s10] =	ssyncadd.s32 $0xFFFFFF80  }
0x78: {  	_ =	swait.ge [sflag:s10], $0x4000  }
0x79: {  	[sflag:s10] =	ssyncset.done $0x0  }
0x7a: {  	[sflag:s10] =	ssyncadd.s32 $0xFFFFC000  }
0x7b: {  	[spmem:s2] =	stream.indirect.scatter.add.f32 [tilespmem:s9], [sflag:$0x6], $0x80, s8, s6, $0xb8;
	[tilespmem:$0x1FA00] =	vst v63  }
0x7c: {  	_ =	swait.ge [sflag:s15], $0x4000  }
0x7d: {  	[sflag:s15] =	ssyncset.done $0x0  }
0x7e: {  	s23 =	rddreg [dreg:$0x11];
	[sflag:s15] =	ssyncadd.s32 $0xFFFFC000  }
0x7f: {  	[tilespmem:s8], [sflag:$0x3] =	stream.linear.gather [hbm4b:s23+s3], $0x80, $0x38;
	[tilespmem:$0x1FA00] =	vst v63  }
0x80: {  	s24 =	rddreg [dreg:$0x12]  }
0x81: {  	[tilespmem:s9], [sflag:$0x3] =	stream.linear.gather [hbm4b:s24+s3], $0x4000, $0x38;
	[tilespmem:$0x1FA00] =	vst v63  }
0x82: {  	_ =	swait.ge [sflag:s7], $0x80  }
0x83: {  	[sflag:s7] =	ssyncset.done $0x0  }
0x84: {  	[sflag:s7] =	ssyncadd.s32 $0xFFFFFF80  }
0x85: {  	_ =	swait.ge [sflag:s7], $0x4000  }
0x86: {  	[sflag:s7] =	ssyncset.done $0x0  }
0x87: {  	[sflag:s7] =	ssyncadd.s32 $0xFFFFC000  }
0x88: {  	[spmem:s2] =	stream.indirect.scatter.add.f32 [tilespmem:s5], [sflag:$0x4], $0x80, s3, s6, $0xb8;
	[tilespmem:$0x1FA00] =	vst v63  }
0x89: {  	_ =	swait.ge [sflag:s14], $0x4000  }
0x8a: {  	[sflag:s14] =	ssyncset.done $0x0  }
0x8b: {  	s25 =	rddreg [dreg:$0x13];
	[sflag:s14] =	ssyncadd.s32 $0xFFFFC000  }
0x8c: {  	[tilespmem:s3], [sflag:$0x1] =	stream.linear.gather [hbm4b:s25+s3], $0x80, $0x38;
	[tilespmem:$0x1FA00] =	vst v63  }
0x8d: {  	s26 =	rddreg [dreg:$0x14]  }
0x8e: {  	[tilespmem:s5], [sflag:$0x1] =	stream.linear.gather [hbm4b:s26+s3], $0x4000, $0x38;
	[tilespmem:$0x1FA00] =	vst v63  }
0x8f: {  	_ =	swait.ge [sflag:s13], $0x80  }
0x90: {  	[sflag:s13] =	ssyncset.done $0x0  }
0x91: {  	[sflag:s13] =	ssyncadd.s32 $0xFFFFFF80  }
0x92: {  	_ =	swait.ge [sflag:s13], $0x4000  }
0x93: {  	[sflag:s13] =	ssyncset.done $0x0  }
0x94: {  	[sflag:s13] =	ssyncadd.s32 $0xFFFFC000  }
0x95: {  	[spmem:s2] =	stream.indirect.scatter.add.f32 [tilespmem:s11], [sflag:$0x5], $0x80, s6, s6, $0xb8;
	[tilespmem:$0x1FA00] =	vst v63  }
0x96: {  	_ =	swait.ge [sflag:s12], $0x4000  }
0x97: {  	[sflag:s12] =	ssyncset.done $0x0  }
0x98: {  	s1 =	rddreg [dreg:$0x15];
	[sflag:s12] =	ssyncadd.s32 $0xFFFFC000  }
0x99: {  	[tilespmem:s6], [sflag:$0x2] =	stream.linear.gather [hbm4b:s1+s3], $0x80, $0x38;
	[tilespmem:$0x1FA00] =	vst v63  }
0x9a: {  	s17 =	rddreg [dreg:$0x16]  }
0x9b: {  	[tilespmem:s11], [sflag:$0x2] =	stream.linear.gather [hbm4b:s17+s3], $0x4000, $0x38;
	[tilespmem:$0x1FA00] =	vst v63  }
0x9c: {  	_ =	swait.ge [sflag:s10], $0x80  }
0x9d: {  	[sflag:s10] =	ssyncset.done $0x0  }
0x9e: {  	[sflag:s10] =	ssyncadd.s32 $0xFFFFFF80  }
0x9f: {  	_ =	swait.ge [sflag:s10], $0x4000  }
0xa0: {  	[sflag:s10] =	ssyncset.done $0x0  }
0xa1: {  	[sflag:s10] =	ssyncadd.s32 $0xFFFFC000  }
0xa2: {  	[spmem:s2] =	stream.indirect.scatter.add.f32 [tilespmem:s9], [sflag:$0x6], $0x80, s8, s6, $0xb8;
	[tilespmem:$0x1FA00] =	vst v63  }
0xa3: {  	_ =	swait.ge [sflag:s15], $0x4000  }
0xa4: {  	[sflag:s15] =	ssyncset.done $0x0  }
0xa5: {  	s23 =	rddreg [dreg:$0x17];
	[sflag:s15] =	ssyncadd.s32 $0xFFFFC000  }
0xa6: {  	[tilespmem:s8], [sflag:$0x3] =	stream.linear.gather [hbm4b:s23+s3], $0x80, $0x38;
	[tilespmem:$0x1FA00] =	vst v63  }
0xa7: {  	s24 =	rddreg [dreg:$0x18]  }
0xa8: {  	[tilespmem:s9], [sflag:$0x3] =	stream.linear.gather [hbm4b:s24+s3], $0x4000, $0x38;
	[tilespmem:$0x1FA00] =	vst v63  }
0xa9: {  	_ =	swait.ge [sflag:s7], $0x80  }
0xaa: {  	[sflag:s7] =	ssyncset.done $0x0  }
0xab: {  	[sflag:s7] =	ssyncadd.s32 $0xFFFFFF80  }
0xac: {  	_ =	swait.ge [sflag:s7], $0x4000  }
0xad: {  	[sflag:s7] =	ssyncset.done $0x0  }
0xae: {  	[sflag:s7] =	ssyncadd.s32 $0xFFFFC000  }
0xaf: {  	[spmem:s2] =	stream.indirect.scatter.add.f32 [tilespmem:s5], [sflag:$0x4], $0x80, s3, s6, $0xb8;
	[tilespmem:$0x1FA00] =	vst v63  }
0xb0: {  	_ =	swait.ge [sflag:s14], $0x4000  }
0xb1: {  	[sflag:s14] =	ssyncset.done $0x0  }
0xb2: {  	s25 =	rddreg [dreg:$0x19];
	[sflag:s14] =	ssyncadd.s32 $0xFFFFC000  }
0xb3: {  	[tilespmem:s3], [sflag:$0x1] =	stream.linear.gather [hbm4b:s25+s3], $0x80, $0x38;
	[tilespmem:$0x1FA00] =	vst v63  }
0xb4: {  	s26 =	rddreg [dreg:$0x1a]  }
0xb5: {  	[tilespmem:s5], [sflag:$0x1] =	stream.linear.gather [hbm4b:s26+s3], $0x4000, $0x38;
	[tilespmem:$0x1FA00] =	vst v63  }
0xb6: {  	_ =	swait.ge [sflag:s13], $0x80  }
0xb7: {  	[sflag:s13] =	ssyncset.done $0x0  }
0xb8: {  	[sflag:s13] =	ssyncadd.s32 $0xFFFFFF80  }
0xb9: {  	_ =	swait.ge [sflag:s13], $0x4000  }
0xba: {  	[sflag:s13] =	ssyncset.done $0x0  }
0xbb: {  	[sflag:s13] =	ssyncadd.s32 $0xFFFFC000  }
0xbc: {  	[spmem:s2] =	stream.indirect.scatter.add.f32 [tilespmem:s11], [sflag:$0x5], $0x80, s6, s6, $0xb8;
	[tilespmem:$0x1FA00] =	vst v63  }
0xbd: {  	_ =	swait.ge [sflag:s12], $0x4000  }
0xbe: {  	[sflag:s12] =	ssyncset.done $0x0  }
0xbf: {  	s1 =	rddreg [dreg:$0x1b];
	[sflag:s12] =	ssyncadd.s32 $0xFFFFC000  }
0xc0: {  	[tilespmem:s6], [sflag:$0x2] =	stream.linear.gather [hbm4b:s1+s3], $0x80, $0x38;
	[tilespmem:$0x1FA00] =	vst v63  }
0xc1: {  	s17 =	rddreg [dreg:$0x1c]  }
0xc2: {  	[tilespmem:s11], [sflag:$0x2] =	stream.linear.gather [hbm4b:s17+s3], $0x4000, $0x38;
	[tilespmem:$0x1FA00] =	vst v63  }
0xc3: {  	_ =	swait.ge [sflag:s10], $0x80  }
0xc4: {  	[sflag:s10] =	ssyncset.done $0x0  }
0xc5: {  	[sflag:s10] =	ssyncadd.s32 $0xFFFFFF80  }
0xc6: {  	_ =	swait.ge [sflag:s10], $0x4000  }
0xc7: {  	[sflag:s10] =	ssyncset.done $0x0  }
0xc8: {  	[sflag:s10] =	ssyncadd.s32 $0xFFFFC000  }
0xc9: {  	[spmem:s2] =	stream.indirect.scatter.add.f32 [tilespmem:s9], [sflag:$0x6], $0x80, s8, s6, $0xb8;
	[tilespmem:$0x1FA00] =	vst v63  }
0xca: {  	_ =	swait.ge [sflag:s15], $0x4000  }
0xcb: {  	[sflag:s15] =	ssyncset.done $0x0  }
0xcc: {  	s23 =	rddreg [dreg:$0x1d];
	[sflag:s15] =	ssyncadd.s32 $0xFFFFC000  }
0xcd: {  	[tilespmem:s8], [sflag:$0x3] =	stream.linear.gather [hbm4b:s23+s3], $0x80, $0x38;
	[tilespmem:$0x1FA00] =	vst v63  }
0xce: {  	s24 =	rddreg [dreg:$0x1e]  }
0xcf: {  	[tilespmem:s9], [sflag:$0x3] =	stream.linear.gather [hbm4b:s24+s3], $0x4000, $0x38;
	[tilespmem:$0x1FA00] =	vst v63  }
0xd0: {  	_ =	swait.ge [sflag:s7], $0x80  }
0xd1: {  	[sflag:s7] =	ssyncset.done $0x0  }
0xd2: {  	[sflag:s7] =	ssyncadd.s32 $0xFFFFFF80  }
0xd3: {  	_ =	swait.ge [sflag:s7], $0x4000  }
0xd4: {  	[sflag:s7] =	ssyncset.done $0x0  }
0xd5: {  	[sflag:s7] =	ssyncadd.s32 $0xFFFFC000  }
0xd6: {  	[spmem:s2] =	stream.indirect.scatter.add.f32 [tilespmem:s5], [sflag:$0x4], $0x80, s3, s6, $0xb8;
	[tilespmem:$0x1FA00] =	vst v63  }
0xd7: {  	_ =	swait.ge [sflag:s14], $0x4000  }
0xd8: {  	s25 =	rddreg [dreg:$0x1f];
	[sflag:s14] =	ssyncset.done $0x0  }
0xd9: {  	s26 =	sld [smem:$0x7EE];
	[sflag:s14] =	ssyncadd.s32 $0xFFFFC000  }
0xda: {  	[tilespmem:s3], [sflag:$0x1] =	stream.linear.gather [hbm4b:s25+s3], $0x80, $0x38;
	[tilespmem:$0x1FA00] =	vst v63  }
0xdb: {  	_ = 	snop  }
0xdc: {  	[tilespmem:s5], [sflag:$0x1] =	stream.linear.gather [hbm4b:s26+s3], $0x4000, $0x38;
	[tilespmem:$0x1FA00] =	vst v63  }
0xdd: {  	_ =	swait.ge [sflag:s13], $0x80  }
0xde: {  	[sflag:s13] =	ssyncset.done $0x0  }
0xdf: {  	[sflag:s13] =	ssyncadd.s32 $0xFFFFFF80  }
0xe0: {  	_ =	swait.ge [sflag:s13], $0x4000  }
0xe1: {  	[sflag:s13] =	ssyncset.done $0x0  }
0xe2: {  	[sflag:s13] =	ssyncadd.s32 $0xFFFFC000  }
0xe3: {  	[spmem:s2] =	stream.indirect.scatter.add.f32 [tilespmem:s11], [sflag:$0x5], $0x80, s6, s6, $0xb8;
	[tilespmem:$0x1FA00] =	vst v63  }
0xe4: {  	_ =	swait.ge [sflag:s12], $0x4000  }
0xe5: {  	s1 =	sld [smem:$0x7EF]  }
0xe6: {  	[sflag:s12] =	ssyncset.done $0x0  }
0xe7: {  	s17 =	sld [smem:$0x7F0];
	[sflag:s12] =	ssyncadd.s32 $0xFFFFC000  }
0xe8: {  	[tilespmem:s6], [sflag:$0x2] =	stream.linear.gather [hbm4b:s1+s3], $0x80, $0x38;
	[tilespmem:$0x1FA00] =	vst v63  }
0xe9: {  	_ = 	snop  }
0xea: {  	[tilespmem:s11], [sflag:$0x2] =	stream.linear.gather [hbm4b:s17+s3], $0x4000, $0x38;
	[tilespmem:$0x1FA00] =	vst v63  }
0xeb: {  	_ =	swait.ge [sflag:s10], $0x80  }
0xec: {  	[sflag:s10] =	ssyncset.done $0x0  }
0xed: {  	[sflag:s10] =	ssyncadd.s32 $0xFFFFFF80  }
0xee: {  	_ =	swait.ge [sflag:s10], $0x4000  }
0xef: {  	[sflag:s10] =	ssyncset.done $0x0  }
0xf0: {  	[sflag:s10] =	ssyncadd.s32 $0xFFFFC000  }
0xf1: {  	[spmem:s2] =	stream.indirect.scatter.add.f32 [tilespmem:s9], [sflag:$0x6], $0x80, s8, s6, $0xb8;
	[tilespmem:$0x1FA00] =	vst v63  }
0xf2: {  	_ =	swait.ge [sflag:s15], $0x4000  }
0xf3: {  	s23 =	sld [smem:$0x7F1]  }
0xf4: {  	[sflag:s15] =	ssyncset.done $0x0  }
0xf5: {  	s24 =	sld [smem:$0x7F2];
	[sflag:s15] =	ssyncadd.s32 $0xFFFFC000  }
0xf6: {  	[tilespmem:s8], [sflag:$0x3] =	stream.linear.gather [hbm4b:s23+s3], $0x80, $0x38;
	[tilespmem:$0x1FA00] =	vst v63  }
0xf7: {  	_ = 	snop  }
0xf8: {  	[tilespmem:s9], [sflag:$0x3] =	stream.linear.gather [hbm4b:s24+s3], $0x4000, $0x38;
	[tilespmem:$0x1FA00] =	vst v63  }
0xf9: {  	_ =	swait.ge [sflag:s7], $0x80  }
0xfa: {  	[sflag:s7] =	ssyncset.done $0x0  }
0xfb: {  	[sflag:s7] =	ssyncadd.s32 $0xFFFFFF80  }
0xfc: {  	_ =	swait.ge [sflag:s7], $0x4000  }
0xfd: {  	[sflag:s7] =	ssyncset.done $0x0  }
0xfe: {  	[sflag:s7] =	ssyncadd.s32 $0xFFFFC000  }
0xff: {  	[spmem:s2] =	stream.indirect.scatter.add.f32 [tilespmem:s5], [sflag:$0x4], $0x80, s3, s6, $0xb8;
	[tilespmem:$0x1FA00] =	vst v63  }
0x100: {  	_ =	swait.ge [sflag:s14], $0x4000  }
0x101: {  	s25 =	sld [smem:$0x7F3]  }
0x102: {  	[sflag:s14] =	ssyncset.done $0x0  }
0x103: {  	s26 =	sld [smem:$0x7F4];
	[sflag:s14] =	ssyncadd.s32 $0xFFFFC000  }
0x104: {  	[tilespmem:s3], [sflag:$0x1] =	stream.linear.gather [hbm4b:s25+s3], $0x80, $0x38;
	[tilespmem:$0x1FA00] =	vst v63  }
0x105: {  	_ = 	snop  }
0x106: {  	[tilespmem:s5], [sflag:$0x1] =	stream.linear.gather [hbm4b:s26+s3], $0x4000, $0x38;
	[tilespmem:$0x1FA00] =	vst v63  }
0x107: {  	_ =	swait.ge [sflag:s13], $0x80  }
0x108: {  	[sflag:s13] =	ssyncset.done $0x0  }
0x109: {  	[sflag:s13] =	ssyncadd.s32 $0xFFFFFF80  }
0x10a: {  	_ =	swait.ge [sflag:s13], $0x4000  }
0x10b: {  	[sflag:s13] =	ssyncset.done $0x0  }
0x10c: {  	[sflag:s13] =	ssyncadd.s32 $0xFFFFC000  }
0x10d: {  	[spmem:s2] =	stream.indirect.scatter.add.f32 [tilespmem:s11], [sflag:$0x5], $0x80, s6, s6, $0xb8;
	[tilespmem:$0x1FA00] =	vst v63  }
0x10e: {  	_ =	swait.ge [sflag:s12], $0x4000  }
0x10f: {  	s1 =	sld [smem:$0x7F5]  }
0x110: {  	[sflag:s12] =	ssyncset.done $0x0  }
0x111: {  	s17 =	sld [smem:$0x7F6];
	[sflag:s12] =	ssyncadd.s32 $0xFFFFC000  }
0x112: {  	[tilespmem:s6], [sflag:$0x2] =	stream.linear.gather [hbm4b:s1+s3], $0x80, $0x38;
	[tilespmem:$0x1FA00] =	vst v63  }
0x113: {  	_ = 	snop  }
0x114: {  	[tilespmem:s11], [sflag:$0x2] =	stream.linear.gather [hbm4b:s17+s3], $0x4000, $0x38;
	[tilespmem:$0x1FA00] =	vst v63  }
0x115: {  	_ =	swait.ge [sflag:s10], $0x80  }
0x116: {  	[sflag:s10] =	ssyncset.done $0x0  }
0x117: {  	[sflag:s10] =	ssyncadd.s32 $0xFFFFFF80  }
0x118: {  	_ =	swait.ge [sflag:s10], $0x4000  }
0x119: {  	[sflag:s10] =	ssyncset.done $0x0  }
0x11a: {  	[sflag:s10] =	ssyncadd.s32 $0xFFFFC000  }
0x11b: {  	[spmem:s2] =	stream.indirect.scatter.add.f32 [tilespmem:s9], [sflag:$0x6], $0x80, s8, s6, $0xb8;
	[tilespmem:$0x1FA00] =	vst v63  }
0x11c: {  	_ =	swait.ge [sflag:s15], $0x4000  }
0x11d: {  	s23 =	sld [smem:$0x7F7]  }
0x11e: {  	[sflag:s15] =	ssyncset.done $0x0  }
0x11f: {  	s24 =	sld [smem:$0x7F8];
	[sflag:s15] =	ssyncadd.s32 $0xFFFFC000  }
0x120: {  	[tilespmem:s8], [sflag:$0x3] =	stream.linear.gather [hbm4b:s23+s3], $0x80, $0x38;
	[tilespmem:$0x1FA00] =	vst v63  }
0x121: {  	_ = 	snop  }
0x122: {  	[tilespmem:s9], [sflag:$0x3] =	stream.linear.gather [hbm4b:s24+s3], $0x4000, $0x38;
	[tilespmem:$0x1FA00] =	vst v63  }
0x123: {  	_ =	swait.ge [sflag:s7], $0x80  }
0x124: {  	[sflag:s7] =	ssyncset.done $0x0  }
0x125: {  	[sflag:s7] =	ssyncadd.s32 $0xFFFFFF80  }
0x126: {  	_ =	swait.ge [sflag:s7], $0x4000  }
0x127: {  	[sflag:s7] =	ssyncset.done $0x0  }
0x128: {  	[sflag:s7] =	ssyncadd.s32 $0xFFFFC000  }
0x129: {  	[spmem:s2] =	stream.indirect.scatter.add.f32 [tilespmem:s5], [sflag:$0x4], $0x80, s3, s6, $0xb8;
	[tilespmem:$0x1FA00] =	vst v63  }
0x12a: {  	_ =	swait.ge [sflag:s14], $0x4000  }
0x12b: {  	s25 =	sld [smem:$0x7F9]  }
0x12c: {  	[sflag:s14] =	ssyncset.done $0x0  }
0x12d: {  	s26 =	sld [smem:$0x7FA];
	[sflag:s14] =	ssyncadd.s32 $0xFFFFC000  }
0x12e: {  	[tilespmem:s3], [sflag:$0x1] =	stream.linear.gather [hbm4b:s25+s3], $0x80, $0x38;
	[tilespmem:$0x1FA00] =	vst v63  }
0x12f: {  	_ = 	snop  }
0x130: {  	[tilespmem:s5], [sflag:$0x1] =	stream.linear.gather [hbm4b:s26+s3], $0x4000, $0x38;
	[tilespmem:$0x1FA00] =	vst v63  }
0x131: {  	_ =	swait.ge [sflag:s13], $0x80  }
0x132: {  	[sflag:s13] =	ssyncset.done $0x0  }
0x133: {  	[sflag:s13] =	ssyncadd.s32 $0xFFFFFF80  }
0x134: {  	_ =	swait.ge [sflag:s13], $0x4000  }
0x135: {  	[sflag:s13] =	ssyncset.done $0x0  }
0x136: {  	[sflag:s13] =	ssyncadd.s32 $0xFFFFC000  }
0x137: {  	[spmem:s2] =	stream.indirect.scatter.add.f32 [tilespmem:s11], [sflag:$0x5], $0x80, s6, s6, $0xb8;
	[tilespmem:$0x1FA00] =	vst v63  }
0x138: {  	_ =	swait.ge [sflag:s12], $0x4000  }
0x139: {  	s24 =	sld [smem:$0x7FB]  }
0x13a: {  	s22 =	simm.s32 @!p1 $0x80;
	[sflag:s12] =	ssyncset.done $0x0  }
0x13b: {  	s23 =	simm.s32 @!p1 $0x0;
	s25 =	sld [smem:$0x7FC];
	[sflag:s12] =	ssyncadd.s32 $0xFFFFC000  }
0x13c: {  	[tilespmem:s22], [sflag:$0x2] =	stream.linear.gather @!p1 [hbm4b:s24+s23], $0x80, $0x38;
	[tilespmem:$0x1FA00] =	vst v63  }
0x13d: {  	s24 =	simm.s32 @!p1 $0x4180  }
0x13e: {  	[tilespmem:s24], [sflag:$0x2] =	stream.linear.gather @!p1 [hbm4b:s25+s23], $0x4000, $0x38;
	[tilespmem:$0x1FA00] =	vst v63  }
0x13f: {  	_ =	swait.ge [sflag:s10], $0x80  }
0x140: {  	[sflag:s10] =	ssyncset.done $0x0  }
0x141: {  	[sflag:s10] =	ssyncadd.s32 $0xFFFFFF80  }
0x142: {  	_ =	swait.ge [sflag:s10], $0x4000  }
0x143: {  	[sflag:s10] =	ssyncset.done $0x0  }
0x144: {  	[sflag:s10] =	ssyncadd.s32 $0xFFFFC000  }
0x145: {  	[spmem:s2] =	stream.indirect.scatter.add.f32 [tilespmem:s9], [sflag:$0x6], $0x80, s8, s6, $0xb8;
	[tilespmem:$0x1FA00] =	vst v63  }
0x146: {  	_ =	swait.ge [sflag:s7], $0x80  }
0x147: {  	[sflag:s7] =	ssyncset.done $0x0  }
0x148: {  	[sflag:s7] =	ssyncadd.s32 $0xFFFFFF80  }
0x149: {  	_ =	swait.ge [sflag:s7], $0x4000  }
0x14a: {  	[sflag:s7] =	ssyncset.done $0x0  }
0x14b: {  	s25 =	simm.s32 @!p1 $0x2;
	[sflag:s7] =	ssyncadd.s32 $0xFFFFC000  }
0x14c: {  	[spmem:s2] =	stream.indirect.scatter.add.f32 [tilespmem:s5], [sflag:$0x4], $0x80, s3, s6, $0xb8;
	[tilespmem:$0x1FA00] =	vst v63  }
0x14d: {  	_ =	swait.ge @!p1 [sflag:s25], $0x80  }
0x14e: {  	[sflag:s25] =	ssyncset.done @!p1 $0x0  }
0x14f: {  	[sflag:s25] =	ssyncadd.s32 @!p1 $0xFFFFFF80  }
0x150: {  	_ =	swait.ge @!p1 [sflag:s25], $0x4000  }
0x151: {  	[sflag:s25] =	ssyncset.done @!p1 $0x0  }
0x152: {  	s26 =	simm.s32 @!p1 $0x6;
	[sflag:s25] =	ssyncadd.s32 @!p1 $0xFFFFC000  }
0x153: {  	[spmem:s2] =	stream.indirect.scatter.add.f32 @!p1 [tilespmem:s24], [sflag:$0x5], $0x80, s22, s22, $0xb8;
	[tilespmem:$0x1FA00] =	vst v63  }
0x154: {  	_ =	swait.ge @!p1 [sflag:s26], $0x4000  }
0x155: {  	s28 =	simm.s32 @!p1 $0x4;
	[sflag:s26] =	ssyncset.done @!p1 $0x0  }
0x156: {  	s28 =	simm.s32 @p1 $0x6;
	[sflag:s26] =	ssyncadd.s32 @!p1 $0xFFFFC000  }
0x157: {  	_ =	swait.ge [sflag:s28], $0x4000  }
0x158: {  	s29 =	simm.s32 @!p1 $0x5;
	[sflag:s28] =	ssyncset.done $0x0  }
0x159: {  	s29 =	simm.s32 @p1 $0x4;
	[sflag:s28] =	ssyncadd.s32 $0xFFFFC000  }
0x15a: {  	_ =	swait.ge [sflag:s29], $0x4000  }
0x15b: {  	[sflag:s29] =	ssyncset.done $0x0  }
0x15c: {  	[sflag:s29] =	ssyncadd.s32 $0xFFFFC000  }
0x15d: {  	[bflag:$0x0] =	sbarrier.arrive $0xFFFF  }
0x15e: {  	[hbm:s4], [sflag:s18] =	dma.local @p0 [spmem:s30], $0x2080  }
0x15f: {  	_ =	swait.ge @p0 [sflag:s19], $0x2080  }
0x160: {  	s30 =	sld [smem:$0x7FD]  }
0x161: {  	[sflag:s19] =	ssyncset.done @p0 $0x0  }
0x162: {  	[sflag:s19] =	ssyncadd.s32 @p0 $0xFFFFDF80  }
0x163: {  	[hbm:s30], [sflag:s21] =	dma.local @!p0 [spmem:s31], $0x2780  }
0x164: {  	s30 =	sadd.s32 $0xFFFFFFFF, s0  }
0x165: {  	p3 =	sne.s32 s30, $0x0  }
.Ltmp1:
0x166: {  	_ = 	snop;
	(pc) =	sbr.rel @!p3 .LBB2_3-.Ltmp1, $3  }
0x167: {  	_ =	sdelay $0x1  }
0x168: {  	_ =	swait.ge @!p0 [sflag:s20], $0x2780  }
0x169: {  	p2 =	por $0x1, $0x1;
	s31 =	rddreg [dreg:$0x6];
	[sflag:s20] =	ssyncset.done @!p0 $0x0  }
.LBB2_4:
0x16a: {  	[sflag:s20] =	ssyncadd.s32 @!p0 $0xFFFFD880;
	s31 =	sshrl.u32 @p0 s31, $0x3  }
0x16b: {  	[spmem:s31], [sflag:s18] =	dma.local @p0 [hbm:s16], $0x2080  }
0x16c: {  	_ =	swait.ge @p0 [sflag:s19], $0x2080  }
0x16d: {  	[sflag:s19] =	ssyncset.done @p0 $0x0;
	s0 =	rddreg [dreg:$0x5]  }
0x16e: {  	[sflag:s19] =	ssyncadd.s32 @p0 $0xFFFFDF80;
	s0 =	sshrl.u32 @!p0 s0, $0x3  }
0x16f: {  	[spmem:s0], [sflag:s21] =	dma.local @!p0 [hbm:s16], $0x2780  }
0x170: {  	_ =	swait.ge @!p0 [sflag:s20], $0x2780  }
0x171: {  	[sflag:s20] =	ssyncset.done @!p0 $0x0  }
0x172: {  	[sflag:s20] =	ssyncadd.s32 @!p0 $0xFFFFD880  }
0x173: {  	[bflag:$0x0] =	sbarrier.arrive $0xFFFF  }
0x174: {  	s1 =	rddreg [dreg:$0x7]  }
0x175: {  	[tilespmem:s3], [sflag:$0x1] =	stream.linear.gather [hbm4b:s1+s3], $0x80, $0x38;
	[tilespmem:$0x1FA00] =	vst v63  }
0x176: {  	s17 =	rddreg [dreg:$0x8]  }
0x177: {  	[tilespmem:s5], [sflag:$0x1] =	stream.linear.gather [hbm4b:s17+s3], $0x4000, $0x38;
	[tilespmem:$0x1FA00] =	vst v63  }
0x178: {  	s1 =	rddreg [dreg:$0x9]  }
0x179: {  	[tilespmem:s6], [sflag:$0x2] =	stream.linear.gather [hbm4b:s1+s3], $0x80, $0x38;
	[tilespmem:$0x1FA00] =	vst v63  }
0x17a: {  	s17 =	rddreg [dreg:$0xa]  }
0x17b: {  	[tilespmem:s11], [sflag:$0x2] =	stream.linear.gather [hbm4b:s17+s3], $0x4000, $0x38;
	[tilespmem:$0x1FA00] =	vst v63  }
0x17c: {  	s1 =	rddreg [dreg:$0xb]  }
0x17d: {  	[tilespmem:s8], [sflag:$0x3] =	stream.linear.gather [hbm4b:s1+s3], $0x80, $0x38;
	[tilespmem:$0x1FA00] =	vst v63  }
0x17e: {  	s17 =	rddreg [dreg:$0xc]  }
0x17f: {  	[tilespmem:s9], [sflag:$0x3] =	stream.linear.gather [hbm4b:s17+s3], $0x4000, $0x38;
	[tilespmem:$0x1FA00] =	vst v63  }
0x180: {  	_ =	swait.ge [sflag:s7], $0x80  }
0x181: {  	[sflag:s7] =	ssyncset.done $0x0  }
0x182: {  	[sflag:s7] =	ssyncadd.s32 $0xFFFFFF80  }
0x183: {  	_ =	swait.ge [sflag:s7], $0x4000  }
0x184: {  	[sflag:s7] =	ssyncset.done $0x0  }
0x185: {  	[sflag:s7] =	ssyncadd.s32 $0xFFFFC000  }
0x186: {  	[spmem:s2] =	stream.indirect.scatter.add.f32 [tilespmem:s5], [sflag:$0x4], $0x80, s3, s6, $0xb8;
	[tilespmem:$0x1FA00] =	vst v63  }
0x187: {  	_ =	swait.ge [sflag:s14], $0x4000  }
0x188: {  	[sflag:s14] =	ssyncset.done $0x0  }
0x189: {  	s1 =	rddreg [dreg:$0xd];
	[sflag:s14] =	ssyncadd.s32 $0xFFFFC000  }
0x18a: {  	[tilespmem:s3], [sflag:$0x1] =	stream.linear.gather [hbm4b:s1+s3], $0x80, $0x38;
	[tilespmem:$0x1FA00] =	vst v63  }
0x18b: {  	s17 =	rddreg [dreg:$0xe]  }
0x18c: {  	[tilespmem:s5], [sflag:$0x1] =	stream.linear.gather [hbm4b:s17+s3], $0x4000, $0x38;
	[tilespmem:$0x1FA00] =	vst v63  }
0x18d: {  	_ =	swait.ge [sflag:s13], $0x80  }
0x18e: {  	[sflag:s13] =	ssyncset.done $0x0  }
0x18f: {  	[sflag:s13] =	ssyncadd.s32 $0xFFFFFF80  }
0x190: {  	_ =	swait.ge [sflag:s13], $0x4000  }
0x191: {  	[sflag:s13] =	ssyncset.done $0x0  }
0x192: {  	[sflag:s13] =	ssyncadd.s32 $0xFFFFC000  }
0x193: {  	[spmem:s2] =	stream.indirect.scatter.add.f32 [tilespmem:s11], [sflag:$0x5], $0x80, s6, s6, $0xb8;
	[tilespmem:$0x1FA00] =	vst v63  }
0x194: {  	_ =	swait.ge [sflag:s12], $0x4000  }
0x195: {  	[sflag:s12] =	ssyncset.done $0x0  }
0x196: {  	s1 =	rddreg [dreg:$0xf];
	[sflag:s12] =	ssyncadd.s32 $0xFFFFC000  }
0x197: {  	[tilespmem:s6], [sflag:$0x2] =	stream.linear.gather [hbm4b:s1+s3], $0x80, $0x38;
	[tilespmem:$0x1FA00] =	vst v63  }
0x198: {  	s17 =	rddreg [dreg:$0x10]  }
0x199: {  	[tilespmem:s11], [sflag:$0x2] =	stream.linear.gather [hbm4b:s17+s3], $0x4000, $0x38;
	[tilespmem:$0x1FA00] =	vst v63  }
0x19a: {  	_ =	swait.ge [sflag:s10], $0x80  }
0x19b: {  	[sflag:s10] =	ssyncset.done $0x0  }
0x19c: {  	[sflag:s10] =	ssyncadd.s32 $0xFFFFFF80  }
0x19d: {  	_ =	swait.ge [sflag:s10], $0x4000  }
0x19e: {  	[sflag:s10] =	ssyncset.done $0x0  }
0x19f: {  	[sflag:s10] =	ssyncadd.s32 $0xFFFFC000  }
0x1a0: {  	[spmem:s2] =	stream.indirect.scatter.add.f32 [tilespmem:s9], [sflag:$0x6], $0x80, s8, s6, $0xb8;
	[tilespmem:$0x1FA00] =	vst v63  }
0x1a1: {  	_ =	swait.ge [sflag:s15], $0x4000  }
0x1a2: {  	[sflag:s15] =	ssyncset.done $0x0  }
0x1a3: {  	s1 =	rddreg [dreg:$0x11];
	[sflag:s15] =	ssyncadd.s32 $0xFFFFC000  }
0x1a4: {  	[tilespmem:s8], [sflag:$0x3] =	stream.linear.gather [hbm4b:s1+s3], $0x80, $0x38;
	[tilespmem:$0x1FA00] =	vst v63  }
0x1a5: {  	s17 =	rddreg [dreg:$0x12]  }
0x1a6: {  	[tilespmem:s9], [sflag:$0x3] =	stream.linear.gather [hbm4b:s17+s3], $0x4000, $0x38;
	[tilespmem:$0x1FA00] =	vst v63  }
0x1a7: {  	_ =	swait.ge [sflag:s7], $0x80  }
0x1a8: {  	[sflag:s7] =	ssyncset.done $0x0  }
0x1a9: {  	[sflag:s7] =	ssyncadd.s32 $0xFFFFFF80  }
0x1aa: {  	_ =	swait.ge [sflag:s7], $0x4000  }
0x1ab: {  	[sflag:s7] =	ssyncset.done $0x0  }
0x1ac: {  	[sflag:s7] =	ssyncadd.s32 $0xFFFFC000  }
0x1ad: {  	[spmem:s2] =	stream.indirect.scatter.add.f32 [tilespmem:s5], [sflag:$0x4], $0x80, s3, s6, $0xb8;
	[tilespmem:$0x1FA00] =	vst v63  }
0x1ae: {  	_ =	swait.ge [sflag:s14], $0x4000  }
0x1af: {  	[sflag:s14] =	ssyncset.done $0x0  }
0x1b0: {  	s1 =	rddreg [dreg:$0x13];
	[sflag:s14] =	ssyncadd.s32 $0xFFFFC000  }
0x1b1: {  	[tilespmem:s3], [sflag:$0x1] =	stream.linear.gather [hbm4b:s1+s3], $0x80, $0x38;
	[tilespmem:$0x1FA00] =	vst v63  }
0x1b2: {  	s17 =	rddreg [dreg:$0x14]  }
0x1b3: {  	[tilespmem:s5], [sflag:$0x1] =	stream.linear.gather [hbm4b:s17+s3], $0x4000, $0x38;
	[tilespmem:$0x1FA00] =	vst v63  }
0x1b4: {  	_ =	swait.ge [sflag:s13], $0x80  }
0x1b5: {  	[sflag:s13] =	ssyncset.done $0x0  }
0x1b6: {  	[sflag:s13] =	ssyncadd.s32 $0xFFFFFF80  }
0x1b7: {  	_ =	swait.ge [sflag:s13], $0x4000  }
0x1b8: {  	[sflag:s13] =	ssyncset.done $0x0  }
0x1b9: {  	[sflag:s13] =	ssyncadd.s32 $0xFFFFC000  }
0x1ba: {  	[spmem:s2] =	stream.indirect.scatter.add.f32 [tilespmem:s11], [sflag:$0x5], $0x80, s6, s6, $0xb8;
	[tilespmem:$0x1FA00] =	vst v63  }
0x1bb: {  	_ =	swait.ge [sflag:s12], $0x4000  }
0x1bc: {  	[sflag:s12] =	ssyncset.done $0x0  }
0x1bd: {  	s1 =	rddreg [dreg:$0x15];
	[sflag:s12] =	ssyncadd.s32 $0xFFFFC000  }
0x1be: {  	[tilespmem:s6], [sflag:$0x2] =	stream.linear.gather [hbm4b:s1+s3], $0x80, $0x38;
	[tilespmem:$0x1FA00] =	vst v63  }
0x1bf: {  	s17 =	rddreg [dreg:$0x16]  }
0x1c0: {  	[tilespmem:s11], [sflag:$0x2] =	stream.linear.gather [hbm4b:s17+s3], $0x4000, $0x38;
	[tilespmem:$0x1FA00] =	vst v63  }
0x1c1: {  	_ =	swait.ge [sflag:s10], $0x80  }
0x1c2: {  	[sflag:s10] =	ssyncset.done $0x0  }
0x1c3: {  	[sflag:s10] =	ssyncadd.s32 $0xFFFFFF80  }
0x1c4: {  	_ =	swait.ge [sflag:s10], $0x4000  }
0x1c5: {  	[sflag:s10] =	ssyncset.done $0x0  }
0x1c6: {  	[sflag:s10] =	ssyncadd.s32 $0xFFFFC000  }
0x1c7: {  	[spmem:s2] =	stream.indirect.scatter.add.f32 [tilespmem:s9], [sflag:$0x6], $0x80, s8, s6, $0xb8;
	[tilespmem:$0x1FA00] =	vst v63  }
0x1c8: {  	_ =	swait.ge [sflag:s15], $0x4000  }
0x1c9: {  	[sflag:s15] =	ssyncset.done $0x0  }
0x1ca: {  	s1 =	rddreg [dreg:$0x17];
	[sflag:s15] =	ssyncadd.s32 $0xFFFFC000  }
0x1cb: {  	[tilespmem:s8], [sflag:$0x3] =	stream.linear.gather [hbm4b:s1+s3], $0x80, $0x38;
	[tilespmem:$0x1FA00] =	vst v63  }
0x1cc: {  	s17 =	rddreg [dreg:$0x18]  }
0x1cd: {  	[tilespmem:s9], [sflag:$0x3] =	stream.linear.gather [hbm4b:s17+s3], $0x4000, $0x38;
	[tilespmem:$0x1FA00] =	vst v63  }
0x1ce: {  	_ =	swait.ge [sflag:s7], $0x80  }
0x1cf: {  	[sflag:s7] =	ssyncset.done $0x0  }
0x1d0: {  	[sflag:s7] =	ssyncadd.s32 $0xFFFFFF80  }
0x1d1: {  	_ =	swait.ge [sflag:s7], $0x4000  }
0x1d2: {  	[sflag:s7] =	ssyncset.done $0x0  }
0x1d3: {  	[sflag:s7] =	ssyncadd.s32 $0xFFFFC000  }
0x1d4: {  	[spmem:s2] =	stream.indirect.scatter.add.f32 [tilespmem:s5], [sflag:$0x4], $0x80, s3, s6, $0xb8;
	[tilespmem:$0x1FA00] =	vst v63  }
0x1d5: {  	_ =	swait.ge [sflag:s14], $0x4000  }
0x1d6: {  	[sflag:s14] =	ssyncset.done $0x0  }
0x1d7: {  	s1 =	rddreg [dreg:$0x19];
	[sflag:s14] =	ssyncadd.s32 $0xFFFFC000  }
0x1d8: {  	[tilespmem:s3], [sflag:$0x1] =	stream.linear.gather [hbm4b:s1+s3], $0x80, $0x38;
	[tilespmem:$0x1FA00] =	vst v63  }
0x1d9: {  	s17 =	rddreg [dreg:$0x1a]  }
0x1da: {  	[tilespmem:s5], [sflag:$0x1] =	stream.linear.gather [hbm4b:s17+s3], $0x4000, $0x38;
	[tilespmem:$0x1FA00] =	vst v63  }
0x1db: {  	_ =	swait.ge [sflag:s13], $0x80  }
0x1dc: {  	[sflag:s13] =	ssyncset.done $0x0  }
0x1dd: {  	[sflag:s13] =	ssyncadd.s32 $0xFFFFFF80  }
0x1de: {  	_ =	swait.ge [sflag:s13], $0x4000  }
0x1df: {  	[sflag:s13] =	ssyncset.done $0x0  }
0x1e0: {  	[sflag:s13] =	ssyncadd.s32 $0xFFFFC000  }
0x1e1: {  	[spmem:s2] =	stream.indirect.scatter.add.f32 [tilespmem:s11], [sflag:$0x5], $0x80, s6, s6, $0xb8;
	[tilespmem:$0x1FA00] =	vst v63  }
0x1e2: {  	_ =	swait.ge [sflag:s12], $0x4000  }
0x1e3: {  	[sflag:s12] =	ssyncset.done $0x0  }
0x1e4: {  	s1 =	rddreg [dreg:$0x1b];
	[sflag:s12] =	ssyncadd.s32 $0xFFFFC000  }
0x1e5: {  	[tilespmem:s6], [sflag:$0x2] =	stream.linear.gather [hbm4b:s1+s3], $0x80, $0x38;
	[tilespmem:$0x1FA00] =	vst v63  }
0x1e6: {  	s17 =	rddreg [dreg:$0x1c]  }
0x1e7: {  	[tilespmem:s11], [sflag:$0x2] =	stream.linear.gather [hbm4b:s17+s3], $0x4000, $0x38;
	[tilespmem:$0x1FA00] =	vst v63  }
0x1e8: {  	_ =	swait.ge [sflag:s10], $0x80  }
0x1e9: {  	[sflag:s10] =	ssyncset.done $0x0  }
0x1ea: {  	[sflag:s10] =	ssyncadd.s32 $0xFFFFFF80  }
0x1eb: {  	_ =	swait.ge [sflag:s10], $0x4000  }
0x1ec: {  	[sflag:s10] =	ssyncset.done $0x0  }
0x1ed: {  	[sflag:s10] =	ssyncadd.s32 $0xFFFFC000  }
0x1ee: {  	[spmem:s2] =	stream.indirect.scatter.add.f32 [tilespmem:s9], [sflag:$0x6], $0x80, s8, s6, $0xb8;
	[tilespmem:$0x1FA00] =	vst v63  }
0x1ef: {  	_ =	swait.ge [sflag:s15], $0x4000  }
0x1f0: {  	[sflag:s15] =	ssyncset.done $0x0  }
0x1f1: {  	s1 =	rddreg [dreg:$0x1d];
	[sflag:s15] =	ssyncadd.s32 $0xFFFFC000  }
0x1f2: {  	[tilespmem:s8], [sflag:$0x3] =	stream.linear.gather [hbm4b:s1+s3], $0x80, $0x38;
	[tilespmem:$0x1FA00] =	vst v63  }
0x1f3: {  	s17 =	rddreg [dreg:$0x1e]  }
0x1f4: {  	[tilespmem:s9], [sflag:$0x3] =	stream.linear.gather [hbm4b:s17+s3], $0x4000, $0x38;
	[tilespmem:$0x1FA00] =	vst v63  }
0x1f5: {  	_ =	swait.ge [sflag:s7], $0x80  }
0x1f6: {  	[sflag:s7] =	ssyncset.done $0x0  }
0x1f7: {  	[sflag:s7] =	ssyncadd.s32 $0xFFFFFF80  }
0x1f8: {  	_ =	swait.ge [sflag:s7], $0x4000  }
0x1f9: {  	[sflag:s7] =	ssyncset.done $0x0  }
0x1fa: {  	[sflag:s7] =	ssyncadd.s32 $0xFFFFC000  }
0x1fb: {  	[spmem:s2] =	stream.indirect.scatter.add.f32 [tilespmem:s5], [sflag:$0x4], $0x80, s3, s6, $0xb8;
	[tilespmem:$0x1FA00] =	vst v63  }
0x1fc: {  	_ =	swait.ge [sflag:s14], $0x4000  }
0x1fd: {  	s1 =	rddreg [dreg:$0x1f];
	[sflag:s14] =	ssyncset.done $0x0  }
0x1fe: {  	s17 =	sld [smem:$0x7EE];
	[sflag:s14] =	ssyncadd.s32 $0xFFFFC000  }
0x1ff: {  	[tilespmem:s3], [sflag:$0x1] =	stream.linear.gather [hbm4b:s1+s3], $0x80, $0x38;
	[tilespmem:$0x1FA00] =	vst v63  }
0x200: {  	_ = 	snop  }
0x201: {  	[tilespmem:s5], [sflag:$0x1] =	stream.linear.gather [hbm4b:s17+s3], $0x4000, $0x38;
	[tilespmem:$0x1FA00] =	vst v63  }
0x202: {  	_ =	swait.ge [sflag:s13], $0x80  }
0x203: {  	[sflag:s13] =	ssyncset.done $0x0  }
0x204: {  	[sflag:s13] =	ssyncadd.s32 $0xFFFFFF80  }
0x205: {  	_ =	swait.ge [sflag:s13], $0x4000  }
0x206: {  	[sflag:s13] =	ssyncset.done $0x0  }
0x207: {  	[sflag:s13] =	ssyncadd.s32 $0xFFFFC000  }
0x208: {  	[spmem:s2] =	stream.indirect.scatter.add.f32 [tilespmem:s11], [sflag:$0x5], $0x80, s6, s6, $0xb8;
	[tilespmem:$0x1FA00] =	vst v63  }
0x209: {  	_ =	swait.ge [sflag:s12], $0x4000  }
0x20a: {  	s1 =	sld [smem:$0x7EF]  }
0x20b: {  	[sflag:s12] =	ssyncset.done $0x0  }
0x20c: {  	s17 =	sld [smem:$0x7F0];
	[sflag:s12] =	ssyncadd.s32 $0xFFFFC000  }
0x20d: {  	[tilespmem:s6], [sflag:$0x2] =	stream.linear.gather [hbm4b:s1+s3], $0x80, $0x38;
	[tilespmem:$0x1FA00] =	vst v63  }
0x20e: {  	_ = 	snop  }
0x20f: {  	[tilespmem:s11], [sflag:$0x2] =	stream.linear.gather [hbm4b:s17+s3], $0x4000, $0x38;
	[tilespmem:$0x1FA00] =	vst v63  }
0x210: {  	_ =	swait.ge [sflag:s10], $0x80  }
0x211: {  	[sflag:s10] =	ssyncset.done $0x0  }
0x212: {  	[sflag:s10] =	ssyncadd.s32 $0xFFFFFF80  }
0x213: {  	_ =	swait.ge [sflag:s10], $0x4000  }
0x214: {  	[sflag:s10] =	ssyncset.done $0x0  }
0x215: {  	[sflag:s10] =	ssyncadd.s32 $0xFFFFC000  }
0x216: {  	[spmem:s2] =	stream.indirect.scatter.add.f32 [tilespmem:s9], [sflag:$0x6], $0x80, s8, s6, $0xb8;
	[tilespmem:$0x1FA00] =	vst v63  }
0x217: {  	_ =	swait.ge [sflag:s15], $0x4000  }
0x218: {  	s1 =	sld [smem:$0x7F1]  }
0x219: {  	[sflag:s15] =	ssyncset.done $0x0  }
0x21a: {  	s17 =	sld [smem:$0x7F2];
	[sflag:s15] =	ssyncadd.s32 $0xFFFFC000  }
0x21b: {  	[tilespmem:s8], [sflag:$0x3] =	stream.linear.gather [hbm4b:s1+s3], $0x80, $0x38;
	[tilespmem:$0x1FA00] =	vst v63  }
0x21c: {  	_ = 	snop  }
0x21d: {  	[tilespmem:s9], [sflag:$0x3] =	stream.linear.gather [hbm4b:s17+s3], $0x4000, $0x38;
	[tilespmem:$0x1FA00] =	vst v63  }
0x21e: {  	_ =	swait.ge [sflag:s7], $0x80  }
0x21f: {  	[sflag:s7] =	ssyncset.done $0x0  }
0x220: {  	[sflag:s7] =	ssyncadd.s32 $0xFFFFFF80  }
0x221: {  	_ =	swait.ge [sflag:s7], $0x4000  }
0x222: {  	[sflag:s7] =	ssyncset.done $0x0  }
0x223: {  	[sflag:s7] =	ssyncadd.s32 $0xFFFFC000  }
0x224: {  	[spmem:s2] =	stream.indirect.scatter.add.f32 [tilespmem:s5], [sflag:$0x4], $0x80, s3, s6, $0xb8;
	[tilespmem:$0x1FA00] =	vst v63  }
0x225: {  	_ =	swait.ge [sflag:s14], $0x4000  }
0x226: {  	s1 =	sld [smem:$0x7F3]  }
0x227: {  	[sflag:s14] =	ssyncset.done $0x0  }
0x228: {  	s17 =	sld [smem:$0x7F4];
	[sflag:s14] =	ssyncadd.s32 $0xFFFFC000  }
0x229: {  	[tilespmem:s3], [sflag:$0x1] =	stream.linear.gather [hbm4b:s1+s3], $0x80, $0x38;
	[tilespmem:$0x1FA00] =	vst v63  }
0x22a: {  	_ = 	snop  }
0x22b: {  	[tilespmem:s5], [sflag:$0x1] =	stream.linear.gather [hbm4b:s17+s3], $0x4000, $0x38;
	[tilespmem:$0x1FA00] =	vst v63  }
0x22c: {  	_ =	swait.ge [sflag:s13], $0x80  }
0x22d: {  	[sflag:s13] =	ssyncset.done $0x0  }
0x22e: {  	[sflag:s13] =	ssyncadd.s32 $0xFFFFFF80  }
0x22f: {  	_ =	swait.ge [sflag:s13], $0x4000  }
0x230: {  	[sflag:s13] =	ssyncset.done $0x0  }
0x231: {  	[sflag:s13] =	ssyncadd.s32 $0xFFFFC000  }
0x232: {  	[spmem:s2] =	stream.indirect.scatter.add.f32 [tilespmem:s11], [sflag:$0x5], $0x80, s6, s6, $0xb8;
	[tilespmem:$0x1FA00] =	vst v63  }
0x233: {  	_ =	swait.ge [sflag:s12], $0x4000  }
0x234: {  	s1 =	sld [smem:$0x7F5]  }
0x235: {  	[sflag:s12] =	ssyncset.done $0x0  }
0x236: {  	s17 =	sld [smem:$0x7F6];
	[sflag:s12] =	ssyncadd.s32 $0xFFFFC000  }
0x237: {  	[tilespmem:s6], [sflag:$0x2] =	stream.linear.gather [hbm4b:s1+s3], $0x80, $0x38;
	[tilespmem:$0x1FA00] =	vst v63  }
0x238: {  	_ = 	snop  }
0x239: {  	[tilespmem:s11], [sflag:$0x2] =	stream.linear.gather [hbm4b:s17+s3], $0x4000, $0x38;
	[tilespmem:$0x1FA00] =	vst v63  }
0x23a: {  	_ =	swait.ge [sflag:s10], $0x80  }
0x23b: {  	[sflag:s10] =	ssyncset.done $0x0  }
0x23c: {  	[sflag:s10] =	ssyncadd.s32 $0xFFFFFF80  }
0x23d: {  	_ =	swait.ge [sflag:s10], $0x4000  }
0x23e: {  	[sflag:s10] =	ssyncset.done $0x0  }
0x23f: {  	[sflag:s10] =	ssyncadd.s32 $0xFFFFC000  }
0x240: {  	[spmem:s2] =	stream.indirect.scatter.add.f32 [tilespmem:s9], [sflag:$0x6], $0x80, s8, s6, $0xb8;
	[tilespmem:$0x1FA00] =	vst v63  }
0x241: {  	_ =	swait.ge [sflag:s15], $0x4000  }
0x242: {  	s1 =	sld [smem:$0x7F7]  }
0x243: {  	[sflag:s15] =	ssyncset.done $0x0  }
0x244: {  	s17 =	sld [smem:$0x7F8];
	[sflag:s15] =	ssyncadd.s32 $0xFFFFC000  }
0x245: {  	[tilespmem:s8], [sflag:$0x3] =	stream.linear.gather [hbm4b:s1+s3], $0x80, $0x38;
	[tilespmem:$0x1FA00] =	vst v63  }
0x246: {  	_ = 	snop  }
0x247: {  	[tilespmem:s9], [sflag:$0x3] =	stream.linear.gather [hbm4b:s17+s3], $0x4000, $0x38;
	[tilespmem:$0x1FA00] =	vst v63  }
0x248: {  	_ =	swait.ge [sflag:s7], $0x80  }
0x249: {  	[sflag:s7] =	ssyncset.done $0x0  }
0x24a: {  	[sflag:s7] =	ssyncadd.s32 $0xFFFFFF80  }
0x24b: {  	_ =	swait.ge [sflag:s7], $0x4000  }
0x24c: {  	[sflag:s7] =	ssyncset.done $0x0  }
0x24d: {  	[sflag:s7] =	ssyncadd.s32 $0xFFFFC000  }
0x24e: {  	[spmem:s2] =	stream.indirect.scatter.add.f32 [tilespmem:s5], [sflag:$0x4], $0x80, s3, s6, $0xb8;
	[tilespmem:$0x1FA00] =	vst v63  }
0x24f: {  	_ =	swait.ge [sflag:s14], $0x4000  }
0x250: {  	s1 =	sld [smem:$0x7F9]  }
0x251: {  	[sflag:s14] =	ssyncset.done $0x0  }
0x252: {  	s17 =	sld [smem:$0x7FA];
	[sflag:s14] =	ssyncadd.s32 $0xFFFFC000  }
0x253: {  	[tilespmem:s3], [sflag:$0x1] =	stream.linear.gather [hbm4b:s1+s3], $0x80, $0x38;
	[tilespmem:$0x1FA00] =	vst v63  }
0x254: {  	_ = 	snop  }
0x255: {  	[tilespmem:s5], [sflag:$0x1] =	stream.linear.gather [hbm4b:s17+s3], $0x4000, $0x38;
	[tilespmem:$0x1FA00] =	vst v63  }
0x256: {  	_ =	swait.ge [sflag:s13], $0x80  }
0x257: {  	[sflag:s13] =	ssyncset.done $0x0  }
0x258: {  	[sflag:s13] =	ssyncadd.s32 $0xFFFFFF80  }
0x259: {  	_ =	swait.ge [sflag:s13], $0x4000  }
0x25a: {  	[sflag:s13] =	ssyncset.done $0x0  }
0x25b: {  	[sflag:s13] =	ssyncadd.s32 $0xFFFFC000  }
0x25c: {  	[spmem:s2] =	stream.indirect.scatter.add.f32 [tilespmem:s11], [sflag:$0x5], $0x80, s6, s6, $0xb8;
	[tilespmem:$0x1FA00] =	vst v63  }
0x25d: {  	_ =	swait.ge [sflag:s12], $0x4000  }
0x25e: {  	s1 =	sld [smem:$0x7FB]  }
0x25f: {  	[sflag:s12] =	ssyncset.done $0x0  }
0x260: {  	s17 =	sld [smem:$0x7FC];
	[sflag:s12] =	ssyncadd.s32 $0xFFFFC000  }
0x261: {  	[tilespmem:s22], [sflag:$0x2] =	stream.linear.gather @!p1 [hbm4b:s1+s23], $0x80, $0x38;
	[tilespmem:$0x1FA00] =	vst v63  }
0x262: {  	_ = 	snop  }
0x263: {  	[tilespmem:s24], [sflag:$0x2] =	stream.linear.gather @!p1 [hbm4b:s17+s23], $0x4000, $0x38;
	[tilespmem:$0x1FA00] =	vst v63  }
0x264: {  	_ =	swait.ge [sflag:s10], $0x80  }
0x265: {  	[sflag:s10] =	ssyncset.done $0x0  }
0x266: {  	[sflag:s10] =	ssyncadd.s32 $0xFFFFFF80  }
0x267: {  	_ =	swait.ge [sflag:s10], $0x4000  }
0x268: {  	[sflag:s10] =	ssyncset.done $0x0  }
0x269: {  	[sflag:s10] =	ssyncadd.s32 $0xFFFFC000  }
0x26a: {  	[spmem:s2] =	stream.indirect.scatter.add.f32 [tilespmem:s9], [sflag:$0x6], $0x80, s8, s6, $0xb8;
	[tilespmem:$0x1FA00] =	vst v63  }
0x26b: {  	_ =	swait.ge [sflag:s7], $0x80  }
0x26c: {  	[sflag:s7] =	ssyncset.done $0x0  }
0x26d: {  	[sflag:s7] =	ssyncadd.s32 $0xFFFFFF80  }
0x26e: {  	_ =	swait.ge [sflag:s7], $0x4000  }
0x26f: {  	[sflag:s7] =	ssyncset.done $0x0  }
0x270: {  	[sflag:s7] =	ssyncadd.s32 $0xFFFFC000  }
0x271: {  	[spmem:s2] =	stream.indirect.scatter.add.f32 [tilespmem:s5], [sflag:$0x4], $0x80, s3, s6, $0xb8;
	[tilespmem:$0x1FA00] =	vst v63  }
0x272: {  	_ =	swait.ge @!p1 [sflag:s25], $0x80  }
0x273: {  	[sflag:s25] =	ssyncset.done @!p1 $0x0  }
0x274: {  	[sflag:s25] =	ssyncadd.s32 @!p1 $0xFFFFFF80  }
0x275: {  	_ =	swait.ge @!p1 [sflag:s25], $0x4000  }
0x276: {  	[sflag:s25] =	ssyncset.done @!p1 $0x0  }
0x277: {  	[sflag:s25] =	ssyncadd.s32 @!p1 $0xFFFFC000  }
0x278: {  	[spmem:s2] =	stream.indirect.scatter.add.f32 @!p1 [tilespmem:s24], [sflag:$0x5], $0x80, s22, s22, $0xb8;
	[tilespmem:$0x1FA00] =	vst v63  }
0x279: {  	_ =	swait.ge @!p1 [sflag:s26], $0x4000  }
0x27a: {  	[sflag:s26] =	ssyncset.done @!p1 $0x0  }
0x27b: {  	[sflag:s26] =	ssyncadd.s32 @!p1 $0xFFFFC000  }
0x27c: {  	_ =	swait.ge [sflag:s28], $0x4000  }
0x27d: {  	[sflag:s28] =	ssyncset.done $0x0  }
0x27e: {  	[sflag:s28] =	ssyncadd.s32 $0xFFFFC000  }
0x27f: {  	_ =	swait.ge [sflag:s29], $0x4000  }
0x280: {  	[sflag:s29] =	ssyncset.done $0x0  }
0x281: {  	[sflag:s29] =	ssyncadd.s32 $0xFFFFC000  }
0x282: {  	[bflag:$0x0] =	sbarrier.arrive $0xFFFF  }
0x283: {  	[hbm:s4], [sflag:s18] =	dma.local @p0 [spmem:s31], $0x2080  }
0x284: {  	s30 =	sadd.s32 $0xFFFFFFFF, s30;
	_ =	swait.ge @p0 [sflag:s19], $0x2080  }
0x285: {  	p3 =	sne.s32 s30, $0x0;
	s1 =	sld [smem:$0x7FD]  }
.Ltmp2:
0x286: {  	[sflag:s19] =	ssyncset.done @p0 $0x0;
	(pc) =	sbr.rel @p3 .LBB2_4-.Ltmp2, $4  }
0x287: {  	[sflag:s19] =	ssyncadd.s32 @p0 $0xFFFFDF80  }
0x288: {  	[hbm:s1], [sflag:s21] =	dma.local @!p0 [spmem:s0], $0x2780  }
0x289: {  	_ =	swait.ge @!p0 [sflag:s20], $0x2780  }
0x28a: {  	s31 =	rddreg [dreg:$0x6];
	[sflag:s20] =	ssyncset.done @!p0 $0x0  }
0x28b: {  	s22 =	rddreg [dreg:$0x4]  }
0x28c: {  	s23 =	stileid.u32;
	s17 =	sld [smem:$0x7ED]  }
.LBB2_6:
0x28d: {  	p2 =	por p0, !p2;
	s18 =	sshrl.u32 @p0 s31, $0x3  }
0x28e: {  	s19 =	simm.s32 @p0 $0x1FC7;
	s0 =	simm.s32 @p0 $0x7;
	[sflag:s20] =	ssyncadd.s32 @!p2 $0xFFFFD880  }
0x28f: {  	[spmem:s18], [sflag:s19] =	dma.local @p0 [hbm:s16], $0x2080  }
0x290: {  	_ =	swait.ge @p0 [sflag:s0], $0x2080  }
0x291: {  	s20 =	sor.u32 @!p0 $0x1C07, s17;
	s1 =	rddreg [dreg:$0x5];
	[sflag:s0] =	ssyncset.done @p0 $0x0  }
0x292: {  	s17 =	simm.s32 @!p0 $0x7;
	[sflag:s0] =	ssyncadd.s32 @p0 $0xFFFFDF80;
	s21 =	sshrl.u32 @!p0 s1, $0x3  }
0x293: {  	[spmem:s21], [sflag:s20] =	dma.local @!p0 [hbm:s16], $0x2780  }
0x294: {  	_ =	swait.ge @!p0 [sflag:s17], $0x2780  }
0x295: {  	[sflag:s17] =	ssyncset.done @!p0 $0x0  }
0x296: {  	[sflag:s17] =	ssyncadd.s32 @!p0 $0xFFFFD880  }
0x297: {  	[bflag:$0x0] =	sbarrier.arrive $0xFFFF  }
0x298: {  	s25 =	rddreg [dreg:$0x7]  }
0x299: {  	[tilespmem:s3], [sflag:$0x1] =	stream.linear.gather [hbm4b:s25+s3], $0x80, $0x38;
	[tilespmem:$0x1FA00] =	vst v63  }
0x29a: {  	s26 =	rddreg [dreg:$0x8]  }
0x29b: {  	[tilespmem:s5], [sflag:$0x1] =	stream.linear.gather [hbm4b:s26+s3], $0x4000, $0x38;
	[tilespmem:$0x1FA00] =	vst v63  }
0x29c: {  	s28 =	rddreg [dreg:$0x9]  }
0x29d: {  	[tilespmem:s6], [sflag:$0x2] =	stream.linear.gather [hbm4b:s28+s3], $0x80, $0x38;
	[tilespmem:$0x1FA00] =	vst v63  }
0x29e: {  	s29 =	rddreg [dreg:$0xa]  }
0x29f: {  	[tilespmem:s11], [sflag:$0x2] =	stream.linear.gather [hbm4b:s29+s3], $0x4000, $0x38;
	[tilespmem:$0x1FA00] =	vst v63  }
0x2a0: {  	s30 =	rddreg [dreg:$0xb]  }
0x2a1: {  	[tilespmem:s8], [sflag:$0x3] =	stream.linear.gather [hbm4b:s30+s3], $0x80, $0x38;
	[tilespmem:$0x1FA00] =	vst v63  }
0x2a2: {  	s31 =	rddreg [dreg:$0xc]  }
0x2a3: {  	[tilespmem:s9], [sflag:$0x3] =	stream.linear.gather [hbm4b:s31+s3], $0x4000, $0x38;
	[tilespmem:$0x1FA00] =	vst v63  }
0x2a4: {  	_ =	swait.ge [sflag:s7], $0x80  }
0x2a5: {  	[sflag:s7] =	ssyncset.done $0x0  }
0x2a6: {  	[sflag:s7] =	ssyncadd.s32 $0xFFFFFF80  }
0x2a7: {  	_ =	swait.ge [sflag:s7], $0x4000  }
0x2a8: {  	[sflag:s7] =	ssyncset.done $0x0  }
0x2a9: {  	[sflag:s7] =	ssyncadd.s32 $0xFFFFC000  }
0x2aa: {  	[spmem:s2] =	stream.indirect.scatter.add.f32 [tilespmem:s5], [sflag:$0x4], $0x80, s3, s6, $0xb8;
	[tilespmem:$0x1FA00] =	vst v63  }
0x2ab: {  	_ =	swait.ge [sflag:s14], $0x4000  }
0x2ac: {  	[sflag:s14] =	ssyncset.done $0x0  }
0x2ad: {  	s16 =	rddreg [dreg:$0xd];
	[sflag:s14] =	ssyncadd.s32 $0xFFFFC000  }
0x2ae: {  	[tilespmem:s3], [sflag:$0x1] =	stream.linear.gather [hbm4b:s16+s3], $0x80, $0x38;
	[tilespmem:$0x1FA00] =	vst v63  }
0x2af: {  	s24 =	rddreg [dreg:$0xe]  }
0x2b0: {  	[tilespmem:s5], [sflag:$0x1] =	stream.linear.gather [hbm4b:s24+s3], $0x4000, $0x38;
	[tilespmem:$0x1FA00] =	vst v63  }
0x2b1: {  	_ =	swait.ge [sflag:s13], $0x80  }
0x2b2: {  	[sflag:s13] =	ssyncset.done $0x0  }
0x2b3: {  	[sflag:s13] =	ssyncadd.s32 $0xFFFFFF80  }
0x2b4: {  	_ =	swait.ge [sflag:s13], $0x4000  }
0x2b5: {  	[sflag:s13] =	ssyncset.done $0x0  }
0x2b6: {  	[sflag:s13] =	ssyncadd.s32 $0xFFFFC000  }
0x2b7: {  	[spmem:s2] =	stream.indirect.scatter.add.f32 [tilespmem:s11], [sflag:$0x5], $0x80, s6, s6, $0xb8;
	[tilespmem:$0x1FA00] =	vst v63  }
0x2b8: {  	_ =	swait.ge [sflag:s12], $0x4000  }
0x2b9: {  	[sflag:s12] =	ssyncset.done $0x0  }
0x2ba: {  	s25 =	rddreg [dreg:$0xf];
	[sflag:s12] =	ssyncadd.s32 $0xFFFFC000  }
0x2bb: {  	[tilespmem:s6], [sflag:$0x2] =	stream.linear.gather [hbm4b:s25+s3], $0x80, $0x38;
	[tilespmem:$0x1FA00] =	vst v63  }
0x2bc: {  	s26 =	rddreg [dreg:$0x10]  }
0x2bd: {  	[tilespmem:s11], [sflag:$0x2] =	stream.linear.gather [hbm4b:s26+s3], $0x4000, $0x38;
	[tilespmem:$0x1FA00] =	vst v63  }
0x2be: {  	_ =	swait.ge [sflag:s10], $0x80  }
0x2bf: {  	[sflag:s10] =	ssyncset.done $0x0  }
0x2c0: {  	[sflag:s10] =	ssyncadd.s32 $0xFFFFFF80  }
0x2c1: {  	_ =	swait.ge [sflag:s10], $0x4000  }
0x2c2: {  	[sflag:s10] =	ssyncset.done $0x0  }
0x2c3: {  	[sflag:s10] =	ssyncadd.s32 $0xFFFFC000  }
0x2c4: {  	[spmem:s2] =	stream.indirect.scatter.add.f32 [tilespmem:s9], [sflag:$0x6], $0x80, s8, s6, $0xb8;
	[tilespmem:$0x1FA00] =	vst v63  }
0x2c5: {  	_ =	swait.ge [sflag:s15], $0x4000  }
0x2c6: {  	[sflag:s15] =	ssyncset.done $0x0  }
0x2c7: {  	s28 =	rddreg [dreg:$0x11];
	[sflag:s15] =	ssyncadd.s32 $0xFFFFC000  }
0x2c8: {  	[tilespmem:s8], [sflag:$0x3] =	stream.linear.gather [hbm4b:s28+s3], $0x80, $0x38;
	[tilespmem:$0x1FA00] =	vst v63  }
0x2c9: {  	s29 =	rddreg [dreg:$0x12]  }
0x2ca: {  	[tilespmem:s9], [sflag:$0x3] =	stream.linear.gather [hbm4b:s29+s3], $0x4000, $0x38;
	[tilespmem:$0x1FA00] =	vst v63  }
0x2cb: {  	_ =	swait.ge [sflag:s7], $0x80  }
0x2cc: {  	[sflag:s7] =	ssyncset.done $0x0  }
0x2cd: {  	[sflag:s7] =	ssyncadd.s32 $0xFFFFFF80  }
0x2ce: {  	_ =	swait.ge [sflag:s7], $0x4000  }
0x2cf: {  	[sflag:s7] =	ssyncset.done $0x0  }
0x2d0: {  	[sflag:s7] =	ssyncadd.s32 $0xFFFFC000  }
0x2d1: {  	[spmem:s2] =	stream.indirect.scatter.add.f32 [tilespmem:s5], [sflag:$0x4], $0x80, s3, s6, $0xb8;
	[tilespmem:$0x1FA00] =	vst v63  }
0x2d2: {  	_ =	swait.ge [sflag:s14], $0x4000  }
0x2d3: {  	[sflag:s14] =	ssyncset.done $0x0  }
0x2d4: {  	s30 =	rddreg [dreg:$0x13];
	[sflag:s14] =	ssyncadd.s32 $0xFFFFC000  }
0x2d5: {  	[tilespmem:s3], [sflag:$0x1] =	stream.linear.gather [hbm4b:s30+s3], $0x80, $0x38;
	[tilespmem:$0x1FA00] =	vst v63  }
0x2d6: {  	s31 =	rddreg [dreg:$0x14]  }
0x2d7: {  	[tilespmem:s5], [sflag:$0x1] =	stream.linear.gather [hbm4b:s31+s3], $0x4000, $0x38;
	[tilespmem:$0x1FA00] =	vst v63  }
0x2d8: {  	_ =	swait.ge [sflag:s13], $0x80  }
0x2d9: {  	[sflag:s13] =	ssyncset.done $0x0  }
0x2da: {  	[sflag:s13] =	ssyncadd.s32 $0xFFFFFF80  }
0x2db: {  	_ =	swait.ge [sflag:s13], $0x4000  }
0x2dc: {  	[sflag:s13] =	ssyncset.done $0x0  }
0x2dd: {  	[sflag:s13] =	ssyncadd.s32 $0xFFFFC000  }
0x2de: {  	[spmem:s2] =	stream.indirect.scatter.add.f32 [tilespmem:s11], [sflag:$0x5], $0x80, s6, s6, $0xb8;
	[tilespmem:$0x1FA00] =	vst v63  }
0x2df: {  	_ =	swait.ge [sflag:s12], $0x4000  }
0x2e0: {  	[sflag:s12] =	ssyncset.done $0x0  }
0x2e1: {  	s16 =	rddreg [dreg:$0x15];
	[sflag:s12] =	ssyncadd.s32 $0xFFFFC000  }
0x2e2: {  	[tilespmem:s6], [sflag:$0x2] =	stream.linear.gather [hbm4b:s16+s3], $0x80, $0x38;
	[tilespmem:$0x1FA00] =	vst v63  }
0x2e3: {  	s24 =	rddreg [dreg:$0x16]  }
0x2e4: {  	[tilespmem:s11], [sflag:$0x2] =	stream.linear.gather [hbm4b:s24+s3], $0x4000, $0x38;
	[tilespmem:$0x1FA00] =	vst v63  }
0x2e5: {  	_ =	swait.ge [sflag:s10], $0x80  }
0x2e6: {  	[sflag:s10] =	ssyncset.done $0x0  }
0x2e7: {  	[sflag:s10] =	ssyncadd.s32 $0xFFFFFF80  }
0x2e8: {  	_ =	swait.ge [sflag:s10], $0x4000  }
0x2e9: {  	[sflag:s10] =	ssyncset.done $0x0  }
0x2ea: {  	[sflag:s10] =	ssyncadd.s32 $0xFFFFC000  }
0x2eb: {  	[spmem:s2] =	stream.indirect.scatter.add.f32 [tilespmem:s9], [sflag:$0x6], $0x80, s8, s6, $0xb8;
	[tilespmem:$0x1FA00] =	vst v63  }
0x2ec: {  	_ =	swait.ge [sflag:s15], $0x4000  }
0x2ed: {  	[sflag:s15] =	ssyncset.done $0x0  }
0x2ee: {  	s25 =	rddreg [dreg:$0x17];
	[sflag:s15] =	ssyncadd.s32 $0xFFFFC000  }
0x2ef: {  	[tilespmem:s8], [sflag:$0x3] =	stream.linear.gather [hbm4b:s25+s3], $0x80, $0x38;
	[tilespmem:$0x1FA00] =	vst v63  }
0x2f0: {  	s26 =	rddreg [dreg:$0x18]  }
0x2f1: {  	[tilespmem:s9], [sflag:$0x3] =	stream.linear.gather [hbm4b:s26+s3], $0x4000, $0x38;
	[tilespmem:$0x1FA00] =	vst v63  }
0x2f2: {  	_ =	swait.ge [sflag:s7], $0x80  }
0x2f3: {  	[sflag:s7] =	ssyncset.done $0x0  }
0x2f4: {  	[sflag:s7] =	ssyncadd.s32 $0xFFFFFF80  }
0x2f5: {  	_ =	swait.ge [sflag:s7], $0x4000  }
0x2f6: {  	[sflag:s7] =	ssyncset.done $0x0  }
0x2f7: {  	[sflag:s7] =	ssyncadd.s32 $0xFFFFC000  }
0x2f8: {  	[spmem:s2] =	stream.indirect.scatter.add.f32 [tilespmem:s5], [sflag:$0x4], $0x80, s3, s6, $0xb8;
	[tilespmem:$0x1FA00] =	vst v63  }
0x2f9: {  	_ =	swait.ge [sflag:s14], $0x4000  }
0x2fa: {  	[sflag:s14] =	ssyncset.done $0x0  }
0x2fb: {  	s28 =	rddreg [dreg:$0x19];
	[sflag:s14] =	ssyncadd.s32 $0xFFFFC000  }
0x2fc: {  	[tilespmem:s3], [sflag:$0x1] =	stream.linear.gather [hbm4b:s28+s3], $0x80, $0x38;
	[tilespmem:$0x1FA00] =	vst v63  }
0x2fd: {  	s29 =	rddreg [dreg:$0x1a]  }
0x2fe: {  	[tilespmem:s5], [sflag:$0x1] =	stream.linear.gather [hbm4b:s29+s3], $0x4000, $0x38;
	[tilespmem:$0x1FA00] =	vst v63  }
0x2ff: {  	_ =	swait.ge [sflag:s13], $0x80  }
0x300: {  	[sflag:s13] =	ssyncset.done $0x0  }
0x301: {  	[sflag:s13] =	ssyncadd.s32 $0xFFFFFF80  }
0x302: {  	_ =	swait.ge [sflag:s13], $0x4000  }
0x303: {  	[sflag:s13] =	ssyncset.done $0x0  }
0x304: {  	[sflag:s13] =	ssyncadd.s32 $0xFFFFC000  }
0x305: {  	[spmem:s2] =	stream.indirect.scatter.add.f32 [tilespmem:s11], [sflag:$0x5], $0x80, s6, s6, $0xb8;
	[tilespmem:$0x1FA00] =	vst v63  }
0x306: {  	_ =	swait.ge [sflag:s12], $0x4000  }
0x307: {  	[sflag:s12] =	ssyncset.done $0x0  }
0x308: {  	s30 =	rddreg [dreg:$0x1b];
	[sflag:s12] =	ssyncadd.s32 $0xFFFFC000  }
0x309: {  	[tilespmem:s6], [sflag:$0x2] =	stream.linear.gather [hbm4b:s30+s3], $0x80, $0x38;
	[tilespmem:$0x1FA00] =	vst v63  }
0x30a: {  	s31 =	rddreg [dreg:$0x1c]  }
0x30b: {  	[tilespmem:s11], [sflag:$0x2] =	stream.linear.gather [hbm4b:s31+s3], $0x4000, $0x38;
	[tilespmem:$0x1FA00] =	vst v63  }
0x30c: {  	_ =	swait.ge [sflag:s10], $0x80  }
0x30d: {  	[sflag:s10] =	ssyncset.done $0x0  }
0x30e: {  	[sflag:s10] =	ssyncadd.s32 $0xFFFFFF80  }
0x30f: {  	_ =	swait.ge [sflag:s10], $0x4000  }
0x310: {  	[sflag:s10] =	ssyncset.done $0x0  }
0x311: {  	[sflag:s10] =	ssyncadd.s32 $0xFFFFC000  }
0x312: {  	[spmem:s2] =	stream.indirect.scatter.add.f32 [tilespmem:s9], [sflag:$0x6], $0x80, s8, s6, $0xb8;
	[tilespmem:$0x1FA00] =	vst v63  }
0x313: {  	_ =	swait.ge [sflag:s15], $0x4000  }
0x314: {  	[sflag:s15] =	ssyncset.done $0x0  }
0x315: {  	s16 =	rddreg [dreg:$0x1d];
	[sflag:s15] =	ssyncadd.s32 $0xFFFFC000  }
0x316: {  	[tilespmem:s8], [sflag:$0x3] =	stream.linear.gather [hbm4b:s16+s3], $0x80, $0x38;
	[tilespmem:$0x1FA00] =	vst v63  }
0x317: {  	s24 =	rddreg [dreg:$0x1e]  }
0x318: {  	[tilespmem:s9], [sflag:$0x3] =	stream.linear.gather [hbm4b:s24+s3], $0x4000, $0x38;
	[tilespmem:$0x1FA00] =	vst v63  }
0x319: {  	_ =	swait.ge [sflag:s7], $0x80  }
0x31a: {  	[sflag:s7] =	ssyncset.done $0x0  }
0x31b: {  	[sflag:s7] =	ssyncadd.s32 $0xFFFFFF80  }
0x31c: {  	_ =	swait.ge [sflag:s7], $0x4000  }
0x31d: {  	[sflag:s7] =	ssyncset.done $0x0  }
0x31e: {  	[sflag:s7] =	ssyncadd.s32 $0xFFFFC000  }
0x31f: {  	[spmem:s2] =	stream.indirect.scatter.add.f32 [tilespmem:s5], [sflag:$0x4], $0x80, s3, s6, $0xb8;
	[tilespmem:$0x1FA00] =	vst v63  }
0x320: {  	_ =	swait.ge [sflag:s14], $0x4000  }
0x321: {  	s25 =	rddreg [dreg:$0x1f];
	[sflag:s14] =	ssyncset.done $0x0  }
0x322: {  	s26 =	sld [smem:$0x7EE];
	[sflag:s14] =	ssyncadd.s32 $0xFFFFC000  }
0x323: {  	[tilespmem:s3], [sflag:$0x1] =	stream.linear.gather [hbm4b:s25+s3], $0x80, $0x38;
	[tilespmem:$0x1FA00] =	vst v63  }
0x324: {  	_ = 	snop  }
0x325: {  	[tilespmem:s5], [sflag:$0x1] =	stream.linear.gather [hbm4b:s26+s3], $0x4000, $0x38;
	[tilespmem:$0x1FA00] =	vst v63  }
0x326: {  	_ =	swait.ge [sflag:s13], $0x80  }
0x327: {  	[sflag:s13] =	ssyncset.done $0x0  }
0x328: {  	[sflag:s13] =	ssyncadd.s32 $0xFFFFFF80  }
0x329: {  	_ =	swait.ge [sflag:s13], $0x4000  }
0x32a: {  	[sflag:s13] =	ssyncset.done $0x0  }
0x32b: {  	[sflag:s13] =	ssyncadd.s32 $0xFFFFC000  }
0x32c: {  	[spmem:s2] =	stream.indirect.scatter.add.f32 [tilespmem:s11], [sflag:$0x5], $0x80, s6, s6, $0xb8;
	[tilespmem:$0x1FA00] =	vst v63  }
0x32d: {  	_ =	swait.ge [sflag:s12], $0x4000  }
0x32e: {  	s28 =	sld [smem:$0x7EF]  }
0x32f: {  	[sflag:s12] =	ssyncset.done $0x0  }
0x330: {  	s29 =	sld [smem:$0x7F0];
	[sflag:s12] =	ssyncadd.s32 $0xFFFFC000  }
0x331: {  	[tilespmem:s6], [sflag:$0x2] =	stream.linear.gather [hbm4b:s28+s3], $0x80, $0x38;
	[tilespmem:$0x1FA00] =	vst v63  }
0x332: {  	_ = 	snop  }
0x333: {  	[tilespmem:s11], [sflag:$0x2] =	stream.linear.gather [hbm4b:s29+s3], $0x4000, $0x38;
	[tilespmem:$0x1FA00] =	vst v63  }
0x334: {  	_ =	swait.ge [sflag:s10], $0x80  }
0x335: {  	[sflag:s10] =	ssyncset.done $0x0  }
0x336: {  	[sflag:s10] =	ssyncadd.s32 $0xFFFFFF80  }
0x337: {  	_ =	swait.ge [sflag:s10], $0x4000  }
0x338: {  	[sflag:s10] =	ssyncset.done $0x0  }
0x339: {  	[sflag:s10] =	ssyncadd.s32 $0xFFFFC000  }
0x33a: {  	[spmem:s2] =	stream.indirect.scatter.add.f32 [tilespmem:s9], [sflag:$0x6], $0x80, s8, s6, $0xb8;
	[tilespmem:$0x1FA00] =	vst v63  }
0x33b: {  	_ =	swait.ge [sflag:s15], $0x4000  }
0x33c: {  	s30 =	sld [smem:$0x7F1]  }
0x33d: {  	[sflag:s15] =	ssyncset.done $0x0  }
0x33e: {  	s31 =	sld [smem:$0x7F2];
	[sflag:s15] =	ssyncadd.s32 $0xFFFFC000  }
0x33f: {  	[tilespmem:s8], [sflag:$0x3] =	stream.linear.gather [hbm4b:s30+s3], $0x80, $0x38;
	[tilespmem:$0x1FA00] =	vst v63  }
0x340: {  	_ = 	snop  }
0x341: {  	[tilespmem:s9], [sflag:$0x3] =	stream.linear.gather [hbm4b:s31+s3], $0x4000, $0x38;
	[tilespmem:$0x1FA00] =	vst v63  }
0x342: {  	_ =	swait.ge [sflag:s7], $0x80  }
0x343: {  	[sflag:s7] =	ssyncset.done $0x0  }
0x344: {  	[sflag:s7] =	ssyncadd.s32 $0xFFFFFF80  }
0x345: {  	_ =	swait.ge [sflag:s7], $0x4000  }
0x346: {  	[sflag:s7] =	ssyncset.done $0x0  }
0x347: {  	[sflag:s7] =	ssyncadd.s32 $0xFFFFC000  }
0x348: {  	[spmem:s2] =	stream.indirect.scatter.add.f32 [tilespmem:s5], [sflag:$0x4], $0x80, s3, s6, $0xb8;
	[tilespmem:$0x1FA00] =	vst v63  }
0x349: {  	_ =	swait.ge [sflag:s14], $0x4000  }
0x34a: {  	s16 =	sld [smem:$0x7F3]  }
0x34b: {  	[sflag:s14] =	ssyncset.done $0x0  }
0x34c: {  	s24 =	sld [smem:$0x7F4];
	[sflag:s14] =	ssyncadd.s32 $0xFFFFC000  }
0x34d: {  	[tilespmem:s3], [sflag:$0x1] =	stream.linear.gather [hbm4b:s16+s3], $0x80, $0x38;
	[tilespmem:$0x1FA00] =	vst v63  }
0x34e: {  	_ = 	snop  }
0x34f: {  	[tilespmem:s5], [sflag:$0x1] =	stream.linear.gather [hbm4b:s24+s3], $0x4000, $0x38;
	[tilespmem:$0x1FA00] =	vst v63  }
0x350: {  	_ =	swait.ge [sflag:s13], $0x80  }
0x351: {  	[sflag:s13] =	ssyncset.done $0x0  }
0x352: {  	[sflag:s13] =	ssyncadd.s32 $0xFFFFFF80  }
0x353: {  	_ =	swait.ge [sflag:s13], $0x4000  }
0x354: {  	[sflag:s13] =	ssyncset.done $0x0  }
0x355: {  	[sflag:s13] =	ssyncadd.s32 $0xFFFFC000  }
0x356: {  	[spmem:s2] =	stream.indirect.scatter.add.f32 [tilespmem:s11], [sflag:$0x5], $0x80, s6, s6, $0xb8;
	[tilespmem:$0x1FA00] =	vst v63  }
0x357: {  	_ =	swait.ge [sflag:s12], $0x4000  }
0x358: {  	s25 =	sld [smem:$0x7F5]  }
0x359: {  	[sflag:s12] =	ssyncset.done $0x0  }
0x35a: {  	s26 =	sld [smem:$0x7F6];
	[sflag:s12] =	ssyncadd.s32 $0xFFFFC000  }
0x35b: {  	[tilespmem:s6], [sflag:$0x2] =	stream.linear.gather [hbm4b:s25+s3], $0x80, $0x38;
	[tilespmem:$0x1FA00] =	vst v63  }
0x35c: {  	_ = 	snop  }
0x35d: {  	[tilespmem:s11], [sflag:$0x2] =	stream.linear.gather [hbm4b:s26+s3], $0x4000, $0x38;
	[tilespmem:$0x1FA00] =	vst v63  }
0x35e: {  	_ =	swait.ge [sflag:s10], $0x80  }
0x35f: {  	[sflag:s10] =	ssyncset.done $0x0  }
0x360: {  	[sflag:s10] =	ssyncadd.s32 $0xFFFFFF80  }
0x361: {  	_ =	swait.ge [sflag:s10], $0x4000  }
0x362: {  	[sflag:s10] =	ssyncset.done $0x0  }
0x363: {  	[sflag:s10] =	ssyncadd.s32 $0xFFFFC000  }
0x364: {  	[spmem:s2] =	stream.indirect.scatter.add.f32 [tilespmem:s9], [sflag:$0x6], $0x80, s8, s6, $0xb8;
	[tilespmem:$0x1FA00] =	vst v63  }
0x365: {  	_ =	swait.ge [sflag:s15], $0x4000  }
0x366: {  	s28 =	sld [smem:$0x7F7]  }
0x367: {  	[sflag:s15] =	ssyncset.done $0x0  }
0x368: {  	s29 =	sld [smem:$0x7F8];
	[sflag:s15] =	ssyncadd.s32 $0xFFFFC000  }
0x369: {  	[tilespmem:s8], [sflag:$0x3] =	stream.linear.gather [hbm4b:s28+s3], $0x80, $0x38;
	[tilespmem:$0x1FA00] =	vst v63  }
0x36a: {  	_ = 	snop  }
0x36b: {  	[tilespmem:s9], [sflag:$0x3] =	stream.linear.gather [hbm4b:s29+s3], $0x4000, $0x38;
	[tilespmem:$0x1FA00] =	vst v63  }
0x36c: {  	_ =	swait.ge [sflag:s7], $0x80  }
0x36d: {  	[sflag:s7] =	ssyncset.done $0x0  }
0x36e: {  	[sflag:s7] =	ssyncadd.s32 $0xFFFFFF80  }
0x36f: {  	_ =	swait.ge [sflag:s7], $0x4000  }
0x370: {  	[sflag:s7] =	ssyncset.done $0x0  }
0x371: {  	[sflag:s7] =	ssyncadd.s32 $0xFFFFC000  }
0x372: {  	[spmem:s2] =	stream.indirect.scatter.add.f32 [tilespmem:s5], [sflag:$0x4], $0x80, s3, s6, $0xb8;
	[tilespmem:$0x1FA00] =	vst v63  }
0x373: {  	_ =	swait.ge [sflag:s14], $0x4000  }
0x374: {  	s30 =	sld [smem:$0x7F9]  }
0x375: {  	[sflag:s14] =	ssyncset.done $0x0  }
0x376: {  	s31 =	sld [smem:$0x7FA];
	[sflag:s14] =	ssyncadd.s32 $0xFFFFC000  }
0x377: {  	[tilespmem:s3], [sflag:$0x1] =	stream.linear.gather [hbm4b:s30+s3], $0x80, $0x38;
	[tilespmem:$0x1FA00] =	vst v63  }
0x378: {  	_ = 	snop  }
0x379: {  	[tilespmem:s5], [sflag:$0x1] =	stream.linear.gather [hbm4b:s31+s3], $0x4000, $0x38;
	[tilespmem:$0x1FA00] =	vst v63  }
0x37a: {  	_ =	swait.ge [sflag:s13], $0x80  }
0x37b: {  	[sflag:s13] =	ssyncset.done $0x0  }
0x37c: {  	[sflag:s13] =	ssyncadd.s32 $0xFFFFFF80  }
0x37d: {  	_ =	swait.ge [sflag:s13], $0x4000  }
0x37e: {  	[sflag:s13] =	ssyncset.done $0x0  }
0x37f: {  	[sflag:s13] =	ssyncadd.s32 $0xFFFFC000  }
0x380: {  	[spmem:s2] =	stream.indirect.scatter.add.f32 [tilespmem:s11], [sflag:$0x5], $0x80, s6, s6, $0xb8;
	[tilespmem:$0x1FA00] =	vst v63  }
0x381: {  	_ =	swait.ge [sflag:s12], $0x4000  }
0x382: {  	s1 =	sld [smem:$0x7FB]  }
0x383: {  	s11 =	simm.s32 @!p1 $0x80;
	[sflag:s12] =	ssyncset.done $0x0  }
0x384: {  	s13 =	sld [smem:$0x7FC];
	[sflag:s12] =	ssyncadd.s32 $0xFFFFC000;
	s12 =	simm.s32 @!p1 $0x0  }
0x385: {  	[tilespmem:s11], [sflag:$0x2] =	stream.linear.gather @!p1 [hbm4b:s1+s12], $0x80, $0x38;
	[tilespmem:$0x1FA00] =	vst v63  }
0x386: {  	s1 =	simm.s32 @!p1 $0x4180  }
0x387: {  	[tilespmem:s1], [sflag:$0x2] =	stream.linear.gather @!p1 [hbm4b:s13+s12], $0x4000, $0x38;
	[tilespmem:$0x1FA00] =	vst v63  }
0x388: {  	_ =	swait.ge [sflag:s10], $0x80  }
0x389: {  	[sflag:s10] =	ssyncset.done $0x0  }
0x38a: {  	[sflag:s10] =	ssyncadd.s32 $0xFFFFFF80  }
0x38b: {  	_ =	swait.ge [sflag:s10], $0x4000  }
0x38c: {  	[sflag:s10] =	ssyncset.done $0x0  }
0x38d: {  	[sflag:s10] =	ssyncadd.s32 $0xFFFFC000  }
0x38e: {  	[spmem:s2] =	stream.indirect.scatter.add.f32 [tilespmem:s9], [sflag:$0x6], $0x80, s8, s6, $0xb8;
	[tilespmem:$0x1FA00] =	vst v63  }
0x38f: {  	_ =	swait.ge [sflag:s7], $0x80  }
0x390: {  	[sflag:s7] =	ssyncset.done $0x0  }
0x391: {  	[sflag:s7] =	ssyncadd.s32 $0xFFFFFF80  }
0x392: {  	_ =	swait.ge [sflag:s7], $0x4000  }
0x393: {  	[sflag:s7] =	ssyncset.done $0x0  }
0x394: {  	[sflag:s7] =	ssyncadd.s32 $0xFFFFC000;
	s7 =	simm.s32 @!p1 $0x2  }
0x395: {  	[spmem:s2] =	stream.indirect.scatter.add.f32 [tilespmem:s5], [sflag:$0x4], $0x80, s3, s6, $0xb8;
	[tilespmem:$0x1FA00] =	vst v63  }
0x396: {  	_ =	swait.ge @!p1 [sflag:s7], $0x80  }
0x397: {  	[sflag:s7] =	ssyncset.done @!p1 $0x0  }
0x398: {  	[sflag:s7] =	ssyncadd.s32 @!p1 $0xFFFFFF80  }
0x399: {  	_ =	swait.ge @!p1 [sflag:s7], $0x4000  }
0x39a: {  	[sflag:s7] =	ssyncset.done @!p1 $0x0  }
0x39b: {  	s3 =	simm.s32 @!p1 $0x6;
	[sflag:s7] =	ssyncadd.s32 @!p1 $0xFFFFC000  }
0x39c: {  	[spmem:s2] =	stream.indirect.scatter.add.f32 @!p1 [tilespmem:s1], [sflag:$0x5], $0x80, s11, s11, $0xb8;
	[tilespmem:$0x1FA00] =	vst v63  }
0x39d: {  	_ =	swait.ge @!p1 [sflag:s3], $0x4000  }
0x39e: {  	s1 =	simm.s32 @!p1 $0x4;
	[sflag:s3] =	ssyncset.done @!p1 $0x0  }
0x39f: {  	s1 =	simm.s32 @p1 $0x6;
	[sflag:s3] =	ssyncadd.s32 @!p1 $0xFFFFC000  }
0x3a0: {  	_ =	swait.ge [sflag:s1], $0x4000  }
0x3a1: {  	s2 =	simm.s32 @!p1 $0x5;
	[sflag:s1] =	ssyncset.done $0x0  }
0x3a2: {  	s2 =	simm.s32 @p1 $0x4;
	[sflag:s1] =	ssyncadd.s32 $0xFFFFC000  }
0x3a3: {  	_ =	swait.ge [sflag:s2], $0x4000  }
0x3a4: {  	[sflag:s2] =	ssyncset.done $0x0  }
0x3a5: {  	[sflag:s2] =	ssyncadd.s32 $0xFFFFC000  }
0x3a6: {  	[bflag:$0x0] =	sbarrier.arrive $0xFFFF  }
0x3a7: {  	[hbm:s4], [sflag:s19] =	dma.local @p0 [spmem:s18], $0x2080  }
0x3a8: {  	_ =	swait.ge @p0 [sflag:s0], $0x2080  }
0x3a9: {  	s1 =	sld [smem:$0x7FD]  }
0x3aa: {  	[sflag:s0] =	ssyncset.done @p0 $0x0  }
0x3ab: {  	[sflag:s0] =	ssyncadd.s32 @p0 $0xFFFFDF80  }
0x3ac: {  	[hbm:s1], [sflag:s20] =	dma.local @!p0 [spmem:s21], $0x2780  }
0x3ad: {  	_ =	swait.ge @!p0 [sflag:s17], $0x2780  }
0x3ae: {  	[sflag:s17] =	ssyncset.done @!p0 $0x0  }
0x3af: {  	[sflag:s17] =	ssyncadd.s32 @!p0 $0xFFFFD880  }
0x3b0: {  	_ =	sfence.sel $0x180000  }
0x3b1: {  	[bflag:$0x0] =	sbarrier.arrive $0xFFFF  }
0x3b2: {  	p0 =	sne.s32 s23, $0x0;
	_ =	strace $0x9000004A  }
0x3b3: {  	s0 =	sadd.s32 @!p0 $0x100000, s22;
	[bflag:$0x2] =	sbarrier.arrive $0xFFFF  }
0x3b4: {  	[sflag:s0] =	ssyncadd.tile.s32 @!p0 $0x1;
	_ =	shalt  }
.LBB2_1:
.Ltmp3:
0x3b5: {  	(pc) =	sbr.rel .LBB2_6-.Ltmp3, $2  }
0x3b6: {  	_ =	sdelay $0x2  }
0x3b7: {  	_ = 	snop  }
.LBB2_3:
.Ltmp4:
0x3b8: {  	(pc) =	sbr.rel .LBB2_6-.Ltmp4, $3  }
0x3b9: {  	_ =	sdelay $0x1  }
0x3ba: {  	s22 =	rddreg [dreg:$0x4]  }
0x3bb: {  	s23 =	stileid.u32;
	s17 =	sld [smem:$0x7ED]  }
.Lfunc_end2:
_tile_overlayer_lowered:
.L_overlay_start_2:
0x3bc: {  	(tag) =	ssettag $0x2  }
0x3bd: {  	s0 =	rddreg [dreg:$0x0];
	s2 =	stileid.u32  }
0x3be: {  	s1 =	rddreg [dreg:$0x1];
	p0 =	sne.s32 s2, $0x0  }
0x3bf: {  	s3 =	rddreg [dreg:$0x2];
	[bflag:$0x3] =	sbarrier.arrive $0xFFFF;
	s2 =	simm.s32 @!p0 $0x1C07  }
0x3c0: {  	[timem:s3], [sflag:s2] =	dma.local @!p0 [hbm:s0], s1  }
0x3c1: {  	s0 =	simm.s32 @!p0 $0x7  }
0x3c2: {  	_ =	swait.ge @!p0 [sflag:s0], s1  }
0x3c3: {  	s1 =	ssub.s32 @!p0 $0x0, s1;
	[sflag:s0] =	ssyncset.done @!p0 $0x0  }
0x3c4: {  	[sflag:s0] =	ssyncadd.s32 @!p0 s1  }
0x3c5: {  	[bflag:$0x3] =	sbarrier.arrive $0xFFFF  }
0x3c6: {  	_ =	shalt  }

</sc_bundles>
